<compile_context>
chip_gen: v7x
topology: tpu7x:2x2x1
jax: 0.10.2.dev20260603
libtpu: 0.0.44.dev20260713+nightly
codegen_flags: <defaults>
</compile_context>

<pallas_src>
import functools

import jax
import jax.numpy as jnp
from jax import lax
from jax.experimental import pallas as pl
from jax.experimental.pallas import tpu as pltpu
from jax.experimental.pallas import tpu_sc as plsc

_NC = 2
_NS = 16
_NW = _NC * _NS

_BLK = 1024
_CHUNK = 128


def _sc_mesh():
  return plsc.VectorSubcoreMesh(core_axis_name="c", subcore_axis_name="s",
                                num_cores=_NC, num_subcores=_NS)


def _slab_base(c, s, CH0, CH1):
  return jnp.where(c == 0, s * CH0, _NS * CH0 + s * CH1)


_IB = 8


def _make_conv_kernel(NP, H, CH0, CH1, rows_per_sub):
  @functools.partial(
      pl.kernel,
      mesh=_sc_mesh(),
      out_type=jax.ShapeDtypeStruct((_NC, NP, H), jnp.float32),
      scratch_types=[
          pltpu.VMEM((2, _IB, _CHUNK), jnp.int32),
          pltpu.VMEM((2, _IB, _CHUNK), jnp.int32),
          pltpu.VMEM((2, _CHUNK, H), jnp.float32),
          pltpu.SemaphoreType.DMA,
          pltpu.SemaphoreType.DMA,
          pltpu.VMEM_SHARED((NP, H), jnp.float32),
      ],
  )
  def conv_kernel(g, src2d, dst2d, zrows, out, isrc_v, idst_v, rows_v, sem_g,
                  sem_i, acc):
    c = lax.axis_index("c")
    s = lax.axis_index("s")
    my_ch = jnp.where(c == 0, CH0, CH1)
    my_nb = my_ch // _IB
    base = _slab_base(c, s, CH0, CH1)
    pltpu.sync_copy(zrows, acc.at[pl.ds(s * rows_per_sub, rows_per_sub)])

    @pl.when(my_nb > 0)
    def _():
      pltpu.sync_copy(src2d.at[pl.ds(base, _IB)], isrc_v.at[0])
      pltpu.sync_copy(dst2d.at[pl.ds(base, _IB)], idst_v.at[0])

    plsc.subcore_barrier()

    @pl.when(my_nb > 0)
    def _():
      pltpu.async_copy(g.at[isrc_v.at[0, 0]], rows_v.at[0], sem_g)

    def outer(k, carry):
      kb = lax.rem(k, 2)
      nb = 1 - kb
      noff = base + (k + 1) * _IB

      @pl.when(k + 1 < my_nb)
      def _():
        pltpu.async_copy(src2d.at[pl.ds(noff, _IB)], isrc_v.at[nb], sem_i)
        pltpu.async_copy(dst2d.at[pl.ds(noff, _IB)], idst_v.at[nb], sem_i)

      for j in range(_IB):
        rb = j % 2
        pltpu.make_async_copy(g.at[isrc_v.at[kb, j]], rows_v.at[rb],
                              sem_g).wait()
        if j + 1 < _IB:
          pltpu.async_copy(g.at[isrc_v.at[kb, j + 1]], rows_v.at[1 - rb],
                           sem_g)
        else:

          @pl.when(k + 1 < my_nb)
          def _():
            pltpu.make_async_copy(src2d.at[pl.ds(noff, _IB)], isrc_v.at[nb],
                                  sem_i).wait()
            pltpu.make_async_copy(dst2d.at[pl.ds(noff, _IB)], idst_v.at[nb],
                                  sem_i).wait()
            pltpu.async_copy(g.at[isrc_v.at[nb, 0]], rows_v.at[1 - rb],
                             sem_g)

        pltpu.sync_copy(rows_v.at[rb], acc.at[idst_v.at[kb, j]], add=True)
      return carry

    lax.fori_loop(0, my_nb, outer, 0)
    plsc.subcore_barrier()
    sl = pl.ds(s * rows_per_sub, rows_per_sub)
    pltpu.sync_copy(acc.at[sl], out.at[c, sl])

  return conv_kernel


def _make_count_kernel(NP, H, CH0, CH1, rows_per_sub):
  CHM = max(CH0, CH1)

  @functools.partial(
      pl.kernel,
      mesh=_sc_mesh(),
      out_type=jax.ShapeDtypeStruct((_NC, NP, H), jnp.float32),
      scratch_types=[
          pltpu.VMEM((CHM, _CHUNK), jnp.int32),
          pltpu.VMEM((_CHUNK, H), jnp.float32),
          pltpu.VMEM_SHARED((NP, H), jnp.float32),
      ],
  )
  def count_kernel(ones_hbm, dst2d, zrows, out, idst_v, ones_v, acc):
    c = lax.axis_index("c")
    s = lax.axis_index("s")
    my_ch = jnp.where(c == 0, CH0, CH1)
    base = _slab_base(c, s, CH0, CH1)
    pltpu.sync_copy(zrows, acc.at[pl.ds(s * rows_per_sub, rows_per_sub)])
    pltpu.sync_copy(ones_hbm, ones_v)
    pltpu.sync_copy(dst2d.at[pl.ds(base, CHM)], idst_v)
    plsc.subcore_barrier()

    def body(i, carry):
      @pl.when(i < my_ch)
      def _():
        pltpu.sync_copy(ones_v, acc.at[idst_v.at[i]], add=True)
      return carry

    lax.fori_loop(0, CHM, body, 0)
    plsc.subcore_barrier()
    sl = pl.ds(s * rows_per_sub, rows_per_sub)
    pltpu.sync_copy(acc.at[sl], out.at[c, sl])

  return count_kernel


def _dinv_from_cnt(c0, c1):
  deg = 1.0 + c0[:, 0:1] + c1[:, 0:1]
  return lax.rsqrt(deg)


def _pre_body(x_ref, w1_ref, c0_ref, c1_ref, g1_ref):
  dinv = _dinv_from_cnt(c0_ref[...], c1_ref[...])
  g1_ref[...] = dinv * jnp.dot(x_ref[...], w1_ref[...],
                               preferred_element_type=jnp.float32)


def _mid_body(N, a0_ref, a1_ref, g1_ref, c0_ref, c1_ref, b1_ref, w2_ref,
              g2_ref):
  i = pl.program_id(0)
  dinv = _dinv_from_cnt(c0_ref[...], c1_ref[...])
  h1 = dinv * (a0_ref[...] + a1_ref[...] + g1_ref[...]) + b1_ref[...]
  h1 = jnp.maximum(h1, 0.0)
  g2 = dinv * jnp.dot(h1, w2_ref[...], preferred_element_type=jnp.float32)
  rows = i * _BLK + lax.broadcasted_iota(jnp.int32, (_BLK, 1), 0)
  g2_ref[...] = jnp.where(rows < N, g2, 0.0)


def _post_body(B, nblocks, a0_ref, a1_ref, g2_ref, c0_ref, c1_ref, b2_ref,
               bi_ref, wh_ref, bh_ref, out_ref, pool_ref):
  i = pl.program_id(0)
  dinv = _dinv_from_cnt(c0_ref[...], c1_ref[...])
  h2 = dinv * (a0_ref[...] + a1_ref[...] + g2_ref[...]) + b2_ref[...]
  bi = bi_ref[...]

  @pl.when(i == 0)
  def _():
    pool_ref[...] = jnp.full_like(pool_ref, -jnp.inf)

  neg = jnp.float32(-jnp.inf)
  lo = jnp.min(bi)
  hi = jnp.minimum(jnp.max(bi), B - 1)

  def upd(b, carry):
    m = bi == b
    contrib = jnp.max(jnp.where(m, h2, neg), axis=0)
    pool_ref[b, :] = jnp.maximum(pool_ref[b, :], contrib)
    return carry

  lax.fori_loop(lo, hi + 1, upd, 0)

  @pl.when(i == nblocks - 1)
  def _():
    logits = jnp.dot(pool_ref[...], wh_ref[...],
                     preferred_element_type=jnp.float32) + bh_ref[...]
    out_ref[...] = jax.nn.sigmoid(logits)


def kernel(x, edge_index, batch_idx, W1, b1, W2, b2, Wh, bh):
  N, D = x.shape
  H = W1.shape[1]
  C = Wh.shape[1]
  E = edge_index.shape[1]
  B = 64

  NP = ((N + 1 + _BLK - 1) // _BLK) * _BLK
  nblocks = NP // _BLK
  rows_per_sub = NP // _NS
  pair = -(-E // (_CHUNK * _NS))
  pair = ((pair + 7) // 8) * 8
  CW0 = ((int(pair * 0.90) + 7) // 8) * 8
  CW1 = pair - CW0
  CC0 = ((int(pair * 0.55) + 7) // 8) * 8
  CC1 = pair - CC0
  EP = _NS * pair * _CHUNK

  f32 = jnp.float32
  x_pad = jnp.zeros((NP, D), f32).at[:N].set(x)
  epad = jnp.full((EP - E,), N, jnp.int32)
  src2d = jnp.concatenate([edge_index[0], epad]).reshape(EP // _CHUNK, _CHUNK)
  dst2d = jnp.concatenate([edge_index[1], epad]).reshape(EP // _CHUNK, _CHUNK)
  bi_pad = jnp.full((NP, 1), B, jnp.int32).at[:N, 0].set(batch_idx)

  zrows = jnp.zeros((rows_per_sub, H), f32)
  ones128 = jnp.ones((_CHUNK, H), f32)
  b1r = b1.reshape(1, H)
  b2r = b2.reshape(1, H)
  Wh_pad = jnp.zeros((H, 128), f32).at[:, :C].set(Wh)
  bh_pad = jnp.zeros((1, 128), f32).at[0, :C].set(bh)

  conv = _make_conv_kernel(NP, H, CW0, CW1, rows_per_sub)

  cnt = _make_count_kernel(NP, H, CC0, CC1, rows_per_sub)(ones128, dst2d,
                                                          zrows)
  cnt0, cnt1 = cnt[0], cnt[1]

  row_spec = pl.BlockSpec((_BLK, H), lambda i: (i, 0))
  cnt_spec = row_spec
  full_spec = pl.BlockSpec((H, H), lambda i: (0, 0))
  vec_spec = pl.BlockSpec((1, H), lambda i: (0, 0))

  g1 = pl.pallas_call(
      _pre_body,
      grid=(nblocks,),
      in_specs=[row_spec, full_spec, cnt_spec, cnt_spec],
      out_specs=row_spec,
      out_shape=jax.ShapeDtypeStruct((NP, H), f32),
  )(x_pad, W1, cnt0, cnt1)

  acc1 = conv(g1, src2d, dst2d, zrows)

  g2 = pl.pallas_call(
      functools.partial(_mid_body, N),
      grid=(nblocks,),
      in_specs=[row_spec, row_spec, row_spec, cnt_spec, cnt_spec, vec_spec,
                full_spec],
      out_specs=row_spec,
      out_shape=jax.ShapeDtypeStruct((NP, H), f32),
  )(acc1[0], acc1[1], g1, cnt0, cnt1, b1r, W2)

  acc2 = conv(g2, src2d, dst2d, zrows)

  out = pl.pallas_call(
      functools.partial(_post_body, B, nblocks),
      grid=(nblocks,),
      in_specs=[row_spec, row_spec, row_spec, cnt_spec, cnt_spec, vec_spec,
                pl.BlockSpec((_BLK, 1), lambda i: (i, 0)),
                full_spec, vec_spec],
      out_specs=pl.BlockSpec((B, 128), lambda i: (0, 0)),
      out_shape=jax.ShapeDtypeStruct((B, 128), f32),
      scratch_shapes=[pltpu.VMEM((B, 128), f32)],
  )(acc2[0], acc2[1], g2, cnt0, cnt1, b2r, bi_pad, Wh_pad, bh_pad)

  return out[:, :C]

# --- scband reference (transcript-rebuilt; emitter-appended) ---
"""Pipeline reference for scband-gnnclassifier-429496729775 (READ-ONLY COPY).

The authoritative reference and input builder live on the scoring server;
editing this copy changes nothing except your own understanding.
"""

import jax, jax.numpy as jnp
import numpy as np

N = 10000   # nodes
E = 320000  # edges
D = 128     # c_in
H = 128     # c_hidden
C = 10      # c_out (classes)
B = 64      # graphs in batch


def setup_inputs(seed: int = 0) -> dict:
    key = jax.random.key(seed)
    ks = jax.random.split(key, 10)
    x = jax.random.normal(ks[0], (N, D), dtype=jnp.float32)
    edge_index = jax.random.randint(ks[1], (2, E), 0, N, dtype=jnp.int32)
    batch_idx = jnp.sort(jax.random.randint(ks[2], (N,), 0, B, dtype=jnp.int32))
    # GNNModel: 2 GCN layers (c_in->c_hidden, c_hidden->c_hidden)
    W1 = jax.random.normal(ks[3], (D, H), dtype=jnp.float32) * (1.0 / np.sqrt(D))
    b1 = jnp.zeros((H,), dtype=jnp.float32)
    W2 = jax.random.normal(ks[4], (H, H), dtype=jnp.float32) * (1.0 / np.sqrt(H))
    b2 = jnp.zeros((H,), dtype=jnp.float32)
    # classification head: Linear(c_hidden, c_out)
    Wh = jax.random.normal(ks[5], (H, C), dtype=jnp.float32) * (1.0 / np.sqrt(H))
    bh = jnp.zeros((C,), dtype=jnp.float32)
    return {"x": x, "edge_index": edge_index, "batch_idx": batch_idx,
            "W1": W1, "b1": b1, "W2": W2, "b2": b2, "Wh": Wh, "bh": bh}


def _gcn_conv(x, edge_index, W, b):
    # GCNConv: x' = D^-1/2 (A + I) D^-1/2 (x W) + b
    src = edge_index[0]
    dst = edge_index[1]
    loop = jnp.arange(N, dtype=src.dtype)
    src = jnp.concatenate([src, loop])
    dst = jnp.concatenate([dst, loop])
    deg = jnp.zeros((N,), dtype=x.dtype).at[dst].add(1.0)
    dinv = jnp.where(deg > 0, jax.lax.rsqrt(deg), 0.0)
    norm = dinv[src] * dinv[dst]
    h = x @ W
    msg = h[src] * norm[:, None]
    out = jax.ops.segment_sum(msg, dst, num_segments=N)
    return out + b


def reference(x, edge_index, batch_idx, W1, b1, W2, b2, Wh, bh):
    # GNNModel (num_layers=2): GCNConv -> ReLU -> Dropout(eval: identity) -> GCNConv
    h = _gcn_conv(x, edge_index, W1, b1)
    h = jax.nn.relu(h)
    h = _gcn_conv(h, edge_index, W2, b2)
    # global_max_pool over batch assignment
    pooled = jax.ops.segment_max(h, batch_idx, num_segments=B)
    # head: Dropout(eval: identity) -> Linear -> Sigmoid
    logits = pooled @ Wh + bh
    return jax.nn.sigmoid(logits)

if __name__ == "__main__":
    import jax
    _d = setup_inputs()
    print(jax.jit(kernel)(*tuple(_d.values())))

</pallas_src>

<mosaic_0001>
#map = affine_map<(d0, d1) -> (0, 0)>
#map1 = affine_map<(d0, d1) -> (0, 0, 0)>
module attributes {stable_mosaic.version = 14 : i64} {
  func.func @conv_kernel(%arg0: i32, %arg1: i32, %arg2: memref<10240x128xf32, #tpu.memory_space<hbm>>, %arg3: memref<2560x128xi32, #tpu.memory_space<hbm>>, %arg4: memref<2560x128xi32, #tpu.memory_space<hbm>>, %arg5: memref<640x128xf32, #tpu.memory_space<hbm>>, %arg6: memref<2x10240x128xf32, #tpu.memory_space<hbm>>, %arg7: memref<2x8x128xi32, #tpu.memory_space<vmem>>, %arg8: memref<2x8x128xi32, #tpu.memory_space<vmem>>, %arg9: memref<2x128x128xf32, #tpu.memory_space<vmem>>, %arg10: memref<!tpu.dma_semaphore, #tpu.memory_space<semaphore_mem>>, %arg11: memref<!tpu.dma_semaphore, #tpu.memory_space<semaphore_mem>>, %arg12: memref<10240x128xf32, #tpu.memory_space<vmem_shared>>) attributes {dimension_semantics = [#tpu.dimension_semantics<core_parallel>, #tpu.dimension_semantics<subcore_parallel>], iteration_bounds = array<i64: 2, 16>, scalar_prefetch = 0 : i64, scratch_operands = 6 : i64, tpu.core_type = #tpu.core_type<sc_vector_subcore>, window_params = [{transform_indices = #map}, {transform_indices = #map}, {transform_indices = #map}, {transform_indices = #map}, {transform_indices = #map1}]} {
    %eq3A = arith.constant 0 : i32
    %eq3A_0 = arith.cmpi eq, %arg0, %eq3A : i32
    %jit3A = arith.constant 144 : i32
    %jit3A_1 = arith.constant 16 : i32
    %select_n3A = arith.select %eq3A_0, %jit3A, %jit3A_1 : i32
    %jit3A_2 = arith.constant 8 : i32
    %div3A = arith.divsi %select_n3A, %jit3A_2 : i32
    %sign3A = arith.constant 0 : i32
    %sign3A_3 = arith.cmpi sgt, %select_n3A, %sign3A : i32
    %sign3A_4 = arith.extui %sign3A_3 : i1 to i32
    %sign3A_5 = arith.constant 0 : i32
    %sign3A_6 = arith.cmpi slt, %select_n3A, %sign3A_5 : i32
    %sign3A_7 = arith.extui %sign3A_6 : i1 to i32
    %sign3A_8 = arith.subi %sign3A_4, %sign3A_7 : i32
    %sign3A_9 = arith.constant 0 : i32
    %sign3A_10 = arith.cmpi sgt, %jit3A_2, %sign3A_9 : i32
    %sign3A_11 = arith.extui %sign3A_10 : i1 to i32
    %sign3A_12 = arith.constant 0 : i32
    %sign3A_13 = arith.cmpi slt, %jit3A_2, %sign3A_12 : i32
    %sign3A_14 = arith.extui %sign3A_13 : i1 to i32
    %sign3A_15 = arith.subi %sign3A_11, %sign3A_14 : i32
    %ne3A = arith.cmpi ne, %sign3A_8, %sign3A_15 : i32
    %rem3A = arith.remsi %select_n3A, %jit3A_2 : i32
    %ne3A_16 = arith.constant 0 : i32
    %ne3A_17 = arith.cmpi ne, %rem3A, %ne3A_16 : i32
    %and3A = arith.andi %ne3A, %ne3A_17 : i1
    %sub3A = arith.constant 1 : i32
    %sub3A_18 = arith.subi %div3A, %sub3A : i32
    %select_n3A_19 = arith.select %and3A, %sub3A_18, %div3A : i32
    %eq3A_20 = arith.constant 0 : i32
    %eq3A_21 = arith.cmpi eq, %arg0, %eq3A_20 : i32
    %mul3A = arith.constant 144 : i32
    %mul3A_22 = arith.muli %arg1, %mul3A : i32
    %mul3A_23 = arith.constant 16 : i32
    %mul3A_24 = arith.muli %arg1, %mul3A_23 : i32
    %add3A = arith.constant 2304 : i32
    %add3A_25 = arith.addi %add3A, %mul3A_24 : i32
    %select_n3A_26 = arith.select %eq3A_21, %mul3A_22, %add3A_25 : i32
    %mul3A_27 = arith.constant 640 : i32
    %mul3A_28 = arith.muli %arg1, %mul3A_27 : i32
    "tpu.region"() ({
      %run_scoped3A = tpu.sem_alloc : memref<!tpu.dma_semaphore, #tpu.memory_space<semaphore_mem>>
      %dma_start3A = arith.constant 0 : i32
      %dma_start3A_48 = tpu.memref_slice %arg12[%mul3A_28, %dma_start3A] : memref<10240x128xf32, #tpu.memory_space<vmem_shared>> -> memref<640x128xf32, #tpu.memory_space<vmem_shared>>
      tpu.enqueue_dma source(%arg5 : memref<640x128xf32, #tpu.memory_space<hbm>>) target(%dma_start3A_48 : memref<640x128xf32, #tpu.memory_space<vmem_shared>>) target_semaphore(%run_scoped3A : memref<!tpu.dma_semaphore, #tpu.memory_space<semaphore_mem>>)
      %dma_wait3A = arith.constant 0 : i32
      %dma_wait3A_49 = tpu.memref_slice %arg12[%mul3A_28, %dma_wait3A] : memref<10240x128xf32, #tpu.memory_space<vmem_shared>> -> memref<640x128xf32, #tpu.memory_space<vmem_shared>>
      tpu.wait_dma2 semaphore(%run_scoped3A : memref<!tpu.dma_semaphore, #tpu.memory_space<semaphore_mem>>) src(%arg5 : memref<640x128xf32, #tpu.memory_space<hbm>>) dst(%dma_wait3A_49 : memref<640x128xf32, #tpu.memory_space<vmem_shared>>)
      tpu.yield
    }) : () -> ()
    %gt3A = arith.constant 0 : i32
    %gt3A_29 = arith.cmpi sgt, %select_n3A_19, %gt3A : i32
    %convert_element_type3A = arith.extui %gt3A_29 : i1 to i32
    %cond3A = arith.constant 0 : i32
    %cond3A_30 = arith.cmpi ne, %convert_element_type3A, %cond3A : i32
    scf.if %cond3A_30 {
      %run_scoped3A = arith.constant 0 : i32
      "tpu.region"() ({
        %run_scoped3A_49 = tpu.sem_alloc : memref<!tpu.dma_semaphore, #tpu.memory_space<semaphore_mem>>
        %dma_start3A = arith.constant 0 : i32
        %dma_start3A_50 = arith.constant 0 : i32
        %dma_start3A_51 = tpu.memref_slice %arg7[%run_scoped3A, %dma_start3A, %dma_start3A_50] : memref<2x8x128xi32, #tpu.memory_space<vmem>> -> memref<1x8x128xi32, #tpu.memory_space<vmem>>
        %dma_start3A_52 = tpu.memref_squeeze %dma_start3A_51 : memref<1x8x128xi32, #tpu.memory_space<vmem>> -> memref<8x128xi32, #tpu.memory_space<vmem>>
        %dma_start3A_53 = arith.constant 0 : i32
        %dma_start3A_54 = tpu.memref_slice %arg3[%select_n3A_26, %dma_start3A_53] : memref<2560x128xi32, #tpu.memory_space<hbm>> -> memref<8x128xi32, #tpu.memory_space<hbm>>
        %dma_start3A_55 = arith.constant 0 : i32
        %dma_start3A_56 = arith.constant 0 : i32
        %dma_start3A_57 = tpu.memref_slice %arg7[%run_scoped3A, %dma_start3A_55, %dma_start3A_56] : memref<2x8x128xi32, #tpu.memory_space<vmem>> -> memref<1x8x128xi32, #tpu.memory_space<vmem>>
        %dma_start3A_58 = tpu.memref_squeeze %dma_start3A_57 : memref<1x8x128xi32, #tpu.memory_space<vmem>> -> memref<8x128xi32, #tpu.memory_space<vmem>>
        %dma_start3A_59 = arith.constant 0 : i32
        %dma_start3A_60 = tpu.memref_slice %arg3[%select_n3A_26, %dma_start3A_59] : memref<2560x128xi32, #tpu.memory_space<hbm>> -> memref<8x128xi32, #tpu.memory_space<hbm>>
        tpu.enqueue_dma source(%dma_start3A_60 : memref<8x128xi32, #tpu.memory_space<hbm>>) target(%dma_start3A_58 : memref<8x128xi32, #tpu.memory_space<vmem>>) target_semaphore(%run_scoped3A_49 : memref<!tpu.dma_semaphore, #tpu.memory_space<semaphore_mem>>)
        %dma_wait3A = arith.constant 0 : i32
        %dma_wait3A_61 = arith.constant 0 : i32
        %dma_wait3A_62 = tpu.memref_slice %arg7[%run_scoped3A, %dma_wait3A, %dma_wait3A_61] : memref<2x8x128xi32, #tpu.memory_space<vmem>> -> memref<1x8x128xi32, #tpu.memory_space<vmem>>
        %dma_wait3A_63 = tpu.memref_squeeze %dma_wait3A_62 : memref<1x8x128xi32, #tpu.memory_space<vmem>> -> memref<8x128xi32, #tpu.memory_space<vmem>>
        %dma_wait3A_64 = arith.constant 0 : i32
        %dma_wait3A_65 = tpu.memref_slice %arg3[%select_n3A_26, %dma_wait3A_64] : memref<2560x128xi32, #tpu.memory_space<hbm>> -> memref<8x128xi32, #tpu.memory_space<hbm>>
        %dma_wait3A_66 = arith.constant 0 : i32
        %dma_wait3A_67 = arith.constant 0 : i32
        %dma_wait3A_68 = tpu.memref_slice %arg7[%run_scoped3A, %dma_wait3A_66, %dma_wait3A_67] : memref<2x8x128xi32, #tpu.memory_space<vmem>> -> memref<1x8x128xi32, #tpu.memory_space<vmem>>
        %dma_wait3A_69 = tpu.memref_squeeze %dma_wait3A_68 : memref<1x8x128xi32, #tpu.memory_space<vmem>> -> memref<8x128xi32, #tpu.memory_space<vmem>>
        %dma_wait3A_70 = arith.constant 0 : i32
        %dma_wait3A_71 = tpu.memref_slice %arg3[%select_n3A_26, %dma_wait3A_70] : memref<2560x128xi32, #tpu.memory_space<hbm>> -> memref<8x128xi32, #tpu.memory_space<hbm>>
        tpu.wait_dma2 semaphore(%run_scoped3A_49 : memref<!tpu.dma_semaphore, #tpu.memory_space<semaphore_mem>>) src(%dma_wait3A_71 : memref<8x128xi32, #tpu.memory_space<hbm>>) dst(%dma_wait3A_69 : memref<8x128xi32, #tpu.memory_space<vmem>>)
        tpu.yield
      }) : () -> ()
      %run_scoped3A_48 = arith.constant 0 : i32
      "tpu.region"() ({
        %run_scoped3A_49 = tpu.sem_alloc : memref<!tpu.dma_semaphore, #tpu.memory_space<semaphore_mem>>
        %dma_start3A = arith.constant 0 : i32
        %dma_start3A_50 = arith.constant 0 : i32
        %dma_start3A_51 = tpu.memref_slice %arg8[%run_scoped3A_48, %dma_start3A, %dma_start3A_50] : memref<2x8x128xi32, #tpu.memory_space<vmem>> -> memref<1x8x128xi32, #tpu.memory_space<vmem>>
        %dma_start3A_52 = tpu.memref_squeeze %dma_start3A_51 : memref<1x8x128xi32, #tpu.memory_space<vmem>> -> memref<8x128xi32, #tpu.memory_space<vmem>>
        %dma_start3A_53 = arith.constant 0 : i32
        %dma_start3A_54 = tpu.memref_slice %arg4[%select_n3A_26, %dma_start3A_53] : memref<2560x128xi32, #tpu.memory_space<hbm>> -> memref<8x128xi32, #tpu.memory_space<hbm>>
        %dma_start3A_55 = arith.constant 0 : i32
        %dma_start3A_56 = arith.constant 0 : i32
        %dma_start3A_57 = tpu.memref_slice %arg8[%run_scoped3A_48, %dma_start3A_55, %dma_start3A_56] : memref<2x8x128xi32, #tpu.memory_space<vmem>> -> memref<1x8x128xi32, #tpu.memory_space<vmem>>
        %dma_start3A_58 = tpu.memref_squeeze %dma_start3A_57 : memref<1x8x128xi32, #tpu.memory_space<vmem>> -> memref<8x128xi32, #tpu.memory_space<vmem>>
        %dma_start3A_59 = arith.constant 0 : i32
        %dma_start3A_60 = tpu.memref_slice %arg4[%select_n3A_26, %dma_start3A_59] : memref<2560x128xi32, #tpu.memory_space<hbm>> -> memref<8x128xi32, #tpu.memory_space<hbm>>
        tpu.enqueue_dma source(%dma_start3A_60 : memref<8x128xi32, #tpu.memory_space<hbm>>) target(%dma_start3A_58 : memref<8x128xi32, #tpu.memory_space<vmem>>) target_semaphore(%run_scoped3A_49 : memref<!tpu.dma_semaphore, #tpu.memory_space<semaphore_mem>>)
        %dma_wait3A = arith.constant 0 : i32
        %dma_wait3A_61 = arith.constant 0 : i32
        %dma_wait3A_62 = tpu.memref_slice %arg8[%run_scoped3A_48, %dma_wait3A, %dma_wait3A_61] : memref<2x8x128xi32, #tpu.memory_space<vmem>> -> memref<1x8x128xi32, #tpu.memory_space<vmem>>
        %dma_wait3A_63 = tpu.memref_squeeze %dma_wait3A_62 : memref<1x8x128xi32, #tpu.memory_space<vmem>> -> memref<8x128xi32, #tpu.memory_space<vmem>>
        %dma_wait3A_64 = arith.constant 0 : i32
        %dma_wait3A_65 = tpu.memref_slice %arg4[%select_n3A_26, %dma_wait3A_64] : memref<2560x128xi32, #tpu.memory_space<hbm>> -> memref<8x128xi32, #tpu.memory_space<hbm>>
        %dma_wait3A_66 = arith.constant 0 : i32
        %dma_wait3A_67 = arith.constant 0 : i32
        %dma_wait3A_68 = tpu.memref_slice %arg8[%run_scoped3A_48, %dma_wait3A_66, %dma_wait3A_67] : memref<2x8x128xi32, #tpu.memory_space<vmem>> -> memref<1x8x128xi32, #tpu.memory_space<vmem>>
        %dma_wait3A_69 = tpu.memref_squeeze %dma_wait3A_68 : memref<1x8x128xi32, #tpu.memory_space<vmem>> -> memref<8x128xi32, #tpu.memory_space<vmem>>
        %dma_wait3A_70 = arith.constant 0 : i32
        %dma_wait3A_71 = tpu.memref_slice %arg4[%select_n3A_26, %dma_wait3A_70] : memref<2560x128xi32, #tpu.memory_space<hbm>> -> memref<8x128xi32, #tpu.memory_space<hbm>>
        tpu.wait_dma2 semaphore(%run_scoped3A_49 : memref<!tpu.dma_semaphore, #tpu.memory_space<semaphore_mem>>) src(%dma_wait3A_71 : memref<8x128xi32, #tpu.memory_space<hbm>>) dst(%dma_wait3A_69 : memref<8x128xi32, #tpu.memory_space<vmem>>)
        tpu.yield
      }) : () -> ()
    } else {
    }
    %barrier3A = arith.constant 0 : index
    tpu.barrier barrier_id(%barrier3A)
    %gt3A_31 = arith.constant 0 : i32
    %gt3A_32 = arith.cmpi sgt, %select_n3A_19, %gt3A_31 : i32
    %convert_element_type3A_33 = arith.extui %gt3A_32 : i1 to i32
    %cond3A_34 = arith.constant 0 : i32
    %cond3A_35 = arith.cmpi ne, %convert_element_type3A_33, %cond3A_34 : i32
    scf.if %cond3A_35 {
      %dma_start3A = arith.constant 0 : i32
      %dma_start3A_48 = arith.constant 0 : i32
      %dma_start3A_49 = arith.constant 0 : i32
      %dma_start3A_50 = arith.constant 0 : i32
      %dma_start3A_51 = arith.constant 0 : i32
      %dma_start3A_52 = tpu.memref_slice %arg9[%dma_start3A_49, %dma_start3A_50, %dma_start3A_51] : memref<2x128x128xf32, #tpu.memory_space<vmem>> -> memref<1x128x128xf32, #tpu.memory_space<vmem>>
      %dma_start3A_53 = tpu.memref_squeeze %dma_start3A_52 : memref<1x128x128xf32, #tpu.memory_space<vmem>> -> memref<128x128xf32, #tpu.memory_space<vmem>>
      %dma_start3A_54 = arith.constant 0 : i32
      %dma_start3A_55 = tpu.memref_slice %arg7[%dma_start3A, %dma_start3A_48, %dma_start3A_54] : memref<2x8x128xi32, #tpu.memory_space<vmem>> -> memref<1x1x128xi32, #tpu.memory_space<vmem>>
      %dma_start3A_56 = tpu.memref_squeeze %dma_start3A_55 : memref<1x1x128xi32, #tpu.memory_space<vmem>> -> memref<128xi32, #tpu.memory_space<vmem>>
      %dma_start3A_57 = arith.constant 0 : i32
      %dma_start3A_58 = arith.constant 0 : i32
      %dma_start3A_59 = tpu.memref_slice %arg2[%dma_start3A_57, %dma_start3A_58] : memref<10240x128xf32, #tpu.memory_space<hbm>> -> memref<10240x128xf32, #tpu.memory_space<hbm>>
      tpu.enqueue_indirect_dma source(%dma_start3A_59 : memref<10240x128xf32, #tpu.memory_space<hbm>>) target(%dma_start3A_53 : memref<128x128xf32, #tpu.memory_space<vmem>>) offsets(%dma_start3A_56 : memref<128xi32, #tpu.memory_space<vmem>>) semaphore(%arg10 : memref<!tpu.dma_semaphore, #tpu.memory_space<semaphore_mem>>)
    } else {
    }
    %while3A = arith.constant 0 : i32
    %while3A_36 = arith.constant 0 : i32
    %while3A_37 = arith.subi %select_n3A_19, %while3A_36 : i32
    %while3A_38 = arith.addi %while3A_36, %while3A_37 : i32
    %while3A_39 = arith.constant 1 : i32
    %while3A_40 = arith.divsi %while3A_37, %while3A_39 : i32
    %while3A_41 = arith.muli %while3A_40, %while3A_39 : i32
    %while3A_42 = arith.addi %while3A_36, %while3A_41 : i32
    %while3A_43 = arith.constant 1 : i32
    scf.for %while3A_48 = %while3A_36 to %while3A_42 step %while3A_43  : i32 {
      %rem3A_49 = arith.constant 2 : i32
      %rem3A_50 = arith.remsi %while3A_48, %rem3A_49 : i32
      %sub3A_51 = arith.constant 1 : i32
      %sub3A_52 = arith.subi %sub3A_51, %rem3A_50 : i32
      %add3A_53 = arith.constant 1 : i32
      %add3A_54 = arith.addi %while3A_48, %add3A_53 : i32
      %mul3A_55 = arith.constant 8 : i32
      %mul3A_56 = arith.muli %add3A_54, %mul3A_55 : i32
      %add3A_57 = arith.addi %select_n3A_26, %mul3A_56 : i32
      %add3A_58 = arith.constant 1 : i32
      %add3A_59 = arith.addi %while3A_48, %add3A_58 : i32
      %lt3A = arith.cmpi slt, %add3A_59, %select_n3A_19 : i32
      %convert_element_type3A_60 = arith.extui %lt3A : i1 to i32
      %cond3A_61 = arith.constant 0 : i32
      %cond3A_62 = arith.cmpi ne, %convert_element_type3A_60, %cond3A_61 : i32
      scf.if %cond3A_62 {
        %dma_start3A_262 = arith.constant 0 : i32
        %dma_start3A_263 = arith.constant 0 : i32
        %dma_start3A_264 = tpu.memref_slice %arg7[%sub3A_52, %dma_start3A_262, %dma_start3A_263] : memref<2x8x128xi32, #tpu.memory_space<vmem>> -> memref<1x8x128xi32, #tpu.memory_space<vmem>>
        %dma_start3A_265 = tpu.memref_squeeze %dma_start3A_264 : memref<1x8x128xi32, #tpu.memory_space<vmem>> -> memref<8x128xi32, #tpu.memory_space<vmem>>
        %dma_start3A_266 = arith.constant 0 : i32
        %dma_start3A_267 = tpu.memref_slice %arg3[%add3A_57, %dma_start3A_266] : memref<2560x128xi32, #tpu.memory_space<hbm>> -> memref<8x128xi32, #tpu.memory_space<hbm>>
        %dma_start3A_268 = arith.constant 0 : i32
        %dma_start3A_269 = arith.constant 0 : i32
        %dma_start3A_270 = tpu.memref_slice %arg7[%sub3A_52, %dma_start3A_268, %dma_start3A_269] : memref<2x8x128xi32, #tpu.memory_space<vmem>> -> memref<1x8x128xi32, #tpu.memory_space<vmem>>
        %dma_start3A_271 = tpu.memref_squeeze %dma_start3A_270 : memref<1x8x128xi32, #tpu.memory_space<vmem>> -> memref<8x128xi32, #tpu.memory_space<vmem>>
        %dma_start3A_272 = arith.constant 0 : i32
        %dma_start3A_273 = tpu.memref_slice %arg3[%add3A_57, %dma_start3A_272] : memref<2560x128xi32, #tpu.memory_space<hbm>> -> memref<8x128xi32, #tpu.memory_space<hbm>>
        tpu.enqueue_dma source(%dma_start3A_273 : memref<8x128xi32, #tpu.memory_space<hbm>>) target(%dma_start3A_271 : memref<8x128xi32, #tpu.memory_space<vmem>>) target_semaphore(%arg11 : memref<!tpu.dma_semaphore, #tpu.memory_space<semaphore_mem>>)
        %dma_start3A_274 = arith.constant 0 : i32
        %dma_start3A_275 = arith.constant 0 : i32
        %dma_start3A_276 = tpu.memref_slice %arg8[%sub3A_52, %dma_start3A_274, %dma_start3A_275] : memref<2x8x128xi32, #tpu.memory_space<vmem>> -> memref<1x8x128xi32, #tpu.memory_space<vmem>>
        %dma_start3A_277 = tpu.memref_squeeze %dma_start3A_276 : memref<1x8x128xi32, #tpu.memory_space<vmem>> -> memref<8x128xi32, #tpu.memory_space<vmem>>
        %dma_start3A_278 = arith.constant 0 : i32
        %dma_start3A_279 = tpu.memref_slice %arg4[%add3A_57, %dma_start3A_278] : memref<2560x128xi32, #tpu.memory_space<hbm>> -> memref<8x128xi32, #tpu.memory_space<hbm>>
        %dma_start3A_280 = arith.constant 0 : i32
        %dma_start3A_281 = arith.constant 0 : i32
        %dma_start3A_282 = tpu.memref_slice %arg8[%sub3A_52, %dma_start3A_280, %dma_start3A_281] : memref<2x8x128xi32, #tpu.memory_space<vmem>> -> memref<1x8x128xi32, #tpu.memory_space<vmem>>
        %dma_start3A_283 = tpu.memref_squeeze %dma_start3A_282 : memref<1x8x128xi32, #tpu.memory_space<vmem>> -> memref<8x128xi32, #tpu.memory_space<vmem>>
        %dma_start3A_284 = arith.constant 0 : i32
        %dma_start3A_285 = tpu.memref_slice %arg4[%add3A_57, %dma_start3A_284] : memref<2560x128xi32, #tpu.memory_space<hbm>> -> memref<8x128xi32, #tpu.memory_space<hbm>>
        tpu.enqueue_dma source(%dma_start3A_285 : memref<8x128xi32, #tpu.memory_space<hbm>>) target(%dma_start3A_283 : memref<8x128xi32, #tpu.memory_space<vmem>>) target_semaphore(%arg11 : memref<!tpu.dma_semaphore, #tpu.memory_space<semaphore_mem>>)
      } else {
      }
      %dma_wait3A = arith.constant 0 : i32
      %dma_wait3A_63 = arith.constant 0 : i32
      %dma_wait3A_64 = arith.constant 0 : i32
      %dma_wait3A_65 = arith.constant 0 : i32
      %dma_wait3A_66 = tpu.memref_slice %arg9[%dma_wait3A_63, %dma_wait3A_64, %dma_wait3A_65] : memref<2x128x128xf32, #tpu.memory_space<vmem>> -> memref<1x128x128xf32, #tpu.memory_space<vmem>>
      %dma_wait3A_67 = tpu.memref_squeeze %dma_wait3A_66 : memref<1x128x128xf32, #tpu.memory_space<vmem>> -> memref<128x128xf32, #tpu.memory_space<vmem>>
      %dma_wait3A_68 = arith.constant 0 : i32
      %dma_wait3A_69 = tpu.memref_slice %arg7[%rem3A_50, %dma_wait3A, %dma_wait3A_68] : memref<2x8x128xi32, #tpu.memory_space<vmem>> -> memref<1x1x128xi32, #tpu.memory_space<vmem>>
      %dma_wait3A_70 = tpu.memref_squeeze %dma_wait3A_69 : memref<1x1x128xi32, #tpu.memory_space<vmem>> -> memref<128xi32, #tpu.memory_space<vmem>>
      %dma_wait3A_71 = arith.constant 0 : i32
      %dma_wait3A_72 = arith.constant 0 : i32
      %dma_wait3A_73 = tpu.memref_slice %arg2[%dma_wait3A_71, %dma_wait3A_72] : memref<10240x128xf32, #tpu.memory_space<hbm>> -> memref<10240x128xf32, #tpu.memory_space<hbm>>
      tpu.wait_indirect_dma semaphore(%arg10 : memref<!tpu.dma_semaphore, #tpu.memory_space<semaphore_mem>>) src(%dma_wait3A_73 : memref<10240x128xf32, #tpu.memory_space<hbm>>) dst(%dma_wait3A_67 : memref<128x128xf32, #tpu.memory_space<vmem>>)
      %dma_start3A = arith.constant 1 : i32
      %dma_start3A_74 = arith.constant 1 : i32
      %dma_start3A_75 = arith.constant 0 : i32
      %dma_start3A_76 = arith.constant 0 : i32
      %dma_start3A_77 = tpu.memref_slice %arg9[%dma_start3A_74, %dma_start3A_75, %dma_start3A_76] : memref<2x128x128xf32, #tpu.memory_space<vmem>> -> memref<1x128x128xf32, #tpu.memory_space<vmem>>
      %dma_start3A_78 = tpu.memref_squeeze %dma_start3A_77 : memref<1x128x128xf32, #tpu.memory_space<vmem>> -> memref<128x128xf32, #tpu.memory_space<vmem>>
      %dma_start3A_79 = arith.constant 0 : i32
      %dma_start3A_80 = tpu.memref_slice %arg7[%rem3A_50, %dma_start3A, %dma_start3A_79] : memref<2x8x128xi32, #tpu.memory_space<vmem>> -> memref<1x1x128xi32, #tpu.memory_space<vmem>>
      %dma_start3A_81 = tpu.memref_squeeze %dma_start3A_80 : memref<1x1x128xi32, #tpu.memory_space<vmem>> -> memref<128xi32, #tpu.memory_space<vmem>>
      %dma_start3A_82 = arith.constant 0 : i32
      %dma_start3A_83 = arith.constant 0 : i32
      %dma_start3A_84 = tpu.memref_slice %arg2[%dma_start3A_82, %dma_start3A_83] : memref<10240x128xf32, #tpu.memory_space<hbm>> -> memref<10240x128xf32, #tpu.memory_space<hbm>>
      tpu.enqueue_indirect_dma source(%dma_start3A_84 : memref<10240x128xf32, #tpu.memory_space<hbm>>) target(%dma_start3A_78 : memref<128x128xf32, #tpu.memory_space<vmem>>) offsets(%dma_start3A_81 : memref<128xi32, #tpu.memory_space<vmem>>) semaphore(%arg10 : memref<!tpu.dma_semaphore, #tpu.memory_space<semaphore_mem>>)
      %run_scoped3A = arith.constant 0 : i32
      %run_scoped3A_85 = arith.constant 0 : i32
      "tpu.region"() ({
        %run_scoped3A_262 = tpu.sem_alloc : memref<!tpu.dma_semaphore, #tpu.memory_space<semaphore_mem>>
        %dma_start3A_263 = arith.constant 0 : i32
        %dma_start3A_264 = arith.constant 0 : i32
        %dma_start3A_265 = tpu.memref_slice %arg9[%run_scoped3A, %dma_start3A_263, %dma_start3A_264] : memref<2x128x128xf32, #tpu.memory_space<vmem>> -> memref<1x128x128xf32, #tpu.memory_space<vmem>>
        %dma_start3A_266 = tpu.memref_squeeze %dma_start3A_265 : memref<1x128x128xf32, #tpu.memory_space<vmem>> -> memref<128x128xf32, #tpu.memory_space<vmem>>
        %dma_start3A_267 = arith.constant 0 : i32
        %dma_start3A_268 = tpu.memref_slice %arg8[%rem3A_50, %run_scoped3A_85, %dma_start3A_267] : memref<2x8x128xi32, #tpu.memory_space<vmem>> -> memref<1x1x128xi32, #tpu.memory_space<vmem>>
        %dma_start3A_269 = tpu.memref_squeeze %dma_start3A_268 : memref<1x1x128xi32, #tpu.memory_space<vmem>> -> memref<128xi32, #tpu.memory_space<vmem>>
        %dma_start3A_270 = arith.constant 0 : i32
        %dma_start3A_271 = arith.constant 0 : i32
        %dma_start3A_272 = tpu.memref_slice %arg12[%dma_start3A_270, %dma_start3A_271] : memref<10240x128xf32, #tpu.memory_space<vmem_shared>> -> memref<10240x128xf32, #tpu.memory_space<vmem_shared>>
        tpu.enqueue_indirect_dma source(%dma_start3A_266 : memref<128x128xf32, #tpu.memory_space<vmem>>) target(%dma_start3A_272 : memref<10240x128xf32, #tpu.memory_space<vmem_shared>>) offsets(%dma_start3A_269 : memref<128xi32, #tpu.memory_space<vmem>>) semaphore(%run_scoped3A_262 : memref<!tpu.dma_semaphore, #tpu.memory_space<semaphore_mem>>) {add = true}
        %dma_wait3A_273 = arith.constant 0 : i32
        %dma_wait3A_274 = arith.constant 0 : i32
        %dma_wait3A_275 = tpu.memref_slice %arg9[%run_scoped3A, %dma_wait3A_273, %dma_wait3A_274] : memref<2x128x128xf32, #tpu.memory_space<vmem>> -> memref<1x128x128xf32, #tpu.memory_space<vmem>>
        %dma_wait3A_276 = tpu.memref_squeeze %dma_wait3A_275 : memref<1x128x128xf32, #tpu.memory_space<vmem>> -> memref<128x128xf32, #tpu.memory_space<vmem>>
        %dma_wait3A_277 = arith.constant 0 : i32
        %dma_wait3A_278 = tpu.memref_slice %arg8[%rem3A_50, %run_scoped3A_85, %dma_wait3A_277] : memref<2x8x128xi32, #tpu.memory_space<vmem>> -> memref<1x1x128xi32, #tpu.memory_space<vmem>>
        %dma_wait3A_279 = tpu.memref_squeeze %dma_wait3A_278 : memref<1x1x128xi32, #tpu.memory_space<vmem>> -> memref<128xi32, #tpu.memory_space<vmem>>
        %dma_wait3A_280 = arith.constant 0 : i32
        %dma_wait3A_281 = arith.constant 0 : i32
        %dma_wait3A_282 = tpu.memref_slice %arg12[%dma_wait3A_280, %dma_wait3A_281] : memref<10240x128xf32, #tpu.memory_space<vmem_shared>> -> memref<10240x128xf32, #tpu.memory_space<vmem_shared>>
        tpu.wait_indirect_dma semaphore(%run_scoped3A_262 : memref<!tpu.dma_semaphore, #tpu.memory_space<semaphore_mem>>) src(%dma_wait3A_276 : memref<128x128xf32, #tpu.memory_space<vmem>>) dst(%dma_wait3A_282 : memref<10240x128xf32, #tpu.memory_space<vmem_shared>>)
        tpu.yield
      }) : () -> ()
      %dma_wait3A_86 = arith.constant 1 : i32
      %dma_wait3A_87 = arith.constant 1 : i32
      %dma_wait3A_88 = arith.constant 0 : i32
      %dma_wait3A_89 = arith.constant 0 : i32
      %dma_wait3A_90 = tpu.memref_slice %arg9[%dma_wait3A_87, %dma_wait3A_88, %dma_wait3A_89] : memref<2x128x128xf32, #tpu.memory_space<vmem>> -> memref<1x128x128xf32, #tpu.memory_space<vmem>>
      %dma_wait3A_91 = tpu.memref_squeeze %dma_wait3A_90 : memref<1x128x128xf32, #tpu.memory_space<vmem>> -> memref<128x128xf32, #tpu.memory_space<vmem>>
      %dma_wait3A_92 = arith.constant 0 : i32
      %dma_wait3A_93 = tpu.memref_slice %arg7[%rem3A_50, %dma_wait3A_86, %dma_wait3A_92] : memref<2x8x128xi32, #tpu.memory_space<vmem>> -> memref<1x1x128xi32, #tpu.memory_space<vmem>>
      %dma_wait3A_94 = tpu.memref_squeeze %dma_wait3A_93 : memref<1x1x128xi32, #tpu.memory_space<vmem>> -> memref<128xi32, #tpu.memory_space<vmem>>
      %dma_wait3A_95 = arith.constant 0 : i32
      %dma_wait3A_96 = arith.constant 0 : i32
      %dma_wait3A_97 = tpu.memref_slice %arg2[%dma_wait3A_95, %dma_wait3A_96] : memref<10240x128xf32, #tpu.memory_space<hbm>> -> memref<10240x128xf32, #tpu.memory_space<hbm>>
      tpu.wait_indirect_dma semaphore(%arg10 : memref<!tpu.dma_semaphore, #tpu.memory_space<semaphore_mem>>) src(%dma_wait3A_97 : memref<10240x128xf32, #tpu.memory_space<hbm>>) dst(%dma_wait3A_91 : memref<128x128xf32, #tpu.memory_space<vmem>>)
      %dma_start3A_98 = arith.constant 2 : i32
      %dma_start3A_99 = arith.constant 0 : i32
      %dma_start3A_100 = arith.constant 0 : i32
      %dma_start3A_101 = arith.constant 0 : i32
      %dma_start3A_102 = tpu.memref_slice %arg9[%dma_start3A_99, %dma_start3A_100, %dma_start3A_101] : memref<2x128x128xf32, #tpu.memory_space<vmem>> -> memref<1x128x128xf32, #tpu.memory_space<vmem>>
      %dma_start3A_103 = tpu.memref_squeeze %dma_start3A_102 : memref<1x128x128xf32, #tpu.memory_space<vmem>> -> memref<128x128xf32, #tpu.memory_space<vmem>>
      %dma_start3A_104 = arith.constant 0 : i32
      %dma_start3A_105 = tpu.memref_slice %arg7[%rem3A_50, %dma_start3A_98, %dma_start3A_104] : memref<2x8x128xi32, #tpu.memory_space<vmem>> -> memref<1x1x128xi32, #tpu.memory_space<vmem>>
      %dma_start3A_106 = tpu.memref_squeeze %dma_start3A_105 : memref<1x1x128xi32, #tpu.memory_space<vmem>> -> memref<128xi32, #tpu.memory_space<vmem>>
      %dma_start3A_107 = arith.constant 0 : i32
      %dma_start3A_108 = arith.constant 0 : i32
      %dma_start3A_109 = tpu.memref_slice %arg2[%dma_start3A_107, %dma_start3A_108] : memref<10240x128xf32, #tpu.memory_space<hbm>> -> memref<10240x128xf32, #tpu.memory_space<hbm>>
      tpu.enqueue_indirect_dma source(%dma_start3A_109 : memref<10240x128xf32, #tpu.memory_space<hbm>>) target(%dma_start3A_103 : memref<128x128xf32, #tpu.memory_space<vmem>>) offsets(%dma_start3A_106 : memref<128xi32, #tpu.memory_space<vmem>>) semaphore(%arg10 : memref<!tpu.dma_semaphore, #tpu.memory_space<semaphore_mem>>)
      %run_scoped3A_110 = arith.constant 1 : i32
      %run_scoped3A_111 = arith.constant 1 : i32
      "tpu.region"() ({
        %run_scoped3A_262 = tpu.sem_alloc : memref<!tpu.dma_semaphore, #tpu.memory_space<semaphore_mem>>
        %dma_start3A_263 = arith.constant 0 : i32
        %dma_start3A_264 = arith.constant 0 : i32
        %dma_start3A_265 = tpu.memref_slice %arg9[%run_scoped3A_110, %dma_start3A_263, %dma_start3A_264] : memref<2x128x128xf32, #tpu.memory_space<vmem>> -> memref<1x128x128xf32, #tpu.memory_space<vmem>>
        %dma_start3A_266 = tpu.memref_squeeze %dma_start3A_265 : memref<1x128x128xf32, #tpu.memory_space<vmem>> -> memref<128x128xf32, #tpu.memory_space<vmem>>
        %dma_start3A_267 = arith.constant 0 : i32
        %dma_start3A_268 = tpu.memref_slice %arg8[%rem3A_50, %run_scoped3A_111, %dma_start3A_267] : memref<2x8x128xi32, #tpu.memory_space<vmem>> -> memref<1x1x128xi32, #tpu.memory_space<vmem>>
        %dma_start3A_269 = tpu.memref_squeeze %dma_start3A_268 : memref<1x1x128xi32, #tpu.memory_space<vmem>> -> memref<128xi32, #tpu.memory_space<vmem>>
        %dma_start3A_270 = arith.constant 0 : i32
        %dma_start3A_271 = arith.constant 0 : i32
        %dma_start3A_272 = tpu.memref_slice %arg12[%dma_start3A_270, %dma_start3A_271] : memref<10240x128xf32, #tpu.memory_space<vmem_shared>> -> memref<10240x128xf32, #tpu.memory_space<vmem_shared>>
        tpu.enqueue_indirect_dma source(%dma_start3A_266 : memref<128x128xf32, #tpu.memory_space<vmem>>) target(%dma_start3A_272 : memref<10240x128xf32, #tpu.memory_space<vmem_shared>>) offsets(%dma_start3A_269 : memref<128xi32, #tpu.memory_space<vmem>>) semaphore(%run_scoped3A_262 : memref<!tpu.dma_semaphore, #tpu.memory_space<semaphore_mem>>) {add = true}
        %dma_wait3A_273 = arith.constant 0 : i32
        %dma_wait3A_274 = arith.constant 0 : i32
        %dma_wait3A_275 = tpu.memref_slice %arg9[%run_scoped3A_110, %dma_wait3A_273, %dma_wait3A_274] : memref<2x128x128xf32, #tpu.memory_space<vmem>> -> memref<1x128x128xf32, #tpu.memory_space<vmem>>
        %dma_wait3A_276 = tpu.memref_squeeze %dma_wait3A_275 : memref<1x128x128xf32, #tpu.memory_space<vmem>> -> memref<128x128xf32, #tpu.memory_space<vmem>>
        %dma_wait3A_277 = arith.constant 0 : i32
        %dma_wait3A_278 = tpu.memref_slice %arg8[%rem3A_50, %run_scoped3A_111, %dma_wait3A_277] : memref<2x8x128xi32, #tpu.memory_space<vmem>> -> memref<1x1x128xi32, #tpu.memory_space<vmem>>
        %dma_wait3A_279 = tpu.memref_squeeze %dma_wait3A_278 : memref<1x1x128xi32, #tpu.memory_space<vmem>> -> memref<128xi32, #tpu.memory_space<vmem>>
        %dma_wait3A_280 = arith.constant 0 : i32
        %dma_wait3A_281 = arith.constant 0 : i32
        %dma_wait3A_282 = tpu.memref_slice %arg12[%dma_wait3A_280, %dma_wait3A_281] : memref<10240x128xf32, #tpu.memory_space<vmem_shared>> -> memref<10240x128xf32, #tpu.memory_space<vmem_shared>>
        tpu.wait_indirect_dma semaphore(%run_scoped3A_262 : memref<!tpu.dma_semaphore, #tpu.memory_space<semaphore_mem>>) src(%dma_wait3A_276 : memref<128x128xf32, #tpu.memory_space<vmem>>) dst(%dma_wait3A_282 : memref<10240x128xf32, #tpu.memory_space<vmem_shared>>)
        tpu.yield
      }) : () -> ()
      %dma_wait3A_112 = arith.constant 2 : i32
      %dma_wait3A_113 = arith.constant 0 : i32
      %dma_wait3A_114 = arith.constant 0 : i32
      %dma_wait3A_115 = arith.constant 0 : i32
      %dma_wait3A_116 = tpu.memref_slice %arg9[%dma_wait3A_113, %dma_wait3A_114, %dma_wait3A_115] : memref<2x128x128xf32, #tpu.memory_space<vmem>> -> memref<1x128x128xf32, #tpu.memory_space<vmem>>
      %dma_wait3A_117 = tpu.memref_squeeze %dma_wait3A_116 : memref<1x128x128xf32, #tpu.memory_space<vmem>> -> memref<128x128xf32, #tpu.memory_space<vmem>>
      %dma_wait3A_118 = arith.constant 0 : i32
      %dma_wait3A_119 = tpu.memref_slice %arg7[%rem3A_50, %dma_wait3A_112, %dma_wait3A_118] : memref<2x8x128xi32, #tpu.memory_space<vmem>> -> memref<1x1x128xi32, #tpu.memory_space<vmem>>
      %dma_wait3A_120 = tpu.memref_squeeze %dma_wait3A_119 : memref<1x1x128xi32, #tpu.memory_space<vmem>> -> memref<128xi32, #tpu.memory_space<vmem>>
      %dma_wait3A_121 = arith.constant 0 : i32
      %dma_wait3A_122 = arith.constant 0 : i32
      %dma_wait3A_123 = tpu.memref_slice %arg2[%dma_wait3A_121, %dma_wait3A_122] : memref<10240x128xf32, #tpu.memory_space<hbm>> -> memref<10240x128xf32, #tpu.memory_space<hbm>>
      tpu.wait_indirect_dma semaphore(%arg10 : memref<!tpu.dma_semaphore, #tpu.memory_space<semaphore_mem>>) src(%dma_wait3A_123 : memref<10240x128xf32, #tpu.memory_space<hbm>>) dst(%dma_wait3A_117 : memref<128x128xf32, #tpu.memory_space<vmem>>)
      %dma_start3A_124 = arith.constant 3 : i32
      %dma_start3A_125 = arith.constant 1 : i32
      %dma_start3A_126 = arith.constant 0 : i32
      %dma_start3A_127 = arith.constant 0 : i32
      %dma_start3A_128 = tpu.memref_slice %arg9[%dma_start3A_125, %dma_start3A_126, %dma_start3A_127] : memref<2x128x128xf32, #tpu.memory_space<vmem>> -> memref<1x128x128xf32, #tpu.memory_space<vmem>>
      %dma_start3A_129 = tpu.memref_squeeze %dma_start3A_128 : memref<1x128x128xf32, #tpu.memory_space<vmem>> -> memref<128x128xf32, #tpu.memory_space<vmem>>
      %dma_start3A_130 = arith.constant 0 : i32
      %dma_start3A_131 = tpu.memref_slice %arg7[%rem3A_50, %dma_start3A_124, %dma_start3A_130] : memref<2x8x128xi32, #tpu.memory_space<vmem>> -> memref<1x1x128xi32, #tpu.memory_space<vmem>>
      %dma_start3A_132 = tpu.memref_squeeze %dma_start3A_131 : memref<1x1x128xi32, #tpu.memory_space<vmem>> -> memref<128xi32, #tpu.memory_space<vmem>>
      %dma_start3A_133 = arith.constant 0 : i32
      %dma_start3A_134 = arith.constant 0 : i32
      %dma_start3A_135 = tpu.memref_slice %arg2[%dma_start3A_133, %dma_start3A_134] : memref<10240x128xf32, #tpu.memory_space<hbm>> -> memref<10240x128xf32, #tpu.memory_space<hbm>>
      tpu.enqueue_indirect_dma source(%dma_start3A_135 : memref<10240x128xf32, #tpu.memory_space<hbm>>) target(%dma_start3A_129 : memref<128x128xf32, #tpu.memory_space<vmem>>) offsets(%dma_start3A_132 : memref<128xi32, #tpu.memory_space<vmem>>) semaphore(%arg10 : memref<!tpu.dma_semaphore, #tpu.memory_space<semaphore_mem>>)
      %run_scoped3A_136 = arith.constant 0 : i32
      %run_scoped3A_137 = arith.constant 2 : i32
      "tpu.region"() ({
        %run_scoped3A_262 = tpu.sem_alloc : memref<!tpu.dma_semaphore, #tpu.memory_space<semaphore_mem>>
        %dma_start3A_263 = arith.constant 0 : i32
        %dma_start3A_264 = arith.constant 0 : i32
        %dma_start3A_265 = tpu.memref_slice %arg9[%run_scoped3A_136, %dma_start3A_263, %dma_start3A_264] : memref<2x128x128xf32, #tpu.memory_space<vmem>> -> memref<1x128x128xf32, #tpu.memory_space<vmem>>
        %dma_start3A_266 = tpu.memref_squeeze %dma_start3A_265 : memref<1x128x128xf32, #tpu.memory_space<vmem>> -> memref<128x128xf32, #tpu.memory_space<vmem>>
        %dma_start3A_267 = arith.constant 0 : i32
        %dma_start3A_268 = tpu.memref_slice %arg8[%rem3A_50, %run_scoped3A_137, %dma_start3A_267] : memref<2x8x128xi32, #tpu.memory_space<vmem>> -> memref<1x1x128xi32, #tpu.memory_space<vmem>>
        %dma_start3A_269 = tpu.memref_squeeze %dma_start3A_268 : memref<1x1x128xi32, #tpu.memory_space<vmem>> -> memref<128xi32, #tpu.memory_space<vmem>>
        %dma_start3A_270 = arith.constant 0 : i32
        %dma_start3A_271 = arith.constant 0 : i32
        %dma_start3A_272 = tpu.memref_slice %arg12[%dma_start3A_270, %dma_start3A_271] : memref<10240x128xf32, #tpu.memory_space<vmem_shared>> -> memref<10240x128xf32, #tpu.memory_space<vmem_shared>>
        tpu.enqueue_indirect_dma source(%dma_start3A_266 : memref<128x128xf32, #tpu.memory_space<vmem>>) target(%dma_start3A_272 : memref<10240x128xf32, #tpu.memory_space<vmem_shared>>) offsets(%dma_start3A_269 : memref<128xi32, #tpu.memory_space<vmem>>) semaphore(%run_scoped3A_262 : memref<!tpu.dma_semaphore, #tpu.memory_space<semaphore_mem>>) {add = true}
        %dma_wait3A_273 = arith.constant 0 : i32
        %dma_wait3A_274 = arith.constant 0 : i32
        %dma_wait3A_275 = tpu.memref_slice %arg9[%run_scoped3A_136, %dma_wait3A_273, %dma_wait3A_274] : memref<2x128x128xf32, #tpu.memory_space<vmem>> -> memref<1x128x128xf32, #tpu.memory_space<vmem>>
        %dma_wait3A_276 = tpu.memref_squeeze %dma_wait3A_275 : memref<1x128x128xf32, #tpu.memory_space<vmem>> -> memref<128x128xf32, #tpu.memory_space<vmem>>
        %dma_wait3A_277 = arith.constant 0 : i32
        %dma_wait3A_278 = tpu.memref_slice %arg8[%rem3A_50, %run_scoped3A_137, %dma_wait3A_277] : memref<2x8x128xi32, #tpu.memory_space<vmem>> -> memref<1x1x128xi32, #tpu.memory_space<vmem>>
        %dma_wait3A_279 = tpu.memref_squeeze %dma_wait3A_278 : memref<1x1x128xi32, #tpu.memory_space<vmem>> -> memref<128xi32, #tpu.memory_space<vmem>>
        %dma_wait3A_280 = arith.constant 0 : i32
        %dma_wait3A_281 = arith.constant 0 : i32
        %dma_wait3A_282 = tpu.memref_slice %arg12[%dma_wait3A_280, %dma_wait3A_281] : memref<10240x128xf32, #tpu.memory_space<vmem_shared>> -> memref<10240x128xf32, #tpu.memory_space<vmem_shared>>
        tpu.wait_indirect_dma semaphore(%run_scoped3A_262 : memref<!tpu.dma_semaphore, #tpu.memory_space<semaphore_mem>>) src(%dma_wait3A_276 : memref<128x128xf32, #tpu.memory_space<vmem>>) dst(%dma_wait3A_282 : memref<10240x128xf32, #tpu.memory_space<vmem_shared>>)
        tpu.yield
      }) : () -> ()
      %dma_wait3A_138 = arith.constant 3 : i32
      %dma_wait3A_139 = arith.constant 1 : i32
      %dma_wait3A_140 = arith.constant 0 : i32
      %dma_wait3A_141 = arith.constant 0 : i32
      %dma_wait3A_142 = tpu.memref_slice %arg9[%dma_wait3A_139, %dma_wait3A_140, %dma_wait3A_141] : memref<2x128x128xf32, #tpu.memory_space<vmem>> -> memref<1x128x128xf32, #tpu.memory_space<vmem>>
      %dma_wait3A_143 = tpu.memref_squeeze %dma_wait3A_142 : memref<1x128x128xf32, #tpu.memory_space<vmem>> -> memref<128x128xf32, #tpu.memory_space<vmem>>
      %dma_wait3A_144 = arith.constant 0 : i32
      %dma_wait3A_145 = tpu.memref_slice %arg7[%rem3A_50, %dma_wait3A_138, %dma_wait3A_144] : memref<2x8x128xi32, #tpu.memory_space<vmem>> -> memref<1x1x128xi32, #tpu.memory_space<vmem>>
      %dma_wait3A_146 = tpu.memref_squeeze %dma_wait3A_145 : memref<1x1x128xi32, #tpu.memory_space<vmem>> -> memref<128xi32, #tpu.memory_space<vmem>>
      %dma_wait3A_147 = arith.constant 0 : i32
      %dma_wait3A_148 = arith.constant 0 : i32
      %dma_wait3A_149 = tpu.memref_slice %arg2[%dma_wait3A_147, %dma_wait3A_148] : memref<10240x128xf32, #tpu.memory_space<hbm>> -> memref<10240x128xf32, #tpu.memory_space<hbm>>
      tpu.wait_indirect_dma semaphore(%arg10 : memref<!tpu.dma_semaphore, #tpu.memory_space<semaphore_mem>>) src(%dma_wait3A_149 : memref<10240x128xf32, #tpu.memory_space<hbm>>) dst(%dma_wait3A_143 : memref<128x128xf32, #tpu.memory_space<vmem>>)
      %dma_start3A_150 = arith.constant 4 : i32
      %dma_start3A_151 = arith.constant 0 : i32
      %dma_start3A_152 = arith.constant 0 : i32
      %dma_start3A_153 = arith.constant 0 : i32
      %dma_start3A_154 = tpu.memref_slice %arg9[%dma_start3A_151, %dma_start3A_152, %dma_start3A_153] : memref<2x128x128xf32, #tpu.memory_space<vmem>> -> memref<1x128x128xf32, #tpu.memory_space<vmem>>
      %dma_start3A_155 = tpu.memref_squeeze %dma_start3A_154 : memref<1x128x128xf32, #tpu.memory_space<vmem>> -> memref<128x128xf32, #tpu.memory_space<vmem>>
      %dma_start3A_156 = arith.constant 0 : i32
      %dma_start3A_157 = tpu.memref_slice %arg7[%rem3A_50, %dma_start3A_150, %dma_start3A_156] : memref<2x8x128xi32, #tpu.memory_space<vmem>> -> memref<1x1x128xi32, #tpu.memory_space<vmem>>
      %dma_start3A_158 = tpu.memref_squeeze %dma_start3A_157 : memref<1x1x128xi32, #tpu.memory_space<vmem>> -> memref<128xi32, #tpu.memory_space<vmem>>
      %dma_start3A_159 = arith.constant 0 : i32
      %dma_start3A_160 = arith.constant 0 : i32
      %dma_start3A_161 = tpu.memref_slice %arg2[%dma_start3A_159, %dma_start3A_160] : memref<10240x128xf32, #tpu.memory_space<hbm>> -> memref<10240x128xf32, #tpu.memory_space<hbm>>
      tpu.enqueue_indirect_dma source(%dma_start3A_161 : memref<10240x128xf32, #tpu.memory_space<hbm>>) target(%dma_start3A_155 : memref<128x128xf32, #tpu.memory_space<vmem>>) offsets(%dma_start3A_158 : memref<128xi32, #tpu.memory_space<vmem>>) semaphore(%arg10 : memref<!tpu.dma_semaphore, #tpu.memory_space<semaphore_mem>>)
      %run_scoped3A_162 = arith.constant 1 : i32
      %run_scoped3A_163 = arith.constant 3 : i32
      "tpu.region"() ({
        %run_scoped3A_262 = tpu.sem_alloc : memref<!tpu.dma_semaphore, #tpu.memory_space<semaphore_mem>>
        %dma_start3A_263 = arith.constant 0 : i32
        %dma_start3A_264 = arith.constant 0 : i32
        %dma_start3A_265 = tpu.memref_slice %arg9[%run_scoped3A_162, %dma_start3A_263, %dma_start3A_264] : memref<2x128x128xf32, #tpu.memory_space<vmem>> -> memref<1x128x128xf32, #tpu.memory_space<vmem>>
        %dma_start3A_266 = tpu.memref_squeeze %dma_start3A_265 : memref<1x128x128xf32, #tpu.memory_space<vmem>> -> memref<128x128xf32, #tpu.memory_space<vmem>>
        %dma_start3A_267 = arith.constant 0 : i32
        %dma_start3A_268 = tpu.memref_slice %arg8[%rem3A_50, %run_scoped3A_163, %dma_start3A_267] : memref<2x8x128xi32, #tpu.memory_space<vmem>> -> memref<1x1x128xi32, #tpu.memory_space<vmem>>
        %dma_start3A_269 = tpu.memref_squeeze %dma_start3A_268 : memref<1x1x128xi32, #tpu.memory_space<vmem>> -> memref<128xi32, #tpu.memory_space<vmem>>
        %dma_start3A_270 = arith.constant 0 : i32
        %dma_start3A_271 = arith.constant 0 : i32
        %dma_start3A_272 = tpu.memref_slice %arg12[%dma_start3A_270, %dma_start3A_271] : memref<10240x128xf32, #tpu.memory_space<vmem_shared>> -> memref<10240x128xf32, #tpu.memory_space<vmem_shared>>
        tpu.enqueue_indirect_dma source(%dma_start3A_266 : memref<128x128xf32, #tpu.memory_space<vmem>>) target(%dma_start3A_272 : memref<10240x128xf32, #tpu.memory_space<vmem_shared>>) offsets(%dma_start3A_269 : memref<128xi32, #tpu.memory_space<vmem>>) semaphore(%run_scoped3A_262 : memref<!tpu.dma_semaphore, #tpu.memory_space<semaphore_mem>>) {add = true}
        %dma_wait3A_273 = arith.constant 0 : i32
        %dma_wait3A_274 = arith.constant 0 : i32
        %dma_wait3A_275 = tpu.memref_slice %arg9[%run_scoped3A_162, %dma_wait3A_273, %dma_wait3A_274] : memref<2x128x128xf32, #tpu.memory_space<vmem>> -> memref<1x128x128xf32, #tpu.memory_space<vmem>>
        %dma_wait3A_276 = tpu.memref_squeeze %dma_wait3A_275 : memref<1x128x128xf32, #tpu.memory_space<vmem>> -> memref<128x128xf32, #tpu.memory_space<vmem>>
        %dma_wait3A_277 = arith.constant 0 : i32
        %dma_wait3A_278 = tpu.memref_slice %arg8[%rem3A_50, %run_scoped3A_163, %dma_wait3A_277] : memref<2x8x128xi32, #tpu.memory_space<vmem>> -> memref<1x1x128xi32, #tpu.memory_space<vmem>>
        %dma_wait3A_279 = tpu.memref_squeeze %dma_wait3A_278 : memref<1x1x128xi32, #tpu.memory_space<vmem>> -> memref<128xi32, #tpu.memory_space<vmem>>
        %dma_wait3A_280 = arith.constant 0 : i32
        %dma_wait3A_281 = arith.constant 0 : i32
        %dma_wait3A_282 = tpu.memref_slice %arg12[%dma_wait3A_280, %dma_wait3A_281] : memref<10240x128xf32, #tpu.memory_space<vmem_shared>> -> memref<10240x128xf32, #tpu.memory_space<vmem_shared>>
        tpu.wait_indirect_dma semaphore(%run_scoped3A_262 : memref<!tpu.dma_semaphore, #tpu.memory_space<semaphore_mem>>) src(%dma_wait3A_276 : memref<128x128xf32, #tpu.memory_space<vmem>>) dst(%dma_wait3A_282 : memref<10240x128xf32, #tpu.memory_space<vmem_shared>>)
        tpu.yield
      }) : () -> ()
      %dma_wait3A_164 = arith.constant 4 : i32
      %dma_wait3A_165 = arith.constant 0 : i32
      %dma_wait3A_166 = arith.constant 0 : i32
      %dma_wait3A_167 = arith.constant 0 : i32
      %dma_wait3A_168 = tpu.memref_slice %arg9[%dma_wait3A_165, %dma_wait3A_166, %dma_wait3A_167] : memref<2x128x128xf32, #tpu.memory_space<vmem>> -> memref<1x128x128xf32, #tpu.memory_space<vmem>>
      %dma_wait3A_169 = tpu.memref_squeeze %dma_wait3A_168 : memref<1x128x128xf32, #tpu.memory_space<vmem>> -> memref<128x128xf32, #tpu.memory_space<vmem>>
      %dma_wait3A_170 = arith.constant 0 : i32
      %dma_wait3A_171 = tpu.memref_slice %arg7[%rem3A_50, %dma_wait3A_164, %dma_wait3A_170] : memref<2x8x128xi32, #tpu.memory_space<vmem>> -> memref<1x1x128xi32, #tpu.memory_space<vmem>>
      %dma_wait3A_172 = tpu.memref_squeeze %dma_wait3A_171 : memref<1x1x128xi32, #tpu.memory_space<vmem>> -> memref<128xi32, #tpu.memory_space<vmem>>
      %dma_wait3A_173 = arith.constant 0 : i32
      %dma_wait3A_174 = arith.constant 0 : i32
      %dma_wait3A_175 = tpu.memref_slice %arg2[%dma_wait3A_173, %dma_wait3A_174] : memref<10240x128xf32, #tpu.memory_space<hbm>> -> memref<10240x128xf32, #tpu.memory_space<hbm>>
      tpu.wait_indirect_dma semaphore(%arg10 : memref<!tpu.dma_semaphore, #tpu.memory_space<semaphore_mem>>) src(%dma_wait3A_175 : memref<10240x128xf32, #tpu.memory_space<hbm>>) dst(%dma_wait3A_169 : memref<128x128xf32, #tpu.memory_space<vmem>>)
      %dma_start3A_176 = arith.constant 5 : i32
      %dma_start3A_177 = arith.constant 1 : i32
      %dma_start3A_178 = arith.constant 0 : i32
      %dma_start3A_179 = arith.constant 0 : i32
      %dma_start3A_180 = tpu.memref_slice %arg9[%dma_start3A_177, %dma_start3A_178, %dma_start3A_179] : memref<2x128x128xf32, #tpu.memory_space<vmem>> -> memref<1x128x128xf32, #tpu.memory_space<vmem>>
      %dma_start3A_181 = tpu.memref_squeeze %dma_start3A_180 : memref<1x128x128xf32, #tpu.memory_space<vmem>> -> memref<128x128xf32, #tpu.memory_space<vmem>>
      %dma_start3A_182 = arith.constant 0 : i32
      %dma_start3A_183 = tpu.memref_slice %arg7[%rem3A_50, %dma_start3A_176, %dma_start3A_182] : memref<2x8x128xi32, #tpu.memory_space<vmem>> -> memref<1x1x128xi32, #tpu.memory_space<vmem>>
      %dma_start3A_184 = tpu.memref_squeeze %dma_start3A_183 : memref<1x1x128xi32, #tpu.memory_space<vmem>> -> memref<128xi32, #tpu.memory_space<vmem>>
      %dma_start3A_185 = arith.constant 0 : i32
      %dma_start3A_186 = arith.constant 0 : i32
      %dma_start3A_187 = tpu.memref_slice %arg2[%dma_start3A_185, %dma_start3A_186] : memref<10240x128xf32, #tpu.memory_space<hbm>> -> memref<10240x128xf32, #tpu.memory_space<hbm>>
      tpu.enqueue_indirect_dma source(%dma_start3A_187 : memref<10240x128xf32, #tpu.memory_space<hbm>>) target(%dma_start3A_181 : memref<128x128xf32, #tpu.memory_space<vmem>>) offsets(%dma_start3A_184 : memref<128xi32, #tpu.memory_space<vmem>>) semaphore(%arg10 : memref<!tpu.dma_semaphore, #tpu.memory_space<semaphore_mem>>)
      %run_scoped3A_188 = arith.constant 0 : i32
      %run_scoped3A_189 = arith.constant 4 : i32
      "tpu.region"() ({
        %run_scoped3A_262 = tpu.sem_alloc : memref<!tpu.dma_semaphore, #tpu.memory_space<semaphore_mem>>
        %dma_start3A_263 = arith.constant 0 : i32
        %dma_start3A_264 = arith.constant 0 : i32
        %dma_start3A_265 = tpu.memref_slice %arg9[%run_scoped3A_188, %dma_start3A_263, %dma_start3A_264] : memref<2x128x128xf32, #tpu.memory_space<vmem>> -> memref<1x128x128xf32, #tpu.memory_space<vmem>>
        %dma_start3A_266 = tpu.memref_squeeze %dma_start3A_265 : memref<1x128x128xf32, #tpu.memory_space<vmem>> -> memref<128x128xf32, #tpu.memory_space<vmem>>
        %dma_start3A_267 = arith.constant 0 : i32
        %dma_start3A_268 = tpu.memref_slice %arg8[%rem3A_50, %run_scoped3A_189, %dma_start3A_267] : memref<2x8x128xi32, #tpu.memory_space<vmem>> -> memref<1x1x128xi32, #tpu.memory_space<vmem>>
        %dma_start3A_269 = tpu.memref_squeeze %dma_start3A_268 : memref<1x1x128xi32, #tpu.memory_space<vmem>> -> memref<128xi32, #tpu.memory_space<vmem>>
        %dma_start3A_270 = arith.constant 0 : i32
        %dma_start3A_271 = arith.constant 0 : i32
        %dma_start3A_272 = tpu.memref_slice %arg12[%dma_start3A_270, %dma_start3A_271] : memref<10240x128xf32, #tpu.memory_space<vmem_shared>> -> memref<10240x128xf32, #tpu.memory_space<vmem_shared>>
        tpu.enqueue_indirect_dma source(%dma_start3A_266 : memref<128x128xf32, #tpu.memory_space<vmem>>) target(%dma_start3A_272 : memref<10240x128xf32, #tpu.memory_space<vmem_shared>>) offsets(%dma_start3A_269 : memref<128xi32, #tpu.memory_space<vmem>>) semaphore(%run_scoped3A_262 : memref<!tpu.dma_semaphore, #tpu.memory_space<semaphore_mem>>) {add = true}
        %dma_wait3A_273 = arith.constant 0 : i32
        %dma_wait3A_274 = arith.constant 0 : i32
        %dma_wait3A_275 = tpu.memref_slice %arg9[%run_scoped3A_188, %dma_wait3A_273, %dma_wait3A_274] : memref<2x128x128xf32, #tpu.memory_space<vmem>> -> memref<1x128x128xf32, #tpu.memory_space<vmem>>
        %dma_wait3A_276 = tpu.memref_squeeze %dma_wait3A_275 : memref<1x128x128xf32, #tpu.memory_space<vmem>> -> memref<128x128xf32, #tpu.memory_space<vmem>>
        %dma_wait3A_277 = arith.constant 0 : i32
        %dma_wait3A_278 = tpu.memref_slice %arg8[%rem3A_50, %run_scoped3A_189, %dma_wait3A_277] : memref<2x8x128xi32, #tpu.memory_space<vmem>> -> memref<1x1x128xi32, #tpu.memory_space<vmem>>
        %dma_wait3A_279 = tpu.memref_squeeze %dma_wait3A_278 : memref<1x1x128xi32, #tpu.memory_space<vmem>> -> memref<128xi32, #tpu.memory_space<vmem>>
        %dma_wait3A_280 = arith.constant 0 : i32
        %dma_wait3A_281 = arith.constant 0 : i32
        %dma_wait3A_282 = tpu.memref_slice %arg12[%dma_wait3A_280, %dma_wait3A_281] : memref<10240x128xf32, #tpu.memory_space<vmem_shared>> -> memref<10240x128xf32, #tpu.memory_space<vmem_shared>>
        tpu.wait_indirect_dma semaphore(%run_scoped3A_262 : memref<!tpu.dma_semaphore, #tpu.memory_space<semaphore_mem>>) src(%dma_wait3A_276 : memref<128x128xf32, #tpu.memory_space<vmem>>) dst(%dma_wait3A_282 : memref<10240x128xf32, #tpu.memory_space<vmem_shared>>)
        tpu.yield
      }) : () -> ()
      %dma_wait3A_190 = arith.constant 5 : i32
      %dma_wait3A_191 = arith.constant 1 : i32
      %dma_wait3A_192 = arith.constant 0 : i32
      %dma_wait3A_193 = arith.constant 0 : i32
      %dma_wait3A_194 = tpu.memref_slice %arg9[%dma_wait3A_191, %dma_wait3A_192, %dma_wait3A_193] : memref<2x128x128xf32, #tpu.memory_space<vmem>> -> memref<1x128x128xf32, #tpu.memory_space<vmem>>
      %dma_wait3A_195 = tpu.memref_squeeze %dma_wait3A_194 : memref<1x128x128xf32, #tpu.memory_space<vmem>> -> memref<128x128xf32, #tpu.memory_space<vmem>>
      %dma_wait3A_196 = arith.constant 0 : i32
      %dma_wait3A_197 = tpu.memref_slice %arg7[%rem3A_50, %dma_wait3A_190, %dma_wait3A_196] : memref<2x8x128xi32, #tpu.memory_space<vmem>> -> memref<1x1x128xi32, #tpu.memory_space<vmem>>
      %dma_wait3A_198 = tpu.memref_squeeze %dma_wait3A_197 : memref<1x1x128xi32, #tpu.memory_space<vmem>> -> memref<128xi32, #tpu.memory_space<vmem>>
      %dma_wait3A_199 = arith.constant 0 : i32
      %dma_wait3A_200 = arith.constant 0 : i32
      %dma_wait3A_201 = tpu.memref_slice %arg2[%dma_wait3A_199, %dma_wait3A_200] : memref<10240x128xf32, #tpu.memory_space<hbm>> -> memref<10240x128xf32, #tpu.memory_space<hbm>>
      tpu.wait_indirect_dma semaphore(%arg10 : memref<!tpu.dma_semaphore, #tpu.memory_space<semaphore_mem>>) src(%dma_wait3A_201 : memref<10240x128xf32, #tpu.memory_space<hbm>>) dst(%dma_wait3A_195 : memref<128x128xf32, #tpu.memory_space<vmem>>)
      %dma_start3A_202 = arith.constant 6 : i32
      %dma_start3A_203 = arith.constant 0 : i32
      %dma_start3A_204 = arith.constant 0 : i32
      %dma_start3A_205 = arith.constant 0 : i32
      %dma_start3A_206 = tpu.memref_slice %arg9[%dma_start3A_203, %dma_start3A_204, %dma_start3A_205] : memref<2x128x128xf32, #tpu.memory_space<vmem>> -> memref<1x128x128xf32, #tpu.memory_space<vmem>>
      %dma_start3A_207 = tpu.memref_squeeze %dma_start3A_206 : memref<1x128x128xf32, #tpu.memory_space<vmem>> -> memref<128x128xf32, #tpu.memory_space<vmem>>
      %dma_start3A_208 = arith.constant 0 : i32
      %dma_start3A_209 = tpu.memref_slice %arg7[%rem3A_50, %dma_start3A_202, %dma_start3A_208] : memref<2x8x128xi32, #tpu.memory_space<vmem>> -> memref<1x1x128xi32, #tpu.memory_space<vmem>>
      %dma_start3A_210 = tpu.memref_squeeze %dma_start3A_209 : memref<1x1x128xi32, #tpu.memory_space<vmem>> -> memref<128xi32, #tpu.memory_space<vmem>>
      %dma_start3A_211 = arith.constant 0 : i32
      %dma_start3A_212 = arith.constant 0 : i32
      %dma_start3A_213 = tpu.memref_slice %arg2[%dma_start3A_211, %dma_start3A_212] : memref<10240x128xf32, #tpu.memory_space<hbm>> -> memref<10240x128xf32, #tpu.memory_space<hbm>>
      tpu.enqueue_indirect_dma source(%dma_start3A_213 : memref<10240x128xf32, #tpu.memory_space<hbm>>) target(%dma_start3A_207 : memref<128x128xf32, #tpu.memory_space<vmem>>) offsets(%dma_start3A_210 : memref<128xi32, #tpu.memory_space<vmem>>) semaphore(%arg10 : memref<!tpu.dma_semaphore, #tpu.memory_space<semaphore_mem>>)
      %run_scoped3A_214 = arith.constant 1 : i32
      %run_scoped3A_215 = arith.constant 5 : i32
      "tpu.region"() ({
        %run_scoped3A_262 = tpu.sem_alloc : memref<!tpu.dma_semaphore, #tpu.memory_space<semaphore_mem>>
        %dma_start3A_263 = arith.constant 0 : i32
        %dma_start3A_264 = arith.constant 0 : i32
        %dma_start3A_265 = tpu.memref_slice %arg9[%run_scoped3A_214, %dma_start3A_263, %dma_start3A_264] : memref<2x128x128xf32, #tpu.memory_space<vmem>> -> memref<1x128x128xf32, #tpu.memory_space<vmem>>
        %dma_start3A_266 = tpu.memref_squeeze %dma_start3A_265 : memref<1x128x128xf32, #tpu.memory_space<vmem>> -> memref<128x128xf32, #tpu.memory_space<vmem>>
        %dma_start3A_267 = arith.constant 0 : i32
        %dma_start3A_268 = tpu.memref_slice %arg8[%rem3A_50, %run_scoped3A_215, %dma_start3A_267] : memref<2x8x128xi32, #tpu.memory_space<vmem>> -> memref<1x1x128xi32, #tpu.memory_space<vmem>>
        %dma_start3A_269 = tpu.memref_squeeze %dma_start3A_268 : memref<1x1x128xi32, #tpu.memory_space<vmem>> -> memref<128xi32, #tpu.memory_space<vmem>>
        %dma_start3A_270 = arith.constant 0 : i32
        %dma_start3A_271 = arith.constant 0 : i32
        %dma_start3A_272 = tpu.memref_slice %arg12[%dma_start3A_270, %dma_start3A_271] : memref<10240x128xf32, #tpu.memory_space<vmem_shared>> -> memref<10240x128xf32, #tpu.memory_space<vmem_shared>>
        tpu.enqueue_indirect_dma source(%dma_start3A_266 : memref<128x128xf32, #tpu.memory_space<vmem>>) target(%dma_start3A_272 : memref<10240x128xf32, #tpu.memory_space<vmem_shared>>) offsets(%dma_start3A_269 : memref<128xi32, #tpu.memory_space<vmem>>) semaphore(%run_scoped3A_262 : memref<!tpu.dma_semaphore, #tpu.memory_space<semaphore_mem>>) {add = true}
        %dma_wait3A_273 = arith.constant 0 : i32
        %dma_wait3A_274 = arith.constant 0 : i32
        %dma_wait3A_275 = tpu.memref_slice %arg9[%run_scoped3A_214, %dma_wait3A_273, %dma_wait3A_274] : memref<2x128x128xf32, #tpu.memory_space<vmem>> -> memref<1x128x128xf32, #tpu.memory_space<vmem>>
        %dma_wait3A_276 = tpu.memref_squeeze %dma_wait3A_275 : memref<1x128x128xf32, #tpu.memory_space<vmem>> -> memref<128x128xf32, #tpu.memory_space<vmem>>
        %dma_wait3A_277 = arith.constant 0 : i32
        %dma_wait3A_278 = tpu.memref_slice %arg8[%rem3A_50, %run_scoped3A_215, %dma_wait3A_277] : memref<2x8x128xi32, #tpu.memory_space<vmem>> -> memref<1x1x128xi32, #tpu.memory_space<vmem>>
        %dma_wait3A_279 = tpu.memref_squeeze %dma_wait3A_278 : memref<1x1x128xi32, #tpu.memory_space<vmem>> -> memref<128xi32, #tpu.memory_space<vmem>>
        %dma_wait3A_280 = arith.constant 0 : i32
        %dma_wait3A_281 = arith.constant 0 : i32
        %dma_wait3A_282 = tpu.memref_slice %arg12[%dma_wait3A_280, %dma_wait3A_281] : memref<10240x128xf32, #tpu.memory_space<vmem_shared>> -> memref<10240x128xf32, #tpu.memory_space<vmem_shared>>
        tpu.wait_indirect_dma semaphore(%run_scoped3A_262 : memref<!tpu.dma_semaphore, #tpu.memory_space<semaphore_mem>>) src(%dma_wait3A_276 : memref<128x128xf32, #tpu.memory_space<vmem>>) dst(%dma_wait3A_282 : memref<10240x128xf32, #tpu.memory_space<vmem_shared>>)
        tpu.yield
      }) : () -> ()
      %dma_wait3A_216 = arith.constant 6 : i32
      %dma_wait3A_217 = arith.constant 0 : i32
      %dma_wait3A_218 = arith.constant 0 : i32
      %dma_wait3A_219 = arith.constant 0 : i32
      %dma_wait3A_220 = tpu.memref_slice %arg9[%dma_wait3A_217, %dma_wait3A_218, %dma_wait3A_219] : memref<2x128x128xf32, #tpu.memory_space<vmem>> -> memref<1x128x128xf32, #tpu.memory_space<vmem>>
      %dma_wait3A_221 = tpu.memref_squeeze %dma_wait3A_220 : memref<1x128x128xf32, #tpu.memory_space<vmem>> -> memref<128x128xf32, #tpu.memory_space<vmem>>
      %dma_wait3A_222 = arith.constant 0 : i32
      %dma_wait3A_223 = tpu.memref_slice %arg7[%rem3A_50, %dma_wait3A_216, %dma_wait3A_222] : memref<2x8x128xi32, #tpu.memory_space<vmem>> -> memref<1x1x128xi32, #tpu.memory_space<vmem>>
      %dma_wait3A_224 = tpu.memref_squeeze %dma_wait3A_223 : memref<1x1x128xi32, #tpu.memory_space<vmem>> -> memref<128xi32, #tpu.memory_space<vmem>>
      %dma_wait3A_225 = arith.constant 0 : i32
      %dma_wait3A_226 = arith.constant 0 : i32
      %dma_wait3A_227 = tpu.memref_slice %arg2[%dma_wait3A_225, %dma_wait3A_226] : memref<10240x128xf32, #tpu.memory_space<hbm>> -> memref<10240x128xf32, #tpu.memory_space<hbm>>
      tpu.wait_indirect_dma semaphore(%arg10 : memref<!tpu.dma_semaphore, #tpu.memory_space<semaphore_mem>>) src(%dma_wait3A_227 : memref<10240x128xf32, #tpu.memory_space<hbm>>) dst(%dma_wait3A_221 : memref<128x128xf32, #tpu.memory_space<vmem>>)
      %dma_start3A_228 = arith.constant 7 : i32
      %dma_start3A_229 = arith.constant 1 : i32
      %dma_start3A_230 = arith.constant 0 : i32
      %dma_start3A_231 = arith.constant 0 : i32
      %dma_start3A_232 = tpu.memref_slice %arg9[%dma_start3A_229, %dma_start3A_230, %dma_start3A_231] : memref<2x128x128xf32, #tpu.memory_space<vmem>> -> memref<1x128x128xf32, #tpu.memory_space<vmem>>
      %dma_start3A_233 = tpu.memref_squeeze %dma_start3A_232 : memref<1x128x128xf32, #tpu.memory_space<vmem>> -> memref<128x128xf32, #tpu.memory_space<vmem>>
      %dma_start3A_234 = arith.constant 0 : i32
      %dma_start3A_235 = tpu.memref_slice %arg7[%rem3A_50, %dma_start3A_228, %dma_start3A_234] : memref<2x8x128xi32, #tpu.memory_space<vmem>> -> memref<1x1x128xi32, #tpu.memory_space<vmem>>
      %dma_start3A_236 = tpu.memref_squeeze %dma_start3A_235 : memref<1x1x128xi32, #tpu.memory_space<vmem>> -> memref<128xi32, #tpu.memory_space<vmem>>
      %dma_start3A_237 = arith.constant 0 : i32
      %dma_start3A_238 = arith.constant 0 : i32
      %dma_start3A_239 = tpu.memref_slice %arg2[%dma_start3A_237, %dma_start3A_238] : memref<10240x128xf32, #tpu.memory_space<hbm>> -> memref<10240x128xf32, #tpu.memory_space<hbm>>
      tpu.enqueue_indirect_dma source(%dma_start3A_239 : memref<10240x128xf32, #tpu.memory_space<hbm>>) target(%dma_start3A_233 : memref<128x128xf32, #tpu.memory_space<vmem>>) offsets(%dma_start3A_236 : memref<128xi32, #tpu.memory_space<vmem>>) semaphore(%arg10 : memref<!tpu.dma_semaphore, #tpu.memory_space<semaphore_mem>>)
      %run_scoped3A_240 = arith.constant 0 : i32
      %run_scoped3A_241 = arith.constant 6 : i32
      "tpu.region"() ({
        %run_scoped3A_262 = tpu.sem_alloc : memref<!tpu.dma_semaphore, #tpu.memory_space<semaphore_mem>>
        %dma_start3A_263 = arith.constant 0 : i32
        %dma_start3A_264 = arith.constant 0 : i32
        %dma_start3A_265 = tpu.memref_slice %arg9[%run_scoped3A_240, %dma_start3A_263, %dma_start3A_264] : memref<2x128x128xf32, #tpu.memory_space<vmem>> -> memref<1x128x128xf32, #tpu.memory_space<vmem>>
        %dma_start3A_266 = tpu.memref_squeeze %dma_start3A_265 : memref<1x128x128xf32, #tpu.memory_space<vmem>> -> memref<128x128xf32, #tpu.memory_space<vmem>>
        %dma_start3A_267 = arith.constant 0 : i32
        %dma_start3A_268 = tpu.memref_slice %arg8[%rem3A_50, %run_scoped3A_241, %dma_start3A_267] : memref<2x8x128xi32, #tpu.memory_space<vmem>> -> memref<1x1x128xi32, #tpu.memory_space<vmem>>
        %dma_start3A_269 = tpu.memref_squeeze %dma_start3A_268 : memref<1x1x128xi32, #tpu.memory_space<vmem>> -> memref<128xi32, #tpu.memory_space<vmem>>
        %dma_start3A_270 = arith.constant 0 : i32
        %dma_start3A_271 = arith.constant 0 : i32
        %dma_start3A_272 = tpu.memref_slice %arg12[%dma_start3A_270, %dma_start3A_271] : memref<10240x128xf32, #tpu.memory_space<vmem_shared>> -> memref<10240x128xf32, #tpu.memory_space<vmem_shared>>
        tpu.enqueue_indirect_dma source(%dma_start3A_266 : memref<128x128xf32, #tpu.memory_space<vmem>>) target(%dma_start3A_272 : memref<10240x128xf32, #tpu.memory_space<vmem_shared>>) offsets(%dma_start3A_269 : memref<128xi32, #tpu.memory_space<vmem>>) semaphore(%run_scoped3A_262 : memref<!tpu.dma_semaphore, #tpu.memory_space<semaphore_mem>>) {add = true}
        %dma_wait3A_273 = arith.constant 0 : i32
        %dma_wait3A_274 = arith.constant 0 : i32
        %dma_wait3A_275 = tpu.memref_slice %arg9[%run_scoped3A_240, %dma_wait3A_273, %dma_wait3A_274] : memref<2x128x128xf32, #tpu.memory_space<vmem>> -> memref<1x128x128xf32, #tpu.memory_space<vmem>>
        %dma_wait3A_276 = tpu.memref_squeeze %dma_wait3A_275 : memref<1x128x128xf32, #tpu.memory_space<vmem>> -> memref<128x128xf32, #tpu.memory_space<vmem>>
        %dma_wait3A_277 = arith.constant 0 : i32
        %dma_wait3A_278 = tpu.memref_slice %arg8[%rem3A_50, %run_scoped3A_241, %dma_wait3A_277] : memref<2x8x128xi32, #tpu.memory_space<vmem>> -> memref<1x1x128xi32, #tpu.memory_space<vmem>>
        %dma_wait3A_279 = tpu.memref_squeeze %dma_wait3A_278 : memref<1x1x128xi32, #tpu.memory_space<vmem>> -> memref<128xi32, #tpu.memory_space<vmem>>
        %dma_wait3A_280 = arith.constant 0 : i32
        %dma_wait3A_281 = arith.constant 0 : i32
        %dma_wait3A_282 = tpu.memref_slice %arg12[%dma_wait3A_280, %dma_wait3A_281] : memref<10240x128xf32, #tpu.memory_space<vmem_shared>> -> memref<10240x128xf32, #tpu.memory_space<vmem_shared>>
        tpu.wait_indirect_dma semaphore(%run_scoped3A_262 : memref<!tpu.dma_semaphore, #tpu.memory_space<semaphore_mem>>) src(%dma_wait3A_276 : memref<128x128xf32, #tpu.memory_space<vmem>>) dst(%dma_wait3A_282 : memref<10240x128xf32, #tpu.memory_space<vmem_shared>>)
        tpu.yield
      }) : () -> ()
      %dma_wait3A_242 = arith.constant 7 : i32
      %dma_wait3A_243 = arith.constant 1 : i32
      %dma_wait3A_244 = arith.constant 0 : i32
      %dma_wait3A_245 = arith.constant 0 : i32
      %dma_wait3A_246 = tpu.memref_slice %arg9[%dma_wait3A_243, %dma_wait3A_244, %dma_wait3A_245] : memref<2x128x128xf32, #tpu.memory_space<vmem>> -> memref<1x128x128xf32, #tpu.memory_space<vmem>>
      %dma_wait3A_247 = tpu.memref_squeeze %dma_wait3A_246 : memref<1x128x128xf32, #tpu.memory_space<vmem>> -> memref<128x128xf32, #tpu.memory_space<vmem>>
      %dma_wait3A_248 = arith.constant 0 : i32
      %dma_wait3A_249 = tpu.memref_slice %arg7[%rem3A_50, %dma_wait3A_242, %dma_wait3A_248] : memref<2x8x128xi32, #tpu.memory_space<vmem>> -> memref<1x1x128xi32, #tpu.memory_space<vmem>>
      %dma_wait3A_250 = tpu.memref_squeeze %dma_wait3A_249 : memref<1x1x128xi32, #tpu.memory_space<vmem>> -> memref<128xi32, #tpu.memory_space<vmem>>
      %dma_wait3A_251 = arith.constant 0 : i32
      %dma_wait3A_252 = arith.constant 0 : i32
      %dma_wait3A_253 = tpu.memref_slice %arg2[%dma_wait3A_251, %dma_wait3A_252] : memref<10240x128xf32, #tpu.memory_space<hbm>> -> memref<10240x128xf32, #tpu.memory_space<hbm>>
      tpu.wait_indirect_dma semaphore(%arg10 : memref<!tpu.dma_semaphore, #tpu.memory_space<semaphore_mem>>) src(%dma_wait3A_253 : memref<10240x128xf32, #tpu.memory_space<hbm>>) dst(%dma_wait3A_247 : memref<128x128xf32, #tpu.memory_space<vmem>>)
      %add3A_254 = arith.constant 1 : i32
      %add3A_255 = arith.addi %while3A_48, %add3A_254 : i32
      %lt3A_256 = arith.cmpi slt, %add3A_255, %select_n3A_19 : i32
      %convert_element_type3A_257 = arith.extui %lt3A_256 : i1 to i32
      %cond3A_258 = arith.constant 0 : i32
      %cond3A_259 = arith.cmpi ne, %convert_element_type3A_257, %cond3A_258 : i32
      scf.if %cond3A_259 {
        %dma_wait3A_262 = arith.constant 0 : i32
        %dma_wait3A_263 = arith.constant 0 : i32
        %dma_wait3A_264 = tpu.memref_slice %arg7[%sub3A_52, %dma_wait3A_262, %dma_wait3A_263] : memref<2x8x128xi32, #tpu.memory_space<vmem>> -> memref<1x8x128xi32, #tpu.memory_space<vmem>>
        %dma_wait3A_265 = tpu.memref_squeeze %dma_wait3A_264 : memref<1x8x128xi32, #tpu.memory_space<vmem>> -> memref<8x128xi32, #tpu.memory_space<vmem>>
        %dma_wait3A_266 = arith.constant 0 : i32
        %dma_wait3A_267 = tpu.memref_slice %arg3[%add3A_57, %dma_wait3A_266] : memref<2560x128xi32, #tpu.memory_space<hbm>> -> memref<8x128xi32, #tpu.memory_space<hbm>>
        %dma_wait3A_268 = arith.constant 0 : i32
        %dma_wait3A_269 = arith.constant 0 : i32
        %dma_wait3A_270 = tpu.memref_slice %arg7[%sub3A_52, %dma_wait3A_268, %dma_wait3A_269] : memref<2x8x128xi32, #tpu.memory_space<vmem>> -> memref<1x8x128xi32, #tpu.memory_space<vmem>>
        %dma_wait3A_271 = tpu.memref_squeeze %dma_wait3A_270 : memref<1x8x128xi32, #tpu.memory_space<vmem>> -> memref<8x128xi32, #tpu.memory_space<vmem>>
        %dma_wait3A_272 = arith.constant 0 : i32
        %dma_wait3A_273 = tpu.memref_slice %arg3[%add3A_57, %dma_wait3A_272] : memref<2560x128xi32, #tpu.memory_space<hbm>> -> memref<8x128xi32, #tpu.memory_space<hbm>>
        tpu.wait_dma2 semaphore(%arg11 : memref<!tpu.dma_semaphore, #tpu.memory_space<semaphore_mem>>) src(%dma_wait3A_273 : memref<8x128xi32, #tpu.memory_space<hbm>>) dst(%dma_wait3A_271 : memref<8x128xi32, #tpu.memory_space<vmem>>)
        %dma_wait3A_274 = arith.constant 0 : i32
        %dma_wait3A_275 = arith.constant 0 : i32
        %dma_wait3A_276 = tpu.memref_slice %arg8[%sub3A_52, %dma_wait3A_274, %dma_wait3A_275] : memref<2x8x128xi32, #tpu.memory_space<vmem>> -> memref<1x8x128xi32, #tpu.memory_space<vmem>>
        %dma_wait3A_277 = tpu.memref_squeeze %dma_wait3A_276 : memref<1x8x128xi32, #tpu.memory_space<vmem>> -> memref<8x128xi32, #tpu.memory_space<vmem>>
        %dma_wait3A_278 = arith.constant 0 : i32
        %dma_wait3A_279 = tpu.memref_slice %arg4[%add3A_57, %dma_wait3A_278] : memref<2560x128xi32, #tpu.memory_space<hbm>> -> memref<8x128xi32, #tpu.memory_space<hbm>>
        %dma_wait3A_280 = arith.constant 0 : i32
        %dma_wait3A_281 = arith.constant 0 : i32
        %dma_wait3A_282 = tpu.memref_slice %arg8[%sub3A_52, %dma_wait3A_280, %dma_wait3A_281] : memref<2x8x128xi32, #tpu.memory_space<vmem>> -> memref<1x8x128xi32, #tpu.memory_space<vmem>>
        %dma_wait3A_283 = tpu.memref_squeeze %dma_wait3A_282 : memref<1x8x128xi32, #tpu.memory_space<vmem>> -> memref<8x128xi32, #tpu.memory_space<vmem>>
        %dma_wait3A_284 = arith.constant 0 : i32
        %dma_wait3A_285 = tpu.memref_slice %arg4[%add3A_57, %dma_wait3A_284] : memref<2560x128xi32, #tpu.memory_space<hbm>> -> memref<8x128xi32, #tpu.memory_space<hbm>>
        tpu.wait_dma2 semaphore(%arg11 : memref<!tpu.dma_semaphore, #tpu.memory_space<semaphore_mem>>) src(%dma_wait3A_285 : memref<8x128xi32, #tpu.memory_space<hbm>>) dst(%dma_wait3A_283 : memref<8x128xi32, #tpu.memory_space<vmem>>)
        %dma_start3A_286 = arith.constant 0 : i32
        %dma_start3A_287 = arith.constant 0 : i32
        %dma_start3A_288 = arith.constant 0 : i32
        %dma_start3A_289 = arith.constant 0 : i32
        %dma_start3A_290 = tpu.memref_slice %arg9[%dma_start3A_287, %dma_start3A_288, %dma_start3A_289] : memref<2x128x128xf32, #tpu.memory_space<vmem>> -> memref<1x128x128xf32, #tpu.memory_space<vmem>>
        %dma_start3A_291 = tpu.memref_squeeze %dma_start3A_290 : memref<1x128x128xf32, #tpu.memory_space<vmem>> -> memref<128x128xf32, #tpu.memory_space<vmem>>
        %dma_start3A_292 = arith.constant 0 : i32
        %dma_start3A_293 = tpu.memref_slice %arg7[%sub3A_52, %dma_start3A_286, %dma_start3A_292] : memref<2x8x128xi32, #tpu.memory_space<vmem>> -> memref<1x1x128xi32, #tpu.memory_space<vmem>>
        %dma_start3A_294 = tpu.memref_squeeze %dma_start3A_293 : memref<1x1x128xi32, #tpu.memory_space<vmem>> -> memref<128xi32, #tpu.memory_space<vmem>>
        %dma_start3A_295 = arith.constant 0 : i32
        %dma_start3A_296 = arith.constant 0 : i32
        %dma_start3A_297 = tpu.memref_slice %arg2[%dma_start3A_295, %dma_start3A_296] : memref<10240x128xf32, #tpu.memory_space<hbm>> -> memref<10240x128xf32, #tpu.memory_space<hbm>>
        tpu.enqueue_indirect_dma source(%dma_start3A_297 : memref<10240x128xf32, #tpu.memory_space<hbm>>) target(%dma_start3A_291 : memref<128x128xf32, #tpu.memory_space<vmem>>) offsets(%dma_start3A_294 : memref<128xi32, #tpu.memory_space<vmem>>) semaphore(%arg10 : memref<!tpu.dma_semaphore, #tpu.memory_space<semaphore_mem>>)
      } else {
      }
      %run_scoped3A_260 = arith.constant 1 : i32
      %run_scoped3A_261 = arith.constant 7 : i32
      "tpu.region"() ({
        %run_scoped3A_262 = tpu.sem_alloc : memref<!tpu.dma_semaphore, #tpu.memory_space<semaphore_mem>>
        %dma_start3A_263 = arith.constant 0 : i32
        %dma_start3A_264 = arith.constant 0 : i32
        %dma_start3A_265 = tpu.memref_slice %arg9[%run_scoped3A_260, %dma_start3A_263, %dma_start3A_264] : memref<2x128x128xf32, #tpu.memory_space<vmem>> -> memref<1x128x128xf32, #tpu.memory_space<vmem>>
        %dma_start3A_266 = tpu.memref_squeeze %dma_start3A_265 : memref<1x128x128xf32, #tpu.memory_space<vmem>> -> memref<128x128xf32, #tpu.memory_space<vmem>>
        %dma_start3A_267 = arith.constant 0 : i32
        %dma_start3A_268 = tpu.memref_slice %arg8[%rem3A_50, %run_scoped3A_261, %dma_start3A_267] : memref<2x8x128xi32, #tpu.memory_space<vmem>> -> memref<1x1x128xi32, #tpu.memory_space<vmem>>
        %dma_start3A_269 = tpu.memref_squeeze %dma_start3A_268 : memref<1x1x128xi32, #tpu.memory_space<vmem>> -> memref<128xi32, #tpu.memory_space<vmem>>
        %dma_start3A_270 = arith.constant 0 : i32
        %dma_start3A_271 = arith.constant 0 : i32
        %dma_start3A_272 = tpu.memref_slice %arg12[%dma_start3A_270, %dma_start3A_271] : memref<10240x128xf32, #tpu.memory_space<vmem_shared>> -> memref<10240x128xf32, #tpu.memory_space<vmem_shared>>
        tpu.enqueue_indirect_dma source(%dma_start3A_266 : memref<128x128xf32, #tpu.memory_space<vmem>>) target(%dma_start3A_272 : memref<10240x128xf32, #tpu.memory_space<vmem_shared>>) offsets(%dma_start3A_269 : memref<128xi32, #tpu.memory_space<vmem>>) semaphore(%run_scoped3A_262 : memref<!tpu.dma_semaphore, #tpu.memory_space<semaphore_mem>>) {add = true}
        %dma_wait3A_273 = arith.constant 0 : i32
        %dma_wait3A_274 = arith.constant 0 : i32
        %dma_wait3A_275 = tpu.memref_slice %arg9[%run_scoped3A_260, %dma_wait3A_273, %dma_wait3A_274] : memref<2x128x128xf32, #tpu.memory_space<vmem>> -> memref<1x128x128xf32, #tpu.memory_space<vmem>>
        %dma_wait3A_276 = tpu.memref_squeeze %dma_wait3A_275 : memref<1x128x128xf32, #tpu.memory_space<vmem>> -> memref<128x128xf32, #tpu.memory_space<vmem>>
        %dma_wait3A_277 = arith.constant 0 : i32
        %dma_wait3A_278 = tpu.memref_slice %arg8[%rem3A_50, %run_scoped3A_261, %dma_wait3A_277] : memref<2x8x128xi32, #tpu.memory_space<vmem>> -> memref<1x1x128xi32, #tpu.memory_space<vmem>>
        %dma_wait3A_279 = tpu.memref_squeeze %dma_wait3A_278 : memref<1x1x128xi32, #tpu.memory_space<vmem>> -> memref<128xi32, #tpu.memory_space<vmem>>
        %dma_wait3A_280 = arith.constant 0 : i32
        %dma_wait3A_281 = arith.constant 0 : i32
        %dma_wait3A_282 = tpu.memref_slice %arg12[%dma_wait3A_280, %dma_wait3A_281] : memref<10240x128xf32, #tpu.memory_space<vmem_shared>> -> memref<10240x128xf32, #tpu.memory_space<vmem_shared>>
        tpu.wait_indirect_dma semaphore(%run_scoped3A_262 : memref<!tpu.dma_semaphore, #tpu.memory_space<semaphore_mem>>) src(%dma_wait3A_276 : memref<128x128xf32, #tpu.memory_space<vmem>>) dst(%dma_wait3A_282 : memref<10240x128xf32, #tpu.memory_space<vmem_shared>>)
        tpu.yield
      }) : () -> ()
    }
    %while3A_44 = arith.constant 1 : i32
    scf.for %while3A_48 = %while3A_42 to %while3A_38 step %while3A_44  : i32 {
      %rem3A_49 = arith.constant 2 : i32
      %rem3A_50 = arith.remsi %while3A_48, %rem3A_49 : i32
      %sub3A_51 = arith.constant 1 : i32
      %sub3A_52 = arith.subi %sub3A_51, %rem3A_50 : i32
      %add3A_53 = arith.constant 1 : i32
      %add3A_54 = arith.addi %while3A_48, %add3A_53 : i32
      %mul3A_55 = arith.constant 8 : i32
      %mul3A_56 = arith.muli %add3A_54, %mul3A_55 : i32
      %add3A_57 = arith.addi %select_n3A_26, %mul3A_56 : i32
      %add3A_58 = arith.constant 1 : i32
      %add3A_59 = arith.addi %while3A_48, %add3A_58 : i32
      %lt3A = arith.cmpi slt, %add3A_59, %select_n3A_19 : i32
      %convert_element_type3A_60 = arith.extui %lt3A : i1 to i32
      %cond3A_61 = arith.constant 0 : i32
      %cond3A_62 = arith.cmpi ne, %convert_element_type3A_60, %cond3A_61 : i32
      scf.if %cond3A_62 {
        %dma_start3A_262 = arith.constant 0 : i32
        %dma_start3A_263 = arith.constant 0 : i32
        %dma_start3A_264 = tpu.memref_slice %arg7[%sub3A_52, %dma_start3A_262, %dma_start3A_263] : memref<2x8x128xi32, #tpu.memory_space<vmem>> -> memref<1x8x128xi32, #tpu.memory_space<vmem>>
        %dma_start3A_265 = tpu.memref_squeeze %dma_start3A_264 : memref<1x8x128xi32, #tpu.memory_space<vmem>> -> memref<8x128xi32, #tpu.memory_space<vmem>>
        %dma_start3A_266 = arith.constant 0 : i32
        %dma_start3A_267 = tpu.memref_slice %arg3[%add3A_57, %dma_start3A_266] : memref<2560x128xi32, #tpu.memory_space<hbm>> -> memref<8x128xi32, #tpu.memory_space<hbm>>
        %dma_start3A_268 = arith.constant 0 : i32
        %dma_start3A_269 = arith.constant 0 : i32
        %dma_start3A_270 = tpu.memref_slice %arg7[%sub3A_52, %dma_start3A_268, %dma_start3A_269] : memref<2x8x128xi32, #tpu.memory_space<vmem>> -> memref<1x8x128xi32, #tpu.memory_space<vmem>>
        %dma_start3A_271 = tpu.memref_squeeze %dma_start3A_270 : memref<1x8x128xi32, #tpu.memory_space<vmem>> -> memref<8x128xi32, #tpu.memory_space<vmem>>
        %dma_start3A_272 = arith.constant 0 : i32
        %dma_start3A_273 = tpu.memref_slice %arg3[%add3A_57, %dma_start3A_272] : memref<2560x128xi32, #tpu.memory_space<hbm>> -> memref<8x128xi32, #tpu.memory_space<hbm>>
        tpu.enqueue_dma source(%dma_start3A_273 : memref<8x128xi32, #tpu.memory_space<hbm>>) target(%dma_start3A_271 : memref<8x128xi32, #tpu.memory_space<vmem>>) target_semaphore(%arg11 : memref<!tpu.dma_semaphore, #tpu.memory_space<semaphore_mem>>)
        %dma_start3A_274 = arith.constant 0 : i32
        %dma_start3A_275 = arith.constant 0 : i32
        %dma_start3A_276 = tpu.memref_slice %arg8[%sub3A_52, %dma_start3A_274, %dma_start3A_275] : memref<2x8x128xi32, #tpu.memory_space<vmem>> -> memref<1x8x128xi32, #tpu.memory_space<vmem>>
        %dma_start3A_277 = tpu.memref_squeeze %dma_start3A_276 : memref<1x8x128xi32, #tpu.memory_space<vmem>> -> memref<8x128xi32, #tpu.memory_space<vmem>>
        %dma_start3A_278 = arith.constant 0 : i32
        %dma_start3A_279 = tpu.memref_slice %arg4[%add3A_57, %dma_start3A_278] : memref<2560x128xi32, #tpu.memory_space<hbm>> -> memref<8x128xi32, #tpu.memory_space<hbm>>
        %dma_start3A_280 = arith.constant 0 : i32
        %dma_start3A_281 = arith.constant 0 : i32
        %dma_start3A_282 = tpu.memref_slice %arg8[%sub3A_52, %dma_start3A_280, %dma_start3A_281] : memref<2x8x128xi32, #tpu.memory_space<vmem>> -> memref<1x8x128xi32, #tpu.memory_space<vmem>>
        %dma_start3A_283 = tpu.memref_squeeze %dma_start3A_282 : memref<1x8x128xi32, #tpu.memory_space<vmem>> -> memref<8x128xi32, #tpu.memory_space<vmem>>
        %dma_start3A_284 = arith.constant 0 : i32
        %dma_start3A_285 = tpu.memref_slice %arg4[%add3A_57, %dma_start3A_284] : memref<2560x128xi32, #tpu.memory_space<hbm>> -> memref<8x128xi32, #tpu.memory_space<hbm>>
        tpu.enqueue_dma source(%dma_start3A_285 : memref<8x128xi32, #tpu.memory_space<hbm>>) target(%dma_start3A_283 : memref<8x128xi32, #tpu.memory_space<vmem>>) target_semaphore(%arg11 : memref<!tpu.dma_semaphore, #tpu.memory_space<semaphore_mem>>)
      } else {
      }
      %dma_wait3A = arith.constant 0 : i32
      %dma_wait3A_63 = arith.constant 0 : i32
      %dma_wait3A_64 = arith.constant 0 : i32
      %dma_wait3A_65 = arith.constant 0 : i32
      %dma_wait3A_66 = tpu.memref_slice %arg9[%dma_wait3A_63, %dma_wait3A_64, %dma_wait3A_65] : memref<2x128x128xf32, #tpu.memory_space<vmem>> -> memref<1x128x128xf32, #tpu.memory_space<vmem>>
      %dma_wait3A_67 = tpu.memref_squeeze %dma_wait3A_66 : memref<1x128x128xf32, #tpu.memory_space<vmem>> -> memref<128x128xf32, #tpu.memory_space<vmem>>
      %dma_wait3A_68 = arith.constant 0 : i32
      %dma_wait3A_69 = tpu.memref_slice %arg7[%rem3A_50, %dma_wait3A, %dma_wait3A_68] : memref<2x8x128xi32, #tpu.memory_space<vmem>> -> memref<1x1x128xi32, #tpu.memory_space<vmem>>
      %dma_wait3A_70 = tpu.memref_squeeze %dma_wait3A_69 : memref<1x1x128xi32, #tpu.memory_space<vmem>> -> memref<128xi32, #tpu.memory_space<vmem>>
      %dma_wait3A_71 = arith.constant 0 : i32
      %dma_wait3A_72 = arith.constant 0 : i32
      %dma_wait3A_73 = tpu.memref_slice %arg2[%dma_wait3A_71, %dma_wait3A_72] : memref<10240x128xf32, #tpu.memory_space<hbm>> -> memref<10240x128xf32, #tpu.memory_space<hbm>>
      tpu.wait_indirect_dma semaphore(%arg10 : memref<!tpu.dma_semaphore, #tpu.memory_space<semaphore_mem>>) src(%dma_wait3A_73 : memref<10240x128xf32, #tpu.memory_space<hbm>>) dst(%dma_wait3A_67 : memref<128x128xf32, #tpu.memory_space<vmem>>)
      %dma_start3A = arith.constant 1 : i32
      %dma_start3A_74 = arith.constant 1 : i32
      %dma_start3A_75 = arith.constant 0 : i32
      %dma_start3A_76 = arith.constant 0 : i32
      %dma_start3A_77 = tpu.memref_slice %arg9[%dma_start3A_74, %dma_start3A_75, %dma_start3A_76] : memref<2x128x128xf32, #tpu.memory_space<vmem>> -> memref<1x128x128xf32, #tpu.memory_space<vmem>>
      %dma_start3A_78 = tpu.memref_squeeze %dma_start3A_77 : memref<1x128x128xf32, #tpu.memory_space<vmem>> -> memref<128x128xf32, #tpu.memory_space<vmem>>
      %dma_start3A_79 = arith.constant 0 : i32
      %dma_start3A_80 = tpu.memref_slice %arg7[%rem3A_50, %dma_start3A, %dma_start3A_79] : memref<2x8x128xi32, #tpu.memory_space<vmem>> -> memref<1x1x128xi32, #tpu.memory_space<vmem>>
      %dma_start3A_81 = tpu.memref_squeeze %dma_start3A_80 : memref<1x1x128xi32, #tpu.memory_space<vmem>> -> memref<128xi32, #tpu.memory_space<vmem>>
      %dma_start3A_82 = arith.constant 0 : i32
      %dma_start3A_83 = arith.constant 0 : i32
      %dma_start3A_84 = tpu.memref_slice %arg2[%dma_start3A_82, %dma_start3A_83] : memref<10240x128xf32, #tpu.memory_space<hbm>> -> memref<10240x128xf32, #tpu.memory_space<hbm>>
      tpu.enqueue_indirect_dma source(%dma_start3A_84 : memref<10240x128xf32, #tpu.memory_space<hbm>>) target(%dma_start3A_78 : memref<128x128xf32, #tpu.memory_space<vmem>>) offsets(%dma_start3A_81 : memref<128xi32, #tpu.memory_space<vmem>>) semaphore(%arg10 : memref<!tpu.dma_semaphore, #tpu.memory_space<semaphore_mem>>)
      %run_scoped3A = arith.constant 0 : i32
      %run_scoped3A_85 = arith.constant 0 : i32
      "tpu.region"() ({
        %run_scoped3A_262 = tpu.sem_alloc : memref<!tpu.dma_semaphore, #tpu.memory_space<semaphore_mem>>
        %dma_start3A_263 = arith.constant 0 : i32
        %dma_start3A_264 = arith.constant 0 : i32
        %dma_start3A_265 = tpu.memref_slice %arg9[%run_scoped3A, %dma_start3A_263, %dma_start3A_264] : memref<2x128x128xf32, #tpu.memory_space<vmem>> -> memref<1x128x128xf32, #tpu.memory_space<vmem>>
        %dma_start3A_266 = tpu.memref_squeeze %dma_start3A_265 : memref<1x128x128xf32, #tpu.memory_space<vmem>> -> memref<128x128xf32, #tpu.memory_space<vmem>>
        %dma_start3A_267 = arith.constant 0 : i32
        %dma_start3A_268 = tpu.memref_slice %arg8[%rem3A_50, %run_scoped3A_85, %dma_start3A_267] : memref<2x8x128xi32, #tpu.memory_space<vmem>> -> memref<1x1x128xi32, #tpu.memory_space<vmem>>
        %dma_start3A_269 = tpu.memref_squeeze %dma_start3A_268 : memref<1x1x128xi32, #tpu.memory_space<vmem>> -> memref<128xi32, #tpu.memory_space<vmem>>
        %dma_start3A_270 = arith.constant 0 : i32
        %dma_start3A_271 = arith.constant 0 : i32
        %dma_start3A_272 = tpu.memref_slice %arg12[%dma_start3A_270, %dma_start3A_271] : memref<10240x128xf32, #tpu.memory_space<vmem_shared>> -> memref<10240x128xf32, #tpu.memory_space<vmem_shared>>
        tpu.enqueue_indirect_dma source(%dma_start3A_266 : memref<128x128xf32, #tpu.memory_space<vmem>>) target(%dma_start3A_272 : memref<10240x128xf32, #tpu.memory_space<vmem_shared>>) offsets(%dma_start3A_269 : memref<128xi32, #tpu.memory_space<vmem>>) semaphore(%run_scoped3A_262 : memref<!tpu.dma_semaphore, #tpu.memory_space<semaphore_mem>>) {add = true}
        %dma_wait3A_273 = arith.constant 0 : i32
        %dma_wait3A_274 = arith.constant 0 : i32
        %dma_wait3A_275 = tpu.memref_slice %arg9[%run_scoped3A, %dma_wait3A_273, %dma_wait3A_274] : memref<2x128x128xf32, #tpu.memory_space<vmem>> -> memref<1x128x128xf32, #tpu.memory_space<vmem>>
        %dma_wait3A_276 = tpu.memref_squeeze %dma_wait3A_275 : memref<1x128x128xf32, #tpu.memory_space<vmem>> -> memref<128x128xf32, #tpu.memory_space<vmem>>
        %dma_wait3A_277 = arith.constant 0 : i32
        %dma_wait3A_278 = tpu.memref_slice %arg8[%rem3A_50, %run_scoped3A_85, %dma_wait3A_277] : memref<2x8x128xi32, #tpu.memory_space<vmem>> -> memref<1x1x128xi32, #tpu.memory_space<vmem>>
        %dma_wait3A_279 = tpu.memref_squeeze %dma_wait3A_278 : memref<1x1x128xi32, #tpu.memory_space<vmem>> -> memref<128xi32, #tpu.memory_space<vmem>>
        %dma_wait3A_280 = arith.constant 0 : i32
        %dma_wait3A_281 = arith.constant 0 : i32
        %dma_wait3A_282 = tpu.memref_slice %arg12[%dma_wait3A_280, %dma_wait3A_281] : memref<10240x128xf32, #tpu.memory_space<vmem_shared>> -> memref<10240x128xf32, #tpu.memory_space<vmem_shared>>
        tpu.wait_indirect_dma semaphore(%run_scoped3A_262 : memref<!tpu.dma_semaphore, #tpu.memory_space<semaphore_mem>>) src(%dma_wait3A_276 : memref<128x128xf32, #tpu.memory_space<vmem>>) dst(%dma_wait3A_282 : memref<10240x128xf32, #tpu.memory_space<vmem_shared>>)
        tpu.yield
      }) : () -> ()
      %dma_wait3A_86 = arith.constant 1 : i32
      %dma_wait3A_87 = arith.constant 1 : i32
      %dma_wait3A_88 = arith.constant 0 : i32
      %dma_wait3A_89 = arith.constant 0 : i32
      %dma_wait3A_90 = tpu.memref_slice %arg9[%dma_wait3A_87, %dma_wait3A_88, %dma_wait3A_89] : memref<2x128x128xf32, #tpu.memory_space<vmem>> -> memref<1x128x128xf32, #tpu.memory_space<vmem>>
      %dma_wait3A_91 = tpu.memref_squeeze %dma_wait3A_90 : memref<1x128x128xf32, #tpu.memory_space<vmem>> -> memref<128x128xf32, #tpu.memory_space<vmem>>
      %dma_wait3A_92 = arith.constant 0 : i32
      %dma_wait3A_93 = tpu.memref_slice %arg7[%rem3A_50, %dma_wait3A_86, %dma_wait3A_92] : memref<2x8x128xi32, #tpu.memory_space<vmem>> -> memref<1x1x128xi32, #tpu.memory_space<vmem>>
      %dma_wait3A_94 = tpu.memref_squeeze %dma_wait3A_93 : memref<1x1x128xi32, #tpu.memory_space<vmem>> -> memref<128xi32, #tpu.memory_space<vmem>>
      %dma_wait3A_95 = arith.constant 0 : i32
      %dma_wait3A_96 = arith.constant 0 : i32
      %dma_wait3A_97 = tpu.memref_slice %arg2[%dma_wait3A_95, %dma_wait3A_96] : memref<10240x128xf32, #tpu.memory_space<hbm>> -> memref<10240x128xf32, #tpu.memory_space<hbm>>
      tpu.wait_indirect_dma semaphore(%arg10 : memref<!tpu.dma_semaphore, #tpu.memory_space<semaphore_mem>>) src(%dma_wait3A_97 : memref<10240x128xf32, #tpu.memory_space<hbm>>) dst(%dma_wait3A_91 : memref<128x128xf32, #tpu.memory_space<vmem>>)
      %dma_start3A_98 = arith.constant 2 : i32
      %dma_start3A_99 = arith.constant 0 : i32
      %dma_start3A_100 = arith.constant 0 : i32
      %dma_start3A_101 = arith.constant 0 : i32
      %dma_start3A_102 = tpu.memref_slice %arg9[%dma_start3A_99, %dma_start3A_100, %dma_start3A_101] : memref<2x128x128xf32, #tpu.memory_space<vmem>> -> memref<1x128x128xf32, #tpu.memory_space<vmem>>
      %dma_start3A_103 = tpu.memref_squeeze %dma_start3A_102 : memref<1x128x128xf32, #tpu.memory_space<vmem>> -> memref<128x128xf32, #tpu.memory_space<vmem>>
      %dma_start3A_104 = arith.constant 0 : i32
      %dma_start3A_105 = tpu.memref_slice %arg7[%rem3A_50, %dma_start3A_98, %dma_start3A_104] : memref<2x8x128xi32, #tpu.memory_space<vmem>> -> memref<1x1x128xi32, #tpu.memory_space<vmem>>
      %dma_start3A_106 = tpu.memref_squeeze %dma_start3A_105 : memref<1x1x128xi32, #tpu.memory_space<vmem>> -> memref<128xi32, #tpu.memory_space<vmem>>
      %dma_start3A_107 = arith.constant 0 : i32
      %dma_start3A_108 = arith.constant 0 : i32
      %dma_start3A_109 = tpu.memref_slice %arg2[%dma_start3A_107, %dma_start3A_108] : memref<10240x128xf32, #tpu.memory_space<hbm>> -> memref<10240x128xf32, #tpu.memory_space<hbm>>
      tpu.enqueue_indirect_dma source(%dma_start3A_109 : memref<10240x128xf32, #tpu.memory_space<hbm>>) target(%dma_start3A_103 : memref<128x128xf32, #tpu.memory_space<vmem>>) offsets(%dma_start3A_106 : memref<128xi32, #tpu.memory_space<vmem>>) semaphore(%arg10 : memref<!tpu.dma_semaphore, #tpu.memory_space<semaphore_mem>>)
      %run_scoped3A_110 = arith.constant 1 : i32
      %run_scoped3A_111 = arith.constant 1 : i32
      "tpu.region"() ({
        %run_scoped3A_262 = tpu.sem_alloc : memref<!tpu.dma_semaphore, #tpu.memory_space<semaphore_mem>>
        %dma_start3A_263 = arith.constant 0 : i32
        %dma_start3A_264 = arith.constant 0 : i32
        %dma_start3A_265 = tpu.memref_slice %arg9[%run_scoped3A_110, %dma_start3A_263, %dma_start3A_264] : memref<2x128x128xf32, #tpu.memory_space<vmem>> -> memref<1x128x128xf32, #tpu.memory_space<vmem>>
        %dma_start3A_266 = tpu.memref_squeeze %dma_start3A_265 : memref<1x128x128xf32, #tpu.memory_space<vmem>> -> memref<128x128xf32, #tpu.memory_space<vmem>>
        %dma_start3A_267 = arith.constant 0 : i32
        %dma_start3A_268 = tpu.memref_slice %arg8[%rem3A_50, %run_scoped3A_111, %dma_start3A_267] : memref<2x8x128xi32, #tpu.memory_space<vmem>> -> memref<1x1x128xi32, #tpu.memory_space<vmem>>
        %dma_start3A_269 = tpu.memref_squeeze %dma_start3A_268 : memref<1x1x128xi32, #tpu.memory_space<vmem>> -> memref<128xi32, #tpu.memory_space<vmem>>
        %dma_start3A_270 = arith.constant 0 : i32
        %dma_start3A_271 = arith.constant 0 : i32
        %dma_start3A_272 = tpu.memref_slice %arg12[%dma_start3A_270, %dma_start3A_271] : memref<10240x128xf32, #tpu.memory_space<vmem_shared>> -> memref<10240x128xf32, #tpu.memory_space<vmem_shared>>
        tpu.enqueue_indirect_dma source(%dma_start3A_266 : memref<128x128xf32, #tpu.memory_space<vmem>>) target(%dma_start3A_272 : memref<10240x128xf32, #tpu.memory_space<vmem_shared>>) offsets(%dma_start3A_269 : memref<128xi32, #tpu.memory_space<vmem>>) semaphore(%run_scoped3A_262 : memref<!tpu.dma_semaphore, #tpu.memory_space<semaphore_mem>>) {add = true}
        %dma_wait3A_273 = arith.constant 0 : i32
        %dma_wait3A_274 = arith.constant 0 : i32
        %dma_wait3A_275 = tpu.memref_slice %arg9[%run_scoped3A_110, %dma_wait3A_273, %dma_wait3A_274] : memref<2x128x128xf32, #tpu.memory_space<vmem>> -> memref<1x128x128xf32, #tpu.memory_space<vmem>>
        %dma_wait3A_276 = tpu.memref_squeeze %dma_wait3A_275 : memref<1x128x128xf32, #tpu.memory_space<vmem>> -> memref<128x128xf32, #tpu.memory_space<vmem>>
        %dma_wait3A_277 = arith.constant 0 : i32
        %dma_wait3A_278 = tpu.memref_slice %arg8[%rem3A_50, %run_scoped3A_111, %dma_wait3A_277] : memref<2x8x128xi32, #tpu.memory_space<vmem>> -> memref<1x1x128xi32, #tpu.memory_space<vmem>>
        %dma_wait3A_279 = tpu.memref_squeeze %dma_wait3A_278 : memref<1x1x128xi32, #tpu.memory_space<vmem>> -> memref<128xi32, #tpu.memory_space<vmem>>
        %dma_wait3A_280 = arith.constant 0 : i32
        %dma_wait3A_281 = arith.constant 0 : i32
        %dma_wait3A_282 = tpu.memref_slice %arg12[%dma_wait3A_280, %dma_wait3A_281] : memref<10240x128xf32, #tpu.memory_space<vmem_shared>> -> memref<10240x128xf32, #tpu.memory_space<vmem_shared>>
        tpu.wait_indirect_dma semaphore(%run_scoped3A_262 : memref<!tpu.dma_semaphore, #tpu.memory_space<semaphore_mem>>) src(%dma_wait3A_276 : memref<128x128xf32, #tpu.memory_space<vmem>>) dst(%dma_wait3A_282 : memref<10240x128xf32, #tpu.memory_space<vmem_shared>>)
        tpu.yield
      }) : () -> ()
      %dma_wait3A_112 = arith.constant 2 : i32
      %dma_wait3A_113 = arith.constant 0 : i32
      %dma_wait3A_114 = arith.constant 0 : i32
      %dma_wait3A_115 = arith.constant 0 : i32
      %dma_wait3A_116 = tpu.memref_slice %arg9[%dma_wait3A_113, %dma_wait3A_114, %dma_wait3A_115] : memref<2x128x128xf32, #tpu.memory_space<vmem>> -> memref<1x128x128xf32, #tpu.memory_space<vmem>>
      %dma_wait3A_117 = tpu.memref_squeeze %dma_wait3A_116 : memref<1x128x128xf32, #tpu.memory_space<vmem>> -> memref<128x128xf32, #tpu.memory_space<vmem>>
      %dma_wait3A_118 = arith.constant 0 : i32
      %dma_wait3A_119 = tpu.memref_slice %arg7[%rem3A_50, %dma_wait3A_112, %dma_wait3A_118] : memref<2x8x128xi32, #tpu.memory_space<vmem>> -> memref<1x1x128xi32, #tpu.memory_space<vmem>>
      %dma_wait3A_120 = tpu.memref_squeeze %dma_wait3A_119 : memref<1x1x128xi32, #tpu.memory_space<vmem>> -> memref<128xi32, #tpu.memory_space<vmem>>
      %dma_wait3A_121 = arith.constant 0 : i32
      %dma_wait3A_122 = arith.constant 0 : i32
      %dma_wait3A_123 = tpu.memref_slice %arg2[%dma_wait3A_121, %dma_wait3A_122] : memref<10240x128xf32, #tpu.memory_space<hbm>> -> memref<10240x128xf32, #tpu.memory_space<hbm>>
      tpu.wait_indirect_dma semaphore(%arg10 : memref<!tpu.dma_semaphore, #tpu.memory_space<semaphore_mem>>) src(%dma_wait3A_123 : memref<10240x128xf32, #tpu.memory_space<hbm>>) dst(%dma_wait3A_117 : memref<128x128xf32, #tpu.memory_space<vmem>>)
      %dma_start3A_124 = arith.constant 3 : i32
      %dma_start3A_125 = arith.constant 1 : i32
      %dma_start3A_126 = arith.constant 0 : i32
      %dma_start3A_127 = arith.constant 0 : i32
      %dma_start3A_128 = tpu.memref_slice %arg9[%dma_start3A_125, %dma_start3A_126, %dma_start3A_127] : memref<2x128x128xf32, #tpu.memory_space<vmem>> -> memref<1x128x128xf32, #tpu.memory_space<vmem>>
      %dma_start3A_129 = tpu.memref_squeeze %dma_start3A_128 : memref<1x128x128xf32, #tpu.memory_space<vmem>> -> memref<128x128xf32, #tpu.memory_space<vmem>>
      %dma_start3A_130 = arith.constant 0 : i32
      %dma_start3A_131 = tpu.memref_slice %arg7[%rem3A_50, %dma_start3A_124, %dma_start3A_130] : memref<2x8x128xi32, #tpu.memory_space<vmem>> -> memref<1x1x128xi32, #tpu.memory_space<vmem>>
      %dma_start3A_132 = tpu.memref_squeeze %dma_start3A_131 : memref<1x1x128xi32, #tpu.memory_space<vmem>> -> memref<128xi32, #tpu.memory_space<vmem>>
      %dma_start3A_133 = arith.constant 0 : i32
      %dma_start3A_134 = arith.constant 0 : i32
      %dma_start3A_135 = tpu.memref_slice %arg2[%dma_start3A_133, %dma_start3A_134] : memref<10240x128xf32, #tpu.memory_space<hbm>> -> memref<10240x128xf32, #tpu.memory_space<hbm>>
      tpu.enqueue_indirect_dma source(%dma_start3A_135 : memref<10240x128xf32, #tpu.memory_space<hbm>>) target(%dma_start3A_129 : memref<128x128xf32, #tpu.memory_space<vmem>>) offsets(%dma_start3A_132 : memref<128xi32, #tpu.memory_space<vmem>>) semaphore(%arg10 : memref<!tpu.dma_semaphore, #tpu.memory_space<semaphore_mem>>)
      %run_scoped3A_136 = arith.constant 0 : i32
      %run_scoped3A_137 = arith.constant 2 : i32
      "tpu.region"() ({
        %run_scoped3A_262 = tpu.sem_alloc : memref<!tpu.dma_semaphore, #tpu.memory_space<semaphore_mem>>
        %dma_start3A_263 = arith.constant 0 : i32
        %dma_start3A_264 = arith.constant 0 : i32
        %dma_start3A_265 = tpu.memref_slice %arg9[%run_scoped3A_136, %dma_start3A_263, %dma_start3A_264] : memref<2x128x128xf32, #tpu.memory_space<vmem>> -> memref<1x128x128xf32, #tpu.memory_space<vmem>>
        %dma_start3A_266 = tpu.memref_squeeze %dma_start3A_265 : memref<1x128x128xf32, #tpu.memory_space<vmem>> -> memref<128x128xf32, #tpu.memory_space<vmem>>
        %dma_start3A_267 = arith.constant 0 : i32
        %dma_start3A_268 = tpu.memref_slice %arg8[%rem3A_50, %run_scoped3A_137, %dma_start3A_267] : memref<2x8x128xi32, #tpu.memory_space<vmem>> -> memref<1x1x128xi32, #tpu.memory_space<vmem>>
        %dma_start3A_269 = tpu.memref_squeeze %dma_start3A_268 : memref<1x1x128xi32, #tpu.memory_space<vmem>> -> memref<128xi32, #tpu.memory_space<vmem>>
        %dma_start3A_270 = arith.constant 0 : i32
        %dma_start3A_271 = arith.constant 0 : i32
        %dma_start3A_272 = tpu.memref_slice %arg12[%dma_start3A_270, %dma_start3A_271] : memref<10240x128xf32, #tpu.memory_space<vmem_shared>> -> memref<10240x128xf32, #tpu.memory_space<vmem_shared>>
        tpu.enqueue_indirect_dma source(%dma_start3A_266 : memref<128x128xf32, #tpu.memory_space<vmem>>) target(%dma_start3A_272 : memref<10240x128xf32, #tpu.memory_space<vmem_shared>>) offsets(%dma_start3A_269 : memref<128xi32, #tpu.memory_space<vmem>>) semaphore(%run_scoped3A_262 : memref<!tpu.dma_semaphore, #tpu.memory_space<semaphore_mem>>) {add = true}
        %dma_wait3A_273 = arith.constant 0 : i32
        %dma_wait3A_274 = arith.constant 0 : i32
        %dma_wait3A_275 = tpu.memref_slice %arg9[%run_scoped3A_136, %dma_wait3A_273, %dma_wait3A_274] : memref<2x128x128xf32, #tpu.memory_space<vmem>> -> memref<1x128x128xf32, #tpu.memory_space<vmem>>
        %dma_wait3A_276 = tpu.memref_squeeze %dma_wait3A_275 : memref<1x128x128xf32, #tpu.memory_space<vmem>> -> memref<128x128xf32, #tpu.memory_space<vmem>>
        %dma_wait3A_277 = arith.constant 0 : i32
        %dma_wait3A_278 = tpu.memref_slice %arg8[%rem3A_50, %run_scoped3A_137, %dma_wait3A_277] : memref<2x8x128xi32, #tpu.memory_space<vmem>> -> memref<1x1x128xi32, #tpu.memory_space<vmem>>
        %dma_wait3A_279 = tpu.memref_squeeze %dma_wait3A_278 : memref<1x1x128xi32, #tpu.memory_space<vmem>> -> memref<128xi32, #tpu.memory_space<vmem>>
        %dma_wait3A_280 = arith.constant 0 : i32
        %dma_wait3A_281 = arith.constant 0 : i32
        %dma_wait3A_282 = tpu.memref_slice %arg12[%dma_wait3A_280, %dma_wait3A_281] : memref<10240x128xf32, #tpu.memory_space<vmem_shared>> -> memref<10240x128xf32, #tpu.memory_space<vmem_shared>>
        tpu.wait_indirect_dma semaphore(%run_scoped3A_262 : memref<!tpu.dma_semaphore, #tpu.memory_space<semaphore_mem>>) src(%dma_wait3A_276 : memref<128x128xf32, #tpu.memory_space<vmem>>) dst(%dma_wait3A_282 : memref<10240x128xf32, #tpu.memory_space<vmem_shared>>)
        tpu.yield
      }) : () -> ()
      %dma_wait3A_138 = arith.constant 3 : i32
      %dma_wait3A_139 = arith.constant 1 : i32
      %dma_wait3A_140 = arith.constant 0 : i32
      %dma_wait3A_141 = arith.constant 0 : i32
      %dma_wait3A_142 = tpu.memref_slice %arg9[%dma_wait3A_139, %dma_wait3A_140, %dma_wait3A_141] : memref<2x128x128xf32, #tpu.memory_space<vmem>> -> memref<1x128x128xf32, #tpu.memory_space<vmem>>
      %dma_wait3A_143 = tpu.memref_squeeze %dma_wait3A_142 : memref<1x128x128xf32, #tpu.memory_space<vmem>> -> memref<128x128xf32, #tpu.memory_space<vmem>>
      %dma_wait3A_144 = arith.constant 0 : i32
      %dma_wait3A_145 = tpu.memref_slice %arg7[%rem3A_50, %dma_wait3A_138, %dma_wait3A_144] : memref<2x8x128xi32, #tpu.memory_space<vmem>> -> memref<1x1x128xi32, #tpu.memory_space<vmem>>
      %dma_wait3A_146 = tpu.memref_squeeze %dma_wait3A_145 : memref<1x1x128xi32, #tpu.memory_space<vmem>> -> memref<128xi32, #tpu.memory_space<vmem>>
      %dma_wait3A_147 = arith.constant 0 : i32
      %dma_wait3A_148 = arith.constant 0 : i32
      %dma_wait3A_149 = tpu.memref_slice %arg2[%dma_wait3A_147, %dma_wait3A_148] : memref<10240x128xf32, #tpu.memory_space<hbm>> -> memref<10240x128xf32, #tpu.memory_space<hbm>>
      tpu.wait_indirect_dma semaphore(%arg10 : memref<!tpu.dma_semaphore, #tpu.memory_space<semaphore_mem>>) src(%dma_wait3A_149 : memref<10240x128xf32, #tpu.memory_space<hbm>>) dst(%dma_wait3A_143 : memref<128x128xf32, #tpu.memory_space<vmem>>)
      %dma_start3A_150 = arith.constant 4 : i32
      %dma_start3A_151 = arith.constant 0 : i32
      %dma_start3A_152 = arith.constant 0 : i32
      %dma_start3A_153 = arith.constant 0 : i32
      %dma_start3A_154 = tpu.memref_slice %arg9[%dma_start3A_151, %dma_start3A_152, %dma_start3A_153] : memref<2x128x128xf32, #tpu.memory_space<vmem>> -> memref<1x128x128xf32, #tpu.memory_space<vmem>>
      %dma_start3A_155 = tpu.memref_squeeze %dma_start3A_154 : memref<1x128x128xf32, #tpu.memory_space<vmem>> -> memref<128x128xf32, #tpu.memory_space<vmem>>
      %dma_start3A_156 = arith.constant 0 : i32
      %dma_start3A_157 = tpu.memref_slice %arg7[%rem3A_50, %dma_start3A_150, %dma_start3A_156] : memref<2x8x128xi32, #tpu.memory_space<vmem>> -> memref<1x1x128xi32, #tpu.memory_space<vmem>>
      %dma_start3A_158 = tpu.memref_squeeze %dma_start3A_157 : memref<1x1x128xi32, #tpu.memory_space<vmem>> -> memref<128xi32, #tpu.memory_space<vmem>>
      %dma_start3A_159 = arith.constant 0 : i32
      %dma_start3A_160 = arith.constant 0 : i32
      %dma_start3A_161 = tpu.memref_slice %arg2[%dma_start3A_159, %dma_start3A_160] : memref<10240x128xf32, #tpu.memory_space<hbm>> -> memref<10240x128xf32, #tpu.memory_space<hbm>>
      tpu.enqueue_indirect_dma source(%dma_start3A_161 : memref<10240x128xf32, #tpu.memory_space<hbm>>) target(%dma_start3A_155 : memref<128x128xf32, #tpu.memory_space<vmem>>) offsets(%dma_start3A_158 : memref<128xi32, #tpu.memory_space<vmem>>) semaphore(%arg10 : memref<!tpu.dma_semaphore, #tpu.memory_space<semaphore_mem>>)
      %run_scoped3A_162 = arith.constant 1 : i32
      %run_scoped3A_163 = arith.constant 3 : i32
      "tpu.region"() ({
        %run_scoped3A_262 = tpu.sem_alloc : memref<!tpu.dma_semaphore, #tpu.memory_space<semaphore_mem>>
        %dma_start3A_263 = arith.constant 0 : i32
        %dma_start3A_264 = arith.constant 0 : i32
        %dma_start3A_265 = tpu.memref_slice %arg9[%run_scoped3A_162, %dma_start3A_263, %dma_start3A_264] : memref<2x128x128xf32, #tpu.memory_space<vmem>> -> memref<1x128x128xf32, #tpu.memory_space<vmem>>
        %dma_start3A_266 = tpu.memref_squeeze %dma_start3A_265 : memref<1x128x128xf32, #tpu.memory_space<vmem>> -> memref<128x128xf32, #tpu.memory_space<vmem>>
        %dma_start3A_267 = arith.constant 0 : i32
        %dma_start3A_268 = tpu.memref_slice %arg8[%rem3A_50, %run_scoped3A_163, %dma_start3A_267] : memref<2x8x128xi32, #tpu.memory_space<vmem>> -> memref<1x1x128xi32, #tpu.memory_space<vmem>>
        %dma_start3A_269 = tpu.memref_squeeze %dma_start3A_268 : memref<1x1x128xi32, #tpu.memory_space<vmem>> -> memref<128xi32, #tpu.memory_space<vmem>>
        %dma_start3A_270 = arith.constant 0 : i32
        %dma_start3A_271 = arith.constant 0 : i32
        %dma_start3A_272 = tpu.memref_slice %arg12[%dma_start3A_270, %dma_start3A_271] : memref<10240x128xf32, #tpu.memory_space<vmem_shared>> -> memref<10240x128xf32, #tpu.memory_space<vmem_shared>>
        tpu.enqueue_indirect_dma source(%dma_start3A_266 : memref<128x128xf32, #tpu.memory_space<vmem>>) target(%dma_start3A_272 : memref<10240x128xf32, #tpu.memory_space<vmem_shared>>) offsets(%dma_start3A_269 : memref<128xi32, #tpu.memory_space<vmem>>) semaphore(%run_scoped3A_262 : memref<!tpu.dma_semaphore, #tpu.memory_space<semaphore_mem>>) {add = true}
        %dma_wait3A_273 = arith.constant 0 : i32
        %dma_wait3A_274 = arith.constant 0 : i32
        %dma_wait3A_275 = tpu.memref_slice %arg9[%run_scoped3A_162, %dma_wait3A_273, %dma_wait3A_274] : memref<2x128x128xf32, #tpu.memory_space<vmem>> -> memref<1x128x128xf32, #tpu.memory_space<vmem>>
        %dma_wait3A_276 = tpu.memref_squeeze %dma_wait3A_275 : memref<1x128x128xf32, #tpu.memory_space<vmem>> -> memref<128x128xf32, #tpu.memory_space<vmem>>
        %dma_wait3A_277 = arith.constant 0 : i32
        %dma_wait3A_278 = tpu.memref_slice %arg8[%rem3A_50, %run_scoped3A_163, %dma_wait3A_277] : memref<2x8x128xi32, #tpu.memory_space<vmem>> -> memref<1x1x128xi32, #tpu.memory_space<vmem>>
        %dma_wait3A_279 = tpu.memref_squeeze %dma_wait3A_278 : memref<1x1x128xi32, #tpu.memory_space<vmem>> -> memref<128xi32, #tpu.memory_space<vmem>>
        %dma_wait3A_280 = arith.constant 0 : i32
        %dma_wait3A_281 = arith.constant 0 : i32
        %dma_wait3A_282 = tpu.memref_slice %arg12[%dma_wait3A_280, %dma_wait3A_281] : memref<10240x128xf32, #tpu.memory_space<vmem_shared>> -> memref<10240x128xf32, #tpu.memory_space<vmem_shared>>
        tpu.wait_indirect_dma semaphore(%run_scoped3A_262 : memref<!tpu.dma_semaphore, #tpu.memory_space<semaphore_mem>>) src(%dma_wait3A_276 : memref<128x128xf32, #tpu.memory_space<vmem>>) dst(%dma_wait3A_282 : memref<10240x128xf32, #tpu.memory_space<vmem_shared>>)
        tpu.yield
      }) : () -> ()
      %dma_wait3A_164 = arith.constant 4 : i32
      %dma_wait3A_165 = arith.constant 0 : i32
      %dma_wait3A_166 = arith.constant 0 : i32
      %dma_wait3A_167 = arith.constant 0 : i32
      %dma_wait3A_168 = tpu.memref_slice %arg9[%dma_wait3A_165, %dma_wait3A_166, %dma_wait3A_167] : memref<2x128x128xf32, #tpu.memory_space<vmem>> -> memref<1x128x128xf32, #tpu.memory_space<vmem>>
      %dma_wait3A_169 = tpu.memref_squeeze %dma_wait3A_168 : memref<1x128x128xf32, #tpu.memory_space<vmem>> -> memref<128x128xf32, #tpu.memory_space<vmem>>
      %dma_wait3A_170 = arith.constant 0 : i32
      %dma_wait3A_171 = tpu.memref_slice %arg7[%rem3A_50, %dma_wait3A_164, %dma_wait3A_170] : memref<2x8x128xi32, #tpu.memory_space<vmem>> -> memref<1x1x128xi32, #tpu.memory_space<vmem>>
      %dma_wait3A_172 = tpu.memref_squeeze %dma_wait3A_171 : memref<1x1x128xi32, #tpu.memory_space<vmem>> -> memref<128xi32, #tpu.memory_space<vmem>>
      %dma_wait3A_173 = arith.constant 0 : i32
      %dma_wait3A_174 = arith.constant 0 : i32
      %dma_wait3A_175 = tpu.memref_slice %arg2[%dma_wait3A_173, %dma_wait3A_174] : memref<10240x128xf32, #tpu.memory_space<hbm>> -> memref<10240x128xf32, #tpu.memory_space<hbm>>
      tpu.wait_indirect_dma semaphore(%arg10 : memref<!tpu.dma_semaphore, #tpu.memory_space<semaphore_mem>>) src(%dma_wait3A_175 : memref<10240x128xf32, #tpu.memory_space<hbm>>) dst(%dma_wait3A_169 : memref<128x128xf32, #tpu.memory_space<vmem>>)
      %dma_start3A_176 = arith.constant 5 : i32
      %dma_start3A_177 = arith.constant 1 : i32
      %dma_start3A_178 = arith.constant 0 : i32
      %dma_start3A_179 = arith.constant 0 : i32
      %dma_start3A_180 = tpu.memref_slice %arg9[%dma_start3A_177, %dma_start3A_178, %dma_start3A_179] : memref<2x128x128xf32, #tpu.memory_space<vmem>> -> memref<1x128x128xf32, #tpu.memory_space<vmem>>
      %dma_start3A_181 = tpu.memref_squeeze %dma_start3A_180 : memref<1x128x128xf32, #tpu.memory_space<vmem>> -> memref<128x128xf32, #tpu.memory_space<vmem>>
      %dma_start3A_182 = arith.constant 0 : i32
      %dma_start3A_183 = tpu.memref_slice %arg7[%rem3A_50, %dma_start3A_176, %dma_start3A_182] : memref<2x8x128xi32, #tpu.memory_space<vmem>> -> memref<1x1x128xi32, #tpu.memory_space<vmem>>
      %dma_start3A_184 = tpu.memref_squeeze %dma_start3A_183 : memref<1x1x128xi32, #tpu.memory_space<vmem>> -> memref<128xi32, #tpu.memory_space<vmem>>
      %dma_start3A_185 = arith.constant 0 : i32
      %dma_start3A_186 = arith.constant 0 : i32
      %dma_start3A_187 = tpu.memref_slice %arg2[%dma_start3A_185, %dma_start3A_186] : memref<10240x128xf32, #tpu.memory_space<hbm>> -> memref<10240x128xf32, #tpu.memory_space<hbm>>
      tpu.enqueue_indirect_dma source(%dma_start3A_187 : memref<10240x128xf32, #tpu.memory_space<hbm>>) target(%dma_start3A_181 : memref<128x128xf32, #tpu.memory_space<vmem>>) offsets(%dma_start3A_184 : memref<128xi32, #tpu.memory_space<vmem>>) semaphore(%arg10 : memref<!tpu.dma_semaphore, #tpu.memory_space<semaphore_mem>>)
      %run_scoped3A_188 = arith.constant 0 : i32
      %run_scoped3A_189 = arith.constant 4 : i32
      "tpu.region"() ({
        %run_scoped3A_262 = tpu.sem_alloc : memref<!tpu.dma_semaphore, #tpu.memory_space<semaphore_mem>>
        %dma_start3A_263 = arith.constant 0 : i32
        %dma_start3A_264 = arith.constant 0 : i32
        %dma_start3A_265 = tpu.memref_slice %arg9[%run_scoped3A_188, %dma_start3A_263, %dma_start3A_264] : memref<2x128x128xf32, #tpu.memory_space<vmem>> -> memref<1x128x128xf32, #tpu.memory_space<vmem>>
        %dma_start3A_266 = tpu.memref_squeeze %dma_start3A_265 : memref<1x128x128xf32, #tpu.memory_space<vmem>> -> memref<128x128xf32, #tpu.memory_space<vmem>>
        %dma_start3A_267 = arith.constant 0 : i32
        %dma_start3A_268 = tpu.memref_slice %arg8[%rem3A_50, %run_scoped3A_189, %dma_start3A_267] : memref<2x8x128xi32, #tpu.memory_space<vmem>> -> memref<1x1x128xi32, #tpu.memory_space<vmem>>
        %dma_start3A_269 = tpu.memref_squeeze %dma_start3A_268 : memref<1x1x128xi32, #tpu.memory_space<vmem>> -> memref<128xi32, #tpu.memory_space<vmem>>
        %dma_start3A_270 = arith.constant 0 : i32
        %dma_start3A_271 = arith.constant 0 : i32
        %dma_start3A_272 = tpu.memref_slice %arg12[%dma_start3A_270, %dma_start3A_271] : memref<10240x128xf32, #tpu.memory_space<vmem_shared>> -> memref<10240x128xf32, #tpu.memory_space<vmem_shared>>
        tpu.enqueue_indirect_dma source(%dma_start3A_266 : memref<128x128xf32, #tpu.memory_space<vmem>>) target(%dma_start3A_272 : memref<10240x128xf32, #tpu.memory_space<vmem_shared>>) offsets(%dma_start3A_269 : memref<128xi32, #tpu.memory_space<vmem>>) semaphore(%run_scoped3A_262 : memref<!tpu.dma_semaphore, #tpu.memory_space<semaphore_mem>>) {add = true}
        %dma_wait3A_273 = arith.constant 0 : i32
        %dma_wait3A_274 = arith.constant 0 : i32
        %dma_wait3A_275 = tpu.memref_slice %arg9[%run_scoped3A_188, %dma_wait3A_273, %dma_wait3A_274] : memref<2x128x128xf32, #tpu.memory_space<vmem>> -> memref<1x128x128xf32, #tpu.memory_space<vmem>>
        %dma_wait3A_276 = tpu.memref_squeeze %dma_wait3A_275 : memref<1x128x128xf32, #tpu.memory_space<vmem>> -> memref<128x128xf32, #tpu.memory_space<vmem>>
        %dma_wait3A_277 = arith.constant 0 : i32
        %dma_wait3A_278 = tpu.memref_slice %arg8[%rem3A_50, %run_scoped3A_189, %dma_wait3A_277] : memref<2x8x128xi32, #tpu.memory_space<vmem>> -> memref<1x1x128xi32, #tpu.memory_space<vmem>>
        %dma_wait3A_279 = tpu.memref_squeeze %dma_wait3A_278 : memref<1x1x128xi32, #tpu.memory_space<vmem>> -> memref<128xi32, #tpu.memory_space<vmem>>
        %dma_wait3A_280 = arith.constant 0 : i32
        %dma_wait3A_281 = arith.constant 0 : i32
        %dma_wait3A_282 = tpu.memref_slice %arg12[%dma_wait3A_280, %dma_wait3A_281] : memref<10240x128xf32, #tpu.memory_space<vmem_shared>> -> memref<10240x128xf32, #tpu.memory_space<vmem_shared>>
        tpu.wait_indirect_dma semaphore(%run_scoped3A_262 : memref<!tpu.dma_semaphore, #tpu.memory_space<semaphore_mem>>) src(%dma_wait3A_276 : memref<128x128xf32, #tpu.memory_space<vmem>>) dst(%dma_wait3A_282 : memref<10240x128xf32, #tpu.memory_space<vmem_shared>>)
        tpu.yield
      }) : () -> ()
      %dma_wait3A_190 = arith.constant 5 : i32
      %dma_wait3A_191 = arith.constant 1 : i32
      %dma_wait3A_192 = arith.constant 0 : i32
      %dma_wait3A_193 = arith.constant 0 : i32
      %dma_wait3A_194 = tpu.memref_slice %arg9[%dma_wait3A_191, %dma_wait3A_192, %dma_wait3A_193] : memref<2x128x128xf32, #tpu.memory_space<vmem>> -> memref<1x128x128xf32, #tpu.memory_space<vmem>>
      %dma_wait3A_195 = tpu.memref_squeeze %dma_wait3A_194 : memref<1x128x128xf32, #tpu.memory_space<vmem>> -> memref<128x128xf32, #tpu.memory_space<vmem>>
      %dma_wait3A_196 = arith.constant 0 : i32
      %dma_wait3A_197 = tpu.memref_slice %arg7[%rem3A_50, %dma_wait3A_190, %dma_wait3A_196] : memref<2x8x128xi32, #tpu.memory_space<vmem>> -> memref<1x1x128xi32, #tpu.memory_space<vmem>>
      %dma_wait3A_198 = tpu.memref_squeeze %dma_wait3A_197 : memref<1x1x128xi32, #tpu.memory_space<vmem>> -> memref<128xi32, #tpu.memory_space<vmem>>
      %dma_wait3A_199 = arith.constant 0 : i32
      %dma_wait3A_200 = arith.constant 0 : i32
      %dma_wait3A_201 = tpu.memref_slice %arg2[%dma_wait3A_199, %dma_wait3A_200] : memref<10240x128xf32, #tpu.memory_space<hbm>> -> memref<10240x128xf32, #tpu.memory_space<hbm>>
      tpu.wait_indirect_dma semaphore(%arg10 : memref<!tpu.dma_semaphore, #tpu.memory_space<semaphore_mem>>) src(%dma_wait3A_201 : memref<10240x128xf32, #tpu.memory_space<hbm>>) dst(%dma_wait3A_195 : memref<128x128xf32, #tpu.memory_space<vmem>>)
      %dma_start3A_202 = arith.constant 6 : i32
      %dma_start3A_203 = arith.constant 0 : i32
      %dma_start3A_204 = arith.constant 0 : i32
      %dma_start3A_205 = arith.constant 0 : i32
      %dma_start3A_206 = tpu.memref_slice %arg9[%dma_start3A_203, %dma_start3A_204, %dma_start3A_205] : memref<2x128x128xf32, #tpu.memory_space<vmem>> -> memref<1x128x128xf32, #tpu.memory_space<vmem>>
      %dma_start3A_207 = tpu.memref_squeeze %dma_start3A_206 : memref<1x128x128xf32, #tpu.memory_space<vmem>> -> memref<128x128xf32, #tpu.memory_space<vmem>>
      %dma_start3A_208 = arith.constant 0 : i32
      %dma_start3A_209 = tpu.memref_slice %arg7[%rem3A_50, %dma_start3A_202, %dma_start3A_208] : memref<2x8x128xi32, #tpu.memory_space<vmem>> -> memref<1x1x128xi32, #tpu.memory_space<vmem>>
      %dma_start3A_210 = tpu.memref_squeeze %dma_start3A_209 : memref<1x1x128xi32, #tpu.memory_space<vmem>> -> memref<128xi32, #tpu.memory_space<vmem>>
      %dma_start3A_211 = arith.constant 0 : i32
      %dma_start3A_212 = arith.constant 0 : i32
      %dma_start3A_213 = tpu.memref_slice %arg2[%dma_start3A_211, %dma_start3A_212] : memref<10240x128xf32, #tpu.memory_space<hbm>> -> memref<10240x128xf32, #tpu.memory_space<hbm>>
      tpu.enqueue_indirect_dma source(%dma_start3A_213 : memref<10240x128xf32, #tpu.memory_space<hbm>>) target(%dma_start3A_207 : memref<128x128xf32, #tpu.memory_space<vmem>>) offsets(%dma_start3A_210 : memref<128xi32, #tpu.memory_space<vmem>>) semaphore(%arg10 : memref<!tpu.dma_semaphore, #tpu.memory_space<semaphore_mem>>)
      %run_scoped3A_214 = arith.constant 1 : i32
      %run_scoped3A_215 = arith.constant 5 : i32
      "tpu.region"() ({
        %run_scoped3A_262 = tpu.sem_alloc : memref<!tpu.dma_semaphore, #tpu.memory_space<semaphore_mem>>
        %dma_start3A_263 = arith.constant 0 : i32
        %dma_start3A_264 = arith.constant 0 : i32
        %dma_start3A_265 = tpu.memref_slice %arg9[%run_scoped3A_214, %dma_start3A_263, %dma_start3A_264] : memref<2x128x128xf32, #tpu.memory_space<vmem>> -> memref<1x128x128xf32, #tpu.memory_space<vmem>>
        %dma_start3A_266 = tpu.memref_squeeze %dma_start3A_265 : memref<1x128x128xf32, #tpu.memory_space<vmem>> -> memref<128x128xf32, #tpu.memory_space<vmem>>
        %dma_start3A_267 = arith.constant 0 : i32
        %dma_start3A_268 = tpu.memref_slice %arg8[%rem3A_50, %run_scoped3A_215, %dma_start3A_267] : memref<2x8x128xi32, #tpu.memory_space<vmem>> -> memref<1x1x128xi32, #tpu.memory_space<vmem>>
        %dma_start3A_269 = tpu.memref_squeeze %dma_start3A_268 : memref<1x1x128xi32, #tpu.memory_space<vmem>> -> memref<128xi32, #tpu.memory_space<vmem>>
        %dma_start3A_270 = arith.constant 0 : i32
        %dma_start3A_271 = arith.constant 0 : i32
        %dma_start3A_272 = tpu.memref_slice %arg12[%dma_start3A_270, %dma_start3A_271] : memref<10240x128xf32, #tpu.memory_space<vmem_shared>> -> memref<10240x128xf32, #tpu.memory_space<vmem_shared>>
        tpu.enqueue_indirect_dma source(%dma_start3A_266 : memref<128x128xf32, #tpu.memory_space<vmem>>) target(%dma_start3A_272 : memref<10240x128xf32, #tpu.memory_space<vmem_shared>>) offsets(%dma_start3A_269 : memref<128xi32, #tpu.memory_space<vmem>>) semaphore(%run_scoped3A_262 : memref<!tpu.dma_semaphore, #tpu.memory_space<semaphore_mem>>) {add = true}
        %dma_wait3A_273 = arith.constant 0 : i32
        %dma_wait3A_274 = arith.constant 0 : i32
        %dma_wait3A_275 = tpu.memref_slice %arg9[%run_scoped3A_214, %dma_wait3A_273, %dma_wait3A_274] : memref<2x128x128xf32, #tpu.memory_space<vmem>> -> memref<1x128x128xf32, #tpu.memory_space<vmem>>
        %dma_wait3A_276 = tpu.memref_squeeze %dma_wait3A_275 : memref<1x128x128xf32, #tpu.memory_space<vmem>> -> memref<128x128xf32, #tpu.memory_space<vmem>>
        %dma_wait3A_277 = arith.constant 0 : i32
        %dma_wait3A_278 = tpu.memref_slice %arg8[%rem3A_50, %run_scoped3A_215, %dma_wait3A_277] : memref<2x8x128xi32, #tpu.memory_space<vmem>> -> memref<1x1x128xi32, #tpu.memory_space<vmem>>
        %dma_wait3A_279 = tpu.memref_squeeze %dma_wait3A_278 : memref<1x1x128xi32, #tpu.memory_space<vmem>> -> memref<128xi32, #tpu.memory_space<vmem>>
        %dma_wait3A_280 = arith.constant 0 : i32
        %dma_wait3A_281 = arith.constant 0 : i32
        %dma_wait3A_282 = tpu.memref_slice %arg12[%dma_wait3A_280, %dma_wait3A_281] : memref<10240x128xf32, #tpu.memory_space<vmem_shared>> -> memref<10240x128xf32, #tpu.memory_space<vmem_shared>>
        tpu.wait_indirect_dma semaphore(%run_scoped3A_262 : memref<!tpu.dma_semaphore, #tpu.memory_space<semaphore_mem>>) src(%dma_wait3A_276 : memref<128x128xf32, #tpu.memory_space<vmem>>) dst(%dma_wait3A_282 : memref<10240x128xf32, #tpu.memory_space<vmem_shared>>)
        tpu.yield
      }) : () -> ()
      %dma_wait3A_216 = arith.constant 6 : i32
      %dma_wait3A_217 = arith.constant 0 : i32
      %dma_wait3A_218 = arith.constant 0 : i32
      %dma_wait3A_219 = arith.constant 0 : i32
      %dma_wait3A_220 = tpu.memref_slice %arg9[%dma_wait3A_217, %dma_wait3A_218, %dma_wait3A_219] : memref<2x128x128xf32, #tpu.memory_space<vmem>> -> memref<1x128x128xf32, #tpu.memory_space<vmem>>
      %dma_wait3A_221 = tpu.memref_squeeze %dma_wait3A_220 : memref<1x128x128xf32, #tpu.memory_space<vmem>> -> memref<128x128xf32, #tpu.memory_space<vmem>>
      %dma_wait3A_222 = arith.constant 0 : i32
      %dma_wait3A_223 = tpu.memref_slice %arg7[%rem3A_50, %dma_wait3A_216, %dma_wait3A_222] : memref<2x8x128xi32, #tpu.memory_space<vmem>> -> memref<1x1x128xi32, #tpu.memory_space<vmem>>
      %dma_wait3A_224 = tpu.memref_squeeze %dma_wait3A_223 : memref<1x1x128xi32, #tpu.memory_space<vmem>> -> memref<128xi32, #tpu.memory_space<vmem>>
      %dma_wait3A_225 = arith.constant 0 : i32
      %dma_wait3A_226 = arith.constant 0 : i32
      %dma_wait3A_227 = tpu.memref_slice %arg2[%dma_wait3A_225, %dma_wait3A_226] : memref<10240x128xf32, #tpu.memory_space<hbm>> -> memref<10240x128xf32, #tpu.memory_space<hbm>>
      tpu.wait_indirect_dma semaphore(%arg10 : memref<!tpu.dma_semaphore, #tpu.memory_space<semaphore_mem>>) src(%dma_wait3A_227 : memref<10240x128xf32, #tpu.memory_space<hbm>>) dst(%dma_wait3A_221 : memref<128x128xf32, #tpu.memory_space<vmem>>)
      %dma_start3A_228 = arith.constant 7 : i32
      %dma_start3A_229 = arith.constant 1 : i32
      %dma_start3A_230 = arith.constant 0 : i32
      %dma_start3A_231 = arith.constant 0 : i32
      %dma_start3A_232 = tpu.memref_slice %arg9[%dma_start3A_229, %dma_start3A_230, %dma_start3A_231] : memref<2x128x128xf32, #tpu.memory_space<vmem>> -> memref<1x128x128xf32, #tpu.memory_space<vmem>>
      %dma_start3A_233 = tpu.memref_squeeze %dma_start3A_232 : memref<1x128x128xf32, #tpu.memory_space<vmem>> -> memref<128x128xf32, #tpu.memory_space<vmem>>
      %dma_start3A_234 = arith.constant 0 : i32
      %dma_start3A_235 = tpu.memref_slice %arg7[%rem3A_50, %dma_start3A_228, %dma_start3A_234] : memref<2x8x128xi32, #tpu.memory_space<vmem>> -> memref<1x1x128xi32, #tpu.memory_space<vmem>>
      %dma_start3A_236 = tpu.memref_squeeze %dma_start3A_235 : memref<1x1x128xi32, #tpu.memory_space<vmem>> -> memref<128xi32, #tpu.memory_space<vmem>>
      %dma_start3A_237 = arith.constant 0 : i32
      %dma_start3A_238 = arith.constant 0 : i32
      %dma_start3A_239 = tpu.memref_slice %arg2[%dma_start3A_237, %dma_start3A_238] : memref<10240x128xf32, #tpu.memory_space<hbm>> -> memref<10240x128xf32, #tpu.memory_space<hbm>>
      tpu.enqueue_indirect_dma source(%dma_start3A_239 : memref<10240x128xf32, #tpu.memory_space<hbm>>) target(%dma_start3A_233 : memref<128x128xf32, #tpu.memory_space<vmem>>) offsets(%dma_start3A_236 : memref<128xi32, #tpu.memory_space<vmem>>) semaphore(%arg10 : memref<!tpu.dma_semaphore, #tpu.memory_space<semaphore_mem>>)
      %run_scoped3A_240 = arith.constant 0 : i32
      %run_scoped3A_241 = arith.constant 6 : i32
      "tpu.region"() ({
        %run_scoped3A_262 = tpu.sem_alloc : memref<!tpu.dma_semaphore, #tpu.memory_space<semaphore_mem>>
        %dma_start3A_263 = arith.constant 0 : i32
        %dma_start3A_264 = arith.constant 0 : i32
        %dma_start3A_265 = tpu.memref_slice %arg9[%run_scoped3A_240, %dma_start3A_263, %dma_start3A_264] : memref<2x128x128xf32, #tpu.memory_space<vmem>> -> memref<1x128x128xf32, #tpu.memory_space<vmem>>
        %dma_start3A_266 = tpu.memref_squeeze %dma_start3A_265 : memref<1x128x128xf32, #tpu.memory_space<vmem>> -> memref<128x128xf32, #tpu.memory_space<vmem>>
        %dma_start3A_267 = arith.constant 0 : i32
        %dma_start3A_268 = tpu.memref_slice %arg8[%rem3A_50, %run_scoped3A_241, %dma_start3A_267] : memref<2x8x128xi32, #tpu.memory_space<vmem>> -> memref<1x1x128xi32, #tpu.memory_space<vmem>>
        %dma_start3A_269 = tpu.memref_squeeze %dma_start3A_268 : memref<1x1x128xi32, #tpu.memory_space<vmem>> -> memref<128xi32, #tpu.memory_space<vmem>>
        %dma_start3A_270 = arith.constant 0 : i32
        %dma_start3A_271 = arith.constant 0 : i32
        %dma_start3A_272 = tpu.memref_slice %arg12[%dma_start3A_270, %dma_start3A_271] : memref<10240x128xf32, #tpu.memory_space<vmem_shared>> -> memref<10240x128xf32, #tpu.memory_space<vmem_shared>>
        tpu.enqueue_indirect_dma source(%dma_start3A_266 : memref<128x128xf32, #tpu.memory_space<vmem>>) target(%dma_start3A_272 : memref<10240x128xf32, #tpu.memory_space<vmem_shared>>) offsets(%dma_start3A_269 : memref<128xi32, #tpu.memory_space<vmem>>) semaphore(%run_scoped3A_262 : memref<!tpu.dma_semaphore, #tpu.memory_space<semaphore_mem>>) {add = true}
        %dma_wait3A_273 = arith.constant 0 : i32
        %dma_wait3A_274 = arith.constant 0 : i32
        %dma_wait3A_275 = tpu.memref_slice %arg9[%run_scoped3A_240, %dma_wait3A_273, %dma_wait3A_274] : memref<2x128x128xf32, #tpu.memory_space<vmem>> -> memref<1x128x128xf32, #tpu.memory_space<vmem>>
        %dma_wait3A_276 = tpu.memref_squeeze %dma_wait3A_275 : memref<1x128x128xf32, #tpu.memory_space<vmem>> -> memref<128x128xf32, #tpu.memory_space<vmem>>
        %dma_wait3A_277 = arith.constant 0 : i32
        %dma_wait3A_278 = tpu.memref_slice %arg8[%rem3A_50, %run_scoped3A_241, %dma_wait3A_277] : memref<2x8x128xi32, #tpu.memory_space<vmem>> -> memref<1x1x128xi32, #tpu.memory_space<vmem>>
        %dma_wait3A_279 = tpu.memref_squeeze %dma_wait3A_278 : memref<1x1x128xi32, #tpu.memory_space<vmem>> -> memref<128xi32, #tpu.memory_space<vmem>>
        %dma_wait3A_280 = arith.constant 0 : i32
        %dma_wait3A_281 = arith.constant 0 : i32
        %dma_wait3A_282 = tpu.memref_slice %arg12[%dma_wait3A_280, %dma_wait3A_281] : memref<10240x128xf32, #tpu.memory_space<vmem_shared>> -> memref<10240x128xf32, #tpu.memory_space<vmem_shared>>
        tpu.wait_indirect_dma semaphore(%run_scoped3A_262 : memref<!tpu.dma_semaphore, #tpu.memory_space<semaphore_mem>>) src(%dma_wait3A_276 : memref<128x128xf32, #tpu.memory_space<vmem>>) dst(%dma_wait3A_282 : memref<10240x128xf32, #tpu.memory_space<vmem_shared>>)
        tpu.yield
      }) : () -> ()
      %dma_wait3A_242 = arith.constant 7 : i32
      %dma_wait3A_243 = arith.constant 1 : i32
      %dma_wait3A_244 = arith.constant 0 : i32
      %dma_wait3A_245 = arith.constant 0 : i32
      %dma_wait3A_246 = tpu.memref_slice %arg9[%dma_wait3A_243, %dma_wait3A_244, %dma_wait3A_245] : memref<2x128x128xf32, #tpu.memory_space<vmem>> -> memref<1x128x128xf32, #tpu.memory_space<vmem>>
      %dma_wait3A_247 = tpu.memref_squeeze %dma_wait3A_246 : memref<1x128x128xf32, #tpu.memory_space<vmem>> -> memref<128x128xf32, #tpu.memory_space<vmem>>
      %dma_wait3A_248 = arith.constant 0 : i32
      %dma_wait3A_249 = tpu.memref_slice %arg7[%rem3A_50, %dma_wait3A_242, %dma_wait3A_248] : memref<2x8x128xi32, #tpu.memory_space<vmem>> -> memref<1x1x128xi32, #tpu.memory_space<vmem>>
      %dma_wait3A_250 = tpu.memref_squeeze %dma_wait3A_249 : memref<1x1x128xi32, #tpu.memory_space<vmem>> -> memref<128xi32, #tpu.memory_space<vmem>>
      %dma_wait3A_251 = arith.constant 0 : i32
      %dma_wait3A_252 = arith.constant 0 : i32
      %dma_wait3A_253 = tpu.memref_slice %arg2[%dma_wait3A_251, %dma_wait3A_252] : memref<10240x128xf32, #tpu.memory_space<hbm>> -> memref<10240x128xf32, #tpu.memory_space<hbm>>
      tpu.wait_indirect_dma semaphore(%arg10 : memref<!tpu.dma_semaphore, #tpu.memory_space<semaphore_mem>>) src(%dma_wait3A_253 : memref<10240x128xf32, #tpu.memory_space<hbm>>) dst(%dma_wait3A_247 : memref<128x128xf32, #tpu.memory_space<vmem>>)
      %add3A_254 = arith.constant 1 : i32
      %add3A_255 = arith.addi %while3A_48, %add3A_254 : i32
      %lt3A_256 = arith.cmpi slt, %add3A_255, %select_n3A_19 : i32
      %convert_element_type3A_257 = arith.extui %lt3A_256 : i1 to i32
      %cond3A_258 = arith.constant 0 : i32
      %cond3A_259 = arith.cmpi ne, %convert_element_type3A_257, %cond3A_258 : i32
      scf.if %cond3A_259 {
        %dma_wait3A_262 = arith.constant 0 : i32
        %dma_wait3A_263 = arith.constant 0 : i32
        %dma_wait3A_264 = tpu.memref_slice %arg7[%sub3A_52, %dma_wait3A_262, %dma_wait3A_263] : memref<2x8x128xi32, #tpu.memory_space<vmem>> -> memref<1x8x128xi32, #tpu.memory_space<vmem>>
        %dma_wait3A_265 = tpu.memref_squeeze %dma_wait3A_264 : memref<1x8x128xi32, #tpu.memory_space<vmem>> -> memref<8x128xi32, #tpu.memory_space<vmem>>
        %dma_wait3A_266 = arith.constant 0 : i32
        %dma_wait3A_267 = tpu.memref_slice %arg3[%add3A_57, %dma_wait3A_266] : memref<2560x128xi32, #tpu.memory_space<hbm>> -> memref<8x128xi32, #tpu.memory_space<hbm>>
        %dma_wait3A_268 = arith.constant 0 : i32
        %dma_wait3A_269 = arith.constant 0 : i32
        %dma_wait3A_270 = tpu.memref_slice %arg7[%sub3A_52, %dma_wait3A_268, %dma_wait3A_269] : memref<2x8x128xi32, #tpu.memory_space<vmem>> -> memref<1x8x128xi32, #tpu.memory_space<vmem>>
        %dma_wait3A_271 = tpu.memref_squeeze %dma_wait3A_270 : memref<1x8x128xi32, #tpu.memory_space<vmem>> -> memref<8x128xi32, #tpu.memory_space<vmem>>
        %dma_wait3A_272 = arith.constant 0 : i32
        %dma_wait3A_273 = tpu.memref_slice %arg3[%add3A_57, %dma_wait3A_272] : memref<2560x128xi32, #tpu.memory_space<hbm>> -> memref<8x128xi32, #tpu.memory_space<hbm>>
        tpu.wait_dma2 semaphore(%arg11 : memref<!tpu.dma_semaphore, #tpu.memory_space<semaphore_mem>>) src(%dma_wait3A_273 : memref<8x128xi32, #tpu.memory_space<hbm>>) dst(%dma_wait3A_271 : memref<8x128xi32, #tpu.memory_space<vmem>>)
        %dma_wait3A_274 = arith.constant 0 : i32
        %dma_wait3A_275 = arith.constant 0 : i32
        %dma_wait3A_276 = tpu.memref_slice %arg8[%sub3A_52, %dma_wait3A_274, %dma_wait3A_275] : memref<2x8x128xi32, #tpu.memory_space<vmem>> -> memref<1x8x128xi32, #tpu.memory_space<vmem>>
        %dma_wait3A_277 = tpu.memref_squeeze %dma_wait3A_276 : memref<1x8x128xi32, #tpu.memory_space<vmem>> -> memref<8x128xi32, #tpu.memory_space<vmem>>
        %dma_wait3A_278 = arith.constant 0 : i32
        %dma_wait3A_279 = tpu.memref_slice %arg4[%add3A_57, %dma_wait3A_278] : memref<2560x128xi32, #tpu.memory_space<hbm>> -> memref<8x128xi32, #tpu.memory_space<hbm>>
        %dma_wait3A_280 = arith.constant 0 : i32
        %dma_wait3A_281 = arith.constant 0 : i32
        %dma_wait3A_282 = tpu.memref_slice %arg8[%sub3A_52, %dma_wait3A_280, %dma_wait3A_281] : memref<2x8x128xi32, #tpu.memory_space<vmem>> -> memref<1x8x128xi32, #tpu.memory_space<vmem>>
        %dma_wait3A_283 = tpu.memref_squeeze %dma_wait3A_282 : memref<1x8x128xi32, #tpu.memory_space<vmem>> -> memref<8x128xi32, #tpu.memory_space<vmem>>
        %dma_wait3A_284 = arith.constant 0 : i32
        %dma_wait3A_285 = tpu.memref_slice %arg4[%add3A_57, %dma_wait3A_284] : memref<2560x128xi32, #tpu.memory_space<hbm>> -> memref<8x128xi32, #tpu.memory_space<hbm>>
        tpu.wait_dma2 semaphore(%arg11 : memref<!tpu.dma_semaphore, #tpu.memory_space<semaphore_mem>>) src(%dma_wait3A_285 : memref<8x128xi32, #tpu.memory_space<hbm>>) dst(%dma_wait3A_283 : memref<8x128xi32, #tpu.memory_space<vmem>>)
        %dma_start3A_286 = arith.constant 0 : i32
        %dma_start3A_287 = arith.constant 0 : i32
        %dma_start3A_288 = arith.constant 0 : i32
        %dma_start3A_289 = arith.constant 0 : i32
        %dma_start3A_290 = tpu.memref_slice %arg9[%dma_start3A_287, %dma_start3A_288, %dma_start3A_289] : memref<2x128x128xf32, #tpu.memory_space<vmem>> -> memref<1x128x128xf32, #tpu.memory_space<vmem>>
        %dma_start3A_291 = tpu.memref_squeeze %dma_start3A_290 : memref<1x128x128xf32, #tpu.memory_space<vmem>> -> memref<128x128xf32, #tpu.memory_space<vmem>>
        %dma_start3A_292 = arith.constant 0 : i32
        %dma_start3A_293 = tpu.memref_slice %arg7[%sub3A_52, %dma_start3A_286, %dma_start3A_292] : memref<2x8x128xi32, #tpu.memory_space<vmem>> -> memref<1x1x128xi32, #tpu.memory_space<vmem>>
        %dma_start3A_294 = tpu.memref_squeeze %dma_start3A_293 : memref<1x1x128xi32, #tpu.memory_space<vmem>> -> memref<128xi32, #tpu.memory_space<vmem>>
        %dma_start3A_295 = arith.constant 0 : i32
        %dma_start3A_296 = arith.constant 0 : i32
        %dma_start3A_297 = tpu.memref_slice %arg2[%dma_start3A_295, %dma_start3A_296] : memref<10240x128xf32, #tpu.memory_space<hbm>> -> memref<10240x128xf32, #tpu.memory_space<hbm>>
        tpu.enqueue_indirect_dma source(%dma_start3A_297 : memref<10240x128xf32, #tpu.memory_space<hbm>>) target(%dma_start3A_291 : memref<128x128xf32, #tpu.memory_space<vmem>>) offsets(%dma_start3A_294 : memref<128xi32, #tpu.memory_space<vmem>>) semaphore(%arg10 : memref<!tpu.dma_semaphore, #tpu.memory_space<semaphore_mem>>)
      } else {
      }
      %run_scoped3A_260 = arith.constant 1 : i32
      %run_scoped3A_261 = arith.constant 7 : i32
      "tpu.region"() ({
        %run_scoped3A_262 = tpu.sem_alloc : memref<!tpu.dma_semaphore, #tpu.memory_space<semaphore_mem>>
        %dma_start3A_263 = arith.constant 0 : i32
        %dma_start3A_264 = arith.constant 0 : i32
        %dma_start3A_265 = tpu.memref_slice %arg9[%run_scoped3A_260, %dma_start3A_263, %dma_start3A_264] : memref<2x128x128xf32, #tpu.memory_space<vmem>> -> memref<1x128x128xf32, #tpu.memory_space<vmem>>
        %dma_start3A_266 = tpu.memref_squeeze %dma_start3A_265 : memref<1x128x128xf32, #tpu.memory_space<vmem>> -> memref<128x128xf32, #tpu.memory_space<vmem>>
        %dma_start3A_267 = arith.constant 0 : i32
        %dma_start3A_268 = tpu.memref_slice %arg8[%rem3A_50, %run_scoped3A_261, %dma_start3A_267] : memref<2x8x128xi32, #tpu.memory_space<vmem>> -> memref<1x1x128xi32, #tpu.memory_space<vmem>>
        %dma_start3A_269 = tpu.memref_squeeze %dma_start3A_268 : memref<1x1x128xi32, #tpu.memory_space<vmem>> -> memref<128xi32, #tpu.memory_space<vmem>>
        %dma_start3A_270 = arith.constant 0 : i32
        %dma_start3A_271 = arith.constant 0 : i32
        %dma_start3A_272 = tpu.memref_slice %arg12[%dma_start3A_270, %dma_start3A_271] : memref<10240x128xf32, #tpu.memory_space<vmem_shared>> -> memref<10240x128xf32, #tpu.memory_space<vmem_shared>>
        tpu.enqueue_indirect_dma source(%dma_start3A_266 : memref<128x128xf32, #tpu.memory_space<vmem>>) target(%dma_start3A_272 : memref<10240x128xf32, #tpu.memory_space<vmem_shared>>) offsets(%dma_start3A_269 : memref<128xi32, #tpu.memory_space<vmem>>) semaphore(%run_scoped3A_262 : memref<!tpu.dma_semaphore, #tpu.memory_space<semaphore_mem>>) {add = true}
        %dma_wait3A_273 = arith.constant 0 : i32
        %dma_wait3A_274 = arith.constant 0 : i32
        %dma_wait3A_275 = tpu.memref_slice %arg9[%run_scoped3A_260, %dma_wait3A_273, %dma_wait3A_274] : memref<2x128x128xf32, #tpu.memory_space<vmem>> -> memref<1x128x128xf32, #tpu.memory_space<vmem>>
        %dma_wait3A_276 = tpu.memref_squeeze %dma_wait3A_275 : memref<1x128x128xf32, #tpu.memory_space<vmem>> -> memref<128x128xf32, #tpu.memory_space<vmem>>
        %dma_wait3A_277 = arith.constant 0 : i32
        %dma_wait3A_278 = tpu.memref_slice %arg8[%rem3A_50, %run_scoped3A_261, %dma_wait3A_277] : memref<2x8x128xi32, #tpu.memory_space<vmem>> -> memref<1x1x128xi32, #tpu.memory_space<vmem>>
        %dma_wait3A_279 = tpu.memref_squeeze %dma_wait3A_278 : memref<1x1x128xi32, #tpu.memory_space<vmem>> -> memref<128xi32, #tpu.memory_space<vmem>>
        %dma_wait3A_280 = arith.constant 0 : i32
        %dma_wait3A_281 = arith.constant 0 : i32
        %dma_wait3A_282 = tpu.memref_slice %arg12[%dma_wait3A_280, %dma_wait3A_281] : memref<10240x128xf32, #tpu.memory_space<vmem_shared>> -> memref<10240x128xf32, #tpu.memory_space<vmem_shared>>
        tpu.wait_indirect_dma semaphore(%run_scoped3A_262 : memref<!tpu.dma_semaphore, #tpu.memory_space<semaphore_mem>>) src(%dma_wait3A_276 : memref<128x128xf32, #tpu.memory_space<vmem>>) dst(%dma_wait3A_282 : memref<10240x128xf32, #tpu.memory_space<vmem_shared>>)
        tpu.yield
      }) : () -> ()
    }
    %barrier3A_45 = arith.constant 0 : index
    tpu.barrier barrier_id(%barrier3A_45)
    %mul3A_46 = arith.constant 640 : i32
    %mul3A_47 = arith.muli %arg1, %mul3A_46 : i32
    "tpu.region"() ({
      %run_scoped3A = tpu.sem_alloc : memref<!tpu.dma_semaphore, #tpu.memory_space<semaphore_mem>>
      %dma_start3A = arith.constant 0 : i32
      %dma_start3A_48 = tpu.memref_slice %arg6[%arg0, %mul3A_47, %dma_start3A] : memref<2x10240x128xf32, #tpu.memory_space<hbm>> -> memref<1x640x128xf32, #tpu.memory_space<hbm>>
      %dma_start3A_49 = tpu.memref_squeeze %dma_start3A_48 : memref<1x640x128xf32, #tpu.memory_space<hbm>> -> memref<640x128xf32, #tpu.memory_space<hbm>>
      %dma_start3A_50 = arith.constant 0 : i32
      %dma_start3A_51 = tpu.memref_slice %arg12[%mul3A_47, %dma_start3A_50] : memref<10240x128xf32, #tpu.memory_space<vmem_shared>> -> memref<640x128xf32, #tpu.memory_space<vmem_shared>>
      tpu.enqueue_dma source(%dma_start3A_51 : memref<640x128xf32, #tpu.memory_space<vmem_shared>>) target(%dma_start3A_49 : memref<640x128xf32, #tpu.memory_space<hbm>>) target_semaphore(%run_scoped3A : memref<!tpu.dma_semaphore, #tpu.memory_space<semaphore_mem>>)
      %dma_wait3A = arith.constant 0 : i32
      %dma_wait3A_52 = tpu.memref_slice %arg6[%arg0, %mul3A_47, %dma_wait3A] : memref<2x10240x128xf32, #tpu.memory_space<hbm>> -> memref<1x640x128xf32, #tpu.memory_space<hbm>>
      %dma_wait3A_53 = tpu.memref_squeeze %dma_wait3A_52 : memref<1x640x128xf32, #tpu.memory_space<hbm>> -> memref<640x128xf32, #tpu.memory_space<hbm>>
      %dma_wait3A_54 = arith.constant 0 : i32
      %dma_wait3A_55 = tpu.memref_slice %arg12[%mul3A_47, %dma_wait3A_54] : memref<10240x128xf32, #tpu.memory_space<vmem_shared>> -> memref<640x128xf32, #tpu.memory_space<vmem_shared>>
      tpu.wait_dma2 semaphore(%run_scoped3A : memref<!tpu.dma_semaphore, #tpu.memory_space<semaphore_mem>>) src(%dma_wait3A_55 : memref<640x128xf32, #tpu.memory_space<vmem_shared>>) dst(%dma_wait3A_53 : memref<640x128xf32, #tpu.memory_space<hbm>>)
      tpu.yield
    }) : () -> ()
    return
  }
}

#map = affine_map<(d0, d1) -> (0, 0)>
#map1 = affine_map<(d0, d1) -> (0, 0, 0)>
module attributes {stable_mosaic.version = 14 : i64} {
  func.func @count_kernel(%arg0: i32, %arg1: i32, %arg2: memref<128x128xf32, #tpu.memory_space<hbm>>, %arg3: memref<2560x128xi32, #tpu.memory_space<hbm>>, %arg4: memref<640x128xf32, #tpu.memory_space<hbm>>, %arg5: memref<2x10240x128xf32, #tpu.memory_space<hbm>>, %arg6: memref<88x128xi32, #tpu.memory_space<vmem>>, %arg7: memref<128x128xf32, #tpu.memory_space<vmem>>, %arg8: memref<10240x128xf32, #tpu.memory_space<vmem_shared>>) attributes {dimension_semantics = [#tpu.dimension_semantics<core_parallel>, #tpu.dimension_semantics<subcore_parallel>], iteration_bounds = array<i64: 2, 16>, scalar_prefetch = 0 : i64, scratch_operands = 3 : i64, tpu.core_type = #tpu.core_type<sc_vector_subcore>, window_params = [{transform_indices = #map}, {transform_indices = #map}, {transform_indices = #map}, {transform_indices = #map1}]} {
    %eq3A = arith.constant 0 : i32
    %eq3A_0 = arith.cmpi eq, %arg0, %eq3A : i32
    %jit3A = arith.constant 88 : i32
    %jit3A_1 = arith.constant 72 : i32
    %select_n3A = arith.select %eq3A_0, %jit3A, %jit3A_1 : i32
    %eq3A_2 = arith.constant 0 : i32
    %eq3A_3 = arith.cmpi eq, %arg0, %eq3A_2 : i32
    %mul3A = arith.constant 88 : i32
    %mul3A_4 = arith.muli %arg1, %mul3A : i32
    %mul3A_5 = arith.constant 72 : i32
    %mul3A_6 = arith.muli %arg1, %mul3A_5 : i32
    %add3A = arith.constant 1408 : i32
    %add3A_7 = arith.addi %add3A, %mul3A_6 : i32
    %select_n3A_8 = arith.select %eq3A_3, %mul3A_4, %add3A_7 : i32
    %mul3A_9 = arith.constant 640 : i32
    %mul3A_10 = arith.muli %arg1, %mul3A_9 : i32
    "tpu.region"() ({
      %run_scoped3A = tpu.sem_alloc : memref<!tpu.dma_semaphore, #tpu.memory_space<semaphore_mem>>
      %dma_start3A = arith.constant 0 : i32
      %dma_start3A_19 = tpu.memref_slice %arg8[%mul3A_10, %dma_start3A] : memref<10240x128xf32, #tpu.memory_space<vmem_shared>> -> memref<640x128xf32, #tpu.memory_space<vmem_shared>>
      tpu.enqueue_dma source(%arg4 : memref<640x128xf32, #tpu.memory_space<hbm>>) target(%dma_start3A_19 : memref<640x128xf32, #tpu.memory_space<vmem_shared>>) target_semaphore(%run_scoped3A : memref<!tpu.dma_semaphore, #tpu.memory_space<semaphore_mem>>)
      %dma_wait3A = arith.constant 0 : i32
      %dma_wait3A_20 = tpu.memref_slice %arg8[%mul3A_10, %dma_wait3A] : memref<10240x128xf32, #tpu.memory_space<vmem_shared>> -> memref<640x128xf32, #tpu.memory_space<vmem_shared>>
      tpu.wait_dma2 semaphore(%run_scoped3A : memref<!tpu.dma_semaphore, #tpu.memory_space<semaphore_mem>>) src(%arg4 : memref<640x128xf32, #tpu.memory_space<hbm>>) dst(%dma_wait3A_20 : memref<640x128xf32, #tpu.memory_space<vmem_shared>>)
      tpu.yield
    }) : () -> ()
    "tpu.region"() ({
      %run_scoped3A = tpu.sem_alloc : memref<!tpu.dma_semaphore, #tpu.memory_space<semaphore_mem>>
      tpu.enqueue_dma source(%arg2 : memref<128x128xf32, #tpu.memory_space<hbm>>) target(%arg7 : memref<128x128xf32, #tpu.memory_space<vmem>>) target_semaphore(%run_scoped3A : memref<!tpu.dma_semaphore, #tpu.memory_space<semaphore_mem>>)
      tpu.wait_dma2 semaphore(%run_scoped3A : memref<!tpu.dma_semaphore, #tpu.memory_space<semaphore_mem>>) src(%arg2 : memref<128x128xf32, #tpu.memory_space<hbm>>) dst(%arg7 : memref<128x128xf32, #tpu.memory_space<vmem>>)
      tpu.yield
    }) : () -> ()
    "tpu.region"() ({
      %run_scoped3A = tpu.sem_alloc : memref<!tpu.dma_semaphore, #tpu.memory_space<semaphore_mem>>
      %dma_start3A = arith.constant 0 : i32
      %dma_start3A_19 = tpu.memref_slice %arg3[%select_n3A_8, %dma_start3A] : memref<2560x128xi32, #tpu.memory_space<hbm>> -> memref<88x128xi32, #tpu.memory_space<hbm>>
      %dma_start3A_20 = arith.constant 0 : i32
      %dma_start3A_21 = tpu.memref_slice %arg3[%select_n3A_8, %dma_start3A_20] : memref<2560x128xi32, #tpu.memory_space<hbm>> -> memref<88x128xi32, #tpu.memory_space<hbm>>
      tpu.enqueue_dma source(%dma_start3A_21 : memref<88x128xi32, #tpu.memory_space<hbm>>) target(%arg6 : memref<88x128xi32, #tpu.memory_space<vmem>>) target_semaphore(%run_scoped3A : memref<!tpu.dma_semaphore, #tpu.memory_space<semaphore_mem>>)
      %dma_wait3A = arith.constant 0 : i32
      %dma_wait3A_22 = tpu.memref_slice %arg3[%select_n3A_8, %dma_wait3A] : memref<2560x128xi32, #tpu.memory_space<hbm>> -> memref<88x128xi32, #tpu.memory_space<hbm>>
      %dma_wait3A_23 = arith.constant 0 : i32
      %dma_wait3A_24 = tpu.memref_slice %arg3[%select_n3A_8, %dma_wait3A_23] : memref<2560x128xi32, #tpu.memory_space<hbm>> -> memref<88x128xi32, #tpu.memory_space<hbm>>
      tpu.wait_dma2 semaphore(%run_scoped3A : memref<!tpu.dma_semaphore, #tpu.memory_space<semaphore_mem>>) src(%dma_wait3A_24 : memref<88x128xi32, #tpu.memory_space<hbm>>) dst(%arg6 : memref<88x128xi32, #tpu.memory_space<vmem>>)
      tpu.yield
    }) : () -> ()
    %barrier3A = arith.constant 0 : index
    tpu.barrier barrier_id(%barrier3A)
    %scan3A = arith.constant 0 : i32
    %scan3A_11 = arith.constant 0 : i32
    %scan3A_12 = arith.constant 88 : i32
    %scan3A_13 = arith.addi %scan3A_11, %scan3A_12 : i32
    %scan3A_14 = arith.constant 1 : i32
    scf.for %scan3A_19 = %scan3A_11 to %scan3A_13 step %scan3A_14  : i32 {
      %lt3A = arith.cmpi slt, %scan3A_19, %select_n3A : i32
      %convert_element_type3A = arith.extui %lt3A : i1 to i32
      %cond3A = arith.constant 0 : i32
      %cond3A_20 = arith.cmpi ne, %convert_element_type3A, %cond3A : i32
      scf.if %cond3A_20 {
        "tpu.region"() ({
          %run_scoped3A = tpu.sem_alloc : memref<!tpu.dma_semaphore, #tpu.memory_space<semaphore_mem>>
          %dma_start3A = arith.constant 0 : i32
          %dma_start3A_21 = tpu.memref_slice %arg6[%scan3A_19, %dma_start3A] : memref<88x128xi32, #tpu.memory_space<vmem>> -> memref<1x128xi32, #tpu.memory_space<vmem>>
          %dma_start3A_22 = tpu.memref_squeeze %dma_start3A_21 : memref<1x128xi32, #tpu.memory_space<vmem>> -> memref<128xi32, #tpu.memory_space<vmem>>
          %dma_start3A_23 = arith.constant 0 : i32
          %dma_start3A_24 = arith.constant 0 : i32
          %dma_start3A_25 = tpu.memref_slice %arg8[%dma_start3A_23, %dma_start3A_24] : memref<10240x128xf32, #tpu.memory_space<vmem_shared>> -> memref<10240x128xf32, #tpu.memory_space<vmem_shared>>
          tpu.enqueue_indirect_dma source(%arg7 : memref<128x128xf32, #tpu.memory_space<vmem>>) target(%dma_start3A_25 : memref<10240x128xf32, #tpu.memory_space<vmem_shared>>) offsets(%dma_start3A_22 : memref<128xi32, #tpu.memory_space<vmem>>) semaphore(%run_scoped3A : memref<!tpu.dma_semaphore, #tpu.memory_space<semaphore_mem>>) {add = true}
          %dma_wait3A = arith.constant 0 : i32
          %dma_wait3A_26 = tpu.memref_slice %arg6[%scan3A_19, %dma_wait3A] : memref<88x128xi32, #tpu.memory_space<vmem>> -> memref<1x128xi32, #tpu.memory_space<vmem>>
          %dma_wait3A_27 = tpu.memref_squeeze %dma_wait3A_26 : memref<1x128xi32, #tpu.memory_space<vmem>> -> memref<128xi32, #tpu.memory_space<vmem>>
          %dma_wait3A_28 = arith.constant 0 : i32
          %dma_wait3A_29 = arith.constant 0 : i32
          %dma_wait3A_30 = tpu.memref_slice %arg8[%dma_wait3A_28, %dma_wait3A_29] : memref<10240x128xf32, #tpu.memory_space<vmem_shared>> -> memref<10240x128xf32, #tpu.memory_space<vmem_shared>>
          tpu.wait_indirect_dma semaphore(%run_scoped3A : memref<!tpu.dma_semaphore, #tpu.memory_space<semaphore_mem>>) src(%arg7 : memref<128x128xf32, #tpu.memory_space<vmem>>) dst(%dma_wait3A_30 : memref<10240x128xf32, #tpu.memory_space<vmem_shared>>)
          tpu.yield
        }) : () -> ()
      } else {
      }
    }
    %scan3A_15 = arith.constant 88 : i32
    %barrier3A_16 = arith.constant 0 : index
    tpu.barrier barrier_id(%barrier3A_16)
    %mul3A_17 = arith.constant 640 : i32
    %mul3A_18 = arith.muli %arg1, %mul3A_17 : i32
    "tpu.region"() ({
      %run_scoped3A = tpu.sem_alloc : memref<!tpu.dma_semaphore, #tpu.memory_space<semaphore_mem>>
      %dma_start3A = arith.constant 0 : i32
      %dma_start3A_19 = tpu.memref_slice %arg5[%arg0, %mul3A_18, %dma_start3A] : memref<2x10240x128xf32, #tpu.memory_space<hbm>> -> memref<1x640x128xf32, #tpu.memory_space<hbm>>
      %dma_start3A_20 = tpu.memref_squeeze %dma_start3A_19 : memref<1x640x128xf32, #tpu.memory_space<hbm>> -> memref<640x128xf32, #tpu.memory_space<hbm>>
      %dma_start3A_21 = arith.constant 0 : i32
      %dma_start3A_22 = tpu.memref_slice %arg8[%mul3A_18, %dma_start3A_21] : memref<10240x128xf32, #tpu.memory_space<vmem_shared>> -> memref<640x128xf32, #tpu.memory_space<vmem_shared>>
      tpu.enqueue_dma source(%dma_start3A_22 : memref<640x128xf32, #tpu.memory_space<vmem_shared>>) target(%dma_start3A_20 : memref<640x128xf32, #tpu.memory_space<hbm>>) target_semaphore(%run_scoped3A : memref<!tpu.dma_semaphore, #tpu.memory_space<semaphore_mem>>)
      %dma_wait3A = arith.constant 0 : i32
      %dma_wait3A_23 = tpu.memref_slice %arg5[%arg0, %mul3A_18, %dma_wait3A] : memref<2x10240x128xf32, #tpu.memory_space<hbm>> -> memref<1x640x128xf32, #tpu.memory_space<hbm>>
      %dma_wait3A_24 = tpu.memref_squeeze %dma_wait3A_23 : memref<1x640x128xf32, #tpu.memory_space<hbm>> -> memref<640x128xf32, #tpu.memory_space<hbm>>
      %dma_wait3A_25 = arith.constant 0 : i32
      %dma_wait3A_26 = tpu.memref_slice %arg8[%mul3A_18, %dma_wait3A_25] : memref<10240x128xf32, #tpu.memory_space<vmem_shared>> -> memref<640x128xf32, #tpu.memory_space<vmem_shared>>
      tpu.wait_dma2 semaphore(%run_scoped3A : memref<!tpu.dma_semaphore, #tpu.memory_space<semaphore_mem>>) src(%dma_wait3A_26 : memref<640x128xf32, #tpu.memory_space<vmem_shared>>) dst(%dma_wait3A_24 : memref<640x128xf32, #tpu.memory_space<hbm>>)
      tpu.yield
    }) : () -> ()
    return
  }
}

#map = affine_map<(d0, d1) -> (0, 0)>
#map1 = affine_map<(d0, d1) -> (0, 0, 0)>
module attributes {stable_mosaic.version = 14 : i64} {
  func.func @conv_kernel(%arg0: i32, %arg1: i32, %arg2: memref<10240x128xf32, #tpu.memory_space<hbm>>, %arg3: memref<2560x128xi32, #tpu.memory_space<hbm>>, %arg4: memref<2560x128xi32, #tpu.memory_space<hbm>>, %arg5: memref<640x128xf32, #tpu.memory_space<hbm>>, %arg6: memref<2x10240x128xf32, #tpu.memory_space<hbm>>, %arg7: memref<2x8x128xi32, #tpu.memory_space<vmem>>, %arg8: memref<2x8x128xi32, #tpu.memory_space<vmem>>, %arg9: memref<2x128x128xf32, #tpu.memory_space<vmem>>, %arg10: memref<!tpu.dma_semaphore, #tpu.memory_space<semaphore_mem>>, %arg11: memref<!tpu.dma_semaphore, #tpu.memory_space<semaphore_mem>>, %arg12: memref<10240x128xf32, #tpu.memory_space<vmem_shared>>) attributes {dimension_semantics = [#tpu.dimension_semantics<core_parallel>, #tpu.dimension_semantics<subcore_parallel>], iteration_bounds = array<i64: 2, 16>, scalar_prefetch = 0 : i64, scratch_operands = 6 : i64, tpu.core_type = #tpu.core_type<sc_vector_subcore>, window_params = [{transform_indices = #map}, {transform_indices = #map}, {transform_indices = #map}, {transform_indices = #map}, {transform_indices = #map1}]} {
    %eq3A = arith.constant 0 : i32
    %eq3A_0 = arith.cmpi eq, %arg0, %eq3A : i32
    %jit3A = arith.constant 144 : i32
    %jit3A_1 = arith.constant 16 : i32
    %select_n3A = arith.select %eq3A_0, %jit3A, %jit3A_1 : i32
    %jit3A_2 = arith.constant 8 : i32
    %div3A = arith.divsi %select_n3A, %jit3A_2 : i32
    %sign3A = arith.constant 0 : i32
    %sign3A_3 = arith.cmpi sgt, %select_n3A, %sign3A : i32
    %sign3A_4 = arith.extui %sign3A_3 : i1 to i32
    %sign3A_5 = arith.constant 0 : i32
    %sign3A_6 = arith.cmpi slt, %select_n3A, %sign3A_5 : i32
    %sign3A_7 = arith.extui %sign3A_6 : i1 to i32
    %sign3A_8 = arith.subi %sign3A_4, %sign3A_7 : i32
    %sign3A_9 = arith.constant 0 : i32
    %sign3A_10 = arith.cmpi sgt, %jit3A_2, %sign3A_9 : i32
    %sign3A_11 = arith.extui %sign3A_10 : i1 to i32
    %sign3A_12 = arith.constant 0 : i32
    %sign3A_13 = arith.cmpi slt, %jit3A_2, %sign3A_12 : i32
    %sign3A_14 = arith.extui %sign3A_13 : i1 to i32
    %sign3A_15 = arith.subi %sign3A_11, %sign3A_14 : i32
    %ne3A = arith.cmpi ne, %sign3A_8, %sign3A_15 : i32
    %rem3A = arith.remsi %select_n3A, %jit3A_2 : i32
    %ne3A_16 = arith.constant 0 : i32
    %ne3A_17 = arith.cmpi ne, %rem3A, %ne3A_16 : i32
    %and3A = arith.andi %ne3A, %ne3A_17 : i1
    %sub3A = arith.constant 1 : i32
    %sub3A_18 = arith.subi %div3A, %sub3A : i32
    %select_n3A_19 = arith.select %and3A, %sub3A_18, %div3A : i32
    %eq3A_20 = arith.constant 0 : i32
    %eq3A_21 = arith.cmpi eq, %arg0, %eq3A_20 : i32
    %mul3A = arith.constant 144 : i32
    %mul3A_22 = arith.muli %arg1, %mul3A : i32
    %mul3A_23 = arith.constant 16 : i32
    %mul3A_24 = arith.muli %arg1, %mul3A_23 : i32
    %add3A = arith.constant 2304 : i32
    %add3A_25 = arith.addi %add3A, %mul3A_24 : i32
    %select_n3A_26 = arith.select %eq3A_21, %mul3A_22, %add3A_25 : i32
    %mul3A_27 = arith.constant 640 : i32
    %mul3A_28 = arith.muli %arg1, %mul3A_27 : i32
    "tpu.region"() ({
      %run_scoped3A = tpu.sem_alloc : memref<!tpu.dma_semaphore, #tpu.memory_space<semaphore_mem>>
      %dma_start3A = arith.constant 0 : i32
      %dma_start3A_48 = tpu.memref_slice %arg12[%mul3A_28, %dma_start3A] : memref<10240x128xf32, #tpu.memory_space<vmem_shared>> -> memref<640x128xf32, #tpu.memory_space<vmem_shared>>
      tpu.enqueue_dma source(%arg5 : memref<640x128xf32, #tpu.memory_space<hbm>>) target(%dma_start3A_48 : memref<640x128xf32, #tpu.memory_space<vmem_shared>>) target_semaphore(%run_scoped3A : memref<!tpu.dma_semaphore, #tpu.memory_space<semaphore_mem>>)
      %dma_wait3A = arith.constant 0 : i32
      %dma_wait3A_49 = tpu.memref_slice %arg12[%mul3A_28, %dma_wait3A] : memref<10240x128xf32, #tpu.memory_space<vmem_shared>> -> memref<640x128xf32, #tpu.memory_space<vmem_shared>>
      tpu.wait_dma2 semaphore(%run_scoped3A : memref<!tpu.dma_semaphore, #tpu.memory_space<semaphore_mem>>) src(%arg5 : memref<640x128xf32, #tpu.memory_space<hbm>>) dst(%dma_wait3A_49 : memref<640x128xf32, #tpu.memory_space<vmem_shared>>)
      tpu.yield
    }) : () -> ()
    %gt3A = arith.constant 0 : i32
    %gt3A_29 = arith.cmpi sgt, %select_n3A_19, %gt3A : i32
    %convert_element_type3A = arith.extui %gt3A_29 : i1 to i32
    %cond3A = arith.constant 0 : i32
    %cond3A_30 = arith.cmpi ne, %convert_element_type3A, %cond3A : i32
    scf.if %cond3A_30 {
      %run_scoped3A = arith.constant 0 : i32
      "tpu.region"() ({
        %run_scoped3A_49 = tpu.sem_alloc : memref<!tpu.dma_semaphore, #tpu.memory_space<semaphore_mem>>
        %dma_start3A = arith.constant 0 : i32
        %dma_start3A_50 = arith.constant 0 : i32
        %dma_start3A_51 = tpu.memref_slice %arg7[%run_scoped3A, %dma_start3A, %dma_start3A_50] : memref<2x8x128xi32, #tpu.memory_space<vmem>> -> memref<1x8x128xi32, #tpu.memory_space<vmem>>
        %dma_start3A_52 = tpu.memref_squeeze %dma_start3A_51 : memref<1x8x128xi32, #tpu.memory_space<vmem>> -> memref<8x128xi32, #tpu.memory_space<vmem>>
        %dma_start3A_53 = arith.constant 0 : i32
        %dma_start3A_54 = tpu.memref_slice %arg3[%select_n3A_26, %dma_start3A_53] : memref<2560x128xi32, #tpu.memory_space<hbm>> -> memref<8x128xi32, #tpu.memory_space<hbm>>
        %dma_start3A_55 = arith.constant 0 : i32
        %dma_start3A_56 = arith.constant 0 : i32
        %dma_start3A_57 = tpu.memref_slice %arg7[%run_scoped3A, %dma_start3A_55, %dma_start3A_56] : memref<2x8x128xi32, #tpu.memory_space<vmem>> -> memref<1x8x128xi32, #tpu.memory_space<vmem>>
        %dma_start3A_58 = tpu.memref_squeeze %dma_start3A_57 : memref<1x8x128xi32, #tpu.memory_space<vmem>> -> memref<8x128xi32, #tpu.memory_space<vmem>>
        %dma_start3A_59 = arith.constant 0 : i32
        %dma_start3A_60 = tpu.memref_slice %arg3[%select_n3A_26, %dma_start3A_59] : memref<2560x128xi32, #tpu.memory_space<hbm>> -> memref<8x128xi32, #tpu.memory_space<hbm>>
        tpu.enqueue_dma source(%dma_start3A_60 : memref<8x128xi32, #tpu.memory_space<hbm>>) target(%dma_start3A_58 : memref<8x128xi32, #tpu.memory_space<vmem>>) target_semaphore(%run_scoped3A_49 : memref<!tpu.dma_semaphore, #tpu.memory_space<semaphore_mem>>)
        %dma_wait3A = arith.constant 0 : i32
        %dma_wait3A_61 = arith.constant 0 : i32
        %dma_wait3A_62 = tpu.memref_slice %arg7[%run_scoped3A, %dma_wait3A, %dma_wait3A_61] : memref<2x8x128xi32, #tpu.memory_space<vmem>> -> memref<1x8x128xi32, #tpu.memory_space<vmem>>
        %dma_wait3A_63 = tpu.memref_squeeze %dma_wait3A_62 : memref<1x8x128xi32, #tpu.memory_space<vmem>> -> memref<8x128xi32, #tpu.memory_space<vmem>>
        %dma_wait3A_64 = arith.constant 0 : i32
        %dma_wait3A_65 = tpu.memref_slice %arg3[%select_n3A_26, %dma_wait3A_64] : memref<2560x128xi32, #tpu.memory_space<hbm>> -> memref<8x128xi32, #tpu.memory_space<hbm>>
        %dma_wait3A_66 = arith.constant 0 : i32
        %dma_wait3A_67 = arith.constant 0 : i32
        %dma_wait3A_68 = tpu.memref_slice %arg7[%run_scoped3A, %dma_wait3A_66, %dma_wait3A_67] : memref<2x8x128xi32, #tpu.memory_space<vmem>> -> memref<1x8x128xi32, #tpu.memory_space<vmem>>
        %dma_wait3A_69 = tpu.memref_squeeze %dma_wait3A_68 : memref<1x8x128xi32, #tpu.memory_space<vmem>> -> memref<8x128xi32, #tpu.memory_space<vmem>>
        %dma_wait3A_70 = arith.constant 0 : i32
        %dma_wait3A_71 = tpu.memref_slice %arg3[%select_n3A_26, %dma_wait3A_70] : memref<2560x128xi32, #tpu.memory_space<hbm>> -> memref<8x128xi32, #tpu.memory_space<hbm>>
        tpu.wait_dma2 semaphore(%run_scoped3A_49 : memref<!tpu.dma_semaphore, #tpu.memory_space<semaphore_mem>>) src(%dma_wait3A_71 : memref<8x128xi32, #tpu.memory_space<hbm>>) dst(%dma_wait3A_69 : memref<8x128xi32, #tpu.memory_space<vmem>>)
        tpu.yield
      }) : () -> ()
      %run_scoped3A_48 = arith.constant 0 : i32
      "tpu.region"() ({
        %run_scoped3A_49 = tpu.sem_alloc : memref<!tpu.dma_semaphore, #tpu.memory_space<semaphore_mem>>
        %dma_start3A = arith.constant 0 : i32
        %dma_start3A_50 = arith.constant 0 : i32
        %dma_start3A_51 = tpu.memref_slice %arg8[%run_scoped3A_48, %dma_start3A, %dma_start3A_50] : memref<2x8x128xi32, #tpu.memory_space<vmem>> -> memref<1x8x128xi32, #tpu.memory_space<vmem>>
        %dma_start3A_52 = tpu.memref_squeeze %dma_start3A_51 : memref<1x8x128xi32, #tpu.memory_space<vmem>> -> memref<8x128xi32, #tpu.memory_space<vmem>>
        %dma_start3A_53 = arith.constant 0 : i32
        %dma_start3A_54 = tpu.memref_slice %arg4[%select_n3A_26, %dma_start3A_53] : memref<2560x128xi32, #tpu.memory_space<hbm>> -> memref<8x128xi32, #tpu.memory_space<hbm>>
        %dma_start3A_55 = arith.constant 0 : i32
        %dma_start3A_56 = arith.constant 0 : i32
        %dma_start3A_57 = tpu.memref_slice %arg8[%run_scoped3A_48, %dma_start3A_55, %dma_start3A_56] : memref<2x8x128xi32, #tpu.memory_space<vmem>> -> memref<1x8x128xi32, #tpu.memory_space<vmem>>
        %dma_start3A_58 = tpu.memref_squeeze %dma_start3A_57 : memref<1x8x128xi32, #tpu.memory_space<vmem>> -> memref<8x128xi32, #tpu.memory_space<vmem>>
        %dma_start3A_59 = arith.constant 0 : i32
        %dma_start3A_60 = tpu.memref_slice %arg4[%select_n3A_26, %dma_start3A_59] : memref<2560x128xi32, #tpu.memory_space<hbm>> -> memref<8x128xi32, #tpu.memory_space<hbm>>
        tpu.enqueue_dma source(%dma_start3A_60 : memref<8x128xi32, #tpu.memory_space<hbm>>) target(%dma_start3A_58 : memref<8x128xi32, #tpu.memory_space<vmem>>) target_semaphore(%run_scoped3A_49 : memref<!tpu.dma_semaphore, #tpu.memory_space<semaphore_mem>>)
        %dma_wait3A = arith.constant 0 : i32
        %dma_wait3A_61 = arith.constant 0 : i32
        %dma_wait3A_62 = tpu.memref_slice %arg8[%run_scoped3A_48, %dma_wait3A, %dma_wait3A_61] : memref<2x8x128xi32, #tpu.memory_space<vmem>> -> memref<1x8x128xi32, #tpu.memory_space<vmem>>
        %dma_wait3A_63 = tpu.memref_squeeze %dma_wait3A_62 : memref<1x8x128xi32, #tpu.memory_space<vmem>> -> memref<8x128xi32, #tpu.memory_space<vmem>>
        %dma_wait3A_64 = arith.constant 0 : i32
        %dma_wait3A_65 = tpu.memref_slice %arg4[%select_n3A_26, %dma_wait3A_64] : memref<2560x128xi32, #tpu.memory_space<hbm>> -> memref<8x128xi32, #tpu.memory_space<hbm>>
        %dma_wait3A_66 = arith.constant 0 : i32
        %dma_wait3A_67 = arith.constant 0 : i32
        %dma_wait3A_68 = tpu.memref_slice %arg8[%run_scoped3A_48, %dma_wait3A_66, %dma_wait3A_67] : memref<2x8x128xi32, #tpu.memory_space<vmem>> -> memref<1x8x128xi32, #tpu.memory_space<vmem>>
        %dma_wait3A_69 = tpu.memref_squeeze %dma_wait3A_68 : memref<1x8x128xi32, #tpu.memory_space<vmem>> -> memref<8x128xi32, #tpu.memory_space<vmem>>
        %dma_wait3A_70 = arith.constant 0 : i32
        %dma_wait3A_71 = tpu.memref_slice %arg4[%select_n3A_26, %dma_wait3A_70] : memref<2560x128xi32, #tpu.memory_space<hbm>> -> memref<8x128xi32, #tpu.memory_space<hbm>>
        tpu.wait_dma2 semaphore(%run_scoped3A_49 : memref<!tpu.dma_semaphore, #tpu.memory_space<semaphore_mem>>) src(%dma_wait3A_71 : memref<8x128xi32, #tpu.memory_space<hbm>>) dst(%dma_wait3A_69 : memref<8x128xi32, #tpu.memory_space<vmem>>)
        tpu.yield
      }) : () -> ()
    } else {
    }
    %barrier3A = arith.constant 0 : index
    tpu.barrier barrier_id(%barrier3A)
    %gt3A_31 = arith.constant 0 : i32
    %gt3A_32 = arith.cmpi sgt, %select_n3A_19, %gt3A_31 : i32
    %convert_element_type3A_33 = arith.extui %gt3A_32 : i1 to i32
    %cond3A_34 = arith.constant 0 : i32
    %cond3A_35 = arith.cmpi ne, %convert_element_type3A_33, %cond3A_34 : i32
    scf.if %cond3A_35 {
      %dma_start3A = arith.constant 0 : i32
      %dma_start3A_48 = arith.constant 0 : i32
      %dma_start3A_49 = arith.constant 0 : i32
      %dma_start3A_50 = arith.constant 0 : i32
      %dma_start3A_51 = arith.constant 0 : i32
      %dma_start3A_52 = tpu.memref_slice %arg9[%dma_start3A_49, %dma_start3A_50, %dma_start3A_51] : memref<2x128x128xf32, #tpu.memory_space<vmem>> -> memref<1x128x128xf32, #tpu.memory_space<vmem>>
      %dma_start3A_53 = tpu.memref_squeeze %dma_start3A_52 : memref<1x128x128xf32, #tpu.memory_space<vmem>> -> memref<128x128xf32, #tpu.memory_space<vmem>>
      %dma_start3A_54 = arith.constant 0 : i32
      %dma_start3A_55 = tpu.memref_slice %arg7[%dma_start3A, %dma_start3A_48, %dma_start3A_54] : memref<2x8x128xi32, #tpu.memory_space<vmem>> -> memref<1x1x128xi32, #tpu.memory_space<vmem>>
      %dma_start3A_56 = tpu.memref_squeeze %dma_start3A_55 : memref<1x1x128xi32, #tpu.memory_space<vmem>> -> memref<128xi32, #tpu.memory_space<vmem>>
      %dma_start3A_57 = arith.constant 0 : i32
      %dma_start3A_58 = arith.constant 0 : i32
      %dma_start3A_59 = tpu.memref_slice %arg2[%dma_start3A_57, %dma_start3A_58] : memref<10240x128xf32, #tpu.memory_space<hbm>> -> memref<10240x128xf32, #tpu.memory_space<hbm>>
      tpu.enqueue_indirect_dma source(%dma_start3A_59 : memref<10240x128xf32, #tpu.memory_space<hbm>>) target(%dma_start3A_53 : memref<128x128xf32, #tpu.memory_space<vmem>>) offsets(%dma_start3A_56 : memref<128xi32, #tpu.memory_space<vmem>>) semaphore(%arg10 : memref<!tpu.dma_semaphore, #tpu.memory_space<semaphore_mem>>)
    } else {
    }
    %while3A = arith.constant 0 : i32
    %while3A_36 = arith.constant 0 : i32
    %while3A_37 = arith.subi %select_n3A_19, %while3A_36 : i32
    %while3A_38 = arith.addi %while3A_36, %while3A_37 : i32
    %while3A_39 = arith.constant 1 : i32
    %while3A_40 = arith.divsi %while3A_37, %while3A_39 : i32
    %while3A_41 = arith.muli %while3A_40, %while3A_39 : i32
    %while3A_42 = arith.addi %while3A_36, %while3A_41 : i32
    %while3A_43 = arith.constant 1 : i32
    scf.for %while3A_48 = %while3A_36 to %while3A_42 step %while3A_43  : i32 {
      %rem3A_49 = arith.constant 2 : i32
      %rem3A_50 = arith.remsi %while3A_48, %rem3A_49 : i32
      %sub3A_51 = arith.constant 1 : i32
      %sub3A_52 = arith.subi %sub3A_51, %rem3A_50 : i32
      %add3A_53 = arith.constant 1 : i32
      %add3A_54 = arith.addi %while3A_48, %add3A_53 : i32
      %mul3A_55 = arith.constant 8 : i32
      %mul3A_56 = arith.muli %add3A_54, %mul3A_55 : i32
      %add3A_57 = arith.addi %select_n3A_26, %mul3A_56 : i32
      %add3A_58 = arith.constant 1 : i32
      %add3A_59 = arith.addi %while3A_48, %add3A_58 : i32
      %lt3A = arith.cmpi slt, %add3A_59, %select_n3A_19 : i32
      %convert_element_type3A_60 = arith.extui %lt3A : i1 to i32
      %cond3A_61 = arith.constant 0 : i32
      %cond3A_62 = arith.cmpi ne, %convert_element_type3A_60, %cond3A_61 : i32
      scf.if %cond3A_62 {
        %dma_start3A_262 = arith.constant 0 : i32
        %dma_start3A_263 = arith.constant 0 : i32
        %dma_start3A_264 = tpu.memref_slice %arg7[%sub3A_52, %dma_start3A_262, %dma_start3A_263] : memref<2x8x128xi32, #tpu.memory_space<vmem>> -> memref<1x8x128xi32, #tpu.memory_space<vmem>>
        %dma_start3A_265 = tpu.memref_squeeze %dma_start3A_264 : memref<1x8x128xi32, #tpu.memory_space<vmem>> -> memref<8x128xi32, #tpu.memory_space<vmem>>
        %dma_start3A_266 = arith.constant 0 : i32
        %dma_start3A_267 = tpu.memref_slice %arg3[%add3A_57, %dma_start3A_266] : memref<2560x128xi32, #tpu.memory_space<hbm>> -> memref<8x128xi32, #tpu.memory_space<hbm>>
        %dma_start3A_268 = arith.constant 0 : i32
        %dma_start3A_269 = arith.constant 0 : i32
        %dma_start3A_270 = tpu.memref_slice %arg7[%sub3A_52, %dma_start3A_268, %dma_start3A_269] : memref<2x8x128xi32, #tpu.memory_space<vmem>> -> memref<1x8x128xi32, #tpu.memory_space<vmem>>
        %dma_start3A_271 = tpu.memref_squeeze %dma_start3A_270 : memref<1x8x128xi32, #tpu.memory_space<vmem>> -> memref<8x128xi32, #tpu.memory_space<vmem>>
        %dma_start3A_272 = arith.constant 0 : i32
        %dma_start3A_273 = tpu.memref_slice %arg3[%add3A_57, %dma_start3A_272] : memref<2560x128xi32, #tpu.memory_space<hbm>> -> memref<8x128xi32, #tpu.memory_space<hbm>>
        tpu.enqueue_dma source(%dma_start3A_273 : memref<8x128xi32, #tpu.memory_space<hbm>>) target(%dma_start3A_271 : memref<8x128xi32, #tpu.memory_space<vmem>>) target_semaphore(%arg11 : memref<!tpu.dma_semaphore, #tpu.memory_space<semaphore_mem>>)
        %dma_start3A_274 = arith.constant 0 : i32
        %dma_start3A_275 = arith.constant 0 : i32
        %dma_start3A_276 = tpu.memref_slice %arg8[%sub3A_52, %dma_start3A_274, %dma_start3A_275] : memref<2x8x128xi32, #tpu.memory_space<vmem>> -> memref<1x8x128xi32, #tpu.memory_space<vmem>>
        %dma_start3A_277 = tpu.memref_squeeze %dma_start3A_276 : memref<1x8x128xi32, #tpu.memory_space<vmem>> -> memref<8x128xi32, #tpu.memory_space<vmem>>
        %dma_start3A_278 = arith.constant 0 : i32
        %dma_start3A_279 = tpu.memref_slice %arg4[%add3A_57, %dma_start3A_278] : memref<2560x128xi32, #tpu.memory_space<hbm>> -> memref<8x128xi32, #tpu.memory_space<hbm>>
        %dma_start3A_280 = arith.constant 0 : i32
        %dma_start3A_281 = arith.constant 0 : i32
        %dma_start3A_282 = tpu.memref_slice %arg8[%sub3A_52, %dma_start3A_280, %dma_start3A_281] : memref<2x8x128xi32, #tpu.memory_space<vmem>> -> memref<1x8x128xi32, #tpu.memory_space<vmem>>
        %dma_start3A_283 = tpu.memref_squeeze %dma_start3A_282 : memref<1x8x128xi32, #tpu.memory_space<vmem>> -> memref<8x128xi32, #tpu.memory_space<vmem>>
        %dma_start3A_284 = arith.constant 0 : i32
        %dma_start3A_285 = tpu.memref_slice %arg4[%add3A_57, %dma_start3A_284] : memref<2560x128xi32, #tpu.memory_space<hbm>> -> memref<8x128xi32, #tpu.memory_space<hbm>>
        tpu.enqueue_dma source(%dma_start3A_285 : memref<8x128xi32, #tpu.memory_space<hbm>>) target(%dma_start3A_283 : memref<8x128xi32, #tpu.memory_space<vmem>>) target_semaphore(%arg11 : memref<!tpu.dma_semaphore, #tpu.memory_space<semaphore_mem>>)
      } else {
      }
      %dma_wait3A = arith.constant 0 : i32
      %dma_wait3A_63 = arith.constant 0 : i32
      %dma_wait3A_64 = arith.constant 0 : i32
      %dma_wait3A_65 = arith.constant 0 : i32
      %dma_wait3A_66 = tpu.memref_slice %arg9[%dma_wait3A_63, %dma_wait3A_64, %dma_wait3A_65] : memref<2x128x128xf32, #tpu.memory_space<vmem>> -> memref<1x128x128xf32, #tpu.memory_space<vmem>>
      %dma_wait3A_67 = tpu.memref_squeeze %dma_wait3A_66 : memref<1x128x128xf32, #tpu.memory_space<vmem>> -> memref<128x128xf32, #tpu.memory_space<vmem>>
      %dma_wait3A_68 = arith.constant 0 : i32
      %dma_wait3A_69 = tpu.memref_slice %arg7[%rem3A_50, %dma_wait3A, %dma_wait3A_68] : memref<2x8x128xi32, #tpu.memory_space<vmem>> -> memref<1x1x128xi32, #tpu.memory_space<vmem>>
      %dma_wait3A_70 = tpu.memref_squeeze %dma_wait3A_69 : memref<1x1x128xi32, #tpu.memory_space<vmem>> -> memref<128xi32, #tpu.memory_space<vmem>>
      %dma_wait3A_71 = arith.constant 0 : i32
      %dma_wait3A_72 = arith.constant 0 : i32
      %dma_wait3A_73 = tpu.memref_slice %arg2[%dma_wait3A_71, %dma_wait3A_72] : memref<10240x128xf32, #tpu.memory_space<hbm>> -> memref<10240x128xf32, #tpu.memory_space<hbm>>
      tpu.wait_indirect_dma semaphore(%arg10 : memref<!tpu.dma_semaphore, #tpu.memory_space<semaphore_mem>>) src(%dma_wait3A_73 : memref<10240x128xf32, #tpu.memory_space<hbm>>) dst(%dma_wait3A_67 : memref<128x128xf32, #tpu.memory_space<vmem>>)
      %dma_start3A = arith.constant 1 : i32
      %dma_start3A_74 = arith.constant 1 : i32
      %dma_start3A_75 = arith.constant 0 : i32
      %dma_start3A_76 = arith.constant 0 : i32
      %dma_start3A_77 = tpu.memref_slice %arg9[%dma_start3A_74, %dma_start3A_75, %dma_start3A_76] : memref<2x128x128xf32, #tpu.memory_space<vmem>> -> memref<1x128x128xf32, #tpu.memory_space<vmem>>
      %dma_start3A_78 = tpu.memref_squeeze %dma_start3A_77 : memref<1x128x128xf32, #tpu.memory_space<vmem>> -> memref<128x128xf32, #tpu.memory_space<vmem>>
      %dma_start3A_79 = arith.constant 0 : i32
      %dma_start3A_80 = tpu.memref_slice %arg7[%rem3A_50, %dma_start3A, %dma_start3A_79] : memref<2x8x128xi32, #tpu.memory_space<vmem>> -> memref<1x1x128xi32, #tpu.memory_space<vmem>>
      %dma_start3A_81 = tpu.memref_squeeze %dma_start3A_80 : memref<1x1x128xi32, #tpu.memory_space<vmem>> -> memref<128xi32, #tpu.memory_space<vmem>>
      %dma_start3A_82 = arith.constant 0 : i32
      %dma_start3A_83 = arith.constant 0 : i32
      %dma_start3A_84 = tpu.memref_slice %arg2[%dma_start3A_82, %dma_start3A_83] : memref<10240x128xf32, #tpu.memory_space<hbm>> -> memref<10240x128xf32, #tpu.memory_space<hbm>>
      tpu.enqueue_indirect_dma source(%dma_start3A_84 : memref<10240x128xf32, #tpu.memory_space<hbm>>) target(%dma_start3A_78 : memref<128x128xf32, #tpu.memory_space<vmem>>) offsets(%dma_start3A_81 : memref<128xi32, #tpu.memory_space<vmem>>) semaphore(%arg10 : memref<!tpu.dma_semaphore, #tpu.memory_space<semaphore_mem>>)
      %run_scoped3A = arith.constant 0 : i32
      %run_scoped3A_85 = arith.constant 0 : i32
      "tpu.region"() ({
        %run_scoped3A_262 = tpu.sem_alloc : memref<!tpu.dma_semaphore, #tpu.memory_space<semaphore_mem>>
        %dma_start3A_263 = arith.constant 0 : i32
        %dma_start3A_264 = arith.constant 0 : i32
        %dma_start3A_265 = tpu.memref_slice %arg9[%run_scoped3A, %dma_start3A_263, %dma_start3A_264] : memref<2x128x128xf32, #tpu.memory_space<vmem>> -> memref<1x128x128xf32, #tpu.memory_space<vmem>>
        %dma_start3A_266 = tpu.memref_squeeze %dma_start3A_265 : memref<1x128x128xf32, #tpu.memory_space<vmem>> -> memref<128x128xf32, #tpu.memory_space<vmem>>
        %dma_start3A_267 = arith.constant 0 : i32
        %dma_start3A_268 = tpu.memref_slice %arg8[%rem3A_50, %run_scoped3A_85, %dma_start3A_267] : memref<2x8x128xi32, #tpu.memory_space<vmem>> -> memref<1x1x128xi32, #tpu.memory_space<vmem>>
        %dma_start3A_269 = tpu.memref_squeeze %dma_start3A_268 : memref<1x1x128xi32, #tpu.memory_space<vmem>> -> memref<128xi32, #tpu.memory_space<vmem>>
        %dma_start3A_270 = arith.constant 0 : i32
        %dma_start3A_271 = arith.constant 0 : i32
        %dma_start3A_272 = tpu.memref_slice %arg12[%dma_start3A_270, %dma_start3A_271] : memref<10240x128xf32, #tpu.memory_space<vmem_shared>> -> memref<10240x128xf32, #tpu.memory_space<vmem_shared>>
        tpu.enqueue_indirect_dma source(%dma_start3A_266 : memref<128x128xf32, #tpu.memory_space<vmem>>) target(%dma_start3A_272 : memref<10240x128xf32, #tpu.memory_space<vmem_shared>>) offsets(%dma_start3A_269 : memref<128xi32, #tpu.memory_space<vmem>>) semaphore(%run_scoped3A_262 : memref<!tpu.dma_semaphore, #tpu.memory_space<semaphore_mem>>) {add = true}
        %dma_wait3A_273 = arith.constant 0 : i32
        %dma_wait3A_274 = arith.constant 0 : i32
        %dma_wait3A_275 = tpu.memref_slice %arg9[%run_scoped3A, %dma_wait3A_273, %dma_wait3A_274] : memref<2x128x128xf32, #tpu.memory_space<vmem>> -> memref<1x128x128xf32, #tpu.memory_space<vmem>>
        %dma_wait3A_276 = tpu.memref_squeeze %dma_wait3A_275 : memref<1x128x128xf32, #tpu.memory_space<vmem>> -> memref<128x128xf32, #tpu.memory_space<vmem>>
        %dma_wait3A_277 = arith.constant 0 : i32
        %dma_wait3A_278 = tpu.memref_slice %arg8[%rem3A_50, %run_scoped3A_85, %dma_wait3A_277] : memref<2x8x128xi32, #tpu.memory_space<vmem>> -> memref<1x1x128xi32, #tpu.memory_space<vmem>>
        %dma_wait3A_279 = tpu.memref_squeeze %dma_wait3A_278 : memref<1x1x128xi32, #tpu.memory_space<vmem>> -> memref<128xi32, #tpu.memory_space<vmem>>
        %dma_wait3A_280 = arith.constant 0 : i32
        %dma_wait3A_281 = arith.constant 0 : i32
        %dma_wait3A_282 = tpu.memref_slice %arg12[%dma_wait3A_280, %dma_wait3A_281] : memref<10240x128xf32, #tpu.memory_space<vmem_shared>> -> memref<10240x128xf32, #tpu.memory_space<vmem_shared>>
        tpu.wait_indirect_dma semaphore(%run_scoped3A_262 : memref<!tpu.dma_semaphore, #tpu.memory_space<semaphore_mem>>) src(%dma_wait3A_276 : memref<128x128xf32, #tpu.memory_space<vmem>>) dst(%dma_wait3A_282 : memref<10240x128xf32, #tpu.memory_space<vmem_shared>>)
        tpu.yield
      }) : () -> ()
      %dma_wait3A_86 = arith.constant 1 : i32
      %dma_wait3A_87 = arith.constant 1 : i32
      %dma_wait3A_88 = arith.constant 0 : i32
      %dma_wait3A_89 = arith.constant 0 : i32
      %dma_wait3A_90 = tpu.memref_slice %arg9[%dma_wait3A_87, %dma_wait3A_88, %dma_wait3A_89] : memref<2x128x128xf32, #tpu.memory_space<vmem>> -> memref<1x128x128xf32, #tpu.memory_space<vmem>>
      %dma_wait3A_91 = tpu.memref_squeeze %dma_wait3A_90 : memref<1x128x128xf32, #tpu.memory_space<vmem>> -> memref<128x128xf32, #tpu.memory_space<vmem>>
      %dma_wait3A_92 = arith.constant 0 : i32
      %dma_wait3A_93 = tpu.memref_slice %arg7[%rem3A_50, %dma_wait3A_86, %dma_wait3A_92] : memref<2x8x128xi32, #tpu.memory_space<vmem>> -> memref<1x1x128xi32, #tpu.memory_space<vmem>>
      %dma_wait3A_94 = tpu.memref_squeeze %dma_wait3A_93 : memref<1x1x128xi32, #tpu.memory_space<vmem>> -> memref<128xi32, #tpu.memory_space<vmem>>
      %dma_wait3A_95 = arith.constant 0 : i32
      %dma_wait3A_96 = arith.constant 0 : i32
      %dma_wait3A_97 = tpu.memref_slice %arg2[%dma_wait3A_95, %dma_wait3A_96] : memref<10240x128xf32, #tpu.memory_space<hbm>> -> memref<10240x128xf32, #tpu.memory_space<hbm>>
      tpu.wait_indirect_dma semaphore(%arg10 : memref<!tpu.dma_semaphore, #tpu.memory_space<semaphore_mem>>) src(%dma_wait3A_97 : memref<10240x128xf32, #tpu.memory_space<hbm>>) dst(%dma_wait3A_91 : memref<128x128xf32, #tpu.memory_space<vmem>>)
      %dma_start3A_98 = arith.constant 2 : i32
      %dma_start3A_99 = arith.constant 0 : i32
      %dma_start3A_100 = arith.constant 0 : i32
      %dma_start3A_101 = arith.constant 0 : i32
      %dma_start3A_102 = tpu.memref_slice %arg9[%dma_start3A_99, %dma_start3A_100, %dma_start3A_101] : memref<2x128x128xf32, #tpu.memory_space<vmem>> -> memref<1x128x128xf32, #tpu.memory_space<vmem>>
      %dma_start3A_103 = tpu.memref_squeeze %dma_start3A_102 : memref<1x128x128xf32, #tpu.memory_space<vmem>> -> memref<128x128xf32, #tpu.memory_space<vmem>>
      %dma_start3A_104 = arith.constant 0 : i32
      %dma_start3A_105 = tpu.memref_slice %arg7[%rem3A_50, %dma_start3A_98, %dma_start3A_104] : memref<2x8x128xi32, #tpu.memory_space<vmem>> -> memref<1x1x128xi32, #tpu.memory_space<vmem>>
      %dma_start3A_106 = tpu.memref_squeeze %dma_start3A_105 : memref<1x1x128xi32, #tpu.memory_space<vmem>> -> memref<128xi32, #tpu.memory_space<vmem>>
      %dma_start3A_107 = arith.constant 0 : i32
      %dma_start3A_108 = arith.constant 0 : i32
      %dma_start3A_109 = tpu.memref_slice %arg2[%dma_start3A_107, %dma_start3A_108] : memref<10240x128xf32, #tpu.memory_space<hbm>> -> memref<10240x128xf32, #tpu.memory_space<hbm>>
      tpu.enqueue_indirect_dma source(%dma_start3A_109 : memref<10240x128xf32, #tpu.memory_space<hbm>>) target(%dma_start3A_103 : memref<128x128xf32, #tpu.memory_space<vmem>>) offsets(%dma_start3A_106 : memref<128xi32, #tpu.memory_space<vmem>>) semaphore(%arg10 : memref<!tpu.dma_semaphore, #tpu.memory_space<semaphore_mem>>)
      %run_scoped3A_110 = arith.constant 1 : i32
      %run_scoped3A_111 = arith.constant 1 : i32
      "tpu.region"() ({
        %run_scoped3A_262 = tpu.sem_alloc : memref<!tpu.dma_semaphore, #tpu.memory_space<semaphore_mem>>
        %dma_start3A_263 = arith.constant 0 : i32
        %dma_start3A_264 = arith.constant 0 : i32
        %dma_start3A_265 = tpu.memref_slice %arg9[%run_scoped3A_110, %dma_start3A_263, %dma_start3A_264] : memref<2x128x128xf32, #tpu.memory_space<vmem>> -> memref<1x128x128xf32, #tpu.memory_space<vmem>>
        %dma_start3A_266 = tpu.memref_squeeze %dma_start3A_265 : memref<1x128x128xf32, #tpu.memory_space<vmem>> -> memref<128x128xf32, #tpu.memory_space<vmem>>
        %dma_start3A_267 = arith.constant 0 : i32
        %dma_start3A_268 = tpu.memref_slice %arg8[%rem3A_50, %run_scoped3A_111, %dma_start3A_267] : memref<2x8x128xi32, #tpu.memory_space<vmem>> -> memref<1x1x128xi32, #tpu.memory_space<vmem>>
        %dma_start3A_269 = tpu.memref_squeeze %dma_start3A_268 : memref<1x1x128xi32, #tpu.memory_space<vmem>> -> memref<128xi32, #tpu.memory_space<vmem>>
        %dma_start3A_270 = arith.constant 0 : i32
        %dma_start3A_271 = arith.constant 0 : i32
        %dma_start3A_272 = tpu.memref_slice %arg12[%dma_start3A_270, %dma_start3A_271] : memref<10240x128xf32, #tpu.memory_space<vmem_shared>> -> memref<10240x128xf32, #tpu.memory_space<vmem_shared>>
        tpu.enqueue_indirect_dma source(%dma_start3A_266 : memref<128x128xf32, #tpu.memory_space<vmem>>) target(%dma_start3A_272 : memref<10240x128xf32, #tpu.memory_space<vmem_shared>>) offsets(%dma_start3A_269 : memref<128xi32, #tpu.memory_space<vmem>>) semaphore(%run_scoped3A_262 : memref<!tpu.dma_semaphore, #tpu.memory_space<semaphore_mem>>) {add = true}
        %dma_wait3A_273 = arith.constant 0 : i32
        %dma_wait3A_274 = arith.constant 0 : i32
        %dma_wait3A_275 = tpu.memref_slice %arg9[%run_scoped3A_110, %dma_wait3A_273, %dma_wait3A_274] : memref<2x128x128xf32, #tpu.memory_space<vmem>> -> memref<1x128x128xf32, #tpu.memory_space<vmem>>
        %dma_wait3A_276 = tpu.memref_squeeze %dma_wait3A_275 : memref<1x128x128xf32, #tpu.memory_space<vmem>> -> memref<128x128xf32, #tpu.memory_space<vmem>>
        %dma_wait3A_277 = arith.constant 0 : i32
        %dma_wait3A_278 = tpu.memref_slice %arg8[%rem3A_50, %run_scoped3A_111, %dma_wait3A_277] : memref<2x8x128xi32, #tpu.memory_space<vmem>> -> memref<1x1x128xi32, #tpu.memory_space<vmem>>
        %dma_wait3A_279 = tpu.memref_squeeze %dma_wait3A_278 : memref<1x1x128xi32, #tpu.memory_space<vmem>> -> memref<128xi32, #tpu.memory_space<vmem>>
        %dma_wait3A_280 = arith.constant 0 : i32
        %dma_wait3A_281 = arith.constant 0 : i32
        %dma_wait3A_282 = tpu.memref_slice %arg12[%dma_wait3A_280, %dma_wait3A_281] : memref<10240x128xf32, #tpu.memory_space<vmem_shared>> -> memref<10240x128xf32, #tpu.memory_space<vmem_shared>>
        tpu.wait_indirect_dma semaphore(%run_scoped3A_262 : memref<!tpu.dma_semaphore, #tpu.memory_space<semaphore_mem>>) src(%dma_wait3A_276 : memref<128x128xf32, #tpu.memory_space<vmem>>) dst(%dma_wait3A_282 : memref<10240x128xf32, #tpu.memory_space<vmem_shared>>)
        tpu.yield
      }) : () -> ()
      %dma_wait3A_112 = arith.constant 2 : i32
      %dma_wait3A_113 = arith.constant 0 : i32
      %dma_wait3A_114 = arith.constant 0 : i32
      %dma_wait3A_115 = arith.constant 0 : i32
      %dma_wait3A_116 = tpu.memref_slice %arg9[%dma_wait3A_113, %dma_wait3A_114, %dma_wait3A_115] : memref<2x128x128xf32, #tpu.memory_space<vmem>> -> memref<1x128x128xf32, #tpu.memory_space<vmem>>
      %dma_wait3A_117 = tpu.memref_squeeze %dma_wait3A_116 : memref<1x128x128xf32, #tpu.memory_space<vmem>> -> memref<128x128xf32, #tpu.memory_space<vmem>>
      %dma_wait3A_118 = arith.constant 0 : i32
      %dma_wait3A_119 = tpu.memref_slice %arg7[%rem3A_50, %dma_wait3A_112, %dma_wait3A_118] : memref<2x8x128xi32, #tpu.memory_space<vmem>> -> memref<1x1x128xi32, #tpu.memory_space<vmem>>
      %dma_wait3A_120 = tpu.memref_squeeze %dma_wait3A_119 : memref<1x1x128xi32, #tpu.memory_space<vmem>> -> memref<128xi32, #tpu.memory_space<vmem>>
      %dma_wait3A_121 = arith.constant 0 : i32
      %dma_wait3A_122 = arith.constant 0 : i32
      %dma_wait3A_123 = tpu.memref_slice %arg2[%dma_wait3A_121, %dma_wait3A_122] : memref<10240x128xf32, #tpu.memory_space<hbm>> -> memref<10240x128xf32, #tpu.memory_space<hbm>>
      tpu.wait_indirect_dma semaphore(%arg10 : memref<!tpu.dma_semaphore, #tpu.memory_space<semaphore_mem>>) src(%dma_wait3A_123 : memref<10240x128xf32, #tpu.memory_space<hbm>>) dst(%dma_wait3A_117 : memref<128x128xf32, #tpu.memory_space<vmem>>)
      %dma_start3A_124 = arith.constant 3 : i32
      %dma_start3A_125 = arith.constant 1 : i32
      %dma_start3A_126 = arith.constant 0 : i32
      %dma_start3A_127 = arith.constant 0 : i32
      %dma_start3A_128 = tpu.memref_slice %arg9[%dma_start3A_125, %dma_start3A_126, %dma_start3A_127] : memref<2x128x128xf32, #tpu.memory_space<vmem>> -> memref<1x128x128xf32, #tpu.memory_space<vmem>>
      %dma_start3A_129 = tpu.memref_squeeze %dma_start3A_128 : memref<1x128x128xf32, #tpu.memory_space<vmem>> -> memref<128x128xf32, #tpu.memory_space<vmem>>
      %dma_start3A_130 = arith.constant 0 : i32
      %dma_start3A_131 = tpu.memref_slice %arg7[%rem3A_50, %dma_start3A_124, %dma_start3A_130] : memref<2x8x128xi32, #tpu.memory_space<vmem>> -> memref<1x1x128xi32, #tpu.memory_space<vmem>>
      %dma_start3A_132 = tpu.memref_squeeze %dma_start3A_131 : memref<1x1x128xi32, #tpu.memory_space<vmem>> -> memref<128xi32, #tpu.memory_space<vmem>>
      %dma_start3A_133 = arith.constant 0 : i32
      %dma_start3A_134 = arith.constant 0 : i32
      %dma_start3A_135 = tpu.memref_slice %arg2[%dma_start3A_133, %dma_start3A_134] : memref<10240x128xf32, #tpu.memory_space<hbm>> -> memref<10240x128xf32, #tpu.memory_space<hbm>>
      tpu.enqueue_indirect_dma source(%dma_start3A_135 : memref<10240x128xf32, #tpu.memory_space<hbm>>) target(%dma_start3A_129 : memref<128x128xf32, #tpu.memory_space<vmem>>) offsets(%dma_start3A_132 : memref<128xi32, #tpu.memory_space<vmem>>) semaphore(%arg10 : memref<!tpu.dma_semaphore, #tpu.memory_space<semaphore_mem>>)
      %run_scoped3A_136 = arith.constant 0 : i32
      %run_scoped3A_137 = arith.constant 2 : i32
      "tpu.region"() ({
        %run_scoped3A_262 = tpu.sem_alloc : memref<!tpu.dma_semaphore, #tpu.memory_space<semaphore_mem>>
        %dma_start3A_263 = arith.constant 0 : i32
        %dma_start3A_264 = arith.constant 0 : i32
        %dma_start3A_265 = tpu.memref_slice %arg9[%run_scoped3A_136, %dma_start3A_263, %dma_start3A_264] : memref<2x128x128xf32, #tpu.memory_space<vmem>> -> memref<1x128x128xf32, #tpu.memory_space<vmem>>
        %dma_start3A_266 = tpu.memref_squeeze %dma_start3A_265 : memref<1x128x128xf32, #tpu.memory_space<vmem>> -> memref<128x128xf32, #tpu.memory_space<vmem>>
        %dma_start3A_267 = arith.constant 0 : i32
        %dma_start3A_268 = tpu.memref_slice %arg8[%rem3A_50, %run_scoped3A_137, %dma_start3A_267] : memref<2x8x128xi32, #tpu.memory_space<vmem>> -> memref<1x1x128xi32, #tpu.memory_space<vmem>>
        %dma_start3A_269 = tpu.memref_squeeze %dma_start3A_268 : memref<1x1x128xi32, #tpu.memory_space<vmem>> -> memref<128xi32, #tpu.memory_space<vmem>>
        %dma_start3A_270 = arith.constant 0 : i32
        %dma_start3A_271 = arith.constant 0 : i32
        %dma_start3A_272 = tpu.memref_slice %arg12[%dma_start3A_270, %dma_start3A_271] : memref<10240x128xf32, #tpu.memory_space<vmem_shared>> -> memref<10240x128xf32, #tpu.memory_space<vmem_shared>>
        tpu.enqueue_indirect_dma source(%dma_start3A_266 : memref<128x128xf32, #tpu.memory_space<vmem>>) target(%dma_start3A_272 : memref<10240x128xf32, #tpu.memory_space<vmem_shared>>) offsets(%dma_start3A_269 : memref<128xi32, #tpu.memory_space<vmem>>) semaphore(%run_scoped3A_262 : memref<!tpu.dma_semaphore, #tpu.memory_space<semaphore_mem>>) {add = true}
        %dma_wait3A_273 = arith.constant 0 : i32
        %dma_wait3A_274 = arith.constant 0 : i32
        %dma_wait3A_275 = tpu.memref_slice %arg9[%run_scoped3A_136, %dma_wait3A_273, %dma_wait3A_274] : memref<2x128x128xf32, #tpu.memory_space<vmem>> -> memref<1x128x128xf32, #tpu.memory_space<vmem>>
        %dma_wait3A_276 = tpu.memref_squeeze %dma_wait3A_275 : memref<1x128x128xf32, #tpu.memory_space<vmem>> -> memref<128x128xf32, #tpu.memory_space<vmem>>
        %dma_wait3A_277 = arith.constant 0 : i32
        %dma_wait3A_278 = tpu.memref_slice %arg8[%rem3A_50, %run_scoped3A_137, %dma_wait3A_277] : memref<2x8x128xi32, #tpu.memory_space<vmem>> -> memref<1x1x128xi32, #tpu.memory_space<vmem>>
        %dma_wait3A_279 = tpu.memref_squeeze %dma_wait3A_278 : memref<1x1x128xi32, #tpu.memory_space<vmem>> -> memref<128xi32, #tpu.memory_space<vmem>>
        %dma_wait3A_280 = arith.constant 0 : i32
        %dma_wait3A_281 = arith.constant 0 : i32
        %dma_wait3A_282 = tpu.memref_slice %arg12[%dma_wait3A_280, %dma_wait3A_281] : memref<10240x128xf32, #tpu.memory_space<vmem_shared>> -> memref<10240x128xf32, #tpu.memory_space<vmem_shared>>
        tpu.wait_indirect_dma semaphore(%run_scoped3A_262 : memref<!tpu.dma_semaphore, #tpu.memory_space<semaphore_mem>>) src(%dma_wait3A_276 : memref<128x128xf32, #tpu.memory_space<vmem>>) dst(%dma_wait3A_282 : memref<10240x128xf32, #tpu.memory_space<vmem_shared>>)
        tpu.yield
      }) : () -> ()
      %dma_wait3A_138 = arith.constant 3 : i32
      %dma_wait3A_139 = arith.constant 1 : i32
      %dma_wait3A_140 = arith.constant 0 : i32
      %dma_wait3A_141 = arith.constant 0 : i32
      %dma_wait3A_142 = tpu.memref_slice %arg9[%dma_wait3A_139, %dma_wait3A_140, %dma_wait3A_141] : memref<2x128x128xf32, #tpu.memory_space<vmem>> -> memref<1x128x128xf32, #tpu.memory_space<vmem>>
      %dma_wait3A_143 = tpu.memref_squeeze %dma_wait3A_142 : memref<1x128x128xf32, #tpu.memory_space<vmem>> -> memref<128x128xf32, #tpu.memory_space<vmem>>
      %dma_wait3A_144 = arith.constant 0 : i32
      %dma_wait3A_145 = tpu.memref_slice %arg7[%rem3A_50, %dma_wait3A_138, %dma_wait3A_144] : memref<2x8x128xi32, #tpu.memory_space<vmem>> -> memref<1x1x128xi32, #tpu.memory_space<vmem>>
      %dma_wait3A_146 = tpu.memref_squeeze %dma_wait3A_145 : memref<1x1x128xi32, #tpu.memory_space<vmem>> -> memref<128xi32, #tpu.memory_space<vmem>>
      %dma_wait3A_147 = arith.constant 0 : i32
      %dma_wait3A_148 = arith.constant 0 : i32
      %dma_wait3A_149 = tpu.memref_slice %arg2[%dma_wait3A_147, %dma_wait3A_148] : memref<10240x128xf32, #tpu.memory_space<hbm>> -> memref<10240x128xf32, #tpu.memory_space<hbm>>
      tpu.wait_indirect_dma semaphore(%arg10 : memref<!tpu.dma_semaphore, #tpu.memory_space<semaphore_mem>>) src(%dma_wait3A_149 : memref<10240x128xf32, #tpu.memory_space<hbm>>) dst(%dma_wait3A_143 : memref<128x128xf32, #tpu.memory_space<vmem>>)
      %dma_start3A_150 = arith.constant 4 : i32
      %dma_start3A_151 = arith.constant 0 : i32
      %dma_start3A_152 = arith.constant 0 : i32
      %dma_start3A_153 = arith.constant 0 : i32
      %dma_start3A_154 = tpu.memref_slice %arg9[%dma_start3A_151, %dma_start3A_152, %dma_start3A_153] : memref<2x128x128xf32, #tpu.memory_space<vmem>> -> memref<1x128x128xf32, #tpu.memory_space<vmem>>
      %dma_start3A_155 = tpu.memref_squeeze %dma_start3A_154 : memref<1x128x128xf32, #tpu.memory_space<vmem>> -> memref<128x128xf32, #tpu.memory_space<vmem>>
      %dma_start3A_156 = arith.constant 0 : i32
      %dma_start3A_157 = tpu.memref_slice %arg7[%rem3A_50, %dma_start3A_150, %dma_start3A_156] : memref<2x8x128xi32, #tpu.memory_space<vmem>> -> memref<1x1x128xi32, #tpu.memory_space<vmem>>
      %dma_start3A_158 = tpu.memref_squeeze %dma_start3A_157 : memref<1x1x128xi32, #tpu.memory_space<vmem>> -> memref<128xi32, #tpu.memory_space<vmem>>
      %dma_start3A_159 = arith.constant 0 : i32
      %dma_start3A_160 = arith.constant 0 : i32
      %dma_start3A_161 = tpu.memref_slice %arg2[%dma_start3A_159, %dma_start3A_160] : memref<10240x128xf32, #tpu.memory_space<hbm>> -> memref<10240x128xf32, #tpu.memory_space<hbm>>
      tpu.enqueue_indirect_dma source(%dma_start3A_161 : memref<10240x128xf32, #tpu.memory_space<hbm>>) target(%dma_start3A_155 : memref<128x128xf32, #tpu.memory_space<vmem>>) offsets(%dma_start3A_158 : memref<128xi32, #tpu.memory_space<vmem>>) semaphore(%arg10 : memref<!tpu.dma_semaphore, #tpu.memory_space<semaphore_mem>>)
      %run_scoped3A_162 = arith.constant 1 : i32
      %run_scoped3A_163 = arith.constant 3 : i32
      "tpu.region"() ({
        %run_scoped3A_262 = tpu.sem_alloc : memref<!tpu.dma_semaphore, #tpu.memory_space<semaphore_mem>>
        %dma_start3A_263 = arith.constant 0 : i32
        %dma_start3A_264 = arith.constant 0 : i32
        %dma_start3A_265 = tpu.memref_slice %arg9[%run_scoped3A_162, %dma_start3A_263, %dma_start3A_264] : memref<2x128x128xf32, #tpu.memory_space<vmem>> -> memref<1x128x128xf32, #tpu.memory_space<vmem>>
        %dma_start3A_266 = tpu.memref_squeeze %dma_start3A_265 : memref<1x128x128xf32, #tpu.memory_space<vmem>> -> memref<128x128xf32, #tpu.memory_space<vmem>>
        %dma_start3A_267 = arith.constant 0 : i32
        %dma_start3A_268 = tpu.memref_slice %arg8[%rem3A_50, %run_scoped3A_163, %dma_start3A_267] : memref<2x8x128xi32, #tpu.memory_space<vmem>> -> memref<1x1x128xi32, #tpu.memory_space<vmem>>
        %dma_start3A_269 = tpu.memref_squeeze %dma_start3A_268 : memref<1x1x128xi32, #tpu.memory_space<vmem>> -> memref<128xi32, #tpu.memory_space<vmem>>
        %dma_start3A_270 = arith.constant 0 : i32
        %dma_start3A_271 = arith.constant 0 : i32
        %dma_start3A_272 = tpu.memref_slice %arg12[%dma_start3A_270, %dma_start3A_271] : memref<10240x128xf32, #tpu.memory_space<vmem_shared>> -> memref<10240x128xf32, #tpu.memory_space<vmem_shared>>
        tpu.enqueue_indirect_dma source(%dma_start3A_266 : memref<128x128xf32, #tpu.memory_space<vmem>>) target(%dma_start3A_272 : memref<10240x128xf32, #tpu.memory_space<vmem_shared>>) offsets(%dma_start3A_269 : memref<128xi32, #tpu.memory_space<vmem>>) semaphore(%run_scoped3A_262 : memref<!tpu.dma_semaphore, #tpu.memory_space<semaphore_mem>>) {add = true}
        %dma_wait3A_273 = arith.constant 0 : i32
        %dma_wait3A_274 = arith.constant 0 : i32
        %dma_wait3A_275 = tpu.memref_slice %arg9[%run_scoped3A_162, %dma_wait3A_273, %dma_wait3A_274] : memref<2x128x128xf32, #tpu.memory_space<vmem>> -> memref<1x128x128xf32, #tpu.memory_space<vmem>>
        %dma_wait3A_276 = tpu.memref_squeeze %dma_wait3A_275 : memref<1x128x128xf32, #tpu.memory_space<vmem>> -> memref<128x128xf32, #tpu.memory_space<vmem>>
        %dma_wait3A_277 = arith.constant 0 : i32
        %dma_wait3A_278 = tpu.memref_slice %arg8[%rem3A_50, %run_scoped3A_163, %dma_wait3A_277] : memref<2x8x128xi32, #tpu.memory_space<vmem>> -> memref<1x1x128xi32, #tpu.memory_space<vmem>>
        %dma_wait3A_279 = tpu.memref_squeeze %dma_wait3A_278 : memref<1x1x128xi32, #tpu.memory_space<vmem>> -> memref<128xi32, #tpu.memory_space<vmem>>
        %dma_wait3A_280 = arith.constant 0 : i32
        %dma_wait3A_281 = arith.constant 0 : i32
        %dma_wait3A_282 = tpu.memref_slice %arg12[%dma_wait3A_280, %dma_wait3A_281] : memref<10240x128xf32, #tpu.memory_space<vmem_shared>> -> memref<10240x128xf32, #tpu.memory_space<vmem_shared>>
        tpu.wait_indirect_dma semaphore(%run_scoped3A_262 : memref<!tpu.dma_semaphore, #tpu.memory_space<semaphore_mem>>) src(%dma_wait3A_276 : memref<128x128xf32, #tpu.memory_space<vmem>>) dst(%dma_wait3A_282 : memref<10240x128xf32, #tpu.memory_space<vmem_shared>>)
        tpu.yield
      }) : () -> ()
      %dma_wait3A_164 = arith.constant 4 : i32
      %dma_wait3A_165 = arith.constant 0 : i32
      %dma_wait3A_166 = arith.constant 0 : i32
      %dma_wait3A_167 = arith.constant 0 : i32
      %dma_wait3A_168 = tpu.memref_slice %arg9[%dma_wait3A_165, %dma_wait3A_166, %dma_wait3A_167] : memref<2x128x128xf32, #tpu.memory_space<vmem>> -> memref<1x128x128xf32, #tpu.memory_space<vmem>>
      %dma_wait3A_169 = tpu.memref_squeeze %dma_wait3A_168 : memref<1x128x128xf32, #tpu.memory_space<vmem>> -> memref<128x128xf32, #tpu.memory_space<vmem>>
      %dma_wait3A_170 = arith.constant 0 : i32
      %dma_wait3A_171 = tpu.memref_slice %arg7[%rem3A_50, %dma_wait3A_164, %dma_wait3A_170] : memref<2x8x128xi32, #tpu.memory_space<vmem>> -> memref<1x1x128xi32, #tpu.memory_space<vmem>>
      %dma_wait3A_172 = tpu.memref_squeeze %dma_wait3A_171 : memref<1x1x128xi32, #tpu.memory_space<vmem>> -> memref<128xi32, #tpu.memory_space<vmem>>
      %dma_wait3A_173 = arith.constant 0 : i32
      %dma_wait3A_174 = arith.constant 0 : i32
      %dma_wait3A_175 = tpu.memref_slice %arg2[%dma_wait3A_173, %dma_wait3A_174] : memref<10240x128xf32, #tpu.memory_space<hbm>> -> memref<10240x128xf32, #tpu.memory_space<hbm>>
      tpu.wait_indirect_dma semaphore(%arg10 : memref<!tpu.dma_semaphore, #tpu.memory_space<semaphore_mem>>) src(%dma_wait3A_175 : memref<10240x128xf32, #tpu.memory_space<hbm>>) dst(%dma_wait3A_169 : memref<128x128xf32, #tpu.memory_space<vmem>>)
      %dma_start3A_176 = arith.constant 5 : i32
      %dma_start3A_177 = arith.constant 1 : i32
      %dma_start3A_178 = arith.constant 0 : i32
      %dma_start3A_179 = arith.constant 0 : i32
      %dma_start3A_180 = tpu.memref_slice %arg9[%dma_start3A_177, %dma_start3A_178, %dma_start3A_179] : memref<2x128x128xf32, #tpu.memory_space<vmem>> -> memref<1x128x128xf32, #tpu.memory_space<vmem>>
      %dma_start3A_181 = tpu.memref_squeeze %dma_start3A_180 : memref<1x128x128xf32, #tpu.memory_space<vmem>> -> memref<128x128xf32, #tpu.memory_space<vmem>>
      %dma_start3A_182 = arith.constant 0 : i32
      %dma_start3A_183 = tpu.memref_slice %arg7[%rem3A_50, %dma_start3A_176, %dma_start3A_182] : memref<2x8x128xi32, #tpu.memory_space<vmem>> -> memref<1x1x128xi32, #tpu.memory_space<vmem>>
      %dma_start3A_184 = tpu.memref_squeeze %dma_start3A_183 : memref<1x1x128xi32, #tpu.memory_space<vmem>> -> memref<128xi32, #tpu.memory_space<vmem>>
      %dma_start3A_185 = arith.constant 0 : i32
      %dma_start3A_186 = arith.constant 0 : i32
      %dma_start3A_187 = tpu.memref_slice %arg2[%dma_start3A_185, %dma_start3A_186] : memref<10240x128xf32, #tpu.memory_space<hbm>> -> memref<10240x128xf32, #tpu.memory_space<hbm>>
      tpu.enqueue_indirect_dma source(%dma_start3A_187 : memref<10240x128xf32, #tpu.memory_space<hbm>>) target(%dma_start3A_181 : memref<128x128xf32, #tpu.memory_space<vmem>>) offsets(%dma_start3A_184 : memref<128xi32, #tpu.memory_space<vmem>>) semaphore(%arg10 : memref<!tpu.dma_semaphore, #tpu.memory_space<semaphore_mem>>)
      %run_scoped3A_188 = arith.constant 0 : i32
      %run_scoped3A_189 = arith.constant 4 : i32
      "tpu.region"() ({
        %run_scoped3A_262 = tpu.sem_alloc : memref<!tpu.dma_semaphore, #tpu.memory_space<semaphore_mem>>
        %dma_start3A_263 = arith.constant 0 : i32
        %dma_start3A_264 = arith.constant 0 : i32
        %dma_start3A_265 = tpu.memref_slice %arg9[%run_scoped3A_188, %dma_start3A_263, %dma_start3A_264] : memref<2x128x128xf32, #tpu.memory_space<vmem>> -> memref<1x128x128xf32, #tpu.memory_space<vmem>>
        %dma_start3A_266 = tpu.memref_squeeze %dma_start3A_265 : memref<1x128x128xf32, #tpu.memory_space<vmem>> -> memref<128x128xf32, #tpu.memory_space<vmem>>
        %dma_start3A_267 = arith.constant 0 : i32
        %dma_start3A_268 = tpu.memref_slice %arg8[%rem3A_50, %run_scoped3A_189, %dma_start3A_267] : memref<2x8x128xi32, #tpu.memory_space<vmem>> -> memref<1x1x128xi32, #tpu.memory_space<vmem>>
        %dma_start3A_269 = tpu.memref_squeeze %dma_start3A_268 : memref<1x1x128xi32, #tpu.memory_space<vmem>> -> memref<128xi32, #tpu.memory_space<vmem>>
        %dma_start3A_270 = arith.constant 0 : i32
        %dma_start3A_271 = arith.constant 0 : i32
        %dma_start3A_272 = tpu.memref_slice %arg12[%dma_start3A_270, %dma_start3A_271] : memref<10240x128xf32, #tpu.memory_space<vmem_shared>> -> memref<10240x128xf32, #tpu.memory_space<vmem_shared>>
        tpu.enqueue_indirect_dma source(%dma_start3A_266 : memref<128x128xf32, #tpu.memory_space<vmem>>) target(%dma_start3A_272 : memref<10240x128xf32, #tpu.memory_space<vmem_shared>>) offsets(%dma_start3A_269 : memref<128xi32, #tpu.memory_space<vmem>>) semaphore(%run_scoped3A_262 : memref<!tpu.dma_semaphore, #tpu.memory_space<semaphore_mem>>) {add = true}
        %dma_wait3A_273 = arith.constant 0 : i32
        %dma_wait3A_274 = arith.constant 0 : i32
        %dma_wait3A_275 = tpu.memref_slice %arg9[%run_scoped3A_188, %dma_wait3A_273, %dma_wait3A_274] : memref<2x128x128xf32, #tpu.memory_space<vmem>> -> memref<1x128x128xf32, #tpu.memory_space<vmem>>
        %dma_wait3A_276 = tpu.memref_squeeze %dma_wait3A_275 : memref<1x128x128xf32, #tpu.memory_space<vmem>> -> memref<128x128xf32, #tpu.memory_space<vmem>>
        %dma_wait3A_277 = arith.constant 0 : i32
        %dma_wait3A_278 = tpu.memref_slice %arg8[%rem3A_50, %run_scoped3A_189, %dma_wait3A_277] : memref<2x8x128xi32, #tpu.memory_space<vmem>> -> memref<1x1x128xi32, #tpu.memory_space<vmem>>
        %dma_wait3A_279 = tpu.memref_squeeze %dma_wait3A_278 : memref<1x1x128xi32, #tpu.memory_space<vmem>> -> memref<128xi32, #tpu.memory_space<vmem>>
        %dma_wait3A_280 = arith.constant 0 : i32
        %dma_wait3A_281 = arith.constant 0 : i32
        %dma_wait3A_282 = tpu.memref_slice %arg12[%dma_wait3A_280, %dma_wait3A_281] : memref<10240x128xf32, #tpu.memory_space<vmem_shared>> -> memref<10240x128xf32, #tpu.memory_space<vmem_shared>>
        tpu.wait_indirect_dma semaphore(%run_scoped3A_262 : memref<!tpu.dma_semaphore, #tpu.memory_space<semaphore_mem>>) src(%dma_wait3A_276 : memref<128x128xf32, #tpu.memory_space<vmem>>) dst(%dma_wait3A_282 : memref<10240x128xf32, #tpu.memory_space<vmem_shared>>)
        tpu.yield
      }) : () -> ()
      %dma_wait3A_190 = arith.constant 5 : i32
      %dma_wait3A_191 = arith.constant 1 : i32
      %dma_wait3A_192 = arith.constant 0 : i32
      %dma_wait3A_193 = arith.constant 0 : i32
      %dma_wait3A_194 = tpu.memref_slice %arg9[%dma_wait3A_191, %dma_wait3A_192, %dma_wait3A_193] : memref<2x128x128xf32, #tpu.memory_space<vmem>> -> memref<1x128x128xf32, #tpu.memory_space<vmem>>
      %dma_wait3A_195 = tpu.memref_squeeze %dma_wait3A_194 : memref<1x128x128xf32, #tpu.memory_space<vmem>> -> memref<128x128xf32, #tpu.memory_space<vmem>>
      %dma_wait3A_196 = arith.constant 0 : i32
      %dma_wait3A_197 = tpu.memref_slice %arg7[%rem3A_50, %dma_wait3A_190, %dma_wait3A_196] : memref<2x8x128xi32, #tpu.memory_space<vmem>> -> memref<1x1x128xi32, #tpu.memory_space<vmem>>
      %dma_wait3A_198 = tpu.memref_squeeze %dma_wait3A_197 : memref<1x1x128xi32, #tpu.memory_space<vmem>> -> memref<128xi32, #tpu.memory_space<vmem>>
      %dma_wait3A_199 = arith.constant 0 : i32
      %dma_wait3A_200 = arith.constant 0 : i32
      %dma_wait3A_201 = tpu.memref_slice %arg2[%dma_wait3A_199, %dma_wait3A_200] : memref<10240x128xf32, #tpu.memory_space<hbm>> -> memref<10240x128xf32, #tpu.memory_space<hbm>>
      tpu.wait_indirect_dma semaphore(%arg10 : memref<!tpu.dma_semaphore, #tpu.memory_space<semaphore_mem>>) src(%dma_wait3A_201 : memref<10240x128xf32, #tpu.memory_space<hbm>>) dst(%dma_wait3A_195 : memref<128x128xf32, #tpu.memory_space<vmem>>)
      %dma_start3A_202 = arith.constant 6 : i32
      %dma_start3A_203 = arith.constant 0 : i32
      %dma_start3A_204 = arith.constant 0 : i32
      %dma_start3A_205 = arith.constant 0 : i32
      %dma_start3A_206 = tpu.memref_slice %arg9[%dma_start3A_203, %dma_start3A_204, %dma_start3A_205] : memref<2x128x128xf32, #tpu.memory_space<vmem>> -> memref<1x128x128xf32, #tpu.memory_space<vmem>>
      %dma_start3A_207 = tpu.memref_squeeze %dma_start3A_206 : memref<1x128x128xf32, #tpu.memory_space<vmem>> -> memref<128x128xf32, #tpu.memory_space<vmem>>
      %dma_start3A_208 = arith.constant 0 : i32
      %dma_start3A_209 = tpu.memref_slice %arg7[%rem3A_50, %dma_start3A_202, %dma_start3A_208] : memref<2x8x128xi32, #tpu.memory_space<vmem>> -> memref<1x1x128xi32, #tpu.memory_space<vmem>>
      %dma_start3A_210 = tpu.memref_squeeze %dma_start3A_209 : memref<1x1x128xi32, #tpu.memory_space<vmem>> -> memref<128xi32, #tpu.memory_space<vmem>>
      %dma_start3A_211 = arith.constant 0 : i32
      %dma_start3A_212 = arith.constant 0 : i32
      %dma_start3A_213 = tpu.memref_slice %arg2[%dma_start3A_211, %dma_start3A_212] : memref<10240x128xf32, #tpu.memory_space<hbm>> -> memref<10240x128xf32, #tpu.memory_space<hbm>>
      tpu.enqueue_indirect_dma source(%dma_start3A_213 : memref<10240x128xf32, #tpu.memory_space<hbm>>) target(%dma_start3A_207 : memref<128x128xf32, #tpu.memory_space<vmem>>) offsets(%dma_start3A_210 : memref<128xi32, #tpu.memory_space<vmem>>) semaphore(%arg10 : memref<!tpu.dma_semaphore, #tpu.memory_space<semaphore_mem>>)
      %run_scoped3A_214 = arith.constant 1 : i32
      %run_scoped3A_215 = arith.constant 5 : i32
      "tpu.region"() ({
        %run_scoped3A_262 = tpu.sem_alloc : memref<!tpu.dma_semaphore, #tpu.memory_space<semaphore_mem>>
        %dma_start3A_263 = arith.constant 0 : i32
        %dma_start3A_264 = arith.constant 0 : i32
        %dma_start3A_265 = tpu.memref_slice %arg9[%run_scoped3A_214, %dma_start3A_263, %dma_start3A_264] : memref<2x128x128xf32, #tpu.memory_space<vmem>> -> memref<1x128x128xf32, #tpu.memory_space<vmem>>
        %dma_start3A_266 = tpu.memref_squeeze %dma_start3A_265 : memref<1x128x128xf32, #tpu.memory_space<vmem>> -> memref<128x128xf32, #tpu.memory_space<vmem>>
        %dma_start3A_267 = arith.constant 0 : i32
        %dma_start3A_268 = tpu.memref_slice %arg8[%rem3A_50, %run_scoped3A_215, %dma_start3A_267] : memref<2x8x128xi32, #tpu.memory_space<vmem>> -> memref<1x1x128xi32, #tpu.memory_space<vmem>>
        %dma_start3A_269 = tpu.memref_squeeze %dma_start3A_268 : memref<1x1x128xi32, #tpu.memory_space<vmem>> -> memref<128xi32, #tpu.memory_space<vmem>>
        %dma_start3A_270 = arith.constant 0 : i32
        %dma_start3A_271 = arith.constant 0 : i32
        %dma_start3A_272 = tpu.memref_slice %arg12[%dma_start3A_270, %dma_start3A_271] : memref<10240x128xf32, #tpu.memory_space<vmem_shared>> -> memref<10240x128xf32, #tpu.memory_space<vmem_shared>>
        tpu.enqueue_indirect_dma source(%dma_start3A_266 : memref<128x128xf32, #tpu.memory_space<vmem>>) target(%dma_start3A_272 : memref<10240x128xf32, #tpu.memory_space<vmem_shared>>) offsets(%dma_start3A_269 : memref<128xi32, #tpu.memory_space<vmem>>) semaphore(%run_scoped3A_262 : memref<!tpu.dma_semaphore, #tpu.memory_space<semaphore_mem>>) {add = true}
        %dma_wait3A_273 = arith.constant 0 : i32
        %dma_wait3A_274 = arith.constant 0 : i32
        %dma_wait3A_275 = tpu.memref_slice %arg9[%run_scoped3A_214, %dma_wait3A_273, %dma_wait3A_274] : memref<2x128x128xf32, #tpu.memory_space<vmem>> -> memref<1x128x128xf32, #tpu.memory_space<vmem>>
        %dma_wait3A_276 = tpu.memref_squeeze %dma_wait3A_275 : memref<1x128x128xf32, #tpu.memory_space<vmem>> -> memref<128x128xf32, #tpu.memory_space<vmem>>
        %dma_wait3A_277 = arith.constant 0 : i32
        %dma_wait3A_278 = tpu.memref_slice %arg8[%rem3A_50, %run_scoped3A_215, %dma_wait3A_277] : memref<2x8x128xi32, #tpu.memory_space<vmem>> -> memref<1x1x128xi32, #tpu.memory_space<vmem>>
        %dma_wait3A_279 = tpu.memref_squeeze %dma_wait3A_278 : memref<1x1x128xi32, #tpu.memory_space<vmem>> -> memref<128xi32, #tpu.memory_space<vmem>>
        %dma_wait3A_280 = arith.constant 0 : i32
        %dma_wait3A_281 = arith.constant 0 : i32
        %dma_wait3A_282 = tpu.memref_slice %arg12[%dma_wait3A_280, %dma_wait3A_281] : memref<10240x128xf32, #tpu.memory_space<vmem_shared>> -> memref<10240x128xf32, #tpu.memory_space<vmem_shared>>
        tpu.wait_indirect_dma semaphore(%run_scoped3A_262 : memref<!tpu.dma_semaphore, #tpu.memory_space<semaphore_mem>>) src(%dma_wait3A_276 : memref<128x128xf32, #tpu.memory_space<vmem>>) dst(%dma_wait3A_282 : memref<10240x128xf32, #tpu.memory_space<vmem_shared>>)
        tpu.yield
      }) : () -> ()
      %dma_wait3A_216 = arith.constant 6 : i32
      %dma_wait3A_217 = arith.constant 0 : i32
      %dma_wait3A_218 = arith.constant 0 : i32
      %dma_wait3A_219 = arith.constant 0 : i32
      %dma_wait3A_220 = tpu.memref_slice %arg9[%dma_wait3A_217, %dma_wait3A_218, %dma_wait3A_219] : memref<2x128x128xf32, #tpu.memory_space<vmem>> -> memref<1x128x128xf32, #tpu.memory_space<vmem>>
      %dma_wait3A_221 = tpu.memref_squeeze %dma_wait3A_220 : memref<1x128x128xf32, #tpu.memory_space<vmem>> -> memref<128x128xf32, #tpu.memory_space<vmem>>
      %dma_wait3A_222 = arith.constant 0 : i32
      %dma_wait3A_223 = tpu.memref_slice %arg7[%rem3A_50, %dma_wait3A_216, %dma_wait3A_222] : memref<2x8x128xi32, #tpu.memory_space<vmem>> -> memref<1x1x128xi32, #tpu.memory_space<vmem>>
      %dma_wait3A_224 = tpu.memref_squeeze %dma_wait3A_223 : memref<1x1x128xi32, #tpu.memory_space<vmem>> -> memref<128xi32, #tpu.memory_space<vmem>>
      %dma_wait3A_225 = arith.constant 0 : i32
      %dma_wait3A_226 = arith.constant 0 : i32
      %dma_wait3A_227 = tpu.memref_slice %arg2[%dma_wait3A_225, %dma_wait3A_226] : memref<10240x128xf32, #tpu.memory_space<hbm>> -> memref<10240x128xf32, #tpu.memory_space<hbm>>
      tpu.wait_indirect_dma semaphore(%arg10 : memref<!tpu.dma_semaphore, #tpu.memory_space<semaphore_mem>>) src(%dma_wait3A_227 : memref<10240x128xf32, #tpu.memory_space<hbm>>) dst(%dma_wait3A_221 : memref<128x128xf32, #tpu.memory_space<vmem>>)
      %dma_start3A_228 = arith.constant 7 : i32
      %dma_start3A_229 = arith.constant 1 : i32
      %dma_start3A_230 = arith.constant 0 : i32
      %dma_start3A_231 = arith.constant 0 : i32
      %dma_start3A_232 = tpu.memref_slice %arg9[%dma_start3A_229, %dma_start3A_230, %dma_start3A_231] : memref<2x128x128xf32, #tpu.memory_space<vmem>> -> memref<1x128x128xf32, #tpu.memory_space<vmem>>
      %dma_start3A_233 = tpu.memref_squeeze %dma_start3A_232 : memref<1x128x128xf32, #tpu.memory_space<vmem>> -> memref<128x128xf32, #tpu.memory_space<vmem>>
      %dma_start3A_234 = arith.constant 0 : i32
      %dma_start3A_235 = tpu.memref_slice %arg7[%rem3A_50, %dma_start3A_228, %dma_start3A_234] : memref<2x8x128xi32, #tpu.memory_space<vmem>> -> memref<1x1x128xi32, #tpu.memory_space<vmem>>
      %dma_start3A_236 = tpu.memref_squeeze %dma_start3A_235 : memref<1x1x128xi32, #tpu.memory_space<vmem>> -> memref<128xi32, #tpu.memory_space<vmem>>
      %dma_start3A_237 = arith.constant 0 : i32
      %dma_start3A_238 = arith.constant 0 : i32
      %dma_start3A_239 = tpu.memref_slice %arg2[%dma_start3A_237, %dma_start3A_238] : memref<10240x128xf32, #tpu.memory_space<hbm>> -> memref<10240x128xf32, #tpu.memory_space<hbm>>
      tpu.enqueue_indirect_dma source(%dma_start3A_239 : memref<10240x128xf32, #tpu.memory_space<hbm>>) target(%dma_start3A_233 : memref<128x128xf32, #tpu.memory_space<vmem>>) offsets(%dma_start3A_236 : memref<128xi32, #tpu.memory_space<vmem>>) semaphore(%arg10 : memref<!tpu.dma_semaphore, #tpu.memory_space<semaphore_mem>>)
      %run_scoped3A_240 = arith.constant 0 : i32
      %run_scoped3A_241 = arith.constant 6 : i32
      "tpu.region"() ({
        %run_scoped3A_262 = tpu.sem_alloc : memref<!tpu.dma_semaphore, #tpu.memory_space<semaphore_mem>>
        %dma_start3A_263 = arith.constant 0 : i32
        %dma_start3A_264 = arith.constant 0 : i32
        %dma_start3A_265 = tpu.memref_slice %arg9[%run_scoped3A_240, %dma_start3A_263, %dma_start3A_264] : memref<2x128x128xf32, #tpu.memory_space<vmem>> -> memref<1x128x128xf32, #tpu.memory_space<vmem>>
        %dma_start3A_266 = tpu.memref_squeeze %dma_start3A_265 : memref<1x128x128xf32, #tpu.memory_space<vmem>> -> memref<128x128xf32, #tpu.memory_space<vmem>>
        %dma_start3A_267 = arith.constant 0 : i32
        %dma_start3A_268 = tpu.memref_slice %arg8[%rem3A_50, %run_scoped3A_241, %dma_start3A_267] : memref<2x8x128xi32, #tpu.memory_space<vmem>> -> memref<1x1x128xi32, #tpu.memory_space<vmem>>
        %dma_start3A_269 = tpu.memref_squeeze %dma_start3A_268 : memref<1x1x128xi32, #tpu.memory_space<vmem>> -> memref<128xi32, #tpu.memory_space<vmem>>
        %dma_start3A_270 = arith.constant 0 : i32
        %dma_start3A_271 = arith.constant 0 : i32
        %dma_start3A_272 = tpu.memref_slice %arg12[%dma_start3A_270, %dma_start3A_271] : memref<10240x128xf32, #tpu.memory_space<vmem_shared>> -> memref<10240x128xf32, #tpu.memory_space<vmem_shared>>
        tpu.enqueue_indirect_dma source(%dma_start3A_266 : memref<128x128xf32, #tpu.memory_space<vmem>>) target(%dma_start3A_272 : memref<10240x128xf32, #tpu.memory_space<vmem_shared>>) offsets(%dma_start3A_269 : memref<128xi32, #tpu.memory_space<vmem>>) semaphore(%run_scoped3A_262 : memref<!tpu.dma_semaphore, #tpu.memory_space<semaphore_mem>>) {add = true}
        %dma_wait3A_273 = arith.constant 0 : i32
        %dma_wait3A_274 = arith.constant 0 : i32
        %dma_wait3A_275 = tpu.memref_slice %arg9[%run_scoped3A_240, %dma_wait3A_273, %dma_wait3A_274] : memref<2x128x128xf32, #tpu.memory_space<vmem>> -> memref<1x128x128xf32, #tpu.memory_space<vmem>>
        %dma_wait3A_276 = tpu.memref_squeeze %dma_wait3A_275 : memref<1x128x128xf32, #tpu.memory_space<vmem>> -> memref<128x128xf32, #tpu.memory_space<vmem>>
        %dma_wait3A_277 = arith.constant 0 : i32
        %dma_wait3A_278 = tpu.memref_slice %arg8[%rem3A_50, %run_scoped3A_241, %dma_wait3A_277] : memref<2x8x128xi32, #tpu.memory_space<vmem>> -> memref<1x1x128xi32, #tpu.memory_space<vmem>>
        %dma_wait3A_279 = tpu.memref_squeeze %dma_wait3A_278 : memref<1x1x128xi32, #tpu.memory_space<vmem>> -> memref<128xi32, #tpu.memory_space<vmem>>
        %dma_wait3A_280 = arith.constant 0 : i32
        %dma_wait3A_281 = arith.constant 0 : i32
        %dma_wait3A_282 = tpu.memref_slice %arg12[%dma_wait3A_280, %dma_wait3A_281] : memref<10240x128xf32, #tpu.memory_space<vmem_shared>> -> memref<10240x128xf32, #tpu.memory_space<vmem_shared>>
        tpu.wait_indirect_dma semaphore(%run_scoped3A_262 : memref<!tpu.dma_semaphore, #tpu.memory_space<semaphore_mem>>) src(%dma_wait3A_276 : memref<128x128xf32, #tpu.memory_space<vmem>>) dst(%dma_wait3A_282 : memref<10240x128xf32, #tpu.memory_space<vmem_shared>>)
        tpu.yield
      }) : () -> ()
      %dma_wait3A_242 = arith.constant 7 : i32
      %dma_wait3A_243 = arith.constant 1 : i32
      %dma_wait3A_244 = arith.constant 0 : i32
      %dma_wait3A_245 = arith.constant 0 : i32
      %dma_wait3A_246 = tpu.memref_slice %arg9[%dma_wait3A_243, %dma_wait3A_244, %dma_wait3A_245] : memref<2x128x128xf32, #tpu.memory_space<vmem>> -> memref<1x128x128xf32, #tpu.memory_space<vmem>>
      %dma_wait3A_247 = tpu.memref_squeeze %dma_wait3A_246 : memref<1x128x128xf32, #tpu.memory_space<vmem>> -> memref<128x128xf32, #tpu.memory_space<vmem>>
      %dma_wait3A_248 = arith.constant 0 : i32
      %dma_wait3A_249 = tpu.memref_slice %arg7[%rem3A_50, %dma_wait3A_242, %dma_wait3A_248] : memref<2x8x128xi32, #tpu.memory_space<vmem>> -> memref<1x1x128xi32, #tpu.memory_space<vmem>>
      %dma_wait3A_250 = tpu.memref_squeeze %dma_wait3A_249 : memref<1x1x128xi32, #tpu.memory_space<vmem>> -> memref<128xi32, #tpu.memory_space<vmem>>
      %dma_wait3A_251 = arith.constant 0 : i32
      %dma_wait3A_252 = arith.constant 0 : i32
      %dma_wait3A_253 = tpu.memref_slice %arg2[%dma_wait3A_251, %dma_wait3A_252] : memref<10240x128xf32, #tpu.memory_space<hbm>> -> memref<10240x128xf32, #tpu.memory_space<hbm>>
      tpu.wait_indirect_dma semaphore(%arg10 : memref<!tpu.dma_semaphore, #tpu.memory_space<semaphore_mem>>) src(%dma_wait3A_253 : memref<10240x128xf32, #tpu.memory_space<hbm>>) dst(%dma_wait3A_247 : memref<128x128xf32, #tpu.memory_space<vmem>>)
      %add3A_254 = arith.constant 1 : i32
      %add3A_255 = arith.addi %while3A_48, %add3A_254 : i32
      %lt3A_256 = arith.cmpi slt, %add3A_255, %select_n3A_19 : i32
      %convert_element_type3A_257 = arith.extui %lt3A_256 : i1 to i32
      %cond3A_258 = arith.constant 0 : i32
      %cond3A_259 = arith.cmpi ne, %convert_element_type3A_257, %cond3A_258 : i32
      scf.if %cond3A_259 {
        %dma_wait3A_262 = arith.constant 0 : i32
        %dma_wait3A_263 = arith.constant 0 : i32
        %dma_wait3A_264 = tpu.memref_slice %arg7[%sub3A_52, %dma_wait3A_262, %dma_wait3A_263] : memref<2x8x128xi32, #tpu.memory_space<vmem>> -> memref<1x8x128xi32, #tpu.memory_space<vmem>>
        %dma_wait3A_265 = tpu.memref_squeeze %dma_wait3A_264 : memref<1x8x128xi32, #tpu.memory_space<vmem>> -> memref<8x128xi32, #tpu.memory_space<vmem>>
        %dma_wait3A_266 = arith.constant 0 : i32
        %dma_wait3A_267 = tpu.memref_slice %arg3[%add3A_57, %dma_wait3A_266] : memref<2560x128xi32, #tpu.memory_space<hbm>> -> memref<8x128xi32, #tpu.memory_space<hbm>>
        %dma_wait3A_268 = arith.constant 0 : i32
        %dma_wait3A_269 = arith.constant 0 : i32
        %dma_wait3A_270 = tpu.memref_slice %arg7[%sub3A_52, %dma_wait3A_268, %dma_wait3A_269] : memref<2x8x128xi32, #tpu.memory_space<vmem>> -> memref<1x8x128xi32, #tpu.memory_space<vmem>>
        %dma_wait3A_271 = tpu.memref_squeeze %dma_wait3A_270 : memref<1x8x128xi32, #tpu.memory_space<vmem>> -> memref<8x128xi32, #tpu.memory_space<vmem>>
        %dma_wait3A_272 = arith.constant 0 : i32
        %dma_wait3A_273 = tpu.memref_slice %arg3[%add3A_57, %dma_wait3A_272] : memref<2560x128xi32, #tpu.memory_space<hbm>> -> memref<8x128xi32, #tpu.memory_space<hbm>>
        tpu.wait_dma2 semaphore(%arg11 : memref<!tpu.dma_semaphore, #tpu.memory_space<semaphore_mem>>) src(%dma_wait3A_273 : memref<8x128xi32, #tpu.memory_space<hbm>>) dst(%dma_wait3A_271 : memref<8x128xi32, #tpu.memory_space<vmem>>)
        %dma_wait3A_274 = arith.constant 0 : i32
        %dma_wait3A_275 = arith.constant 0 : i32
        %dma_wait3A_276 = tpu.memref_slice %arg8[%sub3A_52, %dma_wait3A_274, %dma_wait3A_275] : memref<2x8x128xi32, #tpu.memory_space<vmem>> -> memref<1x8x128xi32, #tpu.memory_space<vmem>>
        %dma_wait3A_277 = tpu.memref_squeeze %dma_wait3A_276 : memref<1x8x128xi32, #tpu.memory_space<vmem>> -> memref<8x128xi32, #tpu.memory_space<vmem>>
        %dma_wait3A_278 = arith.constant 0 : i32
        %dma_wait3A_279 = tpu.memref_slice %arg4[%add3A_57, %dma_wait3A_278] : memref<2560x128xi32, #tpu.memory_space<hbm>> -> memref<8x128xi32, #tpu.memory_space<hbm>>
        %dma_wait3A_280 = arith.constant 0 : i32
        %dma_wait3A_281 = arith.constant 0 : i32
        %dma_wait3A_282 = tpu.memref_slice %arg8[%sub3A_52, %dma_wait3A_280, %dma_wait3A_281] : memref<2x8x128xi32, #tpu.memory_space<vmem>> -> memref<1x8x128xi32, #tpu.memory_space<vmem>>
        %dma_wait3A_283 = tpu.memref_squeeze %dma_wait3A_282 : memref<1x8x128xi32, #tpu.memory_space<vmem>> -> memref<8x128xi32, #tpu.memory_space<vmem>>
        %dma_wait3A_284 = arith.constant 0 : i32
        %dma_wait3A_285 = tpu.memref_slice %arg4[%add3A_57, %dma_wait3A_284] : memref<2560x128xi32, #tpu.memory_space<hbm>> -> memref<8x128xi32, #tpu.memory_space<hbm>>
        tpu.wait_dma2 semaphore(%arg11 : memref<!tpu.dma_semaphore, #tpu.memory_space<semaphore_mem>>) src(%dma_wait3A_285 : memref<8x128xi32, #tpu.memory_space<hbm>>) dst(%dma_wait3A_283 : memref<8x128xi32, #tpu.memory_space<vmem>>)
        %dma_start3A_286 = arith.constant 0 : i32
        %dma_start3A_287 = arith.constant 0 : i32
        %dma_start3A_288 = arith.constant 0 : i32
        %dma_start3A_289 = arith.constant 0 : i32
        %dma_start3A_290 = tpu.memref_slice %arg9[%dma_start3A_287, %dma_start3A_288, %dma_start3A_289] : memref<2x128x128xf32, #tpu.memory_space<vmem>> -> memref<1x128x128xf32, #tpu.memory_space<vmem>>
        %dma_start3A_291 = tpu.memref_squeeze %dma_start3A_290 : memref<1x128x128xf32, #tpu.memory_space<vmem>> -> memref<128x128xf32, #tpu.memory_space<vmem>>
        %dma_start3A_292 = arith.constant 0 : i32
        %dma_start3A_293 = tpu.memref_slice %arg7[%sub3A_52, %dma_start3A_286, %dma_start3A_292] : memref<2x8x128xi32, #tpu.memory_space<vmem>> -> memref<1x1x128xi32, #tpu.memory_space<vmem>>
        %dma_start3A_294 = tpu.memref_squeeze %dma_start3A_293 : memref<1x1x128xi32, #tpu.memory_space<vmem>> -> memref<128xi32, #tpu.memory_space<vmem>>
        %dma_start3A_295 = arith.constant 0 : i32
        %dma_start3A_296 = arith.constant 0 : i32
        %dma_start3A_297 = tpu.memref_slice %arg2[%dma_start3A_295, %dma_start3A_296] : memref<10240x128xf32, #tpu.memory_space<hbm>> -> memref<10240x128xf32, #tpu.memory_space<hbm>>
        tpu.enqueue_indirect_dma source(%dma_start3A_297 : memref<10240x128xf32, #tpu.memory_space<hbm>>) target(%dma_start3A_291 : memref<128x128xf32, #tpu.memory_space<vmem>>) offsets(%dma_start3A_294 : memref<128xi32, #tpu.memory_space<vmem>>) semaphore(%arg10 : memref<!tpu.dma_semaphore, #tpu.memory_space<semaphore_mem>>)
      } else {
      }
      %run_scoped3A_260 = arith.constant 1 : i32
      %run_scoped3A_261 = arith.constant 7 : i32
      "tpu.region"() ({
        %run_scoped3A_262 = tpu.sem_alloc : memref<!tpu.dma_semaphore, #tpu.memory_space<semaphore_mem>>
        %dma_start3A_263 = arith.constant 0 : i32
        %dma_start3A_264 = arith.constant 0 : i32
        %dma_start3A_265 = tpu.memref_slice %arg9[%run_scoped3A_260, %dma_start3A_263, %dma_start3A_264] : memref<2x128x128xf32, #tpu.memory_space<vmem>> -> memref<1x128x128xf32, #tpu.memory_space<vmem>>
        %dma_start3A_266 = tpu.memref_squeeze %dma_start3A_265 : memref<1x128x128xf32, #tpu.memory_space<vmem>> -> memref<128x128xf32, #tpu.memory_space<vmem>>
        %dma_start3A_267 = arith.constant 0 : i32
        %dma_start3A_268 = tpu.memref_slice %arg8[%rem3A_50, %run_scoped3A_261, %dma_start3A_267] : memref<2x8x128xi32, #tpu.memory_space<vmem>> -> memref<1x1x128xi32, #tpu.memory_space<vmem>>
        %dma_start3A_269 = tpu.memref_squeeze %dma_start3A_268 : memref<1x1x128xi32, #tpu.memory_space<vmem>> -> memref<128xi32, #tpu.memory_space<vmem>>
        %dma_start3A_270 = arith.constant 0 : i32
        %dma_start3A_271 = arith.constant 0 : i32
        %dma_start3A_272 = tpu.memref_slice %arg12[%dma_start3A_270, %dma_start3A_271] : memref<10240x128xf32, #tpu.memory_space<vmem_shared>> -> memref<10240x128xf32, #tpu.memory_space<vmem_shared>>
        tpu.enqueue_indirect_dma source(%dma_start3A_266 : memref<128x128xf32, #tpu.memory_space<vmem>>) target(%dma_start3A_272 : memref<10240x128xf32, #tpu.memory_space<vmem_shared>>) offsets(%dma_start3A_269 : memref<128xi32, #tpu.memory_space<vmem>>) semaphore(%run_scoped3A_262 : memref<!tpu.dma_semaphore, #tpu.memory_space<semaphore_mem>>) {add = true}
        %dma_wait3A_273 = arith.constant 0 : i32
        %dma_wait3A_274 = arith.constant 0 : i32
        %dma_wait3A_275 = tpu.memref_slice %arg9[%run_scoped3A_260, %dma_wait3A_273, %dma_wait3A_274] : memref<2x128x128xf32, #tpu.memory_space<vmem>> -> memref<1x128x128xf32, #tpu.memory_space<vmem>>
        %dma_wait3A_276 = tpu.memref_squeeze %dma_wait3A_275 : memref<1x128x128xf32, #tpu.memory_space<vmem>> -> memref<128x128xf32, #tpu.memory_space<vmem>>
        %dma_wait3A_277 = arith.constant 0 : i32
        %dma_wait3A_278 = tpu.memref_slice %arg8[%rem3A_50, %run_scoped3A_261, %dma_wait3A_277] : memref<2x8x128xi32, #tpu.memory_space<vmem>> -> memref<1x1x128xi32, #tpu.memory_space<vmem>>
        %dma_wait3A_279 = tpu.memref_squeeze %dma_wait3A_278 : memref<1x1x128xi32, #tpu.memory_space<vmem>> -> memref<128xi32, #tpu.memory_space<vmem>>
        %dma_wait3A_280 = arith.constant 0 : i32
        %dma_wait3A_281 = arith.constant 0 : i32
        %dma_wait3A_282 = tpu.memref_slice %arg12[%dma_wait3A_280, %dma_wait3A_281] : memref<10240x128xf32, #tpu.memory_space<vmem_shared>> -> memref<10240x128xf32, #tpu.memory_space<vmem_shared>>
        tpu.wait_indirect_dma semaphore(%run_scoped3A_262 : memref<!tpu.dma_semaphore, #tpu.memory_space<semaphore_mem>>) src(%dma_wait3A_276 : memref<128x128xf32, #tpu.memory_space<vmem>>) dst(%dma_wait3A_282 : memref<10240x128xf32, #tpu.memory_space<vmem_shared>>)
        tpu.yield
      }) : () -> ()
    }
    %while3A_44 = arith.constant 1 : i32
    scf.for %while3A_48 = %while3A_42 to %while3A_38 step %while3A_44  : i32 {
      %rem3A_49 = arith.constant 2 : i32
      %rem3A_50 = arith.remsi %while3A_48, %rem3A_49 : i32
      %sub3A_51 = arith.constant 1 : i32
      %sub3A_52 = arith.subi %sub3A_51, %rem3A_50 : i32
      %add3A_53 = arith.constant 1 : i32
      %add3A_54 = arith.addi %while3A_48, %add3A_53 : i32
      %mul3A_55 = arith.constant 8 : i32
      %mul3A_56 = arith.muli %add3A_54, %mul3A_55 : i32
      %add3A_57 = arith.addi %select_n3A_26, %mul3A_56 : i32
      %add3A_58 = arith.constant 1 : i32
      %add3A_59 = arith.addi %while3A_48, %add3A_58 : i32
      %lt3A = arith.cmpi slt, %add3A_59, %select_n3A_19 : i32
      %convert_element_type3A_60 = arith.extui %lt3A : i1 to i32
      %cond3A_61 = arith.constant 0 : i32
      %cond3A_62 = arith.cmpi ne, %convert_element_type3A_60, %cond3A_61 : i32
      scf.if %cond3A_62 {
        %dma_start3A_262 = arith.constant 0 : i32
        %dma_start3A_263 = arith.constant 0 : i32
        %dma_start3A_264 = tpu.memref_slice %arg7[%sub3A_52, %dma_start3A_262, %dma_start3A_263] : memref<2x8x128xi32, #tpu.memory_space<vmem>> -> memref<1x8x128xi32, #tpu.memory_space<vmem>>
        %dma_start3A_265 = tpu.memref_squeeze %dma_start3A_264 : memref<1x8x128xi32, #tpu.memory_space<vmem>> -> memref<8x128xi32, #tpu.memory_space<vmem>>
        %dma_start3A_266 = arith.constant 0 : i32
        %dma_start3A_267 = tpu.memref_slice %arg3[%add3A_57, %dma_start3A_266] : memref<2560x128xi32, #tpu.memory_space<hbm>> -> memref<8x128xi32, #tpu.memory_space<hbm>>
        %dma_start3A_268 = arith.constant 0 : i32
        %dma_start3A_269 = arith.constant 0 : i32
        %dma_start3A_270 = tpu.memref_slice %arg7[%sub3A_52, %dma_start3A_268, %dma_start3A_269] : memref<2x8x128xi32, #tpu.memory_space<vmem>> -> memref<1x8x128xi32, #tpu.memory_space<vmem>>
        %dma_start3A_271 = tpu.memref_squeeze %dma_start3A_270 : memref<1x8x128xi32, #tpu.memory_space<vmem>> -> memref<8x128xi32, #tpu.memory_space<vmem>>
        %dma_start3A_272 = arith.constant 0 : i32
        %dma_start3A_273 = tpu.memref_slice %arg3[%add3A_57, %dma_start3A_272] : memref<2560x128xi32, #tpu.memory_space<hbm>> -> memref<8x128xi32, #tpu.memory_space<hbm>>
        tpu.enqueue_dma source(%dma_start3A_273 : memref<8x128xi32, #tpu.memory_space<hbm>>) target(%dma_start3A_271 : memref<8x128xi32, #tpu.memory_space<vmem>>) target_semaphore(%arg11 : memref<!tpu.dma_semaphore, #tpu.memory_space<semaphore_mem>>)
        %dma_start3A_274 = arith.constant 0 : i32
        %dma_start3A_275 = arith.constant 0 : i32
        %dma_start3A_276 = tpu.memref_slice %arg8[%sub3A_52, %dma_start3A_274, %dma_start3A_275] : memref<2x8x128xi32, #tpu.memory_space<vmem>> -> memref<1x8x128xi32, #tpu.memory_space<vmem>>
        %dma_start3A_277 = tpu.memref_squeeze %dma_start3A_276 : memref<1x8x128xi32, #tpu.memory_space<vmem>> -> memref<8x128xi32, #tpu.memory_space<vmem>>
        %dma_start3A_278 = arith.constant 0 : i32
        %dma_start3A_279 = tpu.memref_slice %arg4[%add3A_57, %dma_start3A_278] : memref<2560x128xi32, #tpu.memory_space<hbm>> -> memref<8x128xi32, #tpu.memory_space<hbm>>
        %dma_start3A_280 = arith.constant 0 : i32
        %dma_start3A_281 = arith.constant 0 : i32
        %dma_start3A_282 = tpu.memref_slice %arg8[%sub3A_52, %dma_start3A_280, %dma_start3A_281] : memref<2x8x128xi32, #tpu.memory_space<vmem>> -> memref<1x8x128xi32, #tpu.memory_space<vmem>>
        %dma_start3A_283 = tpu.memref_squeeze %dma_start3A_282 : memref<1x8x128xi32, #tpu.memory_space<vmem>> -> memref<8x128xi32, #tpu.memory_space<vmem>>
        %dma_start3A_284 = arith.constant 0 : i32
        %dma_start3A_285 = tpu.memref_slice %arg4[%add3A_57, %dma_start3A_284] : memref<2560x128xi32, #tpu.memory_space<hbm>> -> memref<8x128xi32, #tpu.memory_space<hbm>>
        tpu.enqueue_dma source(%dma_start3A_285 : memref<8x128xi32, #tpu.memory_space<hbm>>) target(%dma_start3A_283 : memref<8x128xi32, #tpu.memory_space<vmem>>) target_semaphore(%arg11 : memref<!tpu.dma_semaphore, #tpu.memory_space<semaphore_mem>>)
      } else {
      }
      %dma_wait3A = arith.constant 0 : i32
      %dma_wait3A_63 = arith.constant 0 : i32
      %dma_wait3A_64 = arith.constant 0 : i32
      %dma_wait3A_65 = arith.constant 0 : i32
      %dma_wait3A_66 = tpu.memref_slice %arg9[%dma_wait3A_63, %dma_wait3A_64, %dma_wait3A_65] : memref<2x128x128xf32, #tpu.memory_space<vmem>> -> memref<1x128x128xf32, #tpu.memory_space<vmem>>
      %dma_wait3A_67 = tpu.memref_squeeze %dma_wait3A_66 : memref<1x128x128xf32, #tpu.memory_space<vmem>> -> memref<128x128xf32, #tpu.memory_space<vmem>>
      %dma_wait3A_68 = arith.constant 0 : i32
      %dma_wait3A_69 = tpu.memref_slice %arg7[%rem3A_50, %dma_wait3A, %dma_wait3A_68] : memref<2x8x128xi32, #tpu.memory_space<vmem>> -> memref<1x1x128xi32, #tpu.memory_space<vmem>>
      %dma_wait3A_70 = tpu.memref_squeeze %dma_wait3A_69 : memref<1x1x128xi32, #tpu.memory_space<vmem>> -> memref<128xi32, #tpu.memory_space<vmem>>
      %dma_wait3A_71 = arith.constant 0 : i32
      %dma_wait3A_72 = arith.constant 0 : i32
      %dma_wait3A_73 = tpu.memref_slice %arg2[%dma_wait3A_71, %dma_wait3A_72] : memref<10240x128xf32, #tpu.memory_space<hbm>> -> memref<10240x128xf32, #tpu.memory_space<hbm>>
      tpu.wait_indirect_dma semaphore(%arg10 : memref<!tpu.dma_semaphore, #tpu.memory_space<semaphore_mem>>) src(%dma_wait3A_73 : memref<10240x128xf32, #tpu.memory_space<hbm>>) dst(%dma_wait3A_67 : memref<128x128xf32, #tpu.memory_space<vmem>>)
      %dma_start3A = arith.constant 1 : i32
      %dma_start3A_74 = arith.constant 1 : i32
      %dma_start3A_75 = arith.constant 0 : i32
      %dma_start3A_76 = arith.constant 0 : i32
      %dma_start3A_77 = tpu.memref_slice %arg9[%dma_start3A_74, %dma_start3A_75, %dma_start3A_76] : memref<2x128x128xf32, #tpu.memory_space<vmem>> -> memref<1x128x128xf32, #tpu.memory_space<vmem>>
      %dma_start3A_78 = tpu.memref_squeeze %dma_start3A_77 : memref<1x128x128xf32, #tpu.memory_space<vmem>> -> memref<128x128xf32, #tpu.memory_space<vmem>>
      %dma_start3A_79 = arith.constant 0 : i32
      %dma_start3A_80 = tpu.memref_slice %arg7[%rem3A_50, %dma_start3A, %dma_start3A_79] : memref<2x8x128xi32, #tpu.memory_space<vmem>> -> memref<1x1x128xi32, #tpu.memory_space<vmem>>
      %dma_start3A_81 = tpu.memref_squeeze %dma_start3A_80 : memref<1x1x128xi32, #tpu.memory_space<vmem>> -> memref<128xi32, #tpu.memory_space<vmem>>
      %dma_start3A_82 = arith.constant 0 : i32
      %dma_start3A_83 = arith.constant 0 : i32
      %dma_start3A_84 = tpu.memref_slice %arg2[%dma_start3A_82, %dma_start3A_83] : memref<10240x128xf32, #tpu.memory_space<hbm>> -> memref<10240x128xf32, #tpu.memory_space<hbm>>
      tpu.enqueue_indirect_dma source(%dma_start3A_84 : memref<10240x128xf32, #tpu.memory_space<hbm>>) target(%dma_start3A_78 : memref<128x128xf32, #tpu.memory_space<vmem>>) offsets(%dma_start3A_81 : memref<128xi32, #tpu.memory_space<vmem>>) semaphore(%arg10 : memref<!tpu.dma_semaphore, #tpu.memory_space<semaphore_mem>>)
      %run_scoped3A = arith.constant 0 : i32
      %run_scoped3A_85 = arith.constant 0 : i32
      "tpu.region"() ({
        %run_scoped3A_262 = tpu.sem_alloc : memref<!tpu.dma_semaphore, #tpu.memory_space<semaphore_mem>>
        %dma_start3A_263 = arith.constant 0 : i32
        %dma_start3A_264 = arith.constant 0 : i32
        %dma_start3A_265 = tpu.memref_slice %arg9[%run_scoped3A, %dma_start3A_263, %dma_start3A_264] : memref<2x128x128xf32, #tpu.memory_space<vmem>> -> memref<1x128x128xf32, #tpu.memory_space<vmem>>
        %dma_start3A_266 = tpu.memref_squeeze %dma_start3A_265 : memref<1x128x128xf32, #tpu.memory_space<vmem>> -> memref<128x128xf32, #tpu.memory_space<vmem>>
        %dma_start3A_267 = arith.constant 0 : i32
        %dma_start3A_268 = tpu.memref_slice %arg8[%rem3A_50, %run_scoped3A_85, %dma_start3A_267] : memref<2x8x128xi32, #tpu.memory_space<vmem>> -> memref<1x1x128xi32, #tpu.memory_space<vmem>>
        %dma_start3A_269 = tpu.memref_squeeze %dma_start3A_268 : memref<1x1x128xi32, #tpu.memory_space<vmem>> -> memref<128xi32, #tpu.memory_space<vmem>>
        %dma_start3A_270 = arith.constant 0 : i32
        %dma_start3A_271 = arith.constant 0 : i32
        %dma_start3A_272 = tpu.memref_slice %arg12[%dma_start3A_270, %dma_start3A_271] : memref<10240x128xf32, #tpu.memory_space<vmem_shared>> -> memref<10240x128xf32, #tpu.memory_space<vmem_shared>>
        tpu.enqueue_indirect_dma source(%dma_start3A_266 : memref<128x128xf32, #tpu.memory_space<vmem>>) target(%dma_start3A_272 : memref<10240x128xf32, #tpu.memory_space<vmem_shared>>) offsets(%dma_start3A_269 : memref<128xi32, #tpu.memory_space<vmem>>) semaphore(%run_scoped3A_262 : memref<!tpu.dma_semaphore, #tpu.memory_space<semaphore_mem>>) {add = true}
        %dma_wait3A_273 = arith.constant 0 : i32
        %dma_wait3A_274 = arith.constant 0 : i32
        %dma_wait3A_275 = tpu.memref_slice %arg9[%run_scoped3A, %dma_wait3A_273, %dma_wait3A_274] : memref<2x128x128xf32, #tpu.memory_space<vmem>> -> memref<1x128x128xf32, #tpu.memory_space<vmem>>
        %dma_wait3A_276 = tpu.memref_squeeze %dma_wait3A_275 : memref<1x128x128xf32, #tpu.memory_space<vmem>> -> memref<128x128xf32, #tpu.memory_space<vmem>>
        %dma_wait3A_277 = arith.constant 0 : i32
        %dma_wait3A_278 = tpu.memref_slice %arg8[%rem3A_50, %run_scoped3A_85, %dma_wait3A_277] : memref<2x8x128xi32, #tpu.memory_space<vmem>> -> memref<1x1x128xi32, #tpu.memory_space<vmem>>
        %dma_wait3A_279 = tpu.memref_squeeze %dma_wait3A_278 : memref<1x1x128xi32, #tpu.memory_space<vmem>> -> memref<128xi32, #tpu.memory_space<vmem>>
        %dma_wait3A_280 = arith.constant 0 : i32
        %dma_wait3A_281 = arith.constant 0 : i32
        %dma_wait3A_282 = tpu.memref_slice %arg12[%dma_wait3A_280, %dma_wait3A_281] : memref<10240x128xf32, #tpu.memory_space<vmem_shared>> -> memref<10240x128xf32, #tpu.memory_space<vmem_shared>>
        tpu.wait_indirect_dma semaphore(%run_scoped3A_262 : memref<!tpu.dma_semaphore, #tpu.memory_space<semaphore_mem>>) src(%dma_wait3A_276 : memref<128x128xf32, #tpu.memory_space<vmem>>) dst(%dma_wait3A_282 : memref<10240x128xf32, #tpu.memory_space<vmem_shared>>)
        tpu.yield
      }) : () -> ()
      %dma_wait3A_86 = arith.constant 1 : i32
      %dma_wait3A_87 = arith.constant 1 : i32
      %dma_wait3A_88 = arith.constant 0 : i32
      %dma_wait3A_89 = arith.constant 0 : i32
      %dma_wait3A_90 = tpu.memref_slice %arg9[%dma_wait3A_87, %dma_wait3A_88, %dma_wait3A_89] : memref<2x128x128xf32, #tpu.memory_space<vmem>> -> memref<1x128x128xf32, #tpu.memory_space<vmem>>
      %dma_wait3A_91 = tpu.memref_squeeze %dma_wait3A_90 : memref<1x128x128xf32, #tpu.memory_space<vmem>> -> memref<128x128xf32, #tpu.memory_space<vmem>>
      %dma_wait3A_92 = arith.constant 0 : i32
      %dma_wait3A_93 = tpu.memref_slice %arg7[%rem3A_50, %dma_wait3A_86, %dma_wait3A_92] : memref<2x8x128xi32, #tpu.memory_space<vmem>> -> memref<1x1x128xi32, #tpu.memory_space<vmem>>
      %dma_wait3A_94 = tpu.memref_squeeze %dma_wait3A_93 : memref<1x1x128xi32, #tpu.memory_space<vmem>> -> memref<128xi32, #tpu.memory_space<vmem>>
      %dma_wait3A_95 = arith.constant 0 : i32
      %dma_wait3A_96 = arith.constant 0 : i32
      %dma_wait3A_97 = tpu.memref_slice %arg2[%dma_wait3A_95, %dma_wait3A_96] : memref<10240x128xf32, #tpu.memory_space<hbm>> -> memref<10240x128xf32, #tpu.memory_space<hbm>>
      tpu.wait_indirect_dma semaphore(%arg10 : memref<!tpu.dma_semaphore, #tpu.memory_space<semaphore_mem>>) src(%dma_wait3A_97 : memref<10240x128xf32, #tpu.memory_space<hbm>>) dst(%dma_wait3A_91 : memref<128x128xf32, #tpu.memory_space<vmem>>)
      %dma_start3A_98 = arith.constant 2 : i32
      %dma_start3A_99 = arith.constant 0 : i32
      %dma_start3A_100 = arith.constant 0 : i32
      %dma_start3A_101 = arith.constant 0 : i32
      %dma_start3A_102 = tpu.memref_slice %arg9[%dma_start3A_99, %dma_start3A_100, %dma_start3A_101] : memref<2x128x128xf32, #tpu.memory_space<vmem>> -> memref<1x128x128xf32, #tpu.memory_space<vmem>>
      %dma_start3A_103 = tpu.memref_squeeze %dma_start3A_102 : memref<1x128x128xf32, #tpu.memory_space<vmem>> -> memref<128x128xf32, #tpu.memory_space<vmem>>
      %dma_start3A_104 = arith.constant 0 : i32
      %dma_start3A_105 = tpu.memref_slice %arg7[%rem3A_50, %dma_start3A_98, %dma_start3A_104] : memref<2x8x128xi32, #tpu.memory_space<vmem>> -> memref<1x1x128xi32, #tpu.memory_space<vmem>>
      %dma_start3A_106 = tpu.memref_squeeze %dma_start3A_105 : memref<1x1x128xi32, #tpu.memory_space<vmem>> -> memref<128xi32, #tpu.memory_space<vmem>>
      %dma_start3A_107 = arith.constant 0 : i32
      %dma_start3A_108 = arith.constant 0 : i32
      %dma_start3A_109 = tpu.memref_slice %arg2[%dma_start3A_107, %dma_start3A_108] : memref<10240x128xf32, #tpu.memory_space<hbm>> -> memref<10240x128xf32, #tpu.memory_space<hbm>>
      tpu.enqueue_indirect_dma source(%dma_start3A_109 : memref<10240x128xf32, #tpu.memory_space<hbm>>) target(%dma_start3A_103 : memref<128x128xf32, #tpu.memory_space<vmem>>) offsets(%dma_start3A_106 : memref<128xi32, #tpu.memory_space<vmem>>) semaphore(%arg10 : memref<!tpu.dma_semaphore, #tpu.memory_space<semaphore_mem>>)
      %run_scoped3A_110 = arith.constant 1 : i32
      %run_scoped3A_111 = arith.constant 1 : i32
      "tpu.region"() ({
        %run_scoped3A_262 = tpu.sem_alloc : memref<!tpu.dma_semaphore, #tpu.memory_space<semaphore_mem>>
        %dma_start3A_263 = arith.constant 0 : i32
        %dma_start3A_264 = arith.constant 0 : i32
        %dma_start3A_265 = tpu.memref_slice %arg9[%run_scoped3A_110, %dma_start3A_263, %dma_start3A_264] : memref<2x128x128xf32, #tpu.memory_space<vmem>> -> memref<1x128x128xf32, #tpu.memory_space<vmem>>
        %dma_start3A_266 = tpu.memref_squeeze %dma_start3A_265 : memref<1x128x128xf32, #tpu.memory_space<vmem>> -> memref<128x128xf32, #tpu.memory_space<vmem>>
        %dma_start3A_267 = arith.constant 0 : i32
        %dma_start3A_268 = tpu.memref_slice %arg8[%rem3A_50, %run_scoped3A_111, %dma_start3A_267] : memref<2x8x128xi32, #tpu.memory_space<vmem>> -> memref<1x1x128xi32, #tpu.memory_space<vmem>>
        %dma_start3A_269 = tpu.memref_squeeze %dma_start3A_268 : memref<1x1x128xi32, #tpu.memory_space<vmem>> -> memref<128xi32, #tpu.memory_space<vmem>>
        %dma_start3A_270 = arith.constant 0 : i32
        %dma_start3A_271 = arith.constant 0 : i32
        %dma_start3A_272 = tpu.memref_slice %arg12[%dma_start3A_270, %dma_start3A_271] : memref<10240x128xf32, #tpu.memory_space<vmem_shared>> -> memref<10240x128xf32, #tpu.memory_space<vmem_shared>>
        tpu.enqueue_indirect_dma source(%dma_start3A_266 : memref<128x128xf32, #tpu.memory_space<vmem>>) target(%dma_start3A_272 : memref<10240x128xf32, #tpu.memory_space<vmem_shared>>) offsets(%dma_start3A_269 : memref<128xi32, #tpu.memory_space<vmem>>) semaphore(%run_scoped3A_262 : memref<!tpu.dma_semaphore, #tpu.memory_space<semaphore_mem>>) {add = true}
        %dma_wait3A_273 = arith.constant 0 : i32
        %dma_wait3A_274 = arith.constant 0 : i32
        %dma_wait3A_275 = tpu.memref_slice %arg9[%run_scoped3A_110, %dma_wait3A_273, %dma_wait3A_274] : memref<2x128x128xf32, #tpu.memory_space<vmem>> -> memref<1x128x128xf32, #tpu.memory_space<vmem>>
        %dma_wait3A_276 = tpu.memref_squeeze %dma_wait3A_275 : memref<1x128x128xf32, #tpu.memory_space<vmem>> -> memref<128x128xf32, #tpu.memory_space<vmem>>
        %dma_wait3A_277 = arith.constant 0 : i32
        %dma_wait3A_278 = tpu.memref_slice %arg8[%rem3A_50, %run_scoped3A_111, %dma_wait3A_277] : memref<2x8x128xi32, #tpu.memory_space<vmem>> -> memref<1x1x128xi32, #tpu.memory_space<vmem>>
        %dma_wait3A_279 = tpu.memref_squeeze %dma_wait3A_278 : memref<1x1x128xi32, #tpu.memory_space<vmem>> -> memref<128xi32, #tpu.memory_space<vmem>>
        %dma_wait3A_280 = arith.constant 0 : i32
        %dma_wait3A_281 = arith.constant 0 : i32
        %dma_wait3A_282 = tpu.memref_slice %arg12[%dma_wait3A_280, %dma_wait3A_281] : memref<10240x128xf32, #tpu.memory_space<vmem_shared>> -> memref<10240x128xf32, #tpu.memory_space<vmem_shared>>
        tpu.wait_indirect_dma semaphore(%run_scoped3A_262 : memref<!tpu.dma_semaphore, #tpu.memory_space<semaphore_mem>>) src(%dma_wait3A_276 : memref<128x128xf32, #tpu.memory_space<vmem>>) dst(%dma_wait3A_282 : memref<10240x128xf32, #tpu.memory_space<vmem_shared>>)
        tpu.yield
      }) : () -> ()
      %dma_wait3A_112 = arith.constant 2 : i32
      %dma_wait3A_113 = arith.constant 0 : i32
      %dma_wait3A_114 = arith.constant 0 : i32
      %dma_wait3A_115 = arith.constant 0 : i32
      %dma_wait3A_116 = tpu.memref_slice %arg9[%dma_wait3A_113, %dma_wait3A_114, %dma_wait3A_115] : memref<2x128x128xf32, #tpu.memory_space<vmem>> -> memref<1x128x128xf32, #tpu.memory_space<vmem>>
      %dma_wait3A_117 = tpu.memref_squeeze %dma_wait3A_116 : memref<1x128x128xf32, #tpu.memory_space<vmem>> -> memref<128x128xf32, #tpu.memory_space<vmem>>
      %dma_wait3A_118 = arith.constant 0 : i32
      %dma_wait3A_119 = tpu.memref_slice %arg7[%rem3A_50, %dma_wait3A_112, %dma_wait3A_118] : memref<2x8x128xi32, #tpu.memory_space<vmem>> -> memref<1x1x128xi32, #tpu.memory_space<vmem>>
      %dma_wait3A_120 = tpu.memref_squeeze %dma_wait3A_119 : memref<1x1x128xi32, #tpu.memory_space<vmem>> -> memref<128xi32, #tpu.memory_space<vmem>>
      %dma_wait3A_121 = arith.constant 0 : i32
      %dma_wait3A_122 = arith.constant 0 : i32
      %dma_wait3A_123 = tpu.memref_slice %arg2[%dma_wait3A_121, %dma_wait3A_122] : memref<10240x128xf32, #tpu.memory_space<hbm>> -> memref<10240x128xf32, #tpu.memory_space<hbm>>
      tpu.wait_indirect_dma semaphore(%arg10 : memref<!tpu.dma_semaphore, #tpu.memory_space<semaphore_mem>>) src(%dma_wait3A_123 : memref<10240x128xf32, #tpu.memory_space<hbm>>) dst(%dma_wait3A_117 : memref<128x128xf32, #tpu.memory_space<vmem>>)
      %dma_start3A_124 = arith.constant 3 : i32
      %dma_start3A_125 = arith.constant 1 : i32
      %dma_start3A_126 = arith.constant 0 : i32
      %dma_start3A_127 = arith.constant 0 : i32
      %dma_start3A_128 = tpu.memref_slice %arg9[%dma_start3A_125, %dma_start3A_126, %dma_start3A_127] : memref<2x128x128xf32, #tpu.memory_space<vmem>> -> memref<1x128x128xf32, #tpu.memory_space<vmem>>
      %dma_start3A_129 = tpu.memref_squeeze %dma_start3A_128 : memref<1x128x128xf32, #tpu.memory_space<vmem>> -> memref<128x128xf32, #tpu.memory_space<vmem>>
      %dma_start3A_130 = arith.constant 0 : i32
      %dma_start3A_131 = tpu.memref_slice %arg7[%rem3A_50, %dma_start3A_124, %dma_start3A_130] : memref<2x8x128xi32, #tpu.memory_space<vmem>> -> memref<1x1x128xi32, #tpu.memory_space<vmem>>
      %dma_start3A_132 = tpu.memref_squeeze %dma_start3A_131 : memref<1x1x128xi32, #tpu.memory_space<vmem>> -> memref<128xi32, #tpu.memory_space<vmem>>
      %dma_start3A_133 = arith.constant 0 : i32
      %dma_start3A_134 = arith.constant 0 : i32
      %dma_start3A_135 = tpu.memref_slice %arg2[%dma_start3A_133, %dma_start3A_134] : memref<10240x128xf32, #tpu.memory_space<hbm>> -> memref<10240x128xf32, #tpu.memory_space<hbm>>
      tpu.enqueue_indirect_dma source(%dma_start3A_135 : memref<10240x128xf32, #tpu.memory_space<hbm>>) target(%dma_start3A_129 : memref<128x128xf32, #tpu.memory_space<vmem>>) offsets(%dma_start3A_132 : memref<128xi32, #tpu.memory_space<vmem>>) semaphore(%arg10 : memref<!tpu.dma_semaphore, #tpu.memory_space<semaphore_mem>>)
      %run_scoped3A_136 = arith.constant 0 : i32
      %run_scoped3A_137 = arith.constant 2 : i32
      "tpu.region"() ({
        %run_scoped3A_262 = tpu.sem_alloc : memref<!tpu.dma_semaphore, #tpu.memory_space<semaphore_mem>>
        %dma_start3A_263 = arith.constant 0 : i32
        %dma_start3A_264 = arith.constant 0 : i32
        %dma_start3A_265 = tpu.memref_slice %arg9[%run_scoped3A_136, %dma_start3A_263, %dma_start3A_264] : memref<2x128x128xf32, #tpu.memory_space<vmem>> -> memref<1x128x128xf32, #tpu.memory_space<vmem>>
        %dma_start3A_266 = tpu.memref_squeeze %dma_start3A_265 : memref<1x128x128xf32, #tpu.memory_space<vmem>> -> memref<128x128xf32, #tpu.memory_space<vmem>>
        %dma_start3A_267 = arith.constant 0 : i32
        %dma_start3A_268 = tpu.memref_slice %arg8[%rem3A_50, %run_scoped3A_137, %dma_start3A_267] : memref<2x8x128xi32, #tpu.memory_space<vmem>> -> memref<1x1x128xi32, #tpu.memory_space<vmem>>
        %dma_start3A_269 = tpu.memref_squeeze %dma_start3A_268 : memref<1x1x128xi32, #tpu.memory_space<vmem>> -> memref<128xi32, #tpu.memory_space<vmem>>
        %dma_start3A_270 = arith.constant 0 : i32
        %dma_start3A_271 = arith.constant 0 : i32
        %dma_start3A_272 = tpu.memref_slice %arg12[%dma_start3A_270, %dma_start3A_271] : memref<10240x128xf32, #tpu.memory_space<vmem_shared>> -> memref<10240x128xf32, #tpu.memory_space<vmem_shared>>
        tpu.enqueue_indirect_dma source(%dma_start3A_266 : memref<128x128xf32, #tpu.memory_space<vmem>>) target(%dma_start3A_272 : memref<10240x128xf32, #tpu.memory_space<vmem_shared>>) offsets(%dma_start3A_269 : memref<128xi32, #tpu.memory_space<vmem>>) semaphore(%run_scoped3A_262 : memref<!tpu.dma_semaphore, #tpu.memory_space<semaphore_mem>>) {add = true}
        %dma_wait3A_273 = arith.constant 0 : i32
        %dma_wait3A_274 = arith.constant 0 : i32
        %dma_wait3A_275 = tpu.memref_slice %arg9[%run_scoped3A_136, %dma_wait3A_273, %dma_wait3A_274] : memref<2x128x128xf32, #tpu.memory_space<vmem>> -> memref<1x128x128xf32, #tpu.memory_space<vmem>>
        %dma_wait3A_276 = tpu.memref_squeeze %dma_wait3A_275 : memref<1x128x128xf32, #tpu.memory_space<vmem>> -> memref<128x128xf32, #tpu.memory_space<vmem>>
        %dma_wait3A_277 = arith.constant 0 : i32
        %dma_wait3A_278 = tpu.memref_slice %arg8[%rem3A_50, %run_scoped3A_137, %dma_wait3A_277] : memref<2x8x128xi32, #tpu.memory_space<vmem>> -> memref<1x1x128xi32, #tpu.memory_space<vmem>>
        %dma_wait3A_279 = tpu.memref_squeeze %dma_wait3A_278 : memref<1x1x128xi32, #tpu.memory_space<vmem>> -> memref<128xi32, #tpu.memory_space<vmem>>
        %dma_wait3A_280 = arith.constant 0 : i32
        %dma_wait3A_281 = arith.constant 0 : i32
        %dma_wait3A_282 = tpu.memref_slice %arg12[%dma_wait3A_280, %dma_wait3A_281] : memref<10240x128xf32, #tpu.memory_space<vmem_shared>> -> memref<10240x128xf32, #tpu.memory_space<vmem_shared>>
        tpu.wait_indirect_dma semaphore(%run_scoped3A_262 : memref<!tpu.dma_semaphore, #tpu.memory_space<semaphore_mem>>) src(%dma_wait3A_276 : memref<128x128xf32, #tpu.memory_space<vmem>>) dst(%dma_wait3A_282 : memref<10240x128xf32, #tpu.memory_space<vmem_shared>>)
        tpu.yield
      }) : () -> ()
      %dma_wait3A_138 = arith.constant 3 : i32
      %dma_wait3A_139 = arith.constant 1 : i32
      %dma_wait3A_140 = arith.constant 0 : i32
      %dma_wait3A_141 = arith.constant 0 : i32
      %dma_wait3A_142 = tpu.memref_slice %arg9[%dma_wait3A_139, %dma_wait3A_140, %dma_wait3A_141] : memref<2x128x128xf32, #tpu.memory_space<vmem>> -> memref<1x128x128xf32, #tpu.memory_space<vmem>>
      %dma_wait3A_143 = tpu.memref_squeeze %dma_wait3A_142 : memref<1x128x128xf32, #tpu.memory_space<vmem>> -> memref<128x128xf32, #tpu.memory_space<vmem>>
      %dma_wait3A_144 = arith.constant 0 : i32
      %dma_wait3A_145 = tpu.memref_slice %arg7[%rem3A_50, %dma_wait3A_138, %dma_wait3A_144] : memref<2x8x128xi32, #tpu.memory_space<vmem>> -> memref<1x1x128xi32, #tpu.memory_space<vmem>>
      %dma_wait3A_146 = tpu.memref_squeeze %dma_wait3A_145 : memref<1x1x128xi32, #tpu.memory_space<vmem>> -> memref<128xi32, #tpu.memory_space<vmem>>
      %dma_wait3A_147 = arith.constant 0 : i32
      %dma_wait3A_148 = arith.constant 0 : i32
      %dma_wait3A_149 = tpu.memref_slice %arg2[%dma_wait3A_147, %dma_wait3A_148] : memref<10240x128xf32, #tpu.memory_space<hbm>> -> memref<10240x128xf32, #tpu.memory_space<hbm>>
      tpu.wait_indirect_dma semaphore(%arg10 : memref<!tpu.dma_semaphore, #tpu.memory_space<semaphore_mem>>) src(%dma_wait3A_149 : memref<10240x128xf32, #tpu.memory_space<hbm>>) dst(%dma_wait3A_143 : memref<128x128xf32, #tpu.memory_space<vmem>>)
      %dma_start3A_150 = arith.constant 4 : i32
      %dma_start3A_151 = arith.constant 0 : i32
      %dma_start3A_152 = arith.constant 0 : i32
      %dma_start3A_153 = arith.constant 0 : i32
      %dma_start3A_154 = tpu.memref_slice %arg9[%dma_start3A_151, %dma_start3A_152, %dma_start3A_153] : memref<2x128x128xf32, #tpu.memory_space<vmem>> -> memref<1x128x128xf32, #tpu.memory_space<vmem>>
      %dma_start3A_155 = tpu.memref_squeeze %dma_start3A_154 : memref<1x128x128xf32, #tpu.memory_space<vmem>> -> memref<128x128xf32, #tpu.memory_space<vmem>>
      %dma_start3A_156 = arith.constant 0 : i32
      %dma_start3A_157 = tpu.memref_slice %arg7[%rem3A_50, %dma_start3A_150, %dma_start3A_156] : memref<2x8x128xi32, #tpu.memory_space<vmem>> -> memref<1x1x128xi32, #tpu.memory_space<vmem>>
      %dma_start3A_158 = tpu.memref_squeeze %dma_start3A_157 : memref<1x1x128xi32, #tpu.memory_space<vmem>> -> memref<128xi32, #tpu.memory_space<vmem>>
      %dma_start3A_159 = arith.constant 0 : i32
      %dma_start3A_160 = arith.constant 0 : i32
      %dma_start3A_161 = tpu.memref_slice %arg2[%dma_start3A_159, %dma_start3A_160] : memref<10240x128xf32, #tpu.memory_space<hbm>> -> memref<10240x128xf32, #tpu.memory_space<hbm>>
      tpu.enqueue_indirect_dma source(%dma_start3A_161 : memref<10240x128xf32, #tpu.memory_space<hbm>>) target(%dma_start3A_155 : memref<128x128xf32, #tpu.memory_space<vmem>>) offsets(%dma_start3A_158 : memref<128xi32, #tpu.memory_space<vmem>>) semaphore(%arg10 : memref<!tpu.dma_semaphore, #tpu.memory_space<semaphore_mem>>)
      %run_scoped3A_162 = arith.constant 1 : i32
      %run_scoped3A_163 = arith.constant 3 : i32
      "tpu.region"() ({
        %run_scoped3A_262 = tpu.sem_alloc : memref<!tpu.dma_semaphore, #tpu.memory_space<semaphore_mem>>
        %dma_start3A_263 = arith.constant 0 : i32
        %dma_start3A_264 = arith.constant 0 : i32
        %dma_start3A_265 = tpu.memref_slice %arg9[%run_scoped3A_162, %dma_start3A_263, %dma_start3A_264] : memref<2x128x128xf32, #tpu.memory_space<vmem>> -> memref<1x128x128xf32, #tpu.memory_space<vmem>>
        %dma_start3A_266 = tpu.memref_squeeze %dma_start3A_265 : memref<1x128x128xf32, #tpu.memory_space<vmem>> -> memref<128x128xf32, #tpu.memory_space<vmem>>
        %dma_start3A_267 = arith.constant 0 : i32
        %dma_start3A_268 = tpu.memref_slice %arg8[%rem3A_50, %run_scoped3A_163, %dma_start3A_267] : memref<2x8x128xi32, #tpu.memory_space<vmem>> -> memref<1x1x128xi32, #tpu.memory_space<vmem>>
        %dma_start3A_269 = tpu.memref_squeeze %dma_start3A_268 : memref<1x1x128xi32, #tpu.memory_space<vmem>> -> memref<128xi32, #tpu.memory_space<vmem>>
        %dma_start3A_270 = arith.constant 0 : i32
        %dma_start3A_271 = arith.constant 0 : i32
        %dma_start3A_272 = tpu.memref_slice %arg12[%dma_start3A_270, %dma_start3A_271] : memref<10240x128xf32, #tpu.memory_space<vmem_shared>> -> memref<10240x128xf32, #tpu.memory_space<vmem_shared>>
        tpu.enqueue_indirect_dma source(%dma_start3A_266 : memref<128x128xf32, #tpu.memory_space<vmem>>) target(%dma_start3A_272 : memref<10240x128xf32, #tpu.memory_space<vmem_shared>>) offsets(%dma_start3A_269 : memref<128xi32, #tpu.memory_space<vmem>>) semaphore(%run_scoped3A_262 : memref<!tpu.dma_semaphore, #tpu.memory_space<semaphore_mem>>) {add = true}
        %dma_wait3A_273 = arith.constant 0 : i32
        %dma_wait3A_274 = arith.constant 0 : i32
        %dma_wait3A_275 = tpu.memref_slice %arg9[%run_scoped3A_162, %dma_wait3A_273, %dma_wait3A_274] : memref<2x128x128xf32, #tpu.memory_space<vmem>> -> memref<1x128x128xf32, #tpu.memory_space<vmem>>
        %dma_wait3A_276 = tpu.memref_squeeze %dma_wait3A_275 : memref<1x128x128xf32, #tpu.memory_space<vmem>> -> memref<128x128xf32, #tpu.memory_space<vmem>>
        %dma_wait3A_277 = arith.constant 0 : i32
        %dma_wait3A_278 = tpu.memref_slice %arg8[%rem3A_50, %run_scoped3A_163, %dma_wait3A_277] : memref<2x8x128xi32, #tpu.memory_space<vmem>> -> memref<1x1x128xi32, #tpu.memory_space<vmem>>
        %dma_wait3A_279 = tpu.memref_squeeze %dma_wait3A_278 : memref<1x1x128xi32, #tpu.memory_space<vmem>> -> memref<128xi32, #tpu.memory_space<vmem>>
        %dma_wait3A_280 = arith.constant 0 : i32
        %dma_wait3A_281 = arith.constant 0 : i32
        %dma_wait3A_282 = tpu.memref_slice %arg12[%dma_wait3A_280, %dma_wait3A_281] : memref<10240x128xf32, #tpu.memory_space<vmem_shared>> -> memref<10240x128xf32, #tpu.memory_space<vmem_shared>>
        tpu.wait_indirect_dma semaphore(%run_scoped3A_262 : memref<!tpu.dma_semaphore, #tpu.memory_space<semaphore_mem>>) src(%dma_wait3A_276 : memref<128x128xf32, #tpu.memory_space<vmem>>) dst(%dma_wait3A_282 : memref<10240x128xf32, #tpu.memory_space<vmem_shared>>)
        tpu.yield
      }) : () -> ()
      %dma_wait3A_164 = arith.constant 4 : i32
      %dma_wait3A_165 = arith.constant 0 : i32
      %dma_wait3A_166 = arith.constant 0 : i32
      %dma_wait3A_167 = arith.constant 0 : i32
      %dma_wait3A_168 = tpu.memref_slice %arg9[%dma_wait3A_165, %dma_wait3A_166, %dma_wait3A_167] : memref<2x128x128xf32, #tpu.memory_space<vmem>> -> memref<1x128x128xf32, #tpu.memory_space<vmem>>
      %dma_wait3A_169 = tpu.memref_squeeze %dma_wait3A_168 : memref<1x128x128xf32, #tpu.memory_space<vmem>> -> memref<128x128xf32, #tpu.memory_space<vmem>>
      %dma_wait3A_170 = arith.constant 0 : i32
      %dma_wait3A_171 = tpu.memref_slice %arg7[%rem3A_50, %dma_wait3A_164, %dma_wait3A_170] : memref<2x8x128xi32, #tpu.memory_space<vmem>> -> memref<1x1x128xi32, #tpu.memory_space<vmem>>
      %dma_wait3A_172 = tpu.memref_squeeze %dma_wait3A_171 : memref<1x1x128xi32, #tpu.memory_space<vmem>> -> memref<128xi32, #tpu.memory_space<vmem>>
      %dma_wait3A_173 = arith.constant 0 : i32
      %dma_wait3A_174 = arith.constant 0 : i32
      %dma_wait3A_175 = tpu.memref_slice %arg2[%dma_wait3A_173, %dma_wait3A_174] : memref<10240x128xf32, #tpu.memory_space<hbm>> -> memref<10240x128xf32, #tpu.memory_space<hbm>>
      tpu.wait_indirect_dma semaphore(%arg10 : memref<!tpu.dma_semaphore, #tpu.memory_space<semaphore_mem>>) src(%dma_wait3A_175 : memref<10240x128xf32, #tpu.memory_space<hbm>>) dst(%dma_wait3A_169 : memref<128x128xf32, #tpu.memory_space<vmem>>)
      %dma_start3A_176 = arith.constant 5 : i32
      %dma_start3A_177 = arith.constant 1 : i32
      %dma_start3A_178 = arith.constant 0 : i32
      %dma_start3A_179 = arith.constant 0 : i32
      %dma_start3A_180 = tpu.memref_slice %arg9[%dma_start3A_177, %dma_start3A_178, %dma_start3A_179] : memref<2x128x128xf32, #tpu.memory_space<vmem>> -> memref<1x128x128xf32, #tpu.memory_space<vmem>>
      %dma_start3A_181 = tpu.memref_squeeze %dma_start3A_180 : memref<1x128x128xf32, #tpu.memory_space<vmem>> -> memref<128x128xf32, #tpu.memory_space<vmem>>
      %dma_start3A_182 = arith.constant 0 : i32
      %dma_start3A_183 = tpu.memref_slice %arg7[%rem3A_50, %dma_start3A_176, %dma_start3A_182] : memref<2x8x128xi32, #tpu.memory_space<vmem>> -> memref<1x1x128xi32, #tpu.memory_space<vmem>>
      %dma_start3A_184 = tpu.memref_squeeze %dma_start3A_183 : memref<1x1x128xi32, #tpu.memory_space<vmem>> -> memref<128xi32, #tpu.memory_space<vmem>>
      %dma_start3A_185 = arith.constant 0 : i32
      %dma_start3A_186 = arith.constant 0 : i32
      %dma_start3A_187 = tpu.memref_slice %arg2[%dma_start3A_185, %dma_start3A_186] : memref<10240x128xf32, #tpu.memory_space<hbm>> -> memref<10240x128xf32, #tpu.memory_space<hbm>>
      tpu.enqueue_indirect_dma source(%dma_start3A_187 : memref<10240x128xf32, #tpu.memory_space<hbm>>) target(%dma_start3A_181 : memref<128x128xf32, #tpu.memory_space<vmem>>) offsets(%dma_start3A_184 : memref<128xi32, #tpu.memory_space<vmem>>) semaphore(%arg10 : memref<!tpu.dma_semaphore, #tpu.memory_space<semaphore_mem>>)
      %run_scoped3A_188 = arith.constant 0 : i32
      %run_scoped3A_189 = arith.constant 4 : i32
      "tpu.region"() ({
        %run_scoped3A_262 = tpu.sem_alloc : memref<!tpu.dma_semaphore, #tpu.memory_space<semaphore_mem>>
        %dma_start3A_263 = arith.constant 0 : i32
        %dma_start3A_264 = arith.constant 0 : i32
        %dma_start3A_265 = tpu.memref_slice %arg9[%run_scoped3A_188, %dma_start3A_263, %dma_start3A_264] : memref<2x128x128xf32, #tpu.memory_space<vmem>> -> memref<1x128x128xf32, #tpu.memory_space<vmem>>
        %dma_start3A_266 = tpu.memref_squeeze %dma_start3A_265 : memref<1x128x128xf32, #tpu.memory_space<vmem>> -> memref<128x128xf32, #tpu.memory_space<vmem>>
        %dma_start3A_267 = arith.constant 0 : i32
        %dma_start3A_268 = tpu.memref_slice %arg8[%rem3A_50, %run_scoped3A_189, %dma_start3A_267] : memref<2x8x128xi32, #tpu.memory_space<vmem>> -> memref<1x1x128xi32, #tpu.memory_space<vmem>>
        %dma_start3A_269 = tpu.memref_squeeze %dma_start3A_268 : memref<1x1x128xi32, #tpu.memory_space<vmem>> -> memref<128xi32, #tpu.memory_space<vmem>>
        %dma_start3A_270 = arith.constant 0 : i32
        %dma_start3A_271 = arith.constant 0 : i32
        %dma_start3A_272 = tpu.memref_slice %arg12[%dma_start3A_270, %dma_start3A_271] : memref<10240x128xf32, #tpu.memory_space<vmem_shared>> -> memref<10240x128xf32, #tpu.memory_space<vmem_shared>>
        tpu.enqueue_indirect_dma source(%dma_start3A_266 : memref<128x128xf32, #tpu.memory_space<vmem>>) target(%dma_start3A_272 : memref<10240x128xf32, #tpu.memory_space<vmem_shared>>) offsets(%dma_start3A_269 : memref<128xi32, #tpu.memory_space<vmem>>) semaphore(%run_scoped3A_262 : memref<!tpu.dma_semaphore, #tpu.memory_space<semaphore_mem>>) {add = true}
        %dma_wait3A_273 = arith.constant 0 : i32
        %dma_wait3A_274 = arith.constant 0 : i32
        %dma_wait3A_275 = tpu.memref_slice %arg9[%run_scoped3A_188, %dma_wait3A_273, %dma_wait3A_274] : memref<2x128x128xf32, #tpu.memory_space<vmem>> -> memref<1x128x128xf32, #tpu.memory_space<vmem>>
        %dma_wait3A_276 = tpu.memref_squeeze %dma_wait3A_275 : memref<1x128x128xf32, #tpu.memory_space<vmem>> -> memref<128x128xf32, #tpu.memory_space<vmem>>
        %dma_wait3A_277 = arith.constant 0 : i32
        %dma_wait3A_278 = tpu.memref_slice %arg8[%rem3A_50, %run_scoped3A_189, %dma_wait3A_277] : memref<2x8x128xi32, #tpu.memory_space<vmem>> -> memref<1x1x128xi32, #tpu.memory_space<vmem>>
        %dma_wait3A_279 = tpu.memref_squeeze %dma_wait3A_278 : memref<1x1x128xi32, #tpu.memory_space<vmem>> -> memref<128xi32, #tpu.memory_space<vmem>>
        %dma_wait3A_280 = arith.constant 0 : i32
        %dma_wait3A_281 = arith.constant 0 : i32
        %dma_wait3A_282 = tpu.memref_slice %arg12[%dma_wait3A_280, %dma_wait3A_281] : memref<10240x128xf32, #tpu.memory_space<vmem_shared>> -> memref<10240x128xf32, #tpu.memory_space<vmem_shared>>
        tpu.wait_indirect_dma semaphore(%run_scoped3A_262 : memref<!tpu.dma_semaphore, #tpu.memory_space<semaphore_mem>>) src(%dma_wait3A_276 : memref<128x128xf32, #tpu.memory_space<vmem>>) dst(%dma_wait3A_282 : memref<10240x128xf32, #tpu.memory_space<vmem_shared>>)
        tpu.yield
      }) : () -> ()
      %dma_wait3A_190 = arith.constant 5 : i32
      %dma_wait3A_191 = arith.constant 1 : i32
      %dma_wait3A_192 = arith.constant 0 : i32
      %dma_wait3A_193 = arith.constant 0 : i32
      %dma_wait3A_194 = tpu.memref_slice %arg9[%dma_wait3A_191, %dma_wait3A_192, %dma_wait3A_193] : memref<2x128x128xf32, #tpu.memory_space<vmem>> -> memref<1x128x128xf32, #tpu.memory_space<vmem>>
      %dma_wait3A_195 = tpu.memref_squeeze %dma_wait3A_194 : memref<1x128x128xf32, #tpu.memory_space<vmem>> -> memref<128x128xf32, #tpu.memory_space<vmem>>
      %dma_wait3A_196 = arith.constant 0 : i32
      %dma_wait3A_197 = tpu.memref_slice %arg7[%rem3A_50, %dma_wait3A_190, %dma_wait3A_196] : memref<2x8x128xi32, #tpu.memory_space<vmem>> -> memref<1x1x128xi32, #tpu.memory_space<vmem>>
      %dma_wait3A_198 = tpu.memref_squeeze %dma_wait3A_197 : memref<1x1x128xi32, #tpu.memory_space<vmem>> -> memref<128xi32, #tpu.memory_space<vmem>>
      %dma_wait3A_199 = arith.constant 0 : i32
      %dma_wait3A_200 = arith.constant 0 : i32
      %dma_wait3A_201 = tpu.memref_slice %arg2[%dma_wait3A_199, %dma_wait3A_200] : memref<10240x128xf32, #tpu.memory_space<hbm>> -> memref<10240x128xf32, #tpu.memory_space<hbm>>
      tpu.wait_indirect_dma semaphore(%arg10 : memref<!tpu.dma_semaphore, #tpu.memory_space<semaphore_mem>>) src(%dma_wait3A_201 : memref<10240x128xf32, #tpu.memory_space<hbm>>) dst(%dma_wait3A_195 : memref<128x128xf32, #tpu.memory_space<vmem>>)
      %dma_start3A_202 = arith.constant 6 : i32
      %dma_start3A_203 = arith.constant 0 : i32
      %dma_start3A_204 = arith.constant 0 : i32
      %dma_start3A_205 = arith.constant 0 : i32
      %dma_start3A_206 = tpu.memref_slice %arg9[%dma_start3A_203, %dma_start3A_204, %dma_start3A_205] : memref<2x128x128xf32, #tpu.memory_space<vmem>> -> memref<1x128x128xf32, #tpu.memory_space<vmem>>
      %dma_start3A_207 = tpu.memref_squeeze %dma_start3A_206 : memref<1x128x128xf32, #tpu.memory_space<vmem>> -> memref<128x128xf32, #tpu.memory_space<vmem>>
      %dma_start3A_208 = arith.constant 0 : i32
      %dma_start3A_209 = tpu.memref_slice %arg7[%rem3A_50, %dma_start3A_202, %dma_start3A_208] : memref<2x8x128xi32, #tpu.memory_space<vmem>> -> memref<1x1x128xi32, #tpu.memory_space<vmem>>
      %dma_start3A_210 = tpu.memref_squeeze %dma_start3A_209 : memref<1x1x128xi32, #tpu.memory_space<vmem>> -> memref<128xi32, #tpu.memory_space<vmem>>
      %dma_start3A_211 = arith.constant 0 : i32
      %dma_start3A_212 = arith.constant 0 : i32
      %dma_start3A_213 = tpu.memref_slice %arg2[%dma_start3A_211, %dma_start3A_212] : memref<10240x128xf32, #tpu.memory_space<hbm>> -> memref<10240x128xf32, #tpu.memory_space<hbm>>
      tpu.enqueue_indirect_dma source(%dma_start3A_213 : memref<10240x128xf32, #tpu.memory_space<hbm>>) target(%dma_start3A_207 : memref<128x128xf32, #tpu.memory_space<vmem>>) offsets(%dma_start3A_210 : memref<128xi32, #tpu.memory_space<vmem>>) semaphore(%arg10 : memref<!tpu.dma_semaphore, #tpu.memory_space<semaphore_mem>>)
      %run_scoped3A_214 = arith.constant 1 : i32
      %run_scoped3A_215 = arith.constant 5 : i32
      "tpu.region"() ({
        %run_scoped3A_262 = tpu.sem_alloc : memref<!tpu.dma_semaphore, #tpu.memory_space<semaphore_mem>>
        %dma_start3A_263 = arith.constant 0 : i32
        %dma_start3A_264 = arith.constant 0 : i32
        %dma_start3A_265 = tpu.memref_slice %arg9[%run_scoped3A_214, %dma_start3A_263, %dma_start3A_264] : memref<2x128x128xf32, #tpu.memory_space<vmem>> -> memref<1x128x128xf32, #tpu.memory_space<vmem>>
        %dma_start3A_266 = tpu.memref_squeeze %dma_start3A_265 : memref<1x128x128xf32, #tpu.memory_space<vmem>> -> memref<128x128xf32, #tpu.memory_space<vmem>>
        %dma_start3A_267 = arith.constant 0 : i32
        %dma_start3A_268 = tpu.memref_slice %arg8[%rem3A_50, %run_scoped3A_215, %dma_start3A_267] : memref<2x8x128xi32, #tpu.memory_space<vmem>> -> memref<1x1x128xi32, #tpu.memory_space<vmem>>
        %dma_start3A_269 = tpu.memref_squeeze %dma_start3A_268 : memref<1x1x128xi32, #tpu.memory_space<vmem>> -> memref<128xi32, #tpu.memory_space<vmem>>
        %dma_start3A_270 = arith.constant 0 : i32
        %dma_start3A_271 = arith.constant 0 : i32
        %dma_start3A_272 = tpu.memref_slice %arg12[%dma_start3A_270, %dma_start3A_271] : memref<10240x128xf32, #tpu.memory_space<vmem_shared>> -> memref<10240x128xf32, #tpu.memory_space<vmem_shared>>
        tpu.enqueue_indirect_dma source(%dma_start3A_266 : memref<128x128xf32, #tpu.memory_space<vmem>>) target(%dma_start3A_272 : memref<10240x128xf32, #tpu.memory_space<vmem_shared>>) offsets(%dma_start3A_269 : memref<128xi32, #tpu.memory_space<vmem>>) semaphore(%run_scoped3A_262 : memref<!tpu.dma_semaphore, #tpu.memory_space<semaphore_mem>>) {add = true}
        %dma_wait3A_273 = arith.constant 0 : i32
        %dma_wait3A_274 = arith.constant 0 : i32
        %dma_wait3A_275 = tpu.memref_slice %arg9[%run_scoped3A_214, %dma_wait3A_273, %dma_wait3A_274] : memref<2x128x128xf32, #tpu.memory_space<vmem>> -> memref<1x128x128xf32, #tpu.memory_space<vmem>>
        %dma_wait3A_276 = tpu.memref_squeeze %dma_wait3A_275 : memref<1x128x128xf32, #tpu.memory_space<vmem>> -> memref<128x128xf32, #tpu.memory_space<vmem>>
        %dma_wait3A_277 = arith.constant 0 : i32
        %dma_wait3A_278 = tpu.memref_slice %arg8[%rem3A_50, %run_scoped3A_215, %dma_wait3A_277] : memref<2x8x128xi32, #tpu.memory_space<vmem>> -> memref<1x1x128xi32, #tpu.memory_space<vmem>>
        %dma_wait3A_279 = tpu.memref_squeeze %dma_wait3A_278 : memref<1x1x128xi32, #tpu.memory_space<vmem>> -> memref<128xi32, #tpu.memory_space<vmem>>
        %dma_wait3A_280 = arith.constant 0 : i32
        %dma_wait3A_281 = arith.constant 0 : i32
        %dma_wait3A_282 = tpu.memref_slice %arg12[%dma_wait3A_280, %dma_wait3A_281] : memref<10240x128xf32, #tpu.memory_space<vmem_shared>> -> memref<10240x128xf32, #tpu.memory_space<vmem_shared>>
        tpu.wait_indirect_dma semaphore(%run_scoped3A_262 : memref<!tpu.dma_semaphore, #tpu.memory_space<semaphore_mem>>) src(%dma_wait3A_276 : memref<128x128xf32, #tpu.memory_space<vmem>>) dst(%dma_wait3A_282 : memref<10240x128xf32, #tpu.memory_space<vmem_shared>>)
        tpu.yield
      }) : () -> ()
      %dma_wait3A_216 = arith.constant 6 : i32
      %dma_wait3A_217 = arith.constant 0 : i32
      %dma_wait3A_218 = arith.constant 0 : i32
      %dma_wait3A_219 = arith.constant 0 : i32
      %dma_wait3A_220 = tpu.memref_slice %arg9[%dma_wait3A_217, %dma_wait3A_218, %dma_wait3A_219] : memref<2x128x128xf32, #tpu.memory_space<vmem>> -> memref<1x128x128xf32, #tpu.memory_space<vmem>>
      %dma_wait3A_221 = tpu.memref_squeeze %dma_wait3A_220 : memref<1x128x128xf32, #tpu.memory_space<vmem>> -> memref<128x128xf32, #tpu.memory_space<vmem>>
      %dma_wait3A_222 = arith.constant 0 : i32
      %dma_wait3A_223 = tpu.memref_slice %arg7[%rem3A_50, %dma_wait3A_216, %dma_wait3A_222] : memref<2x8x128xi32, #tpu.memory_space<vmem>> -> memref<1x1x128xi32, #tpu.memory_space<vmem>>
      %dma_wait3A_224 = tpu.memref_squeeze %dma_wait3A_223 : memref<1x1x128xi32, #tpu.memory_space<vmem>> -> memref<128xi32, #tpu.memory_space<vmem>>
      %dma_wait3A_225 = arith.constant 0 : i32
      %dma_wait3A_226 = arith.constant 0 : i32
      %dma_wait3A_227 = tpu.memref_slice %arg2[%dma_wait3A_225, %dma_wait3A_226] : memref<10240x128xf32, #tpu.memory_space<hbm>> -> memref<10240x128xf32, #tpu.memory_space<hbm>>
      tpu.wait_indirect_dma semaphore(%arg10 : memref<!tpu.dma_semaphore, #tpu.memory_space<semaphore_mem>>) src(%dma_wait3A_227 : memref<10240x128xf32, #tpu.memory_space<hbm>>) dst(%dma_wait3A_221 : memref<128x128xf32, #tpu.memory_space<vmem>>)
      %dma_start3A_228 = arith.constant 7 : i32
      %dma_start3A_229 = arith.constant 1 : i32
      %dma_start3A_230 = arith.constant 0 : i32
      %dma_start3A_231 = arith.constant 0 : i32
      %dma_start3A_232 = tpu.memref_slice %arg9[%dma_start3A_229, %dma_start3A_230, %dma_start3A_231] : memref<2x128x128xf32, #tpu.memory_space<vmem>> -> memref<1x128x128xf32, #tpu.memory_space<vmem>>
      %dma_start3A_233 = tpu.memref_squeeze %dma_start3A_232 : memref<1x128x128xf32, #tpu.memory_space<vmem>> -> memref<128x128xf32, #tpu.memory_space<vmem>>
      %dma_start3A_234 = arith.constant 0 : i32
      %dma_start3A_235 = tpu.memref_slice %arg7[%rem3A_50, %dma_start3A_228, %dma_start3A_234] : memref<2x8x128xi32, #tpu.memory_space<vmem>> -> memref<1x1x128xi32, #tpu.memory_space<vmem>>
      %dma_start3A_236 = tpu.memref_squeeze %dma_start3A_235 : memref<1x1x128xi32, #tpu.memory_space<vmem>> -> memref<128xi32, #tpu.memory_space<vmem>>
      %dma_start3A_237 = arith.constant 0 : i32
      %dma_start3A_238 = arith.constant 0 : i32
      %dma_start3A_239 = tpu.memref_slice %arg2[%dma_start3A_237, %dma_start3A_238] : memref<10240x128xf32, #tpu.memory_space<hbm>> -> memref<10240x128xf32, #tpu.memory_space<hbm>>
      tpu.enqueue_indirect_dma source(%dma_start3A_239 : memref<10240x128xf32, #tpu.memory_space<hbm>>) target(%dma_start3A_233 : memref<128x128xf32, #tpu.memory_space<vmem>>) offsets(%dma_start3A_236 : memref<128xi32, #tpu.memory_space<vmem>>) semaphore(%arg10 : memref<!tpu.dma_semaphore, #tpu.memory_space<semaphore_mem>>)
      %run_scoped3A_240 = arith.constant 0 : i32
      %run_scoped3A_241 = arith.constant 6 : i32
      "tpu.region"() ({
        %run_scoped3A_262 = tpu.sem_alloc : memref<!tpu.dma_semaphore, #tpu.memory_space<semaphore_mem>>
        %dma_start3A_263 = arith.constant 0 : i32
        %dma_start3A_264 = arith.constant 0 : i32
        %dma_start3A_265 = tpu.memref_slice %arg9[%run_scoped3A_240, %dma_start3A_263, %dma_start3A_264] : memref<2x128x128xf32, #tpu.memory_space<vmem>> -> memref<1x128x128xf32, #tpu.memory_space<vmem>>
        %dma_start3A_266 = tpu.memref_squeeze %dma_start3A_265 : memref<1x128x128xf32, #tpu.memory_space<vmem>> -> memref<128x128xf32, #tpu.memory_space<vmem>>
        %dma_start3A_267 = arith.constant 0 : i32
        %dma_start3A_268 = tpu.memref_slice %arg8[%rem3A_50, %run_scoped3A_241, %dma_start3A_267] : memref<2x8x128xi32, #tpu.memory_space<vmem>> -> memref<1x1x128xi32, #tpu.memory_space<vmem>>
        %dma_start3A_269 = tpu.memref_squeeze %dma_start3A_268 : memref<1x1x128xi32, #tpu.memory_space<vmem>> -> memref<128xi32, #tpu.memory_space<vmem>>
        %dma_start3A_270 = arith.constant 0 : i32
        %dma_start3A_271 = arith.constant 0 : i32
        %dma_start3A_272 = tpu.memref_slice %arg12[%dma_start3A_270, %dma_start3A_271] : memref<10240x128xf32, #tpu.memory_space<vmem_shared>> -> memref<10240x128xf32, #tpu.memory_space<vmem_shared>>
        tpu.enqueue_indirect_dma source(%dma_start3A_266 : memref<128x128xf32, #tpu.memory_space<vmem>>) target(%dma_start3A_272 : memref<10240x128xf32, #tpu.memory_space<vmem_shared>>) offsets(%dma_start3A_269 : memref<128xi32, #tpu.memory_space<vmem>>) semaphore(%run_scoped3A_262 : memref<!tpu.dma_semaphore, #tpu.memory_space<semaphore_mem>>) {add = true}
        %dma_wait3A_273 = arith.constant 0 : i32
        %dma_wait3A_274 = arith.constant 0 : i32
        %dma_wait3A_275 = tpu.memref_slice %arg9[%run_scoped3A_240, %dma_wait3A_273, %dma_wait3A_274] : memref<2x128x128xf32, #tpu.memory_space<vmem>> -> memref<1x128x128xf32, #tpu.memory_space<vmem>>
        %dma_wait3A_276 = tpu.memref_squeeze %dma_wait3A_275 : memref<1x128x128xf32, #tpu.memory_space<vmem>> -> memref<128x128xf32, #tpu.memory_space<vmem>>
        %dma_wait3A_277 = arith.constant 0 : i32
        %dma_wait3A_278 = tpu.memref_slice %arg8[%rem3A_50, %run_scoped3A_241, %dma_wait3A_277] : memref<2x8x128xi32, #tpu.memory_space<vmem>> -> memref<1x1x128xi32, #tpu.memory_space<vmem>>
        %dma_wait3A_279 = tpu.memref_squeeze %dma_wait3A_278 : memref<1x1x128xi32, #tpu.memory_space<vmem>> -> memref<128xi32, #tpu.memory_space<vmem>>
        %dma_wait3A_280 = arith.constant 0 : i32
        %dma_wait3A_281 = arith.constant 0 : i32
        %dma_wait3A_282 = tpu.memref_slice %arg12[%dma_wait3A_280, %dma_wait3A_281] : memref<10240x128xf32, #tpu.memory_space<vmem_shared>> -> memref<10240x128xf32, #tpu.memory_space<vmem_shared>>
        tpu.wait_indirect_dma semaphore(%run_scoped3A_262 : memref<!tpu.dma_semaphore, #tpu.memory_space<semaphore_mem>>) src(%dma_wait3A_276 : memref<128x128xf32, #tpu.memory_space<vmem>>) dst(%dma_wait3A_282 : memref<10240x128xf32, #tpu.memory_space<vmem_shared>>)
        tpu.yield
      }) : () -> ()
      %dma_wait3A_242 = arith.constant 7 : i32
      %dma_wait3A_243 = arith.constant 1 : i32
      %dma_wait3A_244 = arith.constant 0 : i32
      %dma_wait3A_245 = arith.constant 0 : i32
      %dma_wait3A_246 = tpu.memref_slice %arg9[%dma_wait3A_243, %dma_wait3A_244, %dma_wait3A_245] : memref<2x128x128xf32, #tpu.memory_space<vmem>> -> memref<1x128x128xf32, #tpu.memory_space<vmem>>
      %dma_wait3A_247 = tpu.memref_squeeze %dma_wait3A_246 : memref<1x128x128xf32, #tpu.memory_space<vmem>> -> memref<128x128xf32, #tpu.memory_space<vmem>>
      %dma_wait3A_248 = arith.constant 0 : i32
      %dma_wait3A_249 = tpu.memref_slice %arg7[%rem3A_50, %dma_wait3A_242, %dma_wait3A_248] : memref<2x8x128xi32, #tpu.memory_space<vmem>> -> memref<1x1x128xi32, #tpu.memory_space<vmem>>
      %dma_wait3A_250 = tpu.memref_squeeze %dma_wait3A_249 : memref<1x1x128xi32, #tpu.memory_space<vmem>> -> memref<128xi32, #tpu.memory_space<vmem>>
      %dma_wait3A_251 = arith.constant 0 : i32
      %dma_wait3A_252 = arith.constant 0 : i32
      %dma_wait3A_253 = tpu.memref_slice %arg2[%dma_wait3A_251, %dma_wait3A_252] : memref<10240x128xf32, #tpu.memory_space<hbm>> -> memref<10240x128xf32, #tpu.memory_space<hbm>>
      tpu.wait_indirect_dma semaphore(%arg10 : memref<!tpu.dma_semaphore, #tpu.memory_space<semaphore_mem>>) src(%dma_wait3A_253 : memref<10240x128xf32, #tpu.memory_space<hbm>>) dst(%dma_wait3A_247 : memref<128x128xf32, #tpu.memory_space<vmem>>)
      %add3A_254 = arith.constant 1 : i32
      %add3A_255 = arith.addi %while3A_48, %add3A_254 : i32
      %lt3A_256 = arith.cmpi slt, %add3A_255, %select_n3A_19 : i32
      %convert_element_type3A_257 = arith.extui %lt3A_256 : i1 to i32
      %cond3A_258 = arith.constant 0 : i32
      %cond3A_259 = arith.cmpi ne, %convert_element_type3A_257, %cond3A_258 : i32
      scf.if %cond3A_259 {
        %dma_wait3A_262 = arith.constant 0 : i32
        %dma_wait3A_263 = arith.constant 0 : i32
        %dma_wait3A_264 = tpu.memref_slice %arg7[%sub3A_52, %dma_wait3A_262, %dma_wait3A_263] : memref<2x8x128xi32, #tpu.memory_space<vmem>> -> memref<1x8x128xi32, #tpu.memory_space<vmem>>
        %dma_wait3A_265 = tpu.memref_squeeze %dma_wait3A_264 : memref<1x8x128xi32, #tpu.memory_space<vmem>> -> memref<8x128xi32, #tpu.memory_space<vmem>>
        %dma_wait3A_266 = arith.constant 0 : i32
        %dma_wait3A_267 = tpu.memref_slice %arg3[%add3A_57, %dma_wait3A_266] : memref<2560x128xi32, #tpu.memory_space<hbm>> -> memref<8x128xi32, #tpu.memory_space<hbm>>
        %dma_wait3A_268 = arith.constant 0 : i32
        %dma_wait3A_269 = arith.constant 0 : i32
        %dma_wait3A_270 = tpu.memref_slice %arg7[%sub3A_52, %dma_wait3A_268, %dma_wait3A_269] : memref<2x8x128xi32, #tpu.memory_space<vmem>> -> memref<1x8x128xi32, #tpu.memory_space<vmem>>
        %dma_wait3A_271 = tpu.memref_squeeze %dma_wait3A_270 : memref<1x8x128xi32, #tpu.memory_space<vmem>> -> memref<8x128xi32, #tpu.memory_space<vmem>>
        %dma_wait3A_272 = arith.constant 0 : i32
        %dma_wait3A_273 = tpu.memref_slice %arg3[%add3A_57, %dma_wait3A_272] : memref<2560x128xi32, #tpu.memory_space<hbm>> -> memref<8x128xi32, #tpu.memory_space<hbm>>
        tpu.wait_dma2 semaphore(%arg11 : memref<!tpu.dma_semaphore, #tpu.memory_space<semaphore_mem>>) src(%dma_wait3A_273 : memref<8x128xi32, #tpu.memory_space<hbm>>) dst(%dma_wait3A_271 : memref<8x128xi32, #tpu.memory_space<vmem>>)
        %dma_wait3A_274 = arith.constant 0 : i32
        %dma_wait3A_275 = arith.constant 0 : i32
        %dma_wait3A_276 = tpu.memref_slice %arg8[%sub3A_52, %dma_wait3A_274, %dma_wait3A_275] : memref<2x8x128xi32, #tpu.memory_space<vmem>> -> memref<1x8x128xi32, #tpu.memory_space<vmem>>
        %dma_wait3A_277 = tpu.memref_squeeze %dma_wait3A_276 : memref<1x8x128xi32, #tpu.memory_space<vmem>> -> memref<8x128xi32, #tpu.memory_space<vmem>>
        %dma_wait3A_278 = arith.constant 0 : i32
        %dma_wait3A_279 = tpu.memref_slice %arg4[%add3A_57, %dma_wait3A_278] : memref<2560x128xi32, #tpu.memory_space<hbm>> -> memref<8x128xi32, #tpu.memory_space<hbm>>
        %dma_wait3A_280 = arith.constant 0 : i32
        %dma_wait3A_281 = arith.constant 0 : i32
        %dma_wait3A_282 = tpu.memref_slice %arg8[%sub3A_52, %dma_wait3A_280, %dma_wait3A_281] : memref<2x8x128xi32, #tpu.memory_space<vmem>> -> memref<1x8x128xi32, #tpu.memory_space<vmem>>
        %dma_wait3A_283 = tpu.memref_squeeze %dma_wait3A_282 : memref<1x8x128xi32, #tpu.memory_space<vmem>> -> memref<8x128xi32, #tpu.memory_space<vmem>>
        %dma_wait3A_284 = arith.constant 0 : i32
        %dma_wait3A_285 = tpu.memref_slice %arg4[%add3A_57, %dma_wait3A_284] : memref<2560x128xi32, #tpu.memory_space<hbm>> -> memref<8x128xi32, #tpu.memory_space<hbm>>
        tpu.wait_dma2 semaphore(%arg11 : memref<!tpu.dma_semaphore, #tpu.memory_space<semaphore_mem>>) src(%dma_wait3A_285 : memref<8x128xi32, #tpu.memory_space<hbm>>) dst(%dma_wait3A_283 : memref<8x128xi32, #tpu.memory_space<vmem>>)
        %dma_start3A_286 = arith.constant 0 : i32
        %dma_start3A_287 = arith.constant 0 : i32
        %dma_start3A_288 = arith.constant 0 : i32
        %dma_start3A_289 = arith.constant 0 : i32
        %dma_start3A_290 = tpu.memref_slice %arg9[%dma_start3A_287, %dma_start3A_288, %dma_start3A_289] : memref<2x128x128xf32, #tpu.memory_space<vmem>> -> memref<1x128x128xf32, #tpu.memory_space<vmem>>
        %dma_start3A_291 = tpu.memref_squeeze %dma_start3A_290 : memref<1x128x128xf32, #tpu.memory_space<vmem>> -> memref<128x128xf32, #tpu.memory_space<vmem>>
        %dma_start3A_292 = arith.constant 0 : i32
        %dma_start3A_293 = tpu.memref_slice %arg7[%sub3A_52, %dma_start3A_286, %dma_start3A_292] : memref<2x8x128xi32, #tpu.memory_space<vmem>> -> memref<1x1x128xi32, #tpu.memory_space<vmem>>
        %dma_start3A_294 = tpu.memref_squeeze %dma_start3A_293 : memref<1x1x128xi32, #tpu.memory_space<vmem>> -> memref<128xi32, #tpu.memory_space<vmem>>
        %dma_start3A_295 = arith.constant 0 : i32
        %dma_start3A_296 = arith.constant 0 : i32
        %dma_start3A_297 = tpu.memref_slice %arg2[%dma_start3A_295, %dma_start3A_296] : memref<10240x128xf32, #tpu.memory_space<hbm>> -> memref<10240x128xf32, #tpu.memory_space<hbm>>
        tpu.enqueue_indirect_dma source(%dma_start3A_297 : memref<10240x128xf32, #tpu.memory_space<hbm>>) target(%dma_start3A_291 : memref<128x128xf32, #tpu.memory_space<vmem>>) offsets(%dma_start3A_294 : memref<128xi32, #tpu.memory_space<vmem>>) semaphore(%arg10 : memref<!tpu.dma_semaphore, #tpu.memory_space<semaphore_mem>>)
      } else {
      }
      %run_scoped3A_260 = arith.constant 1 : i32
      %run_scoped3A_261 = arith.constant 7 : i32
      "tpu.region"() ({
        %run_scoped3A_262 = tpu.sem_alloc : memref<!tpu.dma_semaphore, #tpu.memory_space<semaphore_mem>>
        %dma_start3A_263 = arith.constant 0 : i32
        %dma_start3A_264 = arith.constant 0 : i32
        %dma_start3A_265 = tpu.memref_slice %arg9[%run_scoped3A_260, %dma_start3A_263, %dma_start3A_264] : memref<2x128x128xf32, #tpu.memory_space<vmem>> -> memref<1x128x128xf32, #tpu.memory_space<vmem>>
        %dma_start3A_266 = tpu.memref_squeeze %dma_start3A_265 : memref<1x128x128xf32, #tpu.memory_space<vmem>> -> memref<128x128xf32, #tpu.memory_space<vmem>>
        %dma_start3A_267 = arith.constant 0 : i32
        %dma_start3A_268 = tpu.memref_slice %arg8[%rem3A_50, %run_scoped3A_261, %dma_start3A_267] : memref<2x8x128xi32, #tpu.memory_space<vmem>> -> memref<1x1x128xi32, #tpu.memory_space<vmem>>
        %dma_start3A_269 = tpu.memref_squeeze %dma_start3A_268 : memref<1x1x128xi32, #tpu.memory_space<vmem>> -> memref<128xi32, #tpu.memory_space<vmem>>
        %dma_start3A_270 = arith.constant 0 : i32
        %dma_start3A_271 = arith.constant 0 : i32
        %dma_start3A_272 = tpu.memref_slice %arg12[%dma_start3A_270, %dma_start3A_271] : memref<10240x128xf32, #tpu.memory_space<vmem_shared>> -> memref<10240x128xf32, #tpu.memory_space<vmem_shared>>
        tpu.enqueue_indirect_dma source(%dma_start3A_266 : memref<128x128xf32, #tpu.memory_space<vmem>>) target(%dma_start3A_272 : memref<10240x128xf32, #tpu.memory_space<vmem_shared>>) offsets(%dma_start3A_269 : memref<128xi32, #tpu.memory_space<vmem>>) semaphore(%run_scoped3A_262 : memref<!tpu.dma_semaphore, #tpu.memory_space<semaphore_mem>>) {add = true}
        %dma_wait3A_273 = arith.constant 0 : i32
        %dma_wait3A_274 = arith.constant 0 : i32
        %dma_wait3A_275 = tpu.memref_slice %arg9[%run_scoped3A_260, %dma_wait3A_273, %dma_wait3A_274] : memref<2x128x128xf32, #tpu.memory_space<vmem>> -> memref<1x128x128xf32, #tpu.memory_space<vmem>>
        %dma_wait3A_276 = tpu.memref_squeeze %dma_wait3A_275 : memref<1x128x128xf32, #tpu.memory_space<vmem>> -> memref<128x128xf32, #tpu.memory_space<vmem>>
        %dma_wait3A_277 = arith.constant 0 : i32
        %dma_wait3A_278 = tpu.memref_slice %arg8[%rem3A_50, %run_scoped3A_261, %dma_wait3A_277] : memref<2x8x128xi32, #tpu.memory_space<vmem>> -> memref<1x1x128xi32, #tpu.memory_space<vmem>>
        %dma_wait3A_279 = tpu.memref_squeeze %dma_wait3A_278 : memref<1x1x128xi32, #tpu.memory_space<vmem>> -> memref<128xi32, #tpu.memory_space<vmem>>
        %dma_wait3A_280 = arith.constant 0 : i32
        %dma_wait3A_281 = arith.constant 0 : i32
        %dma_wait3A_282 = tpu.memref_slice %arg12[%dma_wait3A_280, %dma_wait3A_281] : memref<10240x128xf32, #tpu.memory_space<vmem_shared>> -> memref<10240x128xf32, #tpu.memory_space<vmem_shared>>
        tpu.wait_indirect_dma semaphore(%run_scoped3A_262 : memref<!tpu.dma_semaphore, #tpu.memory_space<semaphore_mem>>) src(%dma_wait3A_276 : memref<128x128xf32, #tpu.memory_space<vmem>>) dst(%dma_wait3A_282 : memref<10240x128xf32, #tpu.memory_space<vmem_shared>>)
        tpu.yield
      }) : () -> ()
    }
    %barrier3A_45 = arith.constant 0 : index
    tpu.barrier barrier_id(%barrier3A_45)
    %mul3A_46 = arith.constant 640 : i32
    %mul3A_47 = arith.muli %arg1, %mul3A_46 : i32
    "tpu.region"() ({
      %run_scoped3A = tpu.sem_alloc : memref<!tpu.dma_semaphore, #tpu.memory_space<semaphore_mem>>
      %dma_start3A = arith.constant 0 : i32
      %dma_start3A_48 = tpu.memref_slice %arg6[%arg0, %mul3A_47, %dma_start3A] : memref<2x10240x128xf32, #tpu.memory_space<hbm>> -> memref<1x640x128xf32, #tpu.memory_space<hbm>>
      %dma_start3A_49 = tpu.memref_squeeze %dma_start3A_48 : memref<1x640x128xf32, #tpu.memory_space<hbm>> -> memref<640x128xf32, #tpu.memory_space<hbm>>
      %dma_start3A_50 = arith.constant 0 : i32
      %dma_start3A_51 = tpu.memref_slice %arg12[%mul3A_47, %dma_start3A_50] : memref<10240x128xf32, #tpu.memory_space<vmem_shared>> -> memref<640x128xf32, #tpu.memory_space<vmem_shared>>
      tpu.enqueue_dma source(%dma_start3A_51 : memref<640x128xf32, #tpu.memory_space<vmem_shared>>) target(%dma_start3A_49 : memref<640x128xf32, #tpu.memory_space<hbm>>) target_semaphore(%run_scoped3A : memref<!tpu.dma_semaphore, #tpu.memory_space<semaphore_mem>>)
      %dma_wait3A = arith.constant 0 : i32
      %dma_wait3A_52 = tpu.memref_slice %arg6[%arg0, %mul3A_47, %dma_wait3A] : memref<2x10240x128xf32, #tpu.memory_space<hbm>> -> memref<1x640x128xf32, #tpu.memory_space<hbm>>
      %dma_wait3A_53 = tpu.memref_squeeze %dma_wait3A_52 : memref<1x640x128xf32, #tpu.memory_space<hbm>> -> memref<640x128xf32, #tpu.memory_space<hbm>>
      %dma_wait3A_54 = arith.constant 0 : i32
      %dma_wait3A_55 = tpu.memref_slice %arg12[%mul3A_47, %dma_wait3A_54] : memref<10240x128xf32, #tpu.memory_space<vmem_shared>> -> memref<640x128xf32, #tpu.memory_space<vmem_shared>>
      tpu.wait_dma2 semaphore(%run_scoped3A : memref<!tpu.dma_semaphore, #tpu.memory_space<semaphore_mem>>) src(%dma_wait3A_55 : memref<640x128xf32, #tpu.memory_space<vmem_shared>>) dst(%dma_wait3A_53 : memref<640x128xf32, #tpu.memory_space<hbm>>)
      tpu.yield
    }) : () -> ()
    return
  }
}

module attributes {stable_mosaic.version = 14 : i64} {
  func.func @_pre_body(%arg0: i32, %arg1: memref<1024x128xf32, #tpu.memory_space<vmem>>, %arg2: memref<128x128xf32, #tpu.memory_space<vmem>>, %arg3: memref<1024x128xf32, #tpu.memory_space<vmem>>, %arg4: memref<1024x128xf32, #tpu.memory_space<vmem>>, %arg5: memref<1024x128xf32, #tpu.memory_space<vmem>>) attributes {dimension_semantics = [#tpu.dimension_semantics<arbitrary>], iteration_bounds = array<i64: 10>, scalar_prefetch = 0 : i64, scratch_operands = 0 : i64, tpu.core_type = #tpu.core_type<tc>, window_params = [{transform_indices = @transform_0, window_bounds = array<i64: 1024, 128>}, {pipeline_mode = #tpu.pipeline_mode<synchronous>, transform_indices = @transform_1, window_bounds = array<i64: 128, 128>}, {transform_indices = @transform_2, window_bounds = array<i64: 1024, 128>}, {transform_indices = @transform_3, window_bounds = array<i64: 1024, 128>}, {transform_indices = @transform_4, window_bounds = array<i64: 1024, 128>}]} {
    %get3A = arith.constant 0 : index
    %get3A_0 = arith.constant 0 : index
    %get3A_1 = vector.load %arg3[%get3A, %get3A_0] : memref<1024x128xf32, #tpu.memory_space<vmem>>, vector<1024x128xf32>
    %get3A_2 = arith.constant 0 : index
    %get3A_3 = arith.constant 0 : index
    %get3A_4 = vector.load %arg4[%get3A_2, %get3A_3] : memref<1024x128xf32, #tpu.memory_space<vmem>>, vector<1024x128xf32>
    %slice3A = vector.extract_strided_slice %get3A_1 {offsets = [0, 0], sizes = [1024, 1], strides = [1, 1]} : vector<1024x128xf32> to vector<1024x1xf32>
    %add3A = arith.constant 1.000000e+00 : f32
    %add3A_5 = vector.broadcast %add3A : f32 to vector<1024x1xf32>
    %add3A_6 = arith.addf %add3A_5, %slice3A : vector<1024x1xf32>
    %slice3A_7 = vector.extract_strided_slice %get3A_4 {offsets = [0, 0], sizes = [1024, 1], strides = [1, 1]} : vector<1024x128xf32> to vector<1024x1xf32>
    %add3A_8 = arith.addf %add3A_6, %slice3A_7 : vector<1024x1xf32>
    %rsqrt3A = math.rsqrt %add3A_8 : vector<1024x1xf32>
    %get3A_9 = arith.constant 0 : index
    %get3A_10 = arith.constant 0 : index
    %get3A_11 = vector.load %arg1[%get3A_9, %get3A_10] : memref<1024x128xf32, #tpu.memory_space<vmem>>, vector<1024x128xf32>
    %get3A_12 = arith.constant 0 : index
    %get3A_13 = arith.constant 0 : index
    %get3A_14 = vector.load %arg2[%get3A_12, %get3A_13] : memref<128x128xf32, #tpu.memory_space<vmem>>, vector<128x128xf32>
    %dot_general3A = arith.constant dense<0.000000e+00> : vector<1024x128xf32>
    %dot_general3A_15 = tpu.matmul %get3A_11, %get3A_14, %dot_general3A {dimension_numbers = #tpu.dot_dimension_numbers<[1], [0], [0], [1], [0, 0, 1, 1], [], []>, transpose_lhs_hint = false} : vector<1024x128xf32>, vector<128x128xf32>, vector<1024x128xf32> -> vector<1024x128xf32>
    %mul3A = vector.broadcast %rsqrt3A : vector<1024x1xf32> to vector<1024x128xf32>
    %mul3A_16 = arith.mulf %mul3A, %dot_general3A_15 : vector<1024x128xf32>
    %swap3A = arith.constant 0 : index
    %swap3A_17 = arith.constant 0 : index
    %swap3A_18 = vector.load %arg5[%swap3A, %swap3A_17] : memref<1024x128xf32, #tpu.memory_space<vmem>>, vector<1024x128xf32>
    tpu.vector_store %arg5[%swap3A, %swap3A_17], %mul3A_16 {strides = array<i32>} : memref<1024x128xf32, #tpu.memory_space<vmem>>, vector<1024x128xf32>,
    return
  }
  func.func @transform_0(%arg0: i32) -> (i32, i32) {
    %c0_i32 = arith.constant 0 : i32
    %c0_i32_0 = arith.constant 0 : i32
    return %arg0, %c0_i32 : i32, i32
  }
  func.func @transform_1(%arg0: i32) -> (i32, i32) {
    %c0_i32 = arith.constant 0 : i32
    %c0_i32_0 = arith.constant 0 : i32
    %c0_i32_1 = arith.constant 0 : i32
    return %c0_i32, %c0_i32_0 : i32, i32
  }
  func.func @transform_2(%arg0: i32) -> (i32, i32) {
    %c0_i32 = arith.constant 0 : i32
    %c0_i32_0 = arith.constant 0 : i32
    return %arg0, %c0_i32 : i32, i32
  }
  func.func @transform_3(%arg0: i32) -> (i32, i32) {
    %c0_i32 = arith.constant 0 : i32
    %c0_i32_0 = arith.constant 0 : i32
    return %arg0, %c0_i32 : i32, i32
  }
  func.func @transform_4(%arg0: i32) -> (i32, i32) {
    %c0_i32 = arith.constant 0 : i32
    %c0_i32_0 = arith.constant 0 : i32
    return %arg0, %c0_i32 : i32, i32
  }
}

module attributes {stable_mosaic.version = 14 : i64} {
  func.func @_mid_body(%arg0: i32, %arg1: memref<1024x128xf32, #tpu.memory_space<vmem>>, %arg2: memref<1024x128xf32, #tpu.memory_space<vmem>>, %arg3: memref<1024x128xf32, #tpu.memory_space<vmem>>, %arg4: memref<1024x128xf32, #tpu.memory_space<vmem>>, %arg5: memref<1024x128xf32, #tpu.memory_space<vmem>>, %arg6: memref<1x128xf32, #tpu.memory_space<vmem>>, %arg7: memref<128x128xf32, #tpu.memory_space<vmem>>, %arg8: memref<1024x128xf32, #tpu.memory_space<vmem>>) attributes {dimension_semantics = [#tpu.dimension_semantics<arbitrary>], iteration_bounds = array<i64: 10>, scalar_prefetch = 0 : i64, scratch_operands = 0 : i64, tpu.core_type = #tpu.core_type<tc>, window_params = [{transform_indices = @transform_0, window_bounds = array<i64: 1024, 128>}, {transform_indices = @transform_1, window_bounds = array<i64: 1024, 128>}, {transform_indices = @transform_2, window_bounds = array<i64: 1024, 128>}, {transform_indices = @transform_3, window_bounds = array<i64: 1024, 128>}, {transform_indices = @transform_4, window_bounds = array<i64: 1024, 128>}, {pipeline_mode = #tpu.pipeline_mode<synchronous>, transform_indices = @transform_5, window_bounds = array<i64: 1, 128>}, {pipeline_mode = #tpu.pipeline_mode<synchronous>, transform_indices = @transform_6, window_bounds = array<i64: 128, 128>}, {transform_indices = @transform_7, window_bounds = array<i64: 1024, 128>}]} {
    %get3A = arith.constant 0 : index
    %get3A_0 = arith.constant 0 : index
    %get3A_1 = vector.load %arg4[%get3A, %get3A_0] : memref<1024x128xf32, #tpu.memory_space<vmem>>, vector<1024x128xf32>
    %get3A_2 = arith.constant 0 : index
    %get3A_3 = arith.constant 0 : index
    %get3A_4 = vector.load %arg5[%get3A_2, %get3A_3] : memref<1024x128xf32, #tpu.memory_space<vmem>>, vector<1024x128xf32>
    %slice3A = vector.extract_strided_slice %get3A_1 {offsets = [0, 0], sizes = [1024, 1], strides = [1, 1]} : vector<1024x128xf32> to vector<1024x1xf32>
    %add3A = arith.constant 1.000000e+00 : f32
    %add3A_5 = vector.broadcast %add3A : f32 to vector<1024x1xf32>
    %add3A_6 = arith.addf %add3A_5, %slice3A : vector<1024x1xf32>
    %slice3A_7 = vector.extract_strided_slice %get3A_4 {offsets = [0, 0], sizes = [1024, 1], strides = [1, 1]} : vector<1024x128xf32> to vector<1024x1xf32>
    %add3A_8 = arith.addf %add3A_6, %slice3A_7 : vector<1024x1xf32>
    %rsqrt3A = math.rsqrt %add3A_8 : vector<1024x1xf32>
    %get3A_9 = arith.constant 0 : index
    %get3A_10 = arith.constant 0 : index
    %get3A_11 = vector.load %arg1[%get3A_9, %get3A_10] : memref<1024x128xf32, #tpu.memory_space<vmem>>, vector<1024x128xf32>
    %get3A_12 = arith.constant 0 : index
    %get3A_13 = arith.constant 0 : index
    %get3A_14 = vector.load %arg2[%get3A_12, %get3A_13] : memref<1024x128xf32, #tpu.memory_space<vmem>>, vector<1024x128xf32>
    %add3A_15 = arith.addf %get3A_11, %get3A_14 : vector<1024x128xf32>
    %get3A_16 = arith.constant 0 : index
    %get3A_17 = arith.constant 0 : index
    %get3A_18 = vector.load %arg3[%get3A_16, %get3A_17] : memref<1024x128xf32, #tpu.memory_space<vmem>>, vector<1024x128xf32>
    %add3A_19 = arith.addf %add3A_15, %get3A_18 : vector<1024x128xf32>
    %mul3A = vector.broadcast %rsqrt3A : vector<1024x1xf32> to vector<1024x128xf32>
    %mul3A_20 = arith.mulf %mul3A, %add3A_19 : vector<1024x128xf32>
    %get3A_21 = arith.constant 0 : index
    %get3A_22 = arith.constant 0 : index
    %get3A_23 = vector.load %arg6[%get3A_21, %get3A_22] : memref<1x128xf32, #tpu.memory_space<vmem>>, vector<1x128xf32>
    %add3A_24 = vector.broadcast %get3A_23 : vector<1x128xf32> to vector<1024x128xf32>
    %add3A_25 = arith.addf %mul3A_20, %add3A_24 : vector<1024x128xf32>
    %max3A = arith.constant 0.000000e+00 : f32
    %max3A_26 = vector.broadcast %max3A : f32 to vector<1024x128xf32>
    %max3A_27 = arith.maximumf %add3A_25, %max3A_26 : vector<1024x128xf32>
    %get3A_28 = arith.constant 0 : index
    %get3A_29 = arith.constant 0 : index
    %get3A_30 = vector.load %arg7[%get3A_28, %get3A_29] : memref<128x128xf32, #tpu.memory_space<vmem>>, vector<128x128xf32>
    %dot_general3A = arith.constant dense<0.000000e+00> : vector<1024x128xf32>
    %dot_general3A_31 = tpu.matmul %max3A_27, %get3A_30, %dot_general3A {dimension_numbers = #tpu.dot_dimension_numbers<[1], [0], [0], [1], [0, 0, 1, 1], [], []>, transpose_lhs_hint = false} : vector<1024x128xf32>, vector<128x128xf32>, vector<1024x128xf32> -> vector<1024x128xf32>
    %mul3A_32 = vector.broadcast %rsqrt3A : vector<1024x1xf32> to vector<1024x128xf32>
    %mul3A_33 = arith.mulf %mul3A_32, %dot_general3A_31 : vector<1024x128xf32>
    %mul3A_34 = arith.constant 1024 : i32
    %mul3A_35 = arith.muli %arg0, %mul3A_34 : i32
    %iota3A = tpu.iota {dimensions = array<i32: 0>} : vector<1024x1xi32>
    %add3A_36 = vector.broadcast %mul3A_35 : i32 to vector<1024x1xi32>
    %add3A_37 = arith.addi %add3A_36, %iota3A : vector<1024x1xi32>
    %lt3A = arith.constant 10000 : i32
    %lt3A_38 = vector.broadcast %lt3A : i32 to vector<1024x1xi32>
    %lt3A_39 = arith.cmpi slt, %add3A_37, %lt3A_38 : vector<1024x1xi32>
    %jit3A = arith.constant 0.000000e+00 : f32
    %broadcast_in_dim3A = vector.shape_cast %lt3A_39 : vector<1024x1xi1> to vector<1024x1xi1>
    %broadcast_in_dim3A_40 = vector.broadcast %broadcast_in_dim3A : vector<1024x1xi1> to vector<1024x128xi1>
    %broadcast_in_dim3A_41 = vector.broadcast %jit3A : f32 to vector<1024x128xf32>
    %select_n3A = arith.select %broadcast_in_dim3A_40, %mul3A_33, %broadcast_in_dim3A_41 : vector<1024x128xi1>, vector<1024x128xf32>
    %swap3A = arith.constant 0 : index
    %swap3A_42 = arith.constant 0 : index
    %swap3A_43 = vector.load %arg8[%swap3A, %swap3A_42] : memref<1024x128xf32, #tpu.memory_space<vmem>>, vector<1024x128xf32>
    tpu.vector_store %arg8[%swap3A, %swap3A_42], %select_n3A {strides = array<i32>} : memref<1024x128xf32, #tpu.memory_space<vmem>>, vector<1024x128xf32>,
    return
  }
  func.func @transform_0(%arg0: i32) -> (i32, i32) {
    %c0_i32 = arith.constant 0 : i32
    %c0_i32_0 = arith.constant 0 : i32
    return %arg0, %c0_i32 : i32, i32
  }
  func.func @transform_1(%arg0: i32) -> (i32, i32) {
    %c0_i32 = arith.constant 0 : i32
    %c0_i32_0 = arith.constant 0 : i32
    return %arg0, %c0_i32 : i32, i32
  }
  func.func @transform_2(%arg0: i32) -> (i32, i32) {
    %c0_i32 = arith.constant 0 : i32
    %c0_i32_0 = arith.constant 0 : i32
    return %arg0, %c0_i32 : i32, i32
  }
  func.func @transform_3(%arg0: i32) -> (i32, i32) {
    %c0_i32 = arith.constant 0 : i32
    %c0_i32_0 = arith.constant 0 : i32
    return %arg0, %c0_i32 : i32, i32
  }
  func.func @transform_4(%arg0: i32) -> (i32, i32) {
    %c0_i32 = arith.constant 0 : i32
    %c0_i32_0 = arith.constant 0 : i32
    return %arg0, %c0_i32 : i32, i32
  }
  func.func @transform_5(%arg0: i32) -> (i32, i32) {
    %c0_i32 = arith.constant 0 : i32
    %c0_i32_0 = arith.constant 0 : i32
    %c0_i32_1 = arith.constant 0 : i32
    return %c0_i32, %c0_i32_0 : i32, i32
  }
  func.func @transform_6(%arg0: i32) -> (i32, i32) {
    %c0_i32 = arith.constant 0 : i32
    %c0_i32_0 = arith.constant 0 : i32
    %c0_i32_1 = arith.constant 0 : i32
    return %c0_i32, %c0_i32_0 : i32, i32
  }
  func.func @transform_7(%arg0: i32) -> (i32, i32) {
    %c0_i32 = arith.constant 0 : i32
    %c0_i32_0 = arith.constant 0 : i32
    return %arg0, %c0_i32 : i32, i32
  }
}

module attributes {stable_mosaic.version = 14 : i64} {
  func.func @_post_body(%arg0: i32, %arg1: memref<1024x128xf32, #tpu.memory_space<vmem>>, %arg2: memref<1024x128xf32, #tpu.memory_space<vmem>>, %arg3: memref<1024x128xf32, #tpu.memory_space<vmem>>, %arg4: memref<1024x128xf32, #tpu.memory_space<vmem>>, %arg5: memref<1024x128xf32, #tpu.memory_space<vmem>>, %arg6: memref<1x128xf32, #tpu.memory_space<vmem>>, %arg7: memref<1024x1xi32, #tpu.memory_space<vmem>>, %arg8: memref<128x128xf32, #tpu.memory_space<vmem>>, %arg9: memref<1x128xf32, #tpu.memory_space<vmem>>, %arg10: memref<64x128xf32, #tpu.memory_space<vmem>>, %arg11: memref<64x128xf32, #tpu.memory_space<vmem>>) attributes {dimension_semantics = [#tpu.dimension_semantics<arbitrary>], iteration_bounds = array<i64: 10>, scalar_prefetch = 0 : i64, scratch_operands = 1 : i64, tpu.core_type = #tpu.core_type<tc>, window_params = [{transform_indices = @transform_0, window_bounds = array<i64: 1024, 128>}, {transform_indices = @transform_1, window_bounds = array<i64: 1024, 128>}, {transform_indices = @transform_2, window_bounds = array<i64: 1024, 128>}, {transform_indices = @transform_3, window_bounds = array<i64: 1024, 128>}, {transform_indices = @transform_4, window_bounds = array<i64: 1024, 128>}, {pipeline_mode = #tpu.pipeline_mode<synchronous>, transform_indices = @transform_5, window_bounds = array<i64: 1, 128>}, {transform_indices = @transform_6, window_bounds = array<i64: 1024, 1>}, {pipeline_mode = #tpu.pipeline_mode<synchronous>, transform_indices = @transform_7, window_bounds = array<i64: 128, 128>}, {pipeline_mode = #tpu.pipeline_mode<synchronous>, transform_indices = @transform_8, window_bounds = array<i64: 1, 128>}, {pipeline_mode = #tpu.pipeline_mode<synchronous>, transform_indices = @transform_9, window_bounds = array<i64: 64, 128>}]} {
    %get3A = arith.constant 0 : index
    %get3A_0 = arith.constant 0 : index
    %get3A_1 = vector.load %arg4[%get3A, %get3A_0] : memref<1024x128xf32, #tpu.memory_space<vmem>>, vector<1024x128xf32>
    %get3A_2 = arith.constant 0 : index
    %get3A_3 = arith.constant 0 : index
    %get3A_4 = vector.load %arg5[%get3A_2, %get3A_3] : memref<1024x128xf32, #tpu.memory_space<vmem>>, vector<1024x128xf32>
    %slice3A = vector.extract_strided_slice %get3A_1 {offsets = [0, 0], sizes = [1024, 1], strides = [1, 1]} : vector<1024x128xf32> to vector<1024x1xf32>
    %add3A = arith.constant 1.000000e+00 : f32
    %add3A_5 = vector.broadcast %add3A : f32 to vector<1024x1xf32>
    %add3A_6 = arith.addf %add3A_5, %slice3A : vector<1024x1xf32>
    %slice3A_7 = vector.extract_strided_slice %get3A_4 {offsets = [0, 0], sizes = [1024, 1], strides = [1, 1]} : vector<1024x128xf32> to vector<1024x1xf32>
    %add3A_8 = arith.addf %add3A_6, %slice3A_7 : vector<1024x1xf32>
    %rsqrt3A = math.rsqrt %add3A_8 : vector<1024x1xf32>
    %get3A_9 = arith.constant 0 : index
    %get3A_10 = arith.constant 0 : index
    %get3A_11 = vector.load %arg1[%get3A_9, %get3A_10] : memref<1024x128xf32, #tpu.memory_space<vmem>>, vector<1024x128xf32>
    %get3A_12 = arith.constant 0 : index
    %get3A_13 = arith.constant 0 : index
    %get3A_14 = vector.load %arg2[%get3A_12, %get3A_13] : memref<1024x128xf32, #tpu.memory_space<vmem>>, vector<1024x128xf32>
    %add3A_15 = arith.addf %get3A_11, %get3A_14 : vector<1024x128xf32>
    %get3A_16 = arith.constant 0 : index
    %get3A_17 = arith.constant 0 : index
    %get3A_18 = vector.load %arg3[%get3A_16, %get3A_17] : memref<1024x128xf32, #tpu.memory_space<vmem>>, vector<1024x128xf32>
    %add3A_19 = arith.addf %add3A_15, %get3A_18 : vector<1024x128xf32>
    %mul3A = vector.broadcast %rsqrt3A : vector<1024x1xf32> to vector<1024x128xf32>
    %mul3A_20 = arith.mulf %mul3A, %add3A_19 : vector<1024x128xf32>
    %get3A_21 = arith.constant 0 : index
    %get3A_22 = arith.constant 0 : index
    %get3A_23 = vector.load %arg6[%get3A_21, %get3A_22] : memref<1x128xf32, #tpu.memory_space<vmem>>, vector<1x128xf32>
    %add3A_24 = vector.broadcast %get3A_23 : vector<1x128xf32> to vector<1024x128xf32>
    %add3A_25 = arith.addf %mul3A_20, %add3A_24 : vector<1024x128xf32>
    %get3A_26 = arith.constant 0 : index
    %get3A_27 = arith.constant 0 : index
    %get3A_28 = vector.load %arg7[%get3A_26, %get3A_27] : memref<1024x1xi32, #tpu.memory_space<vmem>>, vector<1024x1xi32>
    %eq3A = arith.constant 0 : i32
    %eq3A_29 = arith.cmpi eq, %arg0, %eq3A : i32
    %convert_element_type3A = arith.extui %eq3A_29 : i1 to i32
    %cond3A = arith.constant 0 : i32
    %cond3A_30 = arith.cmpi ne, %convert_element_type3A, %cond3A : i32
    scf.if %cond3A_30 {
      %broadcast_in_dim3A = arith.constant 0xFF800000 : f32
      %broadcast_in_dim3A_56 = vector.broadcast %broadcast_in_dim3A : f32 to vector<64x128xf32>
      %swap3A = arith.constant 0 : index
      %swap3A_57 = arith.constant 0 : index
      %swap3A_58 = vector.load %arg11[%swap3A, %swap3A_57] : memref<64x128xf32, #tpu.memory_space<vmem>>, vector<64x128xf32>
      tpu.vector_store %arg11[%swap3A, %swap3A_57], %broadcast_in_dim3A_56 {strides = array<i32>} : memref<64x128xf32, #tpu.memory_space<vmem>>, vector<64x128xf32>,
    } else {
    }
    %reduce_min3A = vector.shape_cast %get3A_28 : vector<1024x1xi32> to vector<1x1024x1xi32>
    %reduce_min3A_31 = arith.constant dense<2147483647> : vector<1xi32>
    %reduce_min3A_32 = vector.multi_reduction <minsi>, %reduce_min3A, %reduce_min3A_31 [1, 2] : vector<1x1024x1xi32> to vector<1xi32>
    %reduce_min3A_33 = vector.shape_cast %reduce_min3A_32 : vector<1xi32> to vector<1x1x1xi32>
    %reduce_min3A_34 = vector.extract %reduce_min3A_33[0, 0, 0] : i32 from vector<1x1x1xi32>
    %reduce_max3A = vector.shape_cast %get3A_28 : vector<1024x1xi32> to vector<1x1024x1xi32>
    %reduce_max3A_35 = arith.constant dense<-2147483648> : vector<1xi32>
    %reduce_max3A_36 = vector.multi_reduction <maxsi>, %reduce_max3A, %reduce_max3A_35 [1, 2] : vector<1x1024x1xi32> to vector<1xi32>
    %reduce_max3A_37 = vector.shape_cast %reduce_max3A_36 : vector<1xi32> to vector<1x1x1xi32>
    %reduce_max3A_38 = vector.extract %reduce_max3A_37[0, 0, 0] : i32 from vector<1x1x1xi32>
    %min3A = arith.constant 63 : i32
    %min3A_39 = arith.minsi %reduce_max3A_38, %min3A : i32
    %add3A_40 = arith.constant 1 : i32
    %add3A_41 = arith.addi %min3A_39, %add3A_40 : i32
    %while3A = arith.constant 0 : i32
    %while3A_42 = arith.constant 0xFF800000 : f32
    %while3A_43 = arith.subi %add3A_41, %reduce_min3A_34 : i32
    %while3A_44 = arith.addi %reduce_min3A_34, %while3A_43 : i32
    %while3A_45 = arith.constant 1 : i32
    %while3A_46 = arith.divsi %while3A_43, %while3A_45 : i32
    %while3A_47 = arith.muli %while3A_46, %while3A_45 : i32
    %while3A_48 = arith.addi %reduce_min3A_34, %while3A_47 : i32
    %while3A_49 = arith.constant 1 : i32
    scf.for %while3A_56 = %reduce_min3A_34 to %while3A_48 step %while3A_49  : i32 {
      %eq3A_57 = vector.broadcast %while3A_56 : i32 to vector<1024x1xi32>
      %eq3A_58 = arith.cmpi eq, %get3A_28, %eq3A_57 : vector<1024x1xi32>
      %broadcast_in_dim3A = vector.shape_cast %eq3A_58 : vector<1024x1xi1> to vector<1024x1xi1>
      %broadcast_in_dim3A_59 = vector.broadcast %broadcast_in_dim3A : vector<1024x1xi1> to vector<1024x128xi1>
      %broadcast_in_dim3A_60 = vector.broadcast %while3A_42 : f32 to vector<1024x128xf32>
      %select_n3A = arith.select %broadcast_in_dim3A_59, %add3A_25, %broadcast_in_dim3A_60 : vector<1024x128xi1>, vector<1024x128xf32>
      %reduce_max3A_61 = arith.constant dense<0xFF800000> : vector<128xf32>
      %reduce_max3A_62 = vector.multi_reduction <maximumf>, %select_n3A, %reduce_max3A_61 [0] : vector<1024x128xf32> to vector<128xf32>
      %get3A_63 = arith.index_cast %while3A_56 : i32 to index
      %get3A_64 = arith.constant 0 : index
      %get3A_65 = vector.load %arg11[%get3A_63, %get3A_64] : memref<64x128xf32, #tpu.memory_space<vmem>>, vector<1x128xf32>
      %get3A_66 = vector.shape_cast %get3A_65 : vector<1x128xf32> to vector<128xf32>
      %max3A = arith.maximumf %get3A_66, %reduce_max3A_62 : vector<128xf32>
      %swap3A = arith.index_cast %while3A_56 : i32 to index
      %swap3A_67 = arith.constant 0 : index
      %swap3A_68 = vector.load %arg11[%swap3A, %swap3A_67] : memref<64x128xf32, #tpu.memory_space<vmem>>, vector<1x128xf32>
      %swap3A_69 = vector.shape_cast %swap3A_68 : vector<1x128xf32> to vector<128xf32>
      %swap3A_70 = vector.shape_cast %max3A : vector<128xf32> to vector<1x128xf32>
      tpu.vector_store %arg11[%swap3A, %swap3A_67], %swap3A_70 {strides = array<i32>} : memref<64x128xf32, #tpu.memory_space<vmem>>, vector<1x128xf32>,
    }
    %while3A_50 = arith.constant 1 : i32
    scf.for %while3A_56 = %while3A_48 to %while3A_44 step %while3A_50  : i32 {
      %eq3A_57 = vector.broadcast %while3A_56 : i32 to vector<1024x1xi32>
      %eq3A_58 = arith.cmpi eq, %get3A_28, %eq3A_57 : vector<1024x1xi32>
      %broadcast_in_dim3A = vector.shape_cast %eq3A_58 : vector<1024x1xi1> to vector<1024x1xi1>
      %broadcast_in_dim3A_59 = vector.broadcast %broadcast_in_dim3A : vector<1024x1xi1> to vector<1024x128xi1>
      %broadcast_in_dim3A_60 = vector.broadcast %while3A_42 : f32 to vector<1024x128xf32>
      %select_n3A = arith.select %broadcast_in_dim3A_59, %add3A_25, %broadcast_in_dim3A_60 : vector<1024x128xi1>, vector<1024x128xf32>
      %reduce_max3A_61 = arith.constant dense<0xFF800000> : vector<128xf32>
      %reduce_max3A_62 = vector.multi_reduction <maximumf>, %select_n3A, %reduce_max3A_61 [0] : vector<1024x128xf32> to vector<128xf32>
      %get3A_63 = arith.index_cast %while3A_56 : i32 to index
      %get3A_64 = arith.constant 0 : index
      %get3A_65 = vector.load %arg11[%get3A_63, %get3A_64] : memref<64x128xf32, #tpu.memory_space<vmem>>, vector<1x128xf32>
      %get3A_66 = vector.shape_cast %get3A_65 : vector<1x128xf32> to vector<128xf32>
      %max3A = arith.maximumf %get3A_66, %reduce_max3A_62 : vector<128xf32>
      %swap3A = arith.index_cast %while3A_56 : i32 to index
      %swap3A_67 = arith.constant 0 : index
      %swap3A_68 = vector.load %arg11[%swap3A, %swap3A_67] : memref<64x128xf32, #tpu.memory_space<vmem>>, vector<1x128xf32>
      %swap3A_69 = vector.shape_cast %swap3A_68 : vector<1x128xf32> to vector<128xf32>
      %swap3A_70 = vector.shape_cast %max3A : vector<128xf32> to vector<1x128xf32>
      tpu.vector_store %arg11[%swap3A, %swap3A_67], %swap3A_70 {strides = array<i32>} : memref<64x128xf32, #tpu.memory_space<vmem>>, vector<1x128xf32>,
    }
    %eq3A_51 = arith.constant 9 : i32
    %eq3A_52 = arith.cmpi eq, %arg0, %eq3A_51 : i32
    %convert_element_type3A_53 = arith.extui %eq3A_52 : i1 to i32
    %cond3A_54 = arith.constant 0 : i32
    %cond3A_55 = arith.cmpi ne, %convert_element_type3A_53, %cond3A_54 : i32
    scf.if %cond3A_55 {
      %get3A_56 = arith.constant 0 : index
      %get3A_57 = arith.constant 0 : index
      %get3A_58 = vector.load %arg11[%get3A_56, %get3A_57] : memref<64x128xf32, #tpu.memory_space<vmem>>, vector<64x128xf32>
      %get3A_59 = arith.constant 0 : index
      %get3A_60 = arith.constant 0 : index
      %get3A_61 = vector.load %arg8[%get3A_59, %get3A_60] : memref<128x128xf32, #tpu.memory_space<vmem>>, vector<128x128xf32>
      %dot_general3A = arith.constant dense<0.000000e+00> : vector<64x128xf32>
      %dot_general3A_62 = tpu.matmul %get3A_58, %get3A_61, %dot_general3A {dimension_numbers = #tpu.dot_dimension_numbers<[1], [0], [0], [1], [0, 0, 1, 1], [], []>, transpose_lhs_hint = false} : vector<64x128xf32>, vector<128x128xf32>, vector<64x128xf32> -> vector<64x128xf32>
      %get3A_63 = arith.constant 0 : index
      %get3A_64 = arith.constant 0 : index
      %get3A_65 = vector.load %arg9[%get3A_63, %get3A_64] : memref<1x128xf32, #tpu.memory_space<vmem>>, vector<1x128xf32>
      %add3A_66 = vector.broadcast %get3A_65 : vector<1x128xf32> to vector<64x128xf32>
      %add3A_67 = arith.addf %dot_general3A_62, %add3A_66 : vector<64x128xf32>
      %logistic3A = arith.negf %add3A_67 : vector<64x128xf32>
      %logistic3A_68 = math.exp %logistic3A : vector<64x128xf32>
      %logistic3A_69 = arith.constant 1.000000e+00 : f32
      %logistic3A_70 = vector.broadcast %logistic3A_69 : f32 to vector<64x128xf32>
      %logistic3A_71 = arith.addf %logistic3A_70, %logistic3A_68 : vector<64x128xf32>
      %logistic3A_72 = arith.divf %logistic3A_70, %logistic3A_71 : vector<64x128xf32>
      %swap3A = arith.constant 0 : index
      %swap3A_73 = arith.constant 0 : index
      %swap3A_74 = vector.load %arg10[%swap3A, %swap3A_73] : memref<64x128xf32, #tpu.memory_space<vmem>>, vector<64x128xf32>
      tpu.vector_store %arg10[%swap3A, %swap3A_73], %logistic3A_72 {strides = array<i32>} : memref<64x128xf32, #tpu.memory_space<vmem>>, vector<64x128xf32>,
    } else {
    }
    return
  }
  func.func @transform_0(%arg0: i32) -> (i32, i32) {
    %c0_i32 = arith.constant 0 : i32
    %c0_i32_0 = arith.constant 0 : i32
    return %arg0, %c0_i32 : i32, i32
  }
  func.func @transform_1(%arg0: i32) -> (i32, i32) {
    %c0_i32 = arith.constant 0 : i32
    %c0_i32_0 = arith.constant 0 : i32
    return %arg0, %c0_i32 : i32, i32
  }
  func.func @transform_2(%arg0: i32) -> (i32, i32) {
    %c0_i32 = arith.constant 0 : i32
    %c0_i32_0 = arith.constant 0 : i32
    return %arg0, %c0_i32 : i32, i32
  }
  func.func @transform_3(%arg0: i32) -> (i32, i32) {
    %c0_i32 = arith.constant 0 : i32
    %c0_i32_0 = arith.constant 0 : i32
    return %arg0, %c0_i32 : i32, i32
  }
  func.func @transform_4(%arg0: i32) -> (i32, i32) {
    %c0_i32 = arith.constant 0 : i32
    %c0_i32_0 = arith.constant 0 : i32
    return %arg0, %c0_i32 : i32, i32
  }
  func.func @transform_5(%arg0: i32) -> (i32, i32) {
    %c0_i32 = arith.constant 0 : i32
    %c0_i32_0 = arith.constant 0 : i32
    %c0_i32_1 = arith.constant 0 : i32
    return %c0_i32, %c0_i32_0 : i32, i32
  }
  func.func @transform_6(%arg0: i32) -> (i32, i32) {
    %c0_i32 = arith.constant 0 : i32
    %c0_i32_0 = arith.constant 0 : i32
    return %arg0, %c0_i32 : i32, i32
  }
  func.func @transform_7(%arg0: i32) -> (i32, i32) {
    %c0_i32 = arith.constant 0 : i32
    %c0_i32_0 = arith.constant 0 : i32
    %c0_i32_1 = arith.constant 0 : i32
    return %c0_i32, %c0_i32_0 : i32, i32
  }
  func.func @transform_8(%arg0: i32) -> (i32, i32) {
    %c0_i32 = arith.constant 0 : i32
    %c0_i32_0 = arith.constant 0 : i32
    %c0_i32_1 = arith.constant 0 : i32
    return %c0_i32, %c0_i32_0 : i32, i32
  }
  func.func @transform_9(%arg0: i32) -> (i32, i32) {
    %c0_i32 = arith.constant 0 : i32
    %c0_i32_0 = arith.constant 0 : i32
    %c0_i32_1 = arith.constant 0 : i32
    return %c0_i32, %c0_i32_0 : i32, i32
  }
}

</mosaic_0001>

<sc_bundles>
// kernel: kernel.11.cloned.1.call-start
scs
__scs_entry_jumppad:
0x0: {  	(pc) =	sbr.rel $0x88, $3  }
0x1: {  	(tag) =	ssettag $0x0;
	lr =	simm.s32 $0x1  }
0x2: {  	[smem:$0x3F98] =	sst lr;
	_ =	strace $0xD0000000  }
0x3: {  	_ = 	snop  }
0x4: {  	_ = 	snop  }
0x5: {  	_ = 	snop  }
0x6: {  	_ = 	snop  }
0x7: {  	_ = 	snop  }
__scs_overlays_trampoline_lowered:
0x8: {  	[smem:$0x3FA7] =	sst s0  }
0x9: {  	[smem:$0x3FA8] =	sst s1  }
0xa: {  	[smem:$0x3FA9] =	sst s2  }
0xb: {  	[smem:$0x3FAA] =	sst s3  }
0xc: {  	[smem:$0x3FAB] =	sst s4  }
0xd: {  	[smem:$0x3FAC] =	sst s5  }
0xe: {  	[smem:$0x3FAD] =	sst s6  }
0xf: {  	[smem:$0x3FAE] =	sst s7  }
0x10: {  	[smem:$0x3FAF] =	sst s8  }
0x11: {  	[smem:$0x3FB0] =	sst s9;
	s0 =	simm.s32 @!p0 $0x0  }
0x12: {  	s1 =	sld [smem:$0x3F96];
	s0 =	simm.s32 @p0 $0x1  }
0x13: {  	[smem:$0x3FB1] =	sst s0;
	s0 =	simm.s32 @!p1 $0x0  }
0x14: {  	s2 =	sld [smem:$0x3F95];
	s0 =	simm.s32 @p1 $0x1  }
0x15: {  	[smem:$0x3FB2] =	sst s0;
	s0 =	simm.s32 @!p2 $0x0  }
0x16: {  	s3 =	sld [smem:$0x3FDB];
	s0 =	simm.s32 @p2 $0x1  }
0x17: {  	s4 =	simm.s32 $0x1BF5;
	[smem:$0x3FB4] =	sst s0  }
0x18: {  	s0 =	sld [smem:$0x3F97];
	_ =	swait.ge [sflag:s4], $0x0  }
0x19: {  	s7 =	sld [smem:$0x3F98]  }
0x1a: {  	s8 =	sadd.s32 $0xFFFFE003, lr  }
0x1b: {  	s9 =	sadd.s32 $0xFFFFFEF7, lr;
	s5 =	simm.s32 $0xFFFFFFFF;
	p2 =	slt.u32 s8, $0xFFFFF086  }
0x1c: {  	p1 =	slt.u32 s9, $0xF7A;
	s5 =	simm.s32 @!p2 $0x0  }
0x1d: {  	s5 =	simm.s32 @p1 $0x1;
	p0 =	seq.s32 s7, s2  }
0x1e: {  	s7 =	smul.u32 @!p0 $0xF7A, s2;
	p2 =	seq.s32 @!p0 s5, $0x0  }
0x1f: {  	s9 =	smul.u32 $0xF7A, s1;
	s8 =	simm.s32 @!p0 $0x1BF5;
	p2 =	por !p2, p0  }
0x20: {  	[sflag:s8] =	ssyncset.s32 @!p0 $0xFFFFF086;
	s6 =	sadd.s32 @!p0 s3, s7;
	s7 =	simm.s32 @!p0 $0x108  }
0x21: {  	s3 =	sadd.s32 s3, s9;
	s6 =	sadd.s32 @!p0 $0x88, s6;
	s7 =	simm.s32 @p2 $0x1082  }
0x22: {  	[simem:s7], [sflag:s8] =	dma.local @!p0 [hbm:s6], $0xF7A  }
0x23: {  	s9 =	sor.u32 $0xD0000000, s2;
	s6 =	simm.s32 $0x108;
	_ =	swait.ge @!p0 [sflag:s8], $0x0  }
0x24: {  	s3 =	sadd.s32 $0x88, s3;
	s6 =	simm.s32 @!p1 $0x1082;
	[sflag:s4] =	ssyncset.s32 $0xFFFFF086  }
0x25: {  	[simem:s6], [sflag:s4] =	dma.local [hbm:s3], $0xF7A  }
0x26: {  	[smem:$0x3F98] =	sst s1;
	(tag) =	ssettag s2;
	_ =	strace s9  }
0x27: {  	s1 =	sld [smem:$0x3FA8]  }
0x28: {  	s2 =	sld [smem:$0x3FA9]  }
0x29: {  	s4 =	sld [smem:$0x3FAB]  }
0x2a: {  	p0 =	seq.s32 s5, $0x0;
	s5 =	sld [smem:$0x3FAC]  }
0x2b: {  	s6 =	sld [smem:$0x3FAD]  }
0x2c: {  	s7 =	sld [smem:$0x3FAE]  }
0x2d: {  	s3 =	simm.s32 $0x108;
	s8 =	sld [smem:$0x3FAF]  }
0x2e: {  	s3 =	simm.s32 @!p0 $0x1082;
	s9 =	sld [smem:$0x3FB0]  }
0x2f: {  	lr =	sadd.s32 s0, s3;
	s0 =	sld [smem:$0x3FA7]  }
0x30: {  	s3 =	sld [smem:$0x3FAA]  }
0x31: {  	[smem:$0x3FB3] =	sst s10  }
0x32: {  	s10 =	sld [smem:$0x3FB1];
	_ =	sdelay $0x3  }
0x33: {  	p0 =	seq.s32 s10, $0x1;
	s10 =	sld [smem:$0x3FB3];
	_ =	sdelay $0x3  }
0x34: {  	[smem:$0x3FB3] =	sst s10  }
0x35: {  	s10 =	sld [smem:$0x3FB2];
	_ =	sdelay $0x3  }
0x36: {  	p1 =	seq.s32 s10, $0x1;
	s10 =	sld [smem:$0x3FB3];
	_ =	sdelay $0x3  }
0x37: {  	[smem:$0x3FB3] =	sst s10  }
0x38: {  	s10 =	sld [smem:$0x3FB4]  }
0x39: {  	_ = 	snop;
	(pc) =	sbr.ind lr, $3  }
0x3a: {  	_ = 	snop  }
0x3b: {  	_ = 	snop  }
0x3c: {  	p2 =	seq.s32 s10, $0x1;
	s10 =	sld [smem:$0x3FB3]  }
0x3d: {  	_ =	shalt  }
0x3e: {  	_ =	shalt  }
0x3f: {  	_ =	shalt  }
0x40: {  	_ =	shalt  }
0x41: {  	_ =	shalt  }
0x42: {  	_ =	shalt  }
0x43: {  	_ =	shalt  }
0x44: {  	_ =	shalt  }
0x45: {  	_ =	shalt  }
0x46: {  	_ =	shalt  }
0x47: {  	_ =	shalt  }
0x48: {  	_ =	shalt  }
0x49: {  	_ =	shalt  }
0x4a: {  	_ =	shalt  }
0x4b: {  	_ =	shalt  }
0x4c: {  	_ =	shalt  }
0x4d: {  	_ =	shalt  }
0x4e: {  	_ =	shalt  }
0x4f: {  	_ =	shalt  }
0x50: {  	_ =	shalt  }
0x51: {  	_ =	shalt  }
0x52: {  	_ =	shalt  }
0x53: {  	_ =	shalt  }
0x54: {  	_ =	shalt  }
0x55: {  	_ =	shalt  }
0x56: {  	_ =	shalt  }
0x57: {  	_ =	shalt  }
0x58: {  	_ =	shalt  }
0x59: {  	_ =	shalt  }
0x5a: {  	_ =	shalt  }
0x5b: {  	_ =	shalt  }
0x5c: {  	_ =	shalt  }
0x5d: {  	_ =	shalt  }
0x5e: {  	_ =	shalt  }
0x5f: {  	_ =	shalt  }
0x60: {  	_ =	shalt  }
0x61: {  	_ =	shalt  }
0x62: {  	_ =	shalt  }
0x63: {  	_ =	shalt  }
0x64: {  	_ =	shalt  }
0x65: {  	_ =	shalt  }
0x66: {  	_ =	shalt  }
0x67: {  	_ =	shalt  }
0x68: {  	_ =	shalt  }
0x69: {  	_ =	shalt  }
0x6a: {  	_ =	shalt  }
0x6b: {  	_ =	shalt  }
0x6c: {  	_ =	shalt  }
0x6d: {  	_ =	shalt  }
0x6e: {  	_ =	shalt  }
0x6f: {  	_ =	shalt  }
0x70: {  	_ =	shalt  }
0x71: {  	_ =	shalt  }
0x72: {  	_ =	shalt  }
0x73: {  	_ =	shalt  }
0x74: {  	_ =	shalt  }
0x75: {  	_ =	shalt  }
0x76: {  	_ =	shalt  }
0x77: {  	_ =	shalt  }
0x78: {  	_ =	shalt  }
0x79: {  	_ =	shalt  }
0x7a: {  	_ =	shalt  }
0x7b: {  	_ =	shalt  }
0x7c: {  	_ =	shalt  }
0x7d: {  	_ =	shalt  }
0x7e: {  	_ =	shalt  }
0x7f: {  	_ =	shalt  }
0x80: {  	_ =	shalt  }
0x81: {  	_ =	shalt  }
0x82: {  	_ =	shalt  }
0x83: {  	_ =	shalt  }
0x84: {  	_ =	shalt  }
0x85: {  	_ =	shalt  }
0x86: {  	_ =	shalt  }
0x87: {  	_ =	shalt  }
.Lfunc_end0:
.L_simem_size_0:
called_computation.1_lowered:
.L_overlay_start_0:
0x88: {  	s2 =	sld [smem:$0x3FD9]  }
0x89: {  	s3 =	sld [smem:$0x3FFE];
	_ =	sdelay $0x1  }
0x8a: {  	s1 =	srdreg.scid  }
0x8b: {  	s0 =	sand.u32 $0x1, s1  }
0x8c: {  	s16 =	sshll.u32 s0, $0xA;
	s2 =	sadd.s32 s3, s2  }
0x8d: {  	s2 =	sadd.s32 s2, s16  }
0x8e: {  	[smem:$0x3FBF] =	sst s2  }
0x8f: {  	_ = 	snop  }
0x90: {  	(tm) =	ssettm $0x1  }
0x91: {  	s17 =	sld [smem:$0x3FFB];
	_ =	sdelay $0x3  }
0x92: {  	_ =	strace s17  }
0x93: {  	s2 =	sld [smem:$0x3FFC];
	_ =	sdelay $0x3  }
0x94: {  	_ =	strace s2  }
0x95: {  	s2 =	sld [smem:$0x3FFD];
	_ =	sdelay $0x3  }
0x96: {  	_ =	strace s2  }
0x97: {  	_ =	strace $0x8FFFFFFF  }
0x98: {  	s18 =	sld [smem:$0x3FDB];
	_ =	sdelay $0x1  }
0x99: {  	s19 =	simm.s32 $_scs_section_size  }
0x9a: {  	s4 =	simm.s32 $_size__tile_overlayer_lowered;
	s5 =	simm.s32 $_tile_overlayer_lowered  }
0x9b: {  	s22 =	simm.s32 $0x1BFF;
	s21 =	sshll.u32 s5, $0x1;
	s2 =	sadd.s32 s19, s18  }
0x9c: {  	s6 =	simm.s32 $0x0;
	s20 =	sshll.u32 s4, $0x1;
	s4 =	sadd.s32 s21, s2  }
0x9d: {  	[timem:s6], [sflag:s22] =	dma.local [hbm:s4], s20  }
0x9e: {  	_ =	swait.ge [sflag:s22], s20  }
0x9f: {  	s3 =	ssub.s32 $0x0, s20;
	[sflag:s22] =	ssyncset.done $0x0  }
0xa0: {  	[sflag:s22] =	ssyncadd.s32 s3;
	_ =	sdelay $0x1  }
0xa1: {  	s23 =	simm.s32 $0x1B8B  }
0xa2: {  	_ =	swait.ge [sflag:s23], $0x1  }
0xa3: {  	[sflag:s23] =	ssyncset.done $0x0  }
0xa4: {  	s25 =	simm.s32 $0x1B8E;
	s24 =	sld [smem:$0x3FFE];
	[sflag:s23] =	ssyncadd.s32 $0xFFFFFFFF  }
0xa5: {  	s26 =	simm.s32 $execute0_lowered;
	[smem:$0x3FD2] =	sst s25  }
0xa6: {  	s4 =	sshll.u32 s26, $0x1;
	_ =	strace $0x80000049;
	[dreg:$0x1] =	wrdreg $0xFFFFFFFF  }
0xa7: {  	s28 =	simm.s32 $_size_execute0_lowered;
	s2 =	sadd.s32 s2, s4;
	[dreg:$0x0] =	wrdreg $0x0  }
0xa8: {  	s4 =	sshll.u32 s28, $0x1;
	[dreg:$0x2] =	wrdreg s2  }
0xa9: {  	[dreg:$0x3] =	wrdreg s4  }
0xaa: {  	[dreg:$0x4] =	wrdreg $0xC0  }
0xab: {  	_ =	task [dreg:s6], $0x5FFFF  }
0xac: {  	[dreg:$0x1] =	wrdreg $0xFFFFFFFF  }
0xad: {  	[dreg:$0x0] =	wrdreg $0x60  }
0xae: {  	[dreg:$0x2] =	wrdreg s24  }
0xaf: {  	[dreg:$0x3] =	wrdreg $0x90000  }
0xb0: {  	[dreg:$0x4] =	wrdreg $0x9  }
0xb1: {  	_ =	task.clear_ibuf [dreg:s6], $0x5FFFF;
	_ =	strace $0x90000049  }
0xb2: {  	s29 =	simm.s32 $0x9;
	_ =	strace $0x8000004B  }
0xb3: {  	_ =	swait.ge [sflag:s29], $0x1  }
0xb4: {  	[sflag:s29] =	ssyncadd.s32 $0xFFFFFFFF  }
0xb5: {  	_ =	strace $0x9000004B  }
0xb6: {  	_ =	sfence  }
0xb7: {  	s30 =	sld [smem:$0x0];
	_ =	sdelay $0x2  }
0xb8: {  	s31 =	sshll.u32 s1, $0xD;
	s1 =	sshrl.u32 s1, $0x2  }
0xb9: {  	s3 =	sand.u32 $0x4000, s31;
	s1 =	sadd.s32 s1, s30  }
0xba: {  	s0 =	sor.u32 s3, s0;
	s1 =	sshll.u32 s1, $0x11  }
0xbb: {  	s0 =	sor.u32 s1, s0  }
0xbc: {  	s0 =	sadd.s32 $0x8F2B, s0  }
0xbd: {  	[sflag:s0] =	ssyncadd.remote.s32 $0x1  }
0xbe: {  	_ =	sfence.sel $0xFFFF  }
0xbf: {  	[dreg:$0x0] =	wrdreg $0xFFFFFFFF;
	(pc) =	sbr.abs _section_cstart, $3  }
0xc0: {  	[dreg:$0x1] =	wrdreg $0xFFFFFFFF  }
0xc1: {  	_ =	task.clear_ibuf [dreg:s6], $0x2FFFF;
	_ =	strace $0x9FFFFFFF  }
0xc2: {  	(tm) =	ssettm $0x7FFFFFFF  }
0xc3: {  	_ =	shalt  }
tec
execute0_lowered:
.L_overlay_start_1:
0x0: {  	(tag) =	ssettag $0x1  }
0x1: {  	s6 =	rddreg [dreg:$0x0]  }
0x2: {  	s1 =	rddreg [dreg:$0x1]  }
0x3: {  	s0 =	rddreg [dreg:$0x2];
	s3 =	simm.s32 $0x0;
	s4 =	srdreg.scid  }
0x4: {  	s2 =	stileid.u32;
	s15 =	simm.s32 $0x3;
	s16 =	simm.s32 $0x800  }
0x5: {  	s17 =	simm.s32 $0x80;
	s18 =	simm.s32 $0x1000;
	s19 =	simm.s32 $0x1  }
0x6: {  	s20 =	simm.s32 $0x5000;
	s5 =	sand.u32 $0x1, s4;
	s4 =	smul.u32 $0x90, s2  }
0x7: {  	s21 =	simm.s32 $0x0;
	[smem:$0x7FF] =	sst s3;
	s9 =	smul.u32 $0x14000, s2  }
0x8: {  	s7 =	sshll.u32 s2, $0x4;
	s28 =	smul.u32 $0x50000, s2;
	s31 =	sshll.u32 s2, $0x6  }
0x9: {  	p0 =	seq.s32 s5, $0x0;
	s7 =	sor.u32 $0x900, s7;
	s8 =	smul.u32 $0x140000, s5  }
0xa: {  	_ =	strace $0x8000004A;
	s26 =	ssub.s32 $0x2, s5;
	s5 =	sadd.s32 $0x17C00, s6  }
0xb: {  	s7 =	smov.u32 @p0 s4;
	s4 =	sadd.s32 $0x6A400, s6;
	s29 =	sshrl.u32 s26, $0x1  }
0xc: {  	s30 =	sshrl.u32 s28, $0x2;
	s7 =	sshll.u32 s7, $0x4;
	s25 =	sadd.s32 s9, s8  }
0xd: {  	s11 =	ssub.s32 s26, s29;
	s14 =	sadd.s32 s30, s1;
	s13 =	sadd.s32 s7, s6  }
0xe: {  	s7 =	sshrl.u32 s25, $0x3;
	s11 =	smax.u32 s11, $0x1;
	s14 =	sshrl.u32 s14, $0x3  }
0xf: {  	s10 =	sadd.s32 s7, s6;
	s6 =	simm.s32 $0x12;
	s7 =	sor.u32 $0x1C03, s31  }
0x10: {  	s8 =	sadd.s32 $0x3C00, s13;
	s9 =	sadd.s32 $0xDC00, s13;
	s12 =	sadd.s32 $0xDC80, s13  }
0x11: {  	s13 =	sadd.s32 $0x3C80, s13;
	s6 =	simm.s32 @!p0 $0x2;
	s10 =	sadd.s32 $0x92400, s10  }
.LBB2_1:
0x12: {  	[spmem:s14], [sflag:s7] =	dma.local [hbm:s5], $0x2800  }
0x13: {  	_ =	swait.ge [sflag:s15], $0x2800  }
0x14: {  	[sflag:s15] =	ssyncset.done $0x0  }
0x15: {  	[sflag:s15] =	ssyncadd.s32 $0xFFFFD800  }
0x16: {  	[tilespmem:s3], [sflag:$0x3] =	stream.linear.gather [hbm4b:s8+s3], $0x400, $0x38;
	[tilespmem:$0x1D000] =	vst v63  }
0x17: {  	_ =	swait.ge [sflag:s15], $0x400  }
0x18: {  	[sflag:s15] =	ssyncset.done $0x0  }
0x19: {  	p2 =	sne.s32 s6, $0x1;
	[sflag:s15] =	ssyncadd.s32 $0xFFFFFC00  }
0x1a: {  	[tilespmem:s16], [sflag:$0x3] =	stream.linear.gather [hbm4b:s9+s3], $0x400, $0x38;
	[tilespmem:$0x1D000] =	vst v63  }
.Ltmp0:
0x1b: {  	_ =	swait.ge [sflag:s15], $0x400;
	(pc) =	sbr.rel @!p2 .LBB2_2-.Ltmp0, $4  }
0x1c: {  	p0 =	sle.u32 s6, $0x1;
	s25 =	simm.s32 $0x1;
	[sflag:s15] =	ssyncset.done $0x0  }
0x1d: {  	s28 =	sand.u32 $0x1, s3;
	p0 =	por p0, p0;
	[sflag:s15] =	ssyncadd.s32 $0xFFFFFC00  }
0x1e: {  	p1 =	por $0x0, $0x0;
	s29 =	simm.s32 @!p0 $0x0;
	[bflag:$0x0] =	sbarrier.arrive $0xFFFF  }
0x1f: {  	[tilespmem:s18], [sflag:$0x1] =	stream.indirect.gather [hbm4b:s4+s17], $0x80, s3, s17, $0xb8;
	[tilespmem:$0x1D000] =	vst v63  }
0x20: {  	s22 =	sxor.u32 $0x1, s28  }
0x21: {  	s22 =	sshll.u32 @!p0 s22, $0xA  }
0x22: {  	[tilespmem:s22], [sflag:$0x2] =	stream.linear.gather @!p0 [hbm4b:s13+s29], $0x400, $0x38;
	[tilespmem:$0x1D000] =	vst v63  }
0x23: {  	s23 =	sor.u32 @!p0 $0x800, s22  }
0x24: {  	[tilespmem:s23], [sflag:$0x2] =	stream.linear.gather @!p0 [hbm4b:s12+s29], $0x400, $0x38;
	[tilespmem:$0x1D000] =	vst v63  }
0x25: {  	_ =	swait.ge [sflag:s19], $0x4000  }
0x26: {  	s23 =	sshll.u32 s28, $0xA;
	[sflag:s19] =	ssyncset.done $0x0  }
0x27: {  	s24 =	sor.u32 $0x80, s23;
	[sflag:s19] =	ssyncadd.s32 $0xFFFFC000  }
0x28: {  	[tilespmem:s20], [sflag:$0x1] =	stream.indirect.gather [hbm4b:s4+s17], $0x80, s24, s17, $0xb8;
	[tilespmem:$0x1D000] =	vst v63  }
0x29: {  	s26 =	sor.u32 $0x800, s23  }
0x2a: {  	[spmem:s1] =	stream.indirect.scatter.add.f32 [tilespmem:s18], [sflag:$0x3], $0x80, s26, s17, $0xb8;
	[tilespmem:$0x1D000] =	vst v63  }
0x2b: {  	_ =	swait.ge [sflag:s15], $0x4000  }
0x2c: {  	[sflag:s15] =	ssyncset.done $0x0  }
0x2d: {  	[sflag:s15] =	ssyncadd.s32 $0xFFFFC000  }
0x2e: {  	_ =	swait.ge [sflag:s19], $0x4000  }
0x2f: {  	[sflag:s19] =	ssyncset.done $0x0  }
0x30: {  	s30 =	sor.u32 $0x100, s23;
	[sflag:s19] =	ssyncadd.s32 $0xFFFFC000  }
0x31: {  	[tilespmem:s18], [sflag:$0x1] =	stream.indirect.gather [hbm4b:s4+s17], $0x80, s30, s17, $0xb8;
	[tilespmem:$0x1D000] =	vst v63  }
0x32: {  	s31 =	sor.u32 $0x880, s23  }
0x33: {  	[spmem:s1] =	stream.indirect.scatter.add.f32 [tilespmem:s20], [sflag:$0x3], $0x80, s31, s17, $0xb8;
	[tilespmem:$0x1D000] =	vst v63  }
0x34: {  	_ =	swait.ge [sflag:s15], $0x4000  }
0x35: {  	[sflag:s15] =	ssyncset.done $0x0  }
0x36: {  	[sflag:s15] =	ssyncadd.s32 $0xFFFFC000  }
0x37: {  	_ =	swait.ge [sflag:s19], $0x4000  }
0x38: {  	[sflag:s19] =	ssyncset.done $0x0  }
0x39: {  	s26 =	sor.u32 $0x180, s23;
	[sflag:s19] =	ssyncadd.s32 $0xFFFFC000  }
0x3a: {  	[tilespmem:s20], [sflag:$0x1] =	stream.indirect.gather [hbm4b:s4+s17], $0x80, s26, s17, $0xb8;
	[tilespmem:$0x1D000] =	vst v63  }
0x3b: {  	s30 =	sor.u32 $0x900, s23  }
0x3c: {  	[spmem:s1] =	stream.indirect.scatter.add.f32 [tilespmem:s18], [sflag:$0x3], $0x80, s30, s17, $0xb8;
	[tilespmem:$0x1D000] =	vst v63  }
0x3d: {  	_ =	swait.ge [sflag:s15], $0x4000  }
0x3e: {  	[sflag:s15] =	ssyncset.done $0x0  }
0x3f: {  	[sflag:s15] =	ssyncadd.s32 $0xFFFFC000  }
0x40: {  	_ =	swait.ge [sflag:s19], $0x4000  }
0x41: {  	[sflag:s19] =	ssyncset.done $0x0  }
0x42: {  	s31 =	sor.u32 $0x200, s23;
	[sflag:s19] =	ssyncadd.s32 $0xFFFFC000  }
0x43: {  	[tilespmem:s18], [sflag:$0x1] =	stream.indirect.gather [hbm4b:s4+s17], $0x80, s31, s17, $0xb8;
	[tilespmem:$0x1D000] =	vst v63  }
0x44: {  	s26 =	sor.u32 $0x980, s23  }
0x45: {  	[spmem:s1] =	stream.indirect.scatter.add.f32 [tilespmem:s20], [sflag:$0x3], $0x80, s26, s17, $0xb8;
	[tilespmem:$0x1D000] =	vst v63  }
0x46: {  	_ =	swait.ge [sflag:s15], $0x4000  }
0x47: {  	[sflag:s15] =	ssyncset.done $0x0  }
0x48: {  	[sflag:s15] =	ssyncadd.s32 $0xFFFFC000  }
0x49: {  	_ =	swait.ge [sflag:s19], $0x4000  }
0x4a: {  	[sflag:s19] =	ssyncset.done $0x0  }
0x4b: {  	s30 =	sor.u32 $0x280, s23;
	[sflag:s19] =	ssyncadd.s32 $0xFFFFC000  }
0x4c: {  	[tilespmem:s20], [sflag:$0x1] =	stream.indirect.gather [hbm4b:s4+s17], $0x80, s30, s17, $0xb8;
	[tilespmem:$0x1D000] =	vst v63  }
0x4d: {  	s31 =	sor.u32 $0xA00, s23  }
0x4e: {  	[spmem:s1] =	stream.indirect.scatter.add.f32 [tilespmem:s18], [sflag:$0x3], $0x80, s31, s17, $0xb8;
	[tilespmem:$0x1D000] =	vst v63  }
0x4f: {  	_ =	swait.ge [sflag:s15], $0x4000  }
0x50: {  	[sflag:s15] =	ssyncset.done $0x0  }
0x51: {  	[sflag:s15] =	ssyncadd.s32 $0xFFFFC000  }
0x52: {  	_ =	swait.ge [sflag:s19], $0x4000  }
0x53: {  	[sflag:s19] =	ssyncset.done $0x0  }
0x54: {  	s26 =	sor.u32 $0x300, s23;
	[sflag:s19] =	ssyncadd.s32 $0xFFFFC000  }
0x55: {  	[tilespmem:s18], [sflag:$0x1] =	stream.indirect.gather [hbm4b:s4+s17], $0x80, s26, s17, $0xb8;
	[tilespmem:$0x1D000] =	vst v63  }
0x56: {  	s30 =	sor.u32 $0xA80, s23  }
0x57: {  	[spmem:s1] =	stream.indirect.scatter.add.f32 [tilespmem:s20], [sflag:$0x3], $0x80, s30, s17, $0xb8;
	[tilespmem:$0x1D000] =	vst v63  }
0x58: {  	_ =	swait.ge [sflag:s15], $0x4000  }
0x59: {  	[sflag:s15] =	ssyncset.done $0x0  }
0x5a: {  	[sflag:s15] =	ssyncadd.s32 $0xFFFFC000  }
0x5b: {  	_ =	swait.ge [sflag:s19], $0x4000  }
0x5c: {  	[sflag:s19] =	ssyncset.done $0x0  }
0x5d: {  	s26 =	sor.u32 $0x380, s23;
	[sflag:s19] =	ssyncadd.s32 $0xFFFFC000  }
0x5e: {  	[tilespmem:s20], [sflag:$0x1] =	stream.indirect.gather [hbm4b:s4+s17], $0x80, s26, s17, $0xb8;
	[tilespmem:$0x1D000] =	vst v63  }
0x5f: {  	s23 =	sor.u32 $0xB00, s23  }
0x60: {  	[spmem:s1] =	stream.indirect.scatter.add.f32 [tilespmem:s18], [sflag:$0x3], $0x80, s23, s17, $0xb8;
	[tilespmem:$0x1D000] =	vst v63  }
0x61: {  	_ =	swait.ge [sflag:s15], $0x4000  }
0x62: {  	[sflag:s15] =	ssyncset.done $0x0  }
0x63: {  	[sflag:s15] =	ssyncadd.s32 $0xFFFFC000  }
0x64: {  	_ =	swait.ge [sflag:s19], $0x4000  }
0x65: {  	[sflag:s19] =	ssyncset.done $0x0  }
0x66: {  	s23 =	simm.s32 @!p0 $0x2;
	[sflag:s19] =	ssyncadd.s32 $0xFFFFC000  }
0x67: {  	_ =	swait.ge @!p0 [sflag:s23], $0x400  }
0x68: {  	[sflag:s23] =	ssyncset.done @!p0 $0x0  }
0x69: {  	[sflag:s23] =	ssyncadd.s32 @!p0 $0xFFFFFC00  }
0x6a: {  	_ =	swait.ge @!p0 [sflag:s23], $0x400  }
0x6b: {  	p2 =	sne.s32 s6, $0x2;
	[sflag:s23] =	ssyncset.done @!p0 $0x0  }
0x6c: {  	s24 =	simm.s32 @!p0 $0x1000;
	[sflag:s23] =	ssyncadd.s32 @!p0 $0xFFFFFC00;
	s23 =	simm.s32 @!p0 $0x80  }
0x6d: {  	[tilespmem:s24], [sflag:$0x1] =	stream.indirect.gather @!p0 [hbm4b:s4+s23], $0x80, s22, s23, $0xb8;
	[tilespmem:$0x1D000] =	vst v63  }
.Ltmp1:
0x6e: {  	p6 =	sle.u32 s6, $0x2;
	p1 =	por $0x1, $0x1;
	(pc) =	sbr.rel @!p2 .LBB2_5-.Ltmp1, $4  }
0x6f: {  	s28 =	sand.u32 $0x1, s25;
	s31 =	sor.u32 $0x800, s26;
	s24 =	simm.s32 $0x2  }
0x70: {  	[spmem:s1] =	stream.indirect.scatter.add.f32 [tilespmem:s20], [sflag:$0x3], $0x80, s31, s17, $0xb8;
	[tilespmem:$0x1D000] =	vst v63  }
0x71: {  	p0 =	por p6, p6;
	s22 =	sadd.s32 $0x80, s12;
	_ =	swait.ge [sflag:s15], $0x4000  }
0x72: {  	s23 =	sadd.s32 $0x80, s13;
	s29 =	simm.s32 @!p0 $0x0;
	[sflag:s15] =	ssyncset.done $0x0  }
.LBB2_4:
0x73: {  	s26 =	sxor.u32 $0x1, s28  }
0x74: {  	[sflag:s15] =	ssyncadd.s32 $0xFFFFC000;
	s25 =	smov.u32 s24;
	s24 =	sadd.s32 $0x1, s24  }
0x75: {  	s28 =	sshll.u32 s28, $0xA;
	p3 =	sge.u32 s24, s6;
	s26 =	sshll.u32 @!p0 s26, $0xA  }
0x76: {  	[tilespmem:s26], [sflag:$0x2] =	stream.linear.gather @!p0 [hbm4b:s23+s29], $0x400, $0x38;
	[tilespmem:$0x1D000] =	vst v63  }
0x77: {  	p2 =	sne.s32 s6, s24;
	s30 =	sor.u32 @!p0 $0x800, s26  }
0x78: {  	[tilespmem:s30], [sflag:$0x2] =	stream.linear.gather @!p0 [hbm4b:s22+s29], $0x400, $0x38;
	[tilespmem:$0x1D000] =	vst v63  }
0x79: {  	_ =	swait.ge [sflag:s19], $0x4000  }
0x7a: {  	[sflag:s19] =	ssyncset.done $0x0  }
0x7b: {  	s29 =	sor.u32 $0x80, s28;
	[sflag:s19] =	ssyncadd.s32 $0xFFFFC000  }
0x7c: {  	[tilespmem:s20], [sflag:$0x1] =	stream.indirect.gather [hbm4b:s4+s17], $0x80, s29, s17, $0xb8;
	[tilespmem:$0x1D000] =	vst v63  }
0x7d: {  	s29 =	sor.u32 $0x800, s28  }
0x7e: {  	[spmem:s1] =	stream.indirect.scatter.add.f32 [tilespmem:s18], [sflag:$0x3], $0x80, s29, s17, $0xb8;
	[tilespmem:$0x1D000] =	vst v63  }
0x7f: {  	_ =	swait.ge [sflag:s15], $0x4000  }
0x80: {  	[sflag:s15] =	ssyncset.done $0x0  }
0x81: {  	[sflag:s15] =	ssyncadd.s32 $0xFFFFC000  }
0x82: {  	_ =	swait.ge [sflag:s19], $0x4000  }
0x83: {  	[sflag:s19] =	ssyncset.done $0x0  }
0x84: {  	s29 =	sor.u32 $0x100, s28;
	[sflag:s19] =	ssyncadd.s32 $0xFFFFC000  }
0x85: {  	[tilespmem:s18], [sflag:$0x1] =	stream.indirect.gather [hbm4b:s4+s17], $0x80, s29, s17, $0xb8;
	[tilespmem:$0x1D000] =	vst v63  }
0x86: {  	s29 =	sor.u32 $0x880, s28  }
0x87: {  	[spmem:s1] =	stream.indirect.scatter.add.f32 [tilespmem:s20], [sflag:$0x3], $0x80, s29, s17, $0xb8;
	[tilespmem:$0x1D000] =	vst v63  }
0x88: {  	_ =	swait.ge [sflag:s15], $0x4000  }
0x89: {  	[sflag:s15] =	ssyncset.done $0x0  }
0x8a: {  	[sflag:s15] =	ssyncadd.s32 $0xFFFFC000  }
0x8b: {  	_ =	swait.ge [sflag:s19], $0x4000  }
0x8c: {  	[sflag:s19] =	ssyncset.done $0x0  }
0x8d: {  	s29 =	sor.u32 $0x180, s28;
	[sflag:s19] =	ssyncadd.s32 $0xFFFFC000  }
0x8e: {  	[tilespmem:s20], [sflag:$0x1] =	stream.indirect.gather [hbm4b:s4+s17], $0x80, s29, s17, $0xb8;
	[tilespmem:$0x1D000] =	vst v63  }
0x8f: {  	s29 =	sor.u32 $0x900, s28  }
0x90: {  	[spmem:s1] =	stream.indirect.scatter.add.f32 [tilespmem:s18], [sflag:$0x3], $0x80, s29, s17, $0xb8;
	[tilespmem:$0x1D000] =	vst v63  }
0x91: {  	_ =	swait.ge [sflag:s15], $0x4000  }
0x92: {  	[sflag:s15] =	ssyncset.done $0x0  }
0x93: {  	[sflag:s15] =	ssyncadd.s32 $0xFFFFC000  }
0x94: {  	_ =	swait.ge [sflag:s19], $0x4000  }
0x95: {  	[sflag:s19] =	ssyncset.done $0x0  }
0x96: {  	s29 =	sor.u32 $0x200, s28;
	[sflag:s19] =	ssyncadd.s32 $0xFFFFC000  }
0x97: {  	[tilespmem:s18], [sflag:$0x1] =	stream.indirect.gather [hbm4b:s4+s17], $0x80, s29, s17, $0xb8;
	[tilespmem:$0x1D000] =	vst v63  }
0x98: {  	s29 =	sor.u32 $0x980, s28  }
0x99: {  	[spmem:s1] =	stream.indirect.scatter.add.f32 [tilespmem:s20], [sflag:$0x3], $0x80, s29, s17, $0xb8;
	[tilespmem:$0x1D000] =	vst v63  }
0x9a: {  	_ =	swait.ge [sflag:s15], $0x4000  }
0x9b: {  	[sflag:s15] =	ssyncset.done $0x0  }
0x9c: {  	[sflag:s15] =	ssyncadd.s32 $0xFFFFC000  }
0x9d: {  	_ =	swait.ge [sflag:s19], $0x4000  }
0x9e: {  	[sflag:s19] =	ssyncset.done $0x0  }
0x9f: {  	s29 =	sor.u32 $0x280, s28;
	[sflag:s19] =	ssyncadd.s32 $0xFFFFC000  }
0xa0: {  	[tilespmem:s20], [sflag:$0x1] =	stream.indirect.gather [hbm4b:s4+s17], $0x80, s29, s17, $0xb8;
	[tilespmem:$0x1D000] =	vst v63  }
0xa1: {  	s29 =	sor.u32 $0xA00, s28  }
0xa2: {  	[spmem:s1] =	stream.indirect.scatter.add.f32 [tilespmem:s18], [sflag:$0x3], $0x80, s29, s17, $0xb8;
	[tilespmem:$0x1D000] =	vst v63  }
0xa3: {  	_ =	swait.ge [sflag:s15], $0x4000  }
0xa4: {  	[sflag:s15] =	ssyncset.done $0x0  }
0xa5: {  	[sflag:s15] =	ssyncadd.s32 $0xFFFFC000  }
0xa6: {  	_ =	swait.ge [sflag:s19], $0x4000  }
0xa7: {  	[sflag:s19] =	ssyncset.done $0x0  }
0xa8: {  	s29 =	sor.u32 $0x300, s28;
	[sflag:s19] =	ssyncadd.s32 $0xFFFFC000  }
0xa9: {  	[tilespmem:s18], [sflag:$0x1] =	stream.indirect.gather [hbm4b:s4+s17], $0x80, s29, s17, $0xb8;
	[tilespmem:$0x1D000] =	vst v63  }
0xaa: {  	s29 =	sor.u32 $0xA80, s28  }
0xab: {  	[spmem:s1] =	stream.indirect.scatter.add.f32 [tilespmem:s20], [sflag:$0x3], $0x80, s29, s17, $0xb8;
	[tilespmem:$0x1D000] =	vst v63  }
0xac: {  	_ =	swait.ge [sflag:s15], $0x4000  }
0xad: {  	[sflag:s15] =	ssyncset.done $0x0  }
0xae: {  	[sflag:s15] =	ssyncadd.s32 $0xFFFFC000  }
0xaf: {  	_ =	swait.ge [sflag:s19], $0x4000  }
0xb0: {  	[sflag:s19] =	ssyncset.done $0x0  }
0xb1: {  	s29 =	sor.u32 $0x380, s28;
	[sflag:s19] =	ssyncadd.s32 $0xFFFFC000  }
0xb2: {  	[tilespmem:s20], [sflag:$0x1] =	stream.indirect.gather [hbm4b:s4+s17], $0x80, s29, s17, $0xb8;
	[tilespmem:$0x1D000] =	vst v63  }
0xb3: {  	s28 =	sor.u32 $0xB00, s28  }
0xb4: {  	[spmem:s1] =	stream.indirect.scatter.add.f32 [tilespmem:s18], [sflag:$0x3], $0x80, s28, s17, $0xb8;
	[tilespmem:$0x1D000] =	vst v63  }
0xb5: {  	_ =	swait.ge [sflag:s15], $0x4000  }
0xb6: {  	[sflag:s15] =	ssyncset.done $0x0  }
0xb7: {  	[sflag:s15] =	ssyncadd.s32 $0xFFFFC000  }
0xb8: {  	_ =	swait.ge [sflag:s19], $0x4000  }
0xb9: {  	[sflag:s19] =	ssyncset.done $0x0  }
0xba: {  	s28 =	simm.s32 @!p0 $0x2;
	[sflag:s19] =	ssyncadd.s32 $0xFFFFC000  }
0xbb: {  	_ =	swait.ge @!p0 [sflag:s28], $0x400  }
0xbc: {  	[sflag:s28] =	ssyncset.done @!p0 $0x0  }
0xbd: {  	[sflag:s28] =	ssyncadd.s32 @!p0 $0xFFFFFC00  }
0xbe: {  	_ =	swait.ge @!p0 [sflag:s28], $0x400  }
0xbf: {  	[sflag:s28] =	ssyncset.done @!p0 $0x0  }
0xc0: {  	s30 =	simm.s32 @!p0 $0x1000;
	[sflag:s28] =	ssyncadd.s32 @!p0 $0xFFFFFC00;
	s28 =	simm.s32 @!p0 $0x80  }
0xc1: {  	[tilespmem:s30], [sflag:$0x1] =	stream.indirect.gather @!p0 [hbm4b:s4+s28], $0x80, s26, s28, $0xb8;
	[tilespmem:$0x1D000] =	vst v63  }
.Ltmp2:
0xc2: {  	_ = 	snop;
	(pc) =	sbr.rel @p2 .LBB2_4-.Ltmp2, $4  }
0xc3: {  	s26 =	sor.u32 $0x800, s29;
	p0 =	por p3, p3  }
0xc4: {  	[spmem:s1] =	stream.indirect.scatter.add.f32 [tilespmem:s20], [sflag:$0x3], $0x80, s26, s17, $0xb8;
	[tilespmem:$0x1D000] =	vst v63  }
0xc5: {  	s23 =	sadd.s32 $0x80, s23;
	s22 =	sadd.s32 $0x80, s22;
	_ =	swait.ge [sflag:s15], $0x4000  }
0xc6: {  	s28 =	sand.u32 $0x1, s25;
	s29 =	simm.s32 @!p0 $0x0;
	[sflag:s15] =	ssyncset.done $0x0  }
.LBB2_5:
0xc7: {  	s24 =	sxor.u32 $0x1, s28  }
0xc8: {  	[sflag:s15] =	ssyncadd.s32 @p1 $0xFFFFC000;
	s24 =	sshll.u32 @!p0 s24, $0xA  }
0xc9: {  	[tilespmem:s24], [sflag:$0x2] =	stream.linear.gather @!p0 [hbm4b:s23+s29], $0x400, $0x38;
	[tilespmem:$0x1D000] =	vst v63  }
0xca: {  	s23 =	sor.u32 @!p0 $0x800, s24  }
0xcb: {  	[tilespmem:s23], [sflag:$0x2] =	stream.linear.gather @!p0 [hbm4b:s22+s29], $0x400, $0x38;
	[tilespmem:$0x1D000] =	vst v63  }
0xcc: {  	_ =	swait.ge [sflag:s19], $0x4000  }
0xcd: {  	s22 =	sshll.u32 s28, $0xA;
	[sflag:s19] =	ssyncset.done $0x0  }
0xce: {  	s30 =	sor.u32 $0x80, s22;
	[sflag:s19] =	ssyncadd.s32 $0xFFFFC000  }
0xcf: {  	[tilespmem:s20], [sflag:$0x1] =	stream.indirect.gather [hbm4b:s4+s17], $0x80, s30, s17, $0xb8;
	[tilespmem:$0x1D000] =	vst v63  }
0xd0: {  	s31 =	sor.u32 $0x800, s22  }
0xd1: {  	[spmem:s1] =	stream.indirect.scatter.add.f32 [tilespmem:s18], [sflag:$0x3], $0x80, s31, s17, $0xb8;
	[tilespmem:$0x1D000] =	vst v63  }
0xd2: {  	_ =	swait.ge [sflag:s15], $0x4000  }
0xd3: {  	[sflag:s15] =	ssyncset.done $0x0  }
0xd4: {  	[sflag:s15] =	ssyncadd.s32 $0xFFFFC000  }
0xd5: {  	_ =	swait.ge [sflag:s19], $0x4000  }
0xd6: {  	[sflag:s19] =	ssyncset.done $0x0  }
0xd7: {  	s25 =	sor.u32 $0x100, s22;
	[sflag:s19] =	ssyncadd.s32 $0xFFFFC000  }
0xd8: {  	[tilespmem:s18], [sflag:$0x1] =	stream.indirect.gather [hbm4b:s4+s17], $0x80, s25, s17, $0xb8;
	[tilespmem:$0x1D000] =	vst v63  }
0xd9: {  	s26 =	sor.u32 $0x880, s22  }
0xda: {  	[spmem:s1] =	stream.indirect.scatter.add.f32 [tilespmem:s20], [sflag:$0x3], $0x80, s26, s17, $0xb8;
	[tilespmem:$0x1D000] =	vst v63  }
0xdb: {  	_ =	swait.ge [sflag:s15], $0x4000  }
0xdc: {  	[sflag:s15] =	ssyncset.done $0x0  }
0xdd: {  	[sflag:s15] =	ssyncadd.s32 $0xFFFFC000  }
0xde: {  	_ =	swait.ge [sflag:s19], $0x4000  }
0xdf: {  	[sflag:s19] =	ssyncset.done $0x0  }
0xe0: {  	s28 =	sor.u32 $0x180, s22;
	[sflag:s19] =	ssyncadd.s32 $0xFFFFC000  }
0xe1: {  	[tilespmem:s20], [sflag:$0x1] =	stream.indirect.gather [hbm4b:s4+s17], $0x80, s28, s17, $0xb8;
	[tilespmem:$0x1D000] =	vst v63  }
0xe2: {  	s29 =	sor.u32 $0x900, s22  }
0xe3: {  	[spmem:s1] =	stream.indirect.scatter.add.f32 [tilespmem:s18], [sflag:$0x3], $0x80, s29, s17, $0xb8;
	[tilespmem:$0x1D000] =	vst v63  }
0xe4: {  	_ =	swait.ge [sflag:s15], $0x4000  }
0xe5: {  	[sflag:s15] =	ssyncset.done $0x0  }
0xe6: {  	[sflag:s15] =	ssyncadd.s32 $0xFFFFC000  }
0xe7: {  	_ =	swait.ge [sflag:s19], $0x4000  }
0xe8: {  	[sflag:s19] =	ssyncset.done $0x0  }
0xe9: {  	s30 =	sor.u32 $0x200, s22;
	[sflag:s19] =	ssyncadd.s32 $0xFFFFC000  }
0xea: {  	[tilespmem:s18], [sflag:$0x1] =	stream.indirect.gather [hbm4b:s4+s17], $0x80, s30, s17, $0xb8;
	[tilespmem:$0x1D000] =	vst v63  }
0xeb: {  	s31 =	sor.u32 $0x980, s22  }
0xec: {  	[spmem:s1] =	stream.indirect.scatter.add.f32 [tilespmem:s20], [sflag:$0x3], $0x80, s31, s17, $0xb8;
	[tilespmem:$0x1D000] =	vst v63  }
0xed: {  	_ =	swait.ge [sflag:s15], $0x4000  }
0xee: {  	[sflag:s15] =	ssyncset.done $0x0  }
0xef: {  	[sflag:s15] =	ssyncadd.s32 $0xFFFFC000  }
0xf0: {  	_ =	swait.ge [sflag:s19], $0x4000  }
0xf1: {  	[sflag:s19] =	ssyncset.done $0x0  }
0xf2: {  	s25 =	sor.u32 $0x280, s22;
	[sflag:s19] =	ssyncadd.s32 $0xFFFFC000  }
0xf3: {  	[tilespmem:s20], [sflag:$0x1] =	stream.indirect.gather [hbm4b:s4+s17], $0x80, s25, s17, $0xb8;
	[tilespmem:$0x1D000] =	vst v63  }
0xf4: {  	s26 =	sor.u32 $0xA00, s22  }
0xf5: {  	[spmem:s1] =	stream.indirect.scatter.add.f32 [tilespmem:s18], [sflag:$0x3], $0x80, s26, s17, $0xb8;
	[tilespmem:$0x1D000] =	vst v63  }
0xf6: {  	_ =	swait.ge [sflag:s15], $0x4000  }
0xf7: {  	[sflag:s15] =	ssyncset.done $0x0  }
0xf8: {  	[sflag:s15] =	ssyncadd.s32 $0xFFFFC000  }
0xf9: {  	_ =	swait.ge [sflag:s19], $0x4000  }
0xfa: {  	[sflag:s19] =	ssyncset.done $0x0  }
0xfb: {  	s28 =	sor.u32 $0x300, s22;
	[sflag:s19] =	ssyncadd.s32 $0xFFFFC000  }
0xfc: {  	[tilespmem:s18], [sflag:$0x1] =	stream.indirect.gather [hbm4b:s4+s17], $0x80, s28, s17, $0xb8;
	[tilespmem:$0x1D000] =	vst v63  }
0xfd: {  	s29 =	sor.u32 $0xA80, s22  }
0xfe: {  	[spmem:s1] =	stream.indirect.scatter.add.f32 [tilespmem:s20], [sflag:$0x3], $0x80, s29, s17, $0xb8;
	[tilespmem:$0x1D000] =	vst v63  }
0xff: {  	_ =	swait.ge [sflag:s15], $0x4000  }
0x100: {  	[sflag:s15] =	ssyncset.done $0x0  }
0x101: {  	[sflag:s15] =	ssyncadd.s32 $0xFFFFC000  }
0x102: {  	_ =	swait.ge [sflag:s19], $0x4000  }
0x103: {  	[sflag:s19] =	ssyncset.done $0x0  }
0x104: {  	s30 =	sor.u32 $0x380, s22;
	[sflag:s19] =	ssyncadd.s32 $0xFFFFC000  }
0x105: {  	[tilespmem:s20], [sflag:$0x1] =	stream.indirect.gather [hbm4b:s4+s17], $0x80, s30, s17, $0xb8;
	[tilespmem:$0x1D000] =	vst v63  }
0x106: {  	s22 =	sor.u32 $0xB00, s22  }
0x107: {  	[spmem:s1] =	stream.indirect.scatter.add.f32 [tilespmem:s18], [sflag:$0x3], $0x80, s22, s17, $0xb8;
	[tilespmem:$0x1D000] =	vst v63  }
0x108: {  	_ =	swait.ge [sflag:s15], $0x4000  }
0x109: {  	[sflag:s15] =	ssyncset.done $0x0  }
0x10a: {  	[sflag:s15] =	ssyncadd.s32 $0xFFFFC000  }
0x10b: {  	_ =	swait.ge [sflag:s19], $0x4000  }
0x10c: {  	[sflag:s19] =	ssyncset.done $0x0  }
0x10d: {  	s22 =	simm.s32 @!p0 $0x2;
	[sflag:s19] =	ssyncadd.s32 $0xFFFFC000  }
0x10e: {  	_ =	swait.ge @!p0 [sflag:s22], $0x400  }
0x10f: {  	[sflag:s22] =	ssyncset.done @!p0 $0x0  }
0x110: {  	[sflag:s22] =	ssyncadd.s32 @!p0 $0xFFFFFC00  }
0x111: {  	_ =	swait.ge @!p0 [sflag:s22], $0x400  }
0x112: {  	[sflag:s22] =	ssyncset.done @!p0 $0x0  }
0x113: {  	s25 =	simm.s32 @!p0 $0x1000;
	[sflag:s22] =	ssyncadd.s32 @!p0 $0xFFFFFC00;
	s22 =	simm.s32 @!p0 $0x80  }
0x114: {  	[tilespmem:s25], [sflag:$0x1] =	stream.indirect.gather @!p0 [hbm4b:s4+s22], $0x80, s24, s22, $0xb8;
	[tilespmem:$0x1D000] =	vst v63  }
0x115: {  	s31 =	sor.u32 $0x800, s30  }
0x116: {  	[spmem:s1] =	stream.indirect.scatter.add.f32 [tilespmem:s20], [sflag:$0x3], $0x80, s31, s17, $0xb8;
	[tilespmem:$0x1D000] =	vst v63  }
0x117: {  	_ =	swait.ge [sflag:s15], $0x4000  }
0x118: {  	[sflag:s15] =	ssyncset.done $0x0  }
0x119: {  	s21 =	sadd.s32 $0x1, s21;
	[sflag:s15] =	ssyncadd.s32 $0xFFFFC000  }
0x11a: {  	p0 =	sne.s32 s21, s11;
	[bflag:$0x0] =	sbarrier.arrive $0xFFFF  }
0x11b: {  	[hbm:s10], [sflag:s7] =	dma.local [spmem:s14], $0x2800  }
.Ltmp3:
0x11c: {  	_ = 	snop;
	(pc) =	sbr.rel @p0 .LBB2_1-.Ltmp3, $4  }
.Ltmp4:
0x11d: {  	_ = 	snop;
	(pc) =	sbr.rel @!p0 .LBB2_6-.Ltmp4, $4  }
0x11e: {  	_ =	swait.ge [sflag:s15], $0x2800  }
0x11f: {  	[sflag:s15] =	ssyncset.done $0x0  }
0x120: {  	[sflag:s15] =	ssyncadd.s32 $0xFFFFD800  }
0x121: {  	_ = 	snop  }
.LBB2_2:
.Ltmp5:
0x122: {  	(pc) =	sbr.rel .LBB2_5-.Ltmp5, $2  }
0x123: {  	_ =	sdelay $0x2  }
0x124: {  	s23 =	smov.u32 s13;
	s22 =	smov.u32 s12  }
.LBB2_6:
0x125: {  	_ =	sfence.sel $0x180000  }
0x126: {  	[bflag:$0x0] =	sbarrier.arrive $0xFFFF  }
0x127: {  	p0 =	sne.s32 s2, $0x0;
	_ =	strace $0x9000004A  }
0x128: {  	s0 =	sadd.s32 @!p0 $0x100000, s0;
	[bflag:$0x2] =	sbarrier.arrive $0xFFFF  }
0x129: {  	[sflag:s0] =	ssyncadd.tile.s32 @!p0 $0x1;
	_ =	shalt  }
.Lfunc_end2:
_tile_overlayer_lowered:
.L_overlay_start_2:
0x12a: {  	(tag) =	ssettag $0x2  }
0x12b: {  	s0 =	rddreg [dreg:$0x0];
	s2 =	stileid.u32  }
0x12c: {  	s1 =	rddreg [dreg:$0x1];
	p0 =	sne.s32 s2, $0x0  }
0x12d: {  	s3 =	rddreg [dreg:$0x2];
	[bflag:$0x3] =	sbarrier.arrive $0xFFFF;
	s2 =	simm.s32 @!p0 $0x1C03  }
0x12e: {  	[timem:s3], [sflag:s2] =	dma.local @!p0 [hbm:s0], s1  }
0x12f: {  	s0 =	simm.s32 @!p0 $0x3  }
0x130: {  	_ =	swait.ge @!p0 [sflag:s0], s1  }
0x131: {  	s1 =	ssub.s32 @!p0 $0x0, s1;
	[sflag:s0] =	ssyncset.done @!p0 $0x0  }
0x132: {  	[sflag:s0] =	ssyncadd.s32 @!p0 s1  }
0x133: {  	[bflag:$0x3] =	sbarrier.arrive $0xFFFF  }
0x134: {  	_ =	shalt  }

// kernel: kernel.14.cloned.1.call-start
scs
__scs_entry_jumppad:
0x0: {  	(pc) =	sbr.rel $0x88, $3  }
0x1: {  	(tag) =	ssettag $0x0;
	lr =	simm.s32 $0x1  }
0x2: {  	[smem:$0x3F98] =	sst lr;
	_ =	strace $0xD0000000  }
0x3: {  	_ = 	snop  }
0x4: {  	_ = 	snop  }
0x5: {  	_ = 	snop  }
0x6: {  	_ = 	snop  }
0x7: {  	_ = 	snop  }
__scs_overlays_trampoline_lowered:
0x8: {  	[smem:$0x3FA7] =	sst s0  }
0x9: {  	[smem:$0x3FA8] =	sst s1  }
0xa: {  	[smem:$0x3FA9] =	sst s2  }
0xb: {  	[smem:$0x3FAA] =	sst s3  }
0xc: {  	[smem:$0x3FAB] =	sst s4  }
0xd: {  	[smem:$0x3FAC] =	sst s5  }
0xe: {  	[smem:$0x3FAD] =	sst s6  }
0xf: {  	[smem:$0x3FAE] =	sst s7  }
0x10: {  	[smem:$0x3FAF] =	sst s8  }
0x11: {  	[smem:$0x3FB0] =	sst s9;
	s0 =	simm.s32 @!p0 $0x0  }
0x12: {  	s1 =	sld [smem:$0x3F96];
	s0 =	simm.s32 @p0 $0x1  }
0x13: {  	[smem:$0x3FB1] =	sst s0;
	s0 =	simm.s32 @!p1 $0x0  }
0x14: {  	s2 =	sld [smem:$0x3F95];
	s0 =	simm.s32 @p1 $0x1  }
0x15: {  	[smem:$0x3FB2] =	sst s0;
	s0 =	simm.s32 @!p2 $0x0  }
0x16: {  	s3 =	sld [smem:$0x3FDB];
	s0 =	simm.s32 @p2 $0x1  }
0x17: {  	s4 =	simm.s32 $0x1BF5;
	[smem:$0x3FB4] =	sst s0  }
0x18: {  	s0 =	sld [smem:$0x3F97];
	_ =	swait.ge [sflag:s4], $0x0  }
0x19: {  	s7 =	sld [smem:$0x3F98]  }
0x1a: {  	s8 =	sadd.s32 $0xFFFFE003, lr  }
0x1b: {  	s9 =	sadd.s32 $0xFFFFFEF7, lr;
	s5 =	simm.s32 $0xFFFFFFFF;
	p2 =	slt.u32 s8, $0xFFFFF086  }
0x1c: {  	p1 =	slt.u32 s9, $0xF7A;
	s5 =	simm.s32 @!p2 $0x0  }
0x1d: {  	s5 =	simm.s32 @p1 $0x1;
	p0 =	seq.s32 s7, s2  }
0x1e: {  	s7 =	smul.u32 @!p0 $0xF7A, s2;
	p2 =	seq.s32 @!p0 s5, $0x0  }
0x1f: {  	s9 =	smul.u32 $0xF7A, s1;
	s8 =	simm.s32 @!p0 $0x1BF5;
	p2 =	por !p2, p0  }
0x20: {  	[sflag:s8] =	ssyncset.s32 @!p0 $0xFFFFF086;
	s6 =	sadd.s32 @!p0 s3, s7;
	s7 =	simm.s32 @!p0 $0x108  }
0x21: {  	s3 =	sadd.s32 s3, s9;
	s6 =	sadd.s32 @!p0 $0x88, s6;
	s7 =	simm.s32 @p2 $0x1082  }
0x22: {  	[simem:s7], [sflag:s8] =	dma.local @!p0 [hbm:s6], $0xF7A  }
0x23: {  	s9 =	sor.u32 $0xD0000000, s2;
	s6 =	simm.s32 $0x108;
	_ =	swait.ge @!p0 [sflag:s8], $0x0  }
0x24: {  	s3 =	sadd.s32 $0x88, s3;
	s6 =	simm.s32 @!p1 $0x1082;
	[sflag:s4] =	ssyncset.s32 $0xFFFFF086  }
0x25: {  	[simem:s6], [sflag:s4] =	dma.local [hbm:s3], $0xF7A  }
0x26: {  	[smem:$0x3F98] =	sst s1;
	(tag) =	ssettag s2;
	_ =	strace s9  }
0x27: {  	s1 =	sld [smem:$0x3FA8]  }
0x28: {  	s2 =	sld [smem:$0x3FA9]  }
0x29: {  	s4 =	sld [smem:$0x3FAB]  }
0x2a: {  	p0 =	seq.s32 s5, $0x0;
	s5 =	sld [smem:$0x3FAC]  }
0x2b: {  	s6 =	sld [smem:$0x3FAD]  }
0x2c: {  	s7 =	sld [smem:$0x3FAE]  }
0x2d: {  	s3 =	simm.s32 $0x108;
	s8 =	sld [smem:$0x3FAF]  }
0x2e: {  	s3 =	simm.s32 @!p0 $0x1082;
	s9 =	sld [smem:$0x3FB0]  }
0x2f: {  	lr =	sadd.s32 s0, s3;
	s0 =	sld [smem:$0x3FA7]  }
0x30: {  	s3 =	sld [smem:$0x3FAA]  }
0x31: {  	[smem:$0x3FB3] =	sst s10  }
0x32: {  	s10 =	sld [smem:$0x3FB1];
	_ =	sdelay $0x3  }
0x33: {  	p0 =	seq.s32 s10, $0x1;
	s10 =	sld [smem:$0x3FB3];
	_ =	sdelay $0x3  }
0x34: {  	[smem:$0x3FB3] =	sst s10  }
0x35: {  	s10 =	sld [smem:$0x3FB2];
	_ =	sdelay $0x3  }
0x36: {  	p1 =	seq.s32 s10, $0x1;
	s10 =	sld [smem:$0x3FB3];
	_ =	sdelay $0x3  }
0x37: {  	[smem:$0x3FB3] =	sst s10  }
0x38: {  	s10 =	sld [smem:$0x3FB4]  }
0x39: {  	_ = 	snop;
	(pc) =	sbr.ind lr, $3  }
0x3a: {  	_ = 	snop  }
0x3b: {  	_ = 	snop  }
0x3c: {  	p2 =	seq.s32 s10, $0x1;
	s10 =	sld [smem:$0x3FB3]  }
0x3d: {  	_ =	shalt  }
0x3e: {  	_ =	shalt  }
0x3f: {  	_ =	shalt  }
0x40: {  	_ =	shalt  }
0x41: {  	_ =	shalt  }
0x42: {  	_ =	shalt  }
0x43: {  	_ =	shalt  }
0x44: {  	_ =	shalt  }
0x45: {  	_ =	shalt  }
0x46: {  	_ =	shalt  }
0x47: {  	_ =	shalt  }
0x48: {  	_ =	shalt  }
0x49: {  	_ =	shalt  }
0x4a: {  	_ =	shalt  }
0x4b: {  	_ =	shalt  }
0x4c: {  	_ =	shalt  }
0x4d: {  	_ =	shalt  }
0x4e: {  	_ =	shalt  }
0x4f: {  	_ =	shalt  }
0x50: {  	_ =	shalt  }
0x51: {  	_ =	shalt  }
0x52: {  	_ =	shalt  }
0x53: {  	_ =	shalt  }
0x54: {  	_ =	shalt  }
0x55: {  	_ =	shalt  }
0x56: {  	_ =	shalt  }
0x57: {  	_ =	shalt  }
0x58: {  	_ =	shalt  }
0x59: {  	_ =	shalt  }
0x5a: {  	_ =	shalt  }
0x5b: {  	_ =	shalt  }
0x5c: {  	_ =	shalt  }
0x5d: {  	_ =	shalt  }
0x5e: {  	_ =	shalt  }
0x5f: {  	_ =	shalt  }
0x60: {  	_ =	shalt  }
0x61: {  	_ =	shalt  }
0x62: {  	_ =	shalt  }
0x63: {  	_ =	shalt  }
0x64: {  	_ =	shalt  }
0x65: {  	_ =	shalt  }
0x66: {  	_ =	shalt  }
0x67: {  	_ =	shalt  }
0x68: {  	_ =	shalt  }
0x69: {  	_ =	shalt  }
0x6a: {  	_ =	shalt  }
0x6b: {  	_ =	shalt  }
0x6c: {  	_ =	shalt  }
0x6d: {  	_ =	shalt  }
0x6e: {  	_ =	shalt  }
0x6f: {  	_ =	shalt  }
0x70: {  	_ =	shalt  }
0x71: {  	_ =	shalt  }
0x72: {  	_ =	shalt  }
0x73: {  	_ =	shalt  }
0x74: {  	_ =	shalt  }
0x75: {  	_ =	shalt  }
0x76: {  	_ =	shalt  }
0x77: {  	_ =	shalt  }
0x78: {  	_ =	shalt  }
0x79: {  	_ =	shalt  }
0x7a: {  	_ =	shalt  }
0x7b: {  	_ =	shalt  }
0x7c: {  	_ =	shalt  }
0x7d: {  	_ =	shalt  }
0x7e: {  	_ =	shalt  }
0x7f: {  	_ =	shalt  }
0x80: {  	_ =	shalt  }
0x81: {  	_ =	shalt  }
0x82: {  	_ =	shalt  }
0x83: {  	_ =	shalt  }
0x84: {  	_ =	shalt  }
0x85: {  	_ =	shalt  }
0x86: {  	_ =	shalt  }
0x87: {  	_ =	shalt  }
.Lfunc_end0:
.L_simem_size_0:
called_computation.2_lowered:
.L_overlay_start_0:
0x88: {  	s2 =	sld [smem:$0x3FD9]  }
0x89: {  	s3 =	sld [smem:$0x3FFE];
	_ =	sdelay $0x1  }
0x8a: {  	s1 =	srdreg.scid  }
0x8b: {  	s0 =	sand.u32 $0x1, s1  }
0x8c: {  	s16 =	sshll.u32 s0, $0xA;
	s2 =	sadd.s32 s3, s2  }
0x8d: {  	s2 =	sadd.s32 s2, s16  }
0x8e: {  	[smem:$0x3FBF] =	sst s2  }
0x8f: {  	_ = 	snop  }
0x90: {  	(tm) =	ssettm $0x1  }
0x91: {  	s17 =	sld [smem:$0x3FFB];
	_ =	sdelay $0x3  }
0x92: {  	_ =	strace s17  }
0x93: {  	s2 =	sld [smem:$0x3FFC];
	_ =	sdelay $0x3  }
0x94: {  	_ =	strace s2  }
0x95: {  	s2 =	sld [smem:$0x3FFD];
	_ =	sdelay $0x3  }
0x96: {  	_ =	strace s2  }
0x97: {  	_ =	strace $0x8FFFFFFF  }
0x98: {  	s18 =	sld [smem:$0x3FDB];
	_ =	sdelay $0x1  }
0x99: {  	s19 =	simm.s32 $_scs_section_size  }
0x9a: {  	s4 =	simm.s32 $_size__tile_overlayer_lowered;
	s5 =	simm.s32 $_tile_overlayer_lowered  }
0x9b: {  	s22 =	simm.s32 $0x1BFF;
	s21 =	sshll.u32 s5, $0x1;
	s2 =	sadd.s32 s19, s18  }
0x9c: {  	s6 =	simm.s32 $0x0;
	s20 =	sshll.u32 s4, $0x1;
	s4 =	sadd.s32 s21, s2  }
0x9d: {  	[timem:s6], [sflag:s22] =	dma.local [hbm:s4], s20  }
0x9e: {  	_ =	swait.ge [sflag:s22], s20  }
0x9f: {  	s3 =	ssub.s32 $0x0, s20;
	[sflag:s22] =	ssyncset.done $0x0  }
0xa0: {  	[sflag:s22] =	ssyncadd.s32 s3;
	_ =	sdelay $0x1  }
0xa1: {  	s23 =	simm.s32 $0x1B8B  }
0xa2: {  	_ =	swait.ge [sflag:s23], $0x1  }
0xa3: {  	[sflag:s23] =	ssyncset.done $0x0  }
0xa4: {  	s25 =	simm.s32 $0x1B8E;
	s24 =	sld [smem:$0x3FFE];
	[sflag:s23] =	ssyncadd.s32 $0xFFFFFFFF  }
0xa5: {  	s26 =	simm.s32 $execute0_lowered;
	[smem:$0x3FD2] =	sst s25  }
0xa6: {  	s4 =	sshll.u32 s26, $0x1;
	_ =	strace $0x8000004C;
	[dreg:$0x1] =	wrdreg $0xFFFFFFFF  }
0xa7: {  	s28 =	simm.s32 $_size_execute0_lowered;
	s2 =	sadd.s32 s2, s4;
	[dreg:$0x0] =	wrdreg $0x0  }
0xa8: {  	s4 =	sshll.u32 s28, $0x1;
	[dreg:$0x2] =	wrdreg s2  }
0xa9: {  	[dreg:$0x3] =	wrdreg s4  }
0xaa: {  	[dreg:$0x4] =	wrdreg $0xC0  }
0xab: {  	_ =	task [dreg:s6], $0x5FFFF  }
0xac: {  	[dreg:$0x1] =	wrdreg $0xFFFFFFFF  }
0xad: {  	[dreg:$0x0] =	wrdreg $0x60  }
0xae: {  	[dreg:$0x2] =	wrdreg s24  }
0xaf: {  	[dreg:$0x3] =	wrdreg $0x90000  }
0xb0: {  	[dreg:$0x4] =	wrdreg $0x9  }
0xb1: {  	_ =	task.clear_ibuf [dreg:s6], $0x5FFFF;
	_ =	strace $0x9000004C  }
0xb2: {  	s29 =	simm.s32 $0x9;
	_ =	strace $0x8000004E  }
0xb3: {  	_ =	swait.ge [sflag:s29], $0x1  }
0xb4: {  	[sflag:s29] =	ssyncadd.s32 $0xFFFFFFFF  }
0xb5: {  	_ =	strace $0x9000004E  }
0xb6: {  	_ =	sfence  }
0xb7: {  	s30 =	sld [smem:$0x0];
	_ =	sdelay $0x2  }
0xb8: {  	s31 =	sshll.u32 s1, $0xD;
	s1 =	sshrl.u32 s1, $0x2  }
0xb9: {  	s3 =	sand.u32 $0x4000, s31;
	s1 =	sadd.s32 s1, s30  }
0xba: {  	s0 =	sor.u32 s3, s0;
	s1 =	sshll.u32 s1, $0x11  }
0xbb: {  	s0 =	sor.u32 s1, s0  }
0xbc: {  	s0 =	sadd.s32 $0x8F2B, s0  }
0xbd: {  	[sflag:s0] =	ssyncadd.remote.s32 $0x1  }
0xbe: {  	_ =	sfence.sel $0xFFFF  }
0xbf: {  	[dreg:$0x0] =	wrdreg $0xFFFFFFFF;
	(pc) =	sbr.abs _section_cstart, $3  }
0xc0: {  	[dreg:$0x1] =	wrdreg $0xFFFFFFFF  }
0xc1: {  	_ =	task.clear_ibuf [dreg:s6], $0x2FFFF;
	_ =	strace $0x9FFFFFFF  }
0xc2: {  	(tm) =	ssettm $0x7FFFFFFF  }
0xc3: {  	_ =	shalt  }
tec
execute0_lowered:
.L_overlay_start_1:
0x0: {  	(tag) =	ssettag $0x1  }
0x1: {  	s6 =	rddreg [dreg:$0x0]  }
0x2: {  	s1 =	rddreg [dreg:$0x1]  }
0x3: {  	s0 =	rddreg [dreg:$0x2];
	s3 =	simm.s32 $0x0;
	s4 =	srdreg.scid  }
0x4: {  	s2 =	stileid.u32;
	s15 =	simm.s32 $0x3;
	s16 =	simm.s32 $0x800  }
0x5: {  	s17 =	simm.s32 $0x80;
	s18 =	simm.s32 $0x1000;
	s19 =	simm.s32 $0x1  }
0x6: {  	s20 =	simm.s32 $0x5000;
	s5 =	sand.u32 $0x1, s4;
	s4 =	smul.u32 $0x90, s2  }
0x7: {  	s21 =	simm.s32 $0x0;
	[smem:$0x7FF] =	sst s3;
	s9 =	smul.u32 $0x14000, s2  }
0x8: {  	s7 =	sshll.u32 s2, $0x4;
	s28 =	smul.u32 $0x50000, s2;
	s31 =	sshll.u32 s2, $0x6  }
0x9: {  	p0 =	seq.s32 s5, $0x0;
	s7 =	sor.u32 $0x900, s7;
	s8 =	smul.u32 $0x140000, s5  }
0xa: {  	_ =	strace $0x8000004D;
	s26 =	ssub.s32 $0x2, s5;
	s5 =	sadd.s32 $0x17C00, s6  }
0xb: {  	s7 =	smov.u32 @p0 s4;
	s4 =	sadd.s32 $0x6A400, s6;
	s29 =	sshrl.u32 s26, $0x1  }
0xc: {  	s30 =	sshrl.u32 s28, $0x2;
	s7 =	sshll.u32 s7, $0x4;
	s25 =	sadd.s32 s9, s8  }
0xd: {  	s11 =	ssub.s32 s26, s29;
	s14 =	sadd.s32 s30, s1;
	s13 =	sadd.s32 s7, s6  }
0xe: {  	s7 =	sshrl.u32 s25, $0x3;
	s11 =	smax.u32 s11, $0x1;
	s14 =	sshrl.u32 s14, $0x3  }
0xf: {  	s10 =	sadd.s32 s7, s6;
	s6 =	simm.s32 $0x12;
	s7 =	sor.u32 $0x1C03, s31  }
0x10: {  	s8 =	sadd.s32 $0x3C00, s13;
	s9 =	sadd.s32 $0xDC00, s13;
	s12 =	sadd.s32 $0xDC80, s13  }
0x11: {  	s13 =	sadd.s32 $0x3C80, s13;
	s6 =	simm.s32 @!p0 $0x2;
	s10 =	sadd.s32 $0x92400, s10  }
.LBB2_1:
0x12: {  	[spmem:s14], [sflag:s7] =	dma.local [hbm:s5], $0x2800  }
0x13: {  	_ =	swait.ge [sflag:s15], $0x2800  }
0x14: {  	[sflag:s15] =	ssyncset.done $0x0  }
0x15: {  	[sflag:s15] =	ssyncadd.s32 $0xFFFFD800  }
0x16: {  	[tilespmem:s3], [sflag:$0x3] =	stream.linear.gather [hbm4b:s8+s3], $0x400, $0x38;
	[tilespmem:$0x1D000] =	vst v63  }
0x17: {  	_ =	swait.ge [sflag:s15], $0x400  }
0x18: {  	[sflag:s15] =	ssyncset.done $0x0  }
0x19: {  	p2 =	sne.s32 s6, $0x1;
	[sflag:s15] =	ssyncadd.s32 $0xFFFFFC00  }
0x1a: {  	[tilespmem:s16], [sflag:$0x3] =	stream.linear.gather [hbm4b:s9+s3], $0x400, $0x38;
	[tilespmem:$0x1D000] =	vst v63  }
.Ltmp0:
0x1b: {  	_ =	swait.ge [sflag:s15], $0x400;
	(pc) =	sbr.rel @!p2 .LBB2_2-.Ltmp0, $4  }
0x1c: {  	p0 =	sle.u32 s6, $0x1;
	s25 =	simm.s32 $0x1;
	[sflag:s15] =	ssyncset.done $0x0  }
0x1d: {  	s28 =	sand.u32 $0x1, s3;
	p0 =	por p0, p0;
	[sflag:s15] =	ssyncadd.s32 $0xFFFFFC00  }
0x1e: {  	p1 =	por $0x0, $0x0;
	s29 =	simm.s32 @!p0 $0x0;
	[bflag:$0x0] =	sbarrier.arrive $0xFFFF  }
0x1f: {  	[tilespmem:s18], [sflag:$0x1] =	stream.indirect.gather [hbm4b:s4+s17], $0x80, s3, s17, $0xb8;
	[tilespmem:$0x1D000] =	vst v63  }
0x20: {  	s22 =	sxor.u32 $0x1, s28  }
0x21: {  	s22 =	sshll.u32 @!p0 s22, $0xA  }
0x22: {  	[tilespmem:s22], [sflag:$0x2] =	stream.linear.gather @!p0 [hbm4b:s13+s29], $0x400, $0x38;
	[tilespmem:$0x1D000] =	vst v63  }
0x23: {  	s23 =	sor.u32 @!p0 $0x800, s22  }
0x24: {  	[tilespmem:s23], [sflag:$0x2] =	stream.linear.gather @!p0 [hbm4b:s12+s29], $0x400, $0x38;
	[tilespmem:$0x1D000] =	vst v63  }
0x25: {  	_ =	swait.ge [sflag:s19], $0x4000  }
0x26: {  	s23 =	sshll.u32 s28, $0xA;
	[sflag:s19] =	ssyncset.done $0x0  }
0x27: {  	s24 =	sor.u32 $0x80, s23;
	[sflag:s19] =	ssyncadd.s32 $0xFFFFC000  }
0x28: {  	[tilespmem:s20], [sflag:$0x1] =	stream.indirect.gather [hbm4b:s4+s17], $0x80, s24, s17, $0xb8;
	[tilespmem:$0x1D000] =	vst v63  }
0x29: {  	s26 =	sor.u32 $0x800, s23  }
0x2a: {  	[spmem:s1] =	stream.indirect.scatter.add.f32 [tilespmem:s18], [sflag:$0x3], $0x80, s26, s17, $0xb8;
	[tilespmem:$0x1D000] =	vst v63  }
0x2b: {  	_ =	swait.ge [sflag:s15], $0x4000  }
0x2c: {  	[sflag:s15] =	ssyncset.done $0x0  }
0x2d: {  	[sflag:s15] =	ssyncadd.s32 $0xFFFFC000  }
0x2e: {  	_ =	swait.ge [sflag:s19], $0x4000  }
0x2f: {  	[sflag:s19] =	ssyncset.done $0x0  }
0x30: {  	s30 =	sor.u32 $0x100, s23;
	[sflag:s19] =	ssyncadd.s32 $0xFFFFC000  }
0x31: {  	[tilespmem:s18], [sflag:$0x1] =	stream.indirect.gather [hbm4b:s4+s17], $0x80, s30, s17, $0xb8;
	[tilespmem:$0x1D000] =	vst v63  }
0x32: {  	s31 =	sor.u32 $0x880, s23  }
0x33: {  	[spmem:s1] =	stream.indirect.scatter.add.f32 [tilespmem:s20], [sflag:$0x3], $0x80, s31, s17, $0xb8;
	[tilespmem:$0x1D000] =	vst v63  }
0x34: {  	_ =	swait.ge [sflag:s15], $0x4000  }
0x35: {  	[sflag:s15] =	ssyncset.done $0x0  }
0x36: {  	[sflag:s15] =	ssyncadd.s32 $0xFFFFC000  }
0x37: {  	_ =	swait.ge [sflag:s19], $0x4000  }
0x38: {  	[sflag:s19] =	ssyncset.done $0x0  }
0x39: {  	s26 =	sor.u32 $0x180, s23;
	[sflag:s19] =	ssyncadd.s32 $0xFFFFC000  }
0x3a: {  	[tilespmem:s20], [sflag:$0x1] =	stream.indirect.gather [hbm4b:s4+s17], $0x80, s26, s17, $0xb8;
	[tilespmem:$0x1D000] =	vst v63  }
0x3b: {  	s30 =	sor.u32 $0x900, s23  }
0x3c: {  	[spmem:s1] =	stream.indirect.scatter.add.f32 [tilespmem:s18], [sflag:$0x3], $0x80, s30, s17, $0xb8;
	[tilespmem:$0x1D000] =	vst v63  }
0x3d: {  	_ =	swait.ge [sflag:s15], $0x4000  }
0x3e: {  	[sflag:s15] =	ssyncset.done $0x0  }
0x3f: {  	[sflag:s15] =	ssyncadd.s32 $0xFFFFC000  }
0x40: {  	_ =	swait.ge [sflag:s19], $0x4000  }
0x41: {  	[sflag:s19] =	ssyncset.done $0x0  }
0x42: {  	s31 =	sor.u32 $0x200, s23;
	[sflag:s19] =	ssyncadd.s32 $0xFFFFC000  }
0x43: {  	[tilespmem:s18], [sflag:$0x1] =	stream.indirect.gather [hbm4b:s4+s17], $0x80, s31, s17, $0xb8;
	[tilespmem:$0x1D000] =	vst v63  }
0x44: {  	s26 =	sor.u32 $0x980, s23  }
0x45: {  	[spmem:s1] =	stream.indirect.scatter.add.f32 [tilespmem:s20], [sflag:$0x3], $0x80, s26, s17, $0xb8;
	[tilespmem:$0x1D000] =	vst v63  }
0x46: {  	_ =	swait.ge [sflag:s15], $0x4000  }
0x47: {  	[sflag:s15] =	ssyncset.done $0x0  }
0x48: {  	[sflag:s15] =	ssyncadd.s32 $0xFFFFC000  }
0x49: {  	_ =	swait.ge [sflag:s19], $0x4000  }
0x4a: {  	[sflag:s19] =	ssyncset.done $0x0  }
0x4b: {  	s30 =	sor.u32 $0x280, s23;
	[sflag:s19] =	ssyncadd.s32 $0xFFFFC000  }
0x4c: {  	[tilespmem:s20], [sflag:$0x1] =	stream.indirect.gather [hbm4b:s4+s17], $0x80, s30, s17, $0xb8;
	[tilespmem:$0x1D000] =	vst v63  }
0x4d: {  	s31 =	sor.u32 $0xA00, s23  }
0x4e: {  	[spmem:s1] =	stream.indirect.scatter.add.f32 [tilespmem:s18], [sflag:$0x3], $0x80, s31, s17, $0xb8;
	[tilespmem:$0x1D000] =	vst v63  }
0x4f: {  	_ =	swait.ge [sflag:s15], $0x4000  }
0x50: {  	[sflag:s15] =	ssyncset.done $0x0  }
0x51: {  	[sflag:s15] =	ssyncadd.s32 $0xFFFFC000  }
0x52: {  	_ =	swait.ge [sflag:s19], $0x4000  }
0x53: {  	[sflag:s19] =	ssyncset.done $0x0  }
0x54: {  	s26 =	sor.u32 $0x300, s23;
	[sflag:s19] =	ssyncadd.s32 $0xFFFFC000  }
0x55: {  	[tilespmem:s18], [sflag:$0x1] =	stream.indirect.gather [hbm4b:s4+s17], $0x80, s26, s17, $0xb8;
	[tilespmem:$0x1D000] =	vst v63  }
0x56: {  	s30 =	sor.u32 $0xA80, s23  }
0x57: {  	[spmem:s1] =	stream.indirect.scatter.add.f32 [tilespmem:s20], [sflag:$0x3], $0x80, s30, s17, $0xb8;
	[tilespmem:$0x1D000] =	vst v63  }
0x58: {  	_ =	swait.ge [sflag:s15], $0x4000  }
0x59: {  	[sflag:s15] =	ssyncset.done $0x0  }
0x5a: {  	[sflag:s15] =	ssyncadd.s32 $0xFFFFC000  }
0x5b: {  	_ =	swait.ge [sflag:s19], $0x4000  }
0x5c: {  	[sflag:s19] =	ssyncset.done $0x0  }
0x5d: {  	s26 =	sor.u32 $0x380, s23;
	[sflag:s19] =	ssyncadd.s32 $0xFFFFC000  }
0x5e: {  	[tilespmem:s20], [sflag:$0x1] =	stream.indirect.gather [hbm4b:s4+s17], $0x80, s26, s17, $0xb8;
	[tilespmem:$0x1D000] =	vst v63  }
0x5f: {  	s23 =	sor.u32 $0xB00, s23  }
0x60: {  	[spmem:s1] =	stream.indirect.scatter.add.f32 [tilespmem:s18], [sflag:$0x3], $0x80, s23, s17, $0xb8;
	[tilespmem:$0x1D000] =	vst v63  }
0x61: {  	_ =	swait.ge [sflag:s15], $0x4000  }
0x62: {  	[sflag:s15] =	ssyncset.done $0x0  }
0x63: {  	[sflag:s15] =	ssyncadd.s32 $0xFFFFC000  }
0x64: {  	_ =	swait.ge [sflag:s19], $0x4000  }
0x65: {  	[sflag:s19] =	ssyncset.done $0x0  }
0x66: {  	s23 =	simm.s32 @!p0 $0x2;
	[sflag:s19] =	ssyncadd.s32 $0xFFFFC000  }
0x67: {  	_ =	swait.ge @!p0 [sflag:s23], $0x400  }
0x68: {  	[sflag:s23] =	ssyncset.done @!p0 $0x0  }
0x69: {  	[sflag:s23] =	ssyncadd.s32 @!p0 $0xFFFFFC00  }
0x6a: {  	_ =	swait.ge @!p0 [sflag:s23], $0x400  }
0x6b: {  	p2 =	sne.s32 s6, $0x2;
	[sflag:s23] =	ssyncset.done @!p0 $0x0  }
0x6c: {  	s24 =	simm.s32 @!p0 $0x1000;
	[sflag:s23] =	ssyncadd.s32 @!p0 $0xFFFFFC00;
	s23 =	simm.s32 @!p0 $0x80  }
0x6d: {  	[tilespmem:s24], [sflag:$0x1] =	stream.indirect.gather @!p0 [hbm4b:s4+s23], $0x80, s22, s23, $0xb8;
	[tilespmem:$0x1D000] =	vst v63  }
.Ltmp1:
0x6e: {  	p6 =	sle.u32 s6, $0x2;
	p1 =	por $0x1, $0x1;
	(pc) =	sbr.rel @!p2 .LBB2_5-.Ltmp1, $4  }
0x6f: {  	s28 =	sand.u32 $0x1, s25;
	s31 =	sor.u32 $0x800, s26;
	s24 =	simm.s32 $0x2  }
0x70: {  	[spmem:s1] =	stream.indirect.scatter.add.f32 [tilespmem:s20], [sflag:$0x3], $0x80, s31, s17, $0xb8;
	[tilespmem:$0x1D000] =	vst v63  }
0x71: {  	p0 =	por p6, p6;
	s22 =	sadd.s32 $0x80, s12;
	_ =	swait.ge [sflag:s15], $0x4000  }
0x72: {  	s23 =	sadd.s32 $0x80, s13;
	s29 =	simm.s32 @!p0 $0x0;
	[sflag:s15] =	ssyncset.done $0x0  }
.LBB2_4:
0x73: {  	s26 =	sxor.u32 $0x1, s28  }
0x74: {  	[sflag:s15] =	ssyncadd.s32 $0xFFFFC000;
	s25 =	smov.u32 s24;
	s24 =	sadd.s32 $0x1, s24  }
0x75: {  	s28 =	sshll.u32 s28, $0xA;
	p3 =	sge.u32 s24, s6;
	s26 =	sshll.u32 @!p0 s26, $0xA  }
0x76: {  	[tilespmem:s26], [sflag:$0x2] =	stream.linear.gather @!p0 [hbm4b:s23+s29], $0x400, $0x38;
	[tilespmem:$0x1D000] =	vst v63  }
0x77: {  	p2 =	sne.s32 s6, s24;
	s30 =	sor.u32 @!p0 $0x800, s26  }
0x78: {  	[tilespmem:s30], [sflag:$0x2] =	stream.linear.gather @!p0 [hbm4b:s22+s29], $0x400, $0x38;
	[tilespmem:$0x1D000] =	vst v63  }
0x79: {  	_ =	swait.ge [sflag:s19], $0x4000  }
0x7a: {  	[sflag:s19] =	ssyncset.done $0x0  }
0x7b: {  	s29 =	sor.u32 $0x80, s28;
	[sflag:s19] =	ssyncadd.s32 $0xFFFFC000  }
0x7c: {  	[tilespmem:s20], [sflag:$0x1] =	stream.indirect.gather [hbm4b:s4+s17], $0x80, s29, s17, $0xb8;
	[tilespmem:$0x1D000] =	vst v63  }
0x7d: {  	s29 =	sor.u32 $0x800, s28  }
0x7e: {  	[spmem:s1] =	stream.indirect.scatter.add.f32 [tilespmem:s18], [sflag:$0x3], $0x80, s29, s17, $0xb8;
	[tilespmem:$0x1D000] =	vst v63  }
0x7f: {  	_ =	swait.ge [sflag:s15], $0x4000  }
0x80: {  	[sflag:s15] =	ssyncset.done $0x0  }
0x81: {  	[sflag:s15] =	ssyncadd.s32 $0xFFFFC000  }
0x82: {  	_ =	swait.ge [sflag:s19], $0x4000  }
0x83: {  	[sflag:s19] =	ssyncset.done $0x0  }
0x84: {  	s29 =	sor.u32 $0x100, s28;
	[sflag:s19] =	ssyncadd.s32 $0xFFFFC000  }
0x85: {  	[tilespmem:s18], [sflag:$0x1] =	stream.indirect.gather [hbm4b:s4+s17], $0x80, s29, s17, $0xb8;
	[tilespmem:$0x1D000] =	vst v63  }
0x86: {  	s29 =	sor.u32 $0x880, s28  }
0x87: {  	[spmem:s1] =	stream.indirect.scatter.add.f32 [tilespmem:s20], [sflag:$0x3], $0x80, s29, s17, $0xb8;
	[tilespmem:$0x1D000] =	vst v63  }
0x88: {  	_ =	swait.ge [sflag:s15], $0x4000  }
0x89: {  	[sflag:s15] =	ssyncset.done $0x0  }
0x8a: {  	[sflag:s15] =	ssyncadd.s32 $0xFFFFC000  }
0x8b: {  	_ =	swait.ge [sflag:s19], $0x4000  }
0x8c: {  	[sflag:s19] =	ssyncset.done $0x0  }
0x8d: {  	s29 =	sor.u32 $0x180, s28;
	[sflag:s19] =	ssyncadd.s32 $0xFFFFC000  }
0x8e: {  	[tilespmem:s20], [sflag:$0x1] =	stream.indirect.gather [hbm4b:s4+s17], $0x80, s29, s17, $0xb8;
	[tilespmem:$0x1D000] =	vst v63  }
0x8f: {  	s29 =	sor.u32 $0x900, s28  }
0x90: {  	[spmem:s1] =	stream.indirect.scatter.add.f32 [tilespmem:s18], [sflag:$0x3], $0x80, s29, s17, $0xb8;
	[tilespmem:$0x1D000] =	vst v63  }
0x91: {  	_ =	swait.ge [sflag:s15], $0x4000  }
0x92: {  	[sflag:s15] =	ssyncset.done $0x0  }
0x93: {  	[sflag:s15] =	ssyncadd.s32 $0xFFFFC000  }
0x94: {  	_ =	swait.ge [sflag:s19], $0x4000  }
0x95: {  	[sflag:s19] =	ssyncset.done $0x0  }
0x96: {  	s29 =	sor.u32 $0x200, s28;
	[sflag:s19] =	ssyncadd.s32 $0xFFFFC000  }
0x97: {  	[tilespmem:s18], [sflag:$0x1] =	stream.indirect.gather [hbm4b:s4+s17], $0x80, s29, s17, $0xb8;
	[tilespmem:$0x1D000] =	vst v63  }
0x98: {  	s29 =	sor.u32 $0x980, s28  }
0x99: {  	[spmem:s1] =	stream.indirect.scatter.add.f32 [tilespmem:s20], [sflag:$0x3], $0x80, s29, s17, $0xb8;
	[tilespmem:$0x1D000] =	vst v63  }
0x9a: {  	_ =	swait.ge [sflag:s15], $0x4000  }
0x9b: {  	[sflag:s15] =	ssyncset.done $0x0  }
0x9c: {  	[sflag:s15] =	ssyncadd.s32 $0xFFFFC000  }
0x9d: {  	_ =	swait.ge [sflag:s19], $0x4000  }
0x9e: {  	[sflag:s19] =	ssyncset.done $0x0  }
0x9f: {  	s29 =	sor.u32 $0x280, s28;
	[sflag:s19] =	ssyncadd.s32 $0xFFFFC000  }
0xa0: {  	[tilespmem:s20], [sflag:$0x1] =	stream.indirect.gather [hbm4b:s4+s17], $0x80, s29, s17, $0xb8;
	[tilespmem:$0x1D000] =	vst v63  }
0xa1: {  	s29 =	sor.u32 $0xA00, s28  }
0xa2: {  	[spmem:s1] =	stream.indirect.scatter.add.f32 [tilespmem:s18], [sflag:$0x3], $0x80, s29, s17, $0xb8;
	[tilespmem:$0x1D000] =	vst v63  }
0xa3: {  	_ =	swait.ge [sflag:s15], $0x4000  }
0xa4: {  	[sflag:s15] =	ssyncset.done $0x0  }
0xa5: {  	[sflag:s15] =	ssyncadd.s32 $0xFFFFC000  }
0xa6: {  	_ =	swait.ge [sflag:s19], $0x4000  }
0xa7: {  	[sflag:s19] =	ssyncset.done $0x0  }
0xa8: {  	s29 =	sor.u32 $0x300, s28;
	[sflag:s19] =	ssyncadd.s32 $0xFFFFC000  }
0xa9: {  	[tilespmem:s18], [sflag:$0x1] =	stream.indirect.gather [hbm4b:s4+s17], $0x80, s29, s17, $0xb8;
	[tilespmem:$0x1D000] =	vst v63  }
0xaa: {  	s29 =	sor.u32 $0xA80, s28  }
0xab: {  	[spmem:s1] =	stream.indirect.scatter.add.f32 [tilespmem:s20], [sflag:$0x3], $0x80, s29, s17, $0xb8;
	[tilespmem:$0x1D000] =	vst v63  }
0xac: {  	_ =	swait.ge [sflag:s15], $0x4000  }
0xad: {  	[sflag:s15] =	ssyncset.done $0x0  }
0xae: {  	[sflag:s15] =	ssyncadd.s32 $0xFFFFC000  }
0xaf: {  	_ =	swait.ge [sflag:s19], $0x4000  }
0xb0: {  	[sflag:s19] =	ssyncset.done $0x0  }
0xb1: {  	s29 =	sor.u32 $0x380, s28;
	[sflag:s19] =	ssyncadd.s32 $0xFFFFC000  }
0xb2: {  	[tilespmem:s20], [sflag:$0x1] =	stream.indirect.gather [hbm4b:s4+s17], $0x80, s29, s17, $0xb8;
	[tilespmem:$0x1D000] =	vst v63  }
0xb3: {  	s28 =	sor.u32 $0xB00, s28  }
0xb4: {  	[spmem:s1] =	stream.indirect.scatter.add.f32 [tilespmem:s18], [sflag:$0x3], $0x80, s28, s17, $0xb8;
	[tilespmem:$0x1D000] =	vst v63  }
0xb5: {  	_ =	swait.ge [sflag:s15], $0x4000  }
0xb6: {  	[sflag:s15] =	ssyncset.done $0x0  }
0xb7: {  	[sflag:s15] =	ssyncadd.s32 $0xFFFFC000  }
0xb8: {  	_ =	swait.ge [sflag:s19], $0x4000  }
0xb9: {  	[sflag:s19] =	ssyncset.done $0x0  }
0xba: {  	s28 =	simm.s32 @!p0 $0x2;
	[sflag:s19] =	ssyncadd.s32 $0xFFFFC000  }
0xbb: {  	_ =	swait.ge @!p0 [sflag:s28], $0x400  }
0xbc: {  	[sflag:s28] =	ssyncset.done @!p0 $0x0  }
0xbd: {  	[sflag:s28] =	ssyncadd.s32 @!p0 $0xFFFFFC00  }
0xbe: {  	_ =	swait.ge @!p0 [sflag:s28], $0x400  }
0xbf: {  	[sflag:s28] =	ssyncset.done @!p0 $0x0  }
0xc0: {  	s30 =	simm.s32 @!p0 $0x1000;
	[sflag:s28] =	ssyncadd.s32 @!p0 $0xFFFFFC00;
	s28 =	simm.s32 @!p0 $0x80  }
0xc1: {  	[tilespmem:s30], [sflag:$0x1] =	stream.indirect.gather @!p0 [hbm4b:s4+s28], $0x80, s26, s28, $0xb8;
	[tilespmem:$0x1D000] =	vst v63  }
.Ltmp2:
0xc2: {  	_ = 	snop;
	(pc) =	sbr.rel @p2 .LBB2_4-.Ltmp2, $4  }
0xc3: {  	s26 =	sor.u32 $0x800, s29;
	p0 =	por p3, p3  }
0xc4: {  	[spmem:s1] =	stream.indirect.scatter.add.f32 [tilespmem:s20], [sflag:$0x3], $0x80, s26, s17, $0xb8;
	[tilespmem:$0x1D000] =	vst v63  }
0xc5: {  	s23 =	sadd.s32 $0x80, s23;
	s22 =	sadd.s32 $0x80, s22;
	_ =	swait.ge [sflag:s15], $0x4000  }
0xc6: {  	s28 =	sand.u32 $0x1, s25;
	s29 =	simm.s32 @!p0 $0x0;
	[sflag:s15] =	ssyncset.done $0x0  }
.LBB2_5:
0xc7: {  	s24 =	sxor.u32 $0x1, s28  }
0xc8: {  	[sflag:s15] =	ssyncadd.s32 @p1 $0xFFFFC000;
	s24 =	sshll.u32 @!p0 s24, $0xA  }
0xc9: {  	[tilespmem:s24], [sflag:$0x2] =	stream.linear.gather @!p0 [hbm4b:s23+s29], $0x400, $0x38;
	[tilespmem:$0x1D000] =	vst v63  }
0xca: {  	s23 =	sor.u32 @!p0 $0x800, s24  }
0xcb: {  	[tilespmem:s23], [sflag:$0x2] =	stream.linear.gather @!p0 [hbm4b:s22+s29], $0x400, $0x38;
	[tilespmem:$0x1D000] =	vst v63  }
0xcc: {  	_ =	swait.ge [sflag:s19], $0x4000  }
0xcd: {  	s22 =	sshll.u32 s28, $0xA;
	[sflag:s19] =	ssyncset.done $0x0  }
0xce: {  	s30 =	sor.u32 $0x80, s22;
	[sflag:s19] =	ssyncadd.s32 $0xFFFFC000  }
0xcf: {  	[tilespmem:s20], [sflag:$0x1] =	stream.indirect.gather [hbm4b:s4+s17], $0x80, s30, s17, $0xb8;
	[tilespmem:$0x1D000] =	vst v63  }
0xd0: {  	s31 =	sor.u32 $0x800, s22  }
0xd1: {  	[spmem:s1] =	stream.indirect.scatter.add.f32 [tilespmem:s18], [sflag:$0x3], $0x80, s31, s17, $0xb8;
	[tilespmem:$0x1D000] =	vst v63  }
0xd2: {  	_ =	swait.ge [sflag:s15], $0x4000  }
0xd3: {  	[sflag:s15] =	ssyncset.done $0x0  }
0xd4: {  	[sflag:s15] =	ssyncadd.s32 $0xFFFFC000  }
0xd5: {  	_ =	swait.ge [sflag:s19], $0x4000  }
0xd6: {  	[sflag:s19] =	ssyncset.done $0x0  }
0xd7: {  	s25 =	sor.u32 $0x100, s22;
	[sflag:s19] =	ssyncadd.s32 $0xFFFFC000  }
0xd8: {  	[tilespmem:s18], [sflag:$0x1] =	stream.indirect.gather [hbm4b:s4+s17], $0x80, s25, s17, $0xb8;
	[tilespmem:$0x1D000] =	vst v63  }
0xd9: {  	s26 =	sor.u32 $0x880, s22  }
0xda: {  	[spmem:s1] =	stream.indirect.scatter.add.f32 [tilespmem:s20], [sflag:$0x3], $0x80, s26, s17, $0xb8;
	[tilespmem:$0x1D000] =	vst v63  }
0xdb: {  	_ =	swait.ge [sflag:s15], $0x4000  }
0xdc: {  	[sflag:s15] =	ssyncset.done $0x0  }
0xdd: {  	[sflag:s15] =	ssyncadd.s32 $0xFFFFC000  }
0xde: {  	_ =	swait.ge [sflag:s19], $0x4000  }
0xdf: {  	[sflag:s19] =	ssyncset.done $0x0  }
0xe0: {  	s28 =	sor.u32 $0x180, s22;
	[sflag:s19] =	ssyncadd.s32 $0xFFFFC000  }
0xe1: {  	[tilespmem:s20], [sflag:$0x1] =	stream.indirect.gather [hbm4b:s4+s17], $0x80, s28, s17, $0xb8;
	[tilespmem:$0x1D000] =	vst v63  }
0xe2: {  	s29 =	sor.u32 $0x900, s22  }
0xe3: {  	[spmem:s1] =	stream.indirect.scatter.add.f32 [tilespmem:s18], [sflag:$0x3], $0x80, s29, s17, $0xb8;
	[tilespmem:$0x1D000] =	vst v63  }
0xe4: {  	_ =	swait.ge [sflag:s15], $0x4000  }
0xe5: {  	[sflag:s15] =	ssyncset.done $0x0  }
0xe6: {  	[sflag:s15] =	ssyncadd.s32 $0xFFFFC000  }
0xe7: {  	_ =	swait.ge [sflag:s19], $0x4000  }
0xe8: {  	[sflag:s19] =	ssyncset.done $0x0  }
0xe9: {  	s30 =	sor.u32 $0x200, s22;
	[sflag:s19] =	ssyncadd.s32 $0xFFFFC000  }
0xea: {  	[tilespmem:s18], [sflag:$0x1] =	stream.indirect.gather [hbm4b:s4+s17], $0x80, s30, s17, $0xb8;
	[tilespmem:$0x1D000] =	vst v63  }
0xeb: {  	s31 =	sor.u32 $0x980, s22  }
0xec: {  	[spmem:s1] =	stream.indirect.scatter.add.f32 [tilespmem:s20], [sflag:$0x3], $0x80, s31, s17, $0xb8;
	[tilespmem:$0x1D000] =	vst v63  }
0xed: {  	_ =	swait.ge [sflag:s15], $0x4000  }
0xee: {  	[sflag:s15] =	ssyncset.done $0x0  }
0xef: {  	[sflag:s15] =	ssyncadd.s32 $0xFFFFC000  }
0xf0: {  	_ =	swait.ge [sflag:s19], $0x4000  }
0xf1: {  	[sflag:s19] =	ssyncset.done $0x0  }
0xf2: {  	s25 =	sor.u32 $0x280, s22;
	[sflag:s19] =	ssyncadd.s32 $0xFFFFC000  }
0xf3: {  	[tilespmem:s20], [sflag:$0x1] =	stream.indirect.gather [hbm4b:s4+s17], $0x80, s25, s17, $0xb8;
	[tilespmem:$0x1D000] =	vst v63  }
0xf4: {  	s26 =	sor.u32 $0xA00, s22  }
0xf5: {  	[spmem:s1] =	stream.indirect.scatter.add.f32 [tilespmem:s18], [sflag:$0x3], $0x80, s26, s17, $0xb8;
	[tilespmem:$0x1D000] =	vst v63  }
0xf6: {  	_ =	swait.ge [sflag:s15], $0x4000  }
0xf7: {  	[sflag:s15] =	ssyncset.done $0x0  }
0xf8: {  	[sflag:s15] =	ssyncadd.s32 $0xFFFFC000  }
0xf9: {  	_ =	swait.ge [sflag:s19], $0x4000  }
0xfa: {  	[sflag:s19] =	ssyncset.done $0x0  }
0xfb: {  	s28 =	sor.u32 $0x300, s22;
	[sflag:s19] =	ssyncadd.s32 $0xFFFFC000  }
0xfc: {  	[tilespmem:s18], [sflag:$0x1] =	stream.indirect.gather [hbm4b:s4+s17], $0x80, s28, s17, $0xb8;
	[tilespmem:$0x1D000] =	vst v63  }
0xfd: {  	s29 =	sor.u32 $0xA80, s22  }
0xfe: {  	[spmem:s1] =	stream.indirect.scatter.add.f32 [tilespmem:s20], [sflag:$0x3], $0x80, s29, s17, $0xb8;
	[tilespmem:$0x1D000] =	vst v63  }
0xff: {  	_ =	swait.ge [sflag:s15], $0x4000  }
0x100: {  	[sflag:s15] =	ssyncset.done $0x0  }
0x101: {  	[sflag:s15] =	ssyncadd.s32 $0xFFFFC000  }
0x102: {  	_ =	swait.ge [sflag:s19], $0x4000  }
0x103: {  	[sflag:s19] =	ssyncset.done $0x0  }
0x104: {  	s30 =	sor.u32 $0x380, s22;
	[sflag:s19] =	ssyncadd.s32 $0xFFFFC000  }
0x105: {  	[tilespmem:s20], [sflag:$0x1] =	stream.indirect.gather [hbm4b:s4+s17], $0x80, s30, s17, $0xb8;
	[tilespmem:$0x1D000] =	vst v63  }
0x106: {  	s22 =	sor.u32 $0xB00, s22  }
0x107: {  	[spmem:s1] =	stream.indirect.scatter.add.f32 [tilespmem:s18], [sflag:$0x3], $0x80, s22, s17, $0xb8;
	[tilespmem:$0x1D000] =	vst v63  }
0x108: {  	_ =	swait.ge [sflag:s15], $0x4000  }
0x109: {  	[sflag:s15] =	ssyncset.done $0x0  }
0x10a: {  	[sflag:s15] =	ssyncadd.s32 $0xFFFFC000  }
0x10b: {  	_ =	swait.ge [sflag:s19], $0x4000  }
0x10c: {  	[sflag:s19] =	ssyncset.done $0x0  }
0x10d: {  	s22 =	simm.s32 @!p0 $0x2;
	[sflag:s19] =	ssyncadd.s32 $0xFFFFC000  }
0x10e: {  	_ =	swait.ge @!p0 [sflag:s22], $0x400  }
0x10f: {  	[sflag:s22] =	ssyncset.done @!p0 $0x0  }
0x110: {  	[sflag:s22] =	ssyncadd.s32 @!p0 $0xFFFFFC00  }
0x111: {  	_ =	swait.ge @!p0 [sflag:s22], $0x400  }
0x112: {  	[sflag:s22] =	ssyncset.done @!p0 $0x0  }
0x113: {  	s25 =	simm.s32 @!p0 $0x1000;
	[sflag:s22] =	ssyncadd.s32 @!p0 $0xFFFFFC00;
	s22 =	simm.s32 @!p0 $0x80  }
0x114: {  	[tilespmem:s25], [sflag:$0x1] =	stream.indirect.gather @!p0 [hbm4b:s4+s22], $0x80, s24, s22, $0xb8;
	[tilespmem:$0x1D000] =	vst v63  }
0x115: {  	s31 =	sor.u32 $0x800, s30  }
0x116: {  	[spmem:s1] =	stream.indirect.scatter.add.f32 [tilespmem:s20], [sflag:$0x3], $0x80, s31, s17, $0xb8;
	[tilespmem:$0x1D000] =	vst v63  }
0x117: {  	_ =	swait.ge [sflag:s15], $0x4000  }
0x118: {  	[sflag:s15] =	ssyncset.done $0x0  }
0x119: {  	s21 =	sadd.s32 $0x1, s21;
	[sflag:s15] =	ssyncadd.s32 $0xFFFFC000  }
0x11a: {  	p0 =	sne.s32 s21, s11;
	[bflag:$0x0] =	sbarrier.arrive $0xFFFF  }
0x11b: {  	[hbm:s10], [sflag:s7] =	dma.local [spmem:s14], $0x2800  }
.Ltmp3:
0x11c: {  	_ = 	snop;
	(pc) =	sbr.rel @p0 .LBB2_1-.Ltmp3, $4  }
.Ltmp4:
0x11d: {  	_ = 	snop;
	(pc) =	sbr.rel @!p0 .LBB2_6-.Ltmp4, $4  }
0x11e: {  	_ =	swait.ge [sflag:s15], $0x2800  }
0x11f: {  	[sflag:s15] =	ssyncset.done $0x0  }
0x120: {  	[sflag:s15] =	ssyncadd.s32 $0xFFFFD800  }
0x121: {  	_ = 	snop  }
.LBB2_2:
.Ltmp5:
0x122: {  	(pc) =	sbr.rel .LBB2_5-.Ltmp5, $2  }
0x123: {  	_ =	sdelay $0x2  }
0x124: {  	s23 =	smov.u32 s13;
	s22 =	smov.u32 s12  }
.LBB2_6:
0x125: {  	_ =	sfence.sel $0x180000  }
0x126: {  	[bflag:$0x0] =	sbarrier.arrive $0xFFFF  }
0x127: {  	p0 =	sne.s32 s2, $0x0;
	_ =	strace $0x9000004D  }
0x128: {  	s0 =	sadd.s32 @!p0 $0x100000, s0;
	[bflag:$0x2] =	sbarrier.arrive $0xFFFF  }
0x129: {  	[sflag:s0] =	ssyncadd.tile.s32 @!p0 $0x1;
	_ =	shalt  }
.Lfunc_end2:
_tile_overlayer_lowered:
.L_overlay_start_2:
0x12a: {  	(tag) =	ssettag $0x2  }
0x12b: {  	s0 =	rddreg [dreg:$0x0];
	s2 =	stileid.u32  }
0x12c: {  	s1 =	rddreg [dreg:$0x1];
	p0 =	sne.s32 s2, $0x0  }
0x12d: {  	s3 =	rddreg [dreg:$0x2];
	[bflag:$0x3] =	sbarrier.arrive $0xFFFF;
	s2 =	simm.s32 @!p0 $0x1C03  }
0x12e: {  	[timem:s3], [sflag:s2] =	dma.local @!p0 [hbm:s0], s1  }
0x12f: {  	s0 =	simm.s32 @!p0 $0x3  }
0x130: {  	_ =	swait.ge @!p0 [sflag:s0], s1  }
0x131: {  	s1 =	ssub.s32 @!p0 $0x0, s1;
	[sflag:s0] =	ssyncset.done @!p0 $0x0  }
0x132: {  	[sflag:s0] =	ssyncadd.s32 @!p0 s1  }
0x133: {  	[bflag:$0x3] =	sbarrier.arrive $0xFFFF  }
0x134: {  	_ =	shalt  }

// kernel: kernel.8.cloned.1.call-start
scs
__scs_entry_jumppad:
0x0: {  	(pc) =	sbr.rel $0x88, $3  }
0x1: {  	(tag) =	ssettag $0x0;
	lr =	simm.s32 $0x1  }
0x2: {  	[smem:$0x3F98] =	sst lr;
	_ =	strace $0xD0000000  }
0x3: {  	_ = 	snop  }
0x4: {  	_ = 	snop  }
0x5: {  	_ = 	snop  }
0x6: {  	_ = 	snop  }
0x7: {  	_ = 	snop  }
__scs_overlays_trampoline_lowered:
0x8: {  	[smem:$0x3FA7] =	sst s0  }
0x9: {  	[smem:$0x3FA8] =	sst s1  }
0xa: {  	[smem:$0x3FA9] =	sst s2  }
0xb: {  	[smem:$0x3FAA] =	sst s3  }
0xc: {  	[smem:$0x3FAB] =	sst s4  }
0xd: {  	[smem:$0x3FAC] =	sst s5  }
0xe: {  	[smem:$0x3FAD] =	sst s6  }
0xf: {  	[smem:$0x3FAE] =	sst s7  }
0x10: {  	[smem:$0x3FAF] =	sst s8  }
0x11: {  	[smem:$0x3FB0] =	sst s9;
	s0 =	simm.s32 @!p0 $0x0  }
0x12: {  	s1 =	sld [smem:$0x3F96];
	s0 =	simm.s32 @p0 $0x1  }
0x13: {  	[smem:$0x3FB1] =	sst s0;
	s0 =	simm.s32 @!p1 $0x0  }
0x14: {  	s2 =	sld [smem:$0x3F95];
	s0 =	simm.s32 @p1 $0x1  }
0x15: {  	[smem:$0x3FB2] =	sst s0;
	s0 =	simm.s32 @!p2 $0x0  }
0x16: {  	s3 =	sld [smem:$0x3FDB];
	s0 =	simm.s32 @p2 $0x1  }
0x17: {  	s4 =	simm.s32 $0x1BF5;
	[smem:$0x3FB4] =	sst s0  }
0x18: {  	s0 =	sld [smem:$0x3F97];
	_ =	swait.ge [sflag:s4], $0x0  }
0x19: {  	s7 =	sld [smem:$0x3F98]  }
0x1a: {  	s8 =	sadd.s32 $0xFFFFE003, lr  }
0x1b: {  	s9 =	sadd.s32 $0xFFFFFEF7, lr;
	s5 =	simm.s32 $0xFFFFFFFF;
	p2 =	slt.u32 s8, $0xFFFFF086  }
0x1c: {  	p1 =	slt.u32 s9, $0xF7A;
	s5 =	simm.s32 @!p2 $0x0  }
0x1d: {  	s5 =	simm.s32 @p1 $0x1;
	p0 =	seq.s32 s7, s2  }
0x1e: {  	s7 =	smul.u32 @!p0 $0xF7A, s2;
	p2 =	seq.s32 @!p0 s5, $0x0  }
0x1f: {  	s9 =	smul.u32 $0xF7A, s1;
	s8 =	simm.s32 @!p0 $0x1BF5;
	p2 =	por !p2, p0  }
0x20: {  	[sflag:s8] =	ssyncset.s32 @!p0 $0xFFFFF086;
	s6 =	sadd.s32 @!p0 s3, s7;
	s7 =	simm.s32 @!p0 $0x108  }
0x21: {  	s3 =	sadd.s32 s3, s9;
	s6 =	sadd.s32 @!p0 $0x88, s6;
	s7 =	simm.s32 @p2 $0x1082  }
0x22: {  	[simem:s7], [sflag:s8] =	dma.local @!p0 [hbm:s6], $0xF7A  }
0x23: {  	s9 =	sor.u32 $0xD0000000, s2;
	s6 =	simm.s32 $0x108;
	_ =	swait.ge @!p0 [sflag:s8], $0x0  }
0x24: {  	s3 =	sadd.s32 $0x88, s3;
	s6 =	simm.s32 @!p1 $0x1082;
	[sflag:s4] =	ssyncset.s32 $0xFFFFF086  }
0x25: {  	[simem:s6], [sflag:s4] =	dma.local [hbm:s3], $0xF7A  }
0x26: {  	[smem:$0x3F98] =	sst s1;
	(tag) =	ssettag s2;
	_ =	strace s9  }
0x27: {  	s1 =	sld [smem:$0x3FA8]  }
0x28: {  	s2 =	sld [smem:$0x3FA9]  }
0x29: {  	s4 =	sld [smem:$0x3FAB]  }
0x2a: {  	p0 =	seq.s32 s5, $0x0;
	s5 =	sld [smem:$0x3FAC]  }
0x2b: {  	s6 =	sld [smem:$0x3FAD]  }
0x2c: {  	s7 =	sld [smem:$0x3FAE]  }
0x2d: {  	s3 =	simm.s32 $0x108;
	s8 =	sld [smem:$0x3FAF]  }
0x2e: {  	s3 =	simm.s32 @!p0 $0x1082;
	s9 =	sld [smem:$0x3FB0]  }
0x2f: {  	lr =	sadd.s32 s0, s3;
	s0 =	sld [smem:$0x3FA7]  }
0x30: {  	s3 =	sld [smem:$0x3FAA]  }
0x31: {  	[smem:$0x3FB3] =	sst s10  }
0x32: {  	s10 =	sld [smem:$0x3FB1];
	_ =	sdelay $0x3  }
0x33: {  	p0 =	seq.s32 s10, $0x1;
	s10 =	sld [smem:$0x3FB3];
	_ =	sdelay $0x3  }
0x34: {  	[smem:$0x3FB3] =	sst s10  }
0x35: {  	s10 =	sld [smem:$0x3FB2];
	_ =	sdelay $0x3  }
0x36: {  	p1 =	seq.s32 s10, $0x1;
	s10 =	sld [smem:$0x3FB3];
	_ =	sdelay $0x3  }
0x37: {  	[smem:$0x3FB3] =	sst s10  }
0x38: {  	s10 =	sld [smem:$0x3FB4]  }
0x39: {  	_ = 	snop;
	(pc) =	sbr.ind lr, $3  }
0x3a: {  	_ = 	snop  }
0x3b: {  	_ = 	snop  }
0x3c: {  	p2 =	seq.s32 s10, $0x1;
	s10 =	sld [smem:$0x3FB3]  }
0x3d: {  	_ =	shalt  }
0x3e: {  	_ =	shalt  }
0x3f: {  	_ =	shalt  }
0x40: {  	_ =	shalt  }
0x41: {  	_ =	shalt  }
0x42: {  	_ =	shalt  }
0x43: {  	_ =	shalt  }
0x44: {  	_ =	shalt  }
0x45: {  	_ =	shalt  }
0x46: {  	_ =	shalt  }
0x47: {  	_ =	shalt  }
0x48: {  	_ =	shalt  }
0x49: {  	_ =	shalt  }
0x4a: {  	_ =	shalt  }
0x4b: {  	_ =	shalt  }
0x4c: {  	_ =	shalt  }
0x4d: {  	_ =	shalt  }
0x4e: {  	_ =	shalt  }
0x4f: {  	_ =	shalt  }
0x50: {  	_ =	shalt  }
0x51: {  	_ =	shalt  }
0x52: {  	_ =	shalt  }
0x53: {  	_ =	shalt  }
0x54: {  	_ =	shalt  }
0x55: {  	_ =	shalt  }
0x56: {  	_ =	shalt  }
0x57: {  	_ =	shalt  }
0x58: {  	_ =	shalt  }
0x59: {  	_ =	shalt  }
0x5a: {  	_ =	shalt  }
0x5b: {  	_ =	shalt  }
0x5c: {  	_ =	shalt  }
0x5d: {  	_ =	shalt  }
0x5e: {  	_ =	shalt  }
0x5f: {  	_ =	shalt  }
0x60: {  	_ =	shalt  }
0x61: {  	_ =	shalt  }
0x62: {  	_ =	shalt  }
0x63: {  	_ =	shalt  }
0x64: {  	_ =	shalt  }
0x65: {  	_ =	shalt  }
0x66: {  	_ =	shalt  }
0x67: {  	_ =	shalt  }
0x68: {  	_ =	shalt  }
0x69: {  	_ =	shalt  }
0x6a: {  	_ =	shalt  }
0x6b: {  	_ =	shalt  }
0x6c: {  	_ =	shalt  }
0x6d: {  	_ =	shalt  }
0x6e: {  	_ =	shalt  }
0x6f: {  	_ =	shalt  }
0x70: {  	_ =	shalt  }
0x71: {  	_ =	shalt  }
0x72: {  	_ =	shalt  }
0x73: {  	_ =	shalt  }
0x74: {  	_ =	shalt  }
0x75: {  	_ =	shalt  }
0x76: {  	_ =	shalt  }
0x77: {  	_ =	shalt  }
0x78: {  	_ =	shalt  }
0x79: {  	_ =	shalt  }
0x7a: {  	_ =	shalt  }
0x7b: {  	_ =	shalt  }
0x7c: {  	_ =	shalt  }
0x7d: {  	_ =	shalt  }
0x7e: {  	_ =	shalt  }
0x7f: {  	_ =	shalt  }
0x80: {  	_ =	shalt  }
0x81: {  	_ =	shalt  }
0x82: {  	_ =	shalt  }
0x83: {  	_ =	shalt  }
0x84: {  	_ =	shalt  }
0x85: {  	_ =	shalt  }
0x86: {  	_ =	shalt  }
0x87: {  	_ =	shalt  }
.Lfunc_end0:
.L_simem_size_0:
called_computation_lowered:
.L_overlay_start_0:
0x88: {  	s2 =	sld [smem:$0x3FD9]  }
0x89: {  	s3 =	sld [smem:$0x3FFE];
	_ =	sdelay $0x1  }
0x8a: {  	s1 =	srdreg.scid  }
0x8b: {  	s0 =	sand.u32 $0x1, s1  }
0x8c: {  	s16 =	sshll.u32 s0, $0xA;
	s2 =	sadd.s32 s3, s2  }
0x8d: {  	s2 =	sadd.s32 s2, s16  }
0x8e: {  	[smem:$0x3FBF] =	sst s2  }
0x8f: {  	_ = 	snop  }
0x90: {  	(tm) =	ssettm $0x1  }
0x91: {  	s17 =	sld [smem:$0x3FFB];
	_ =	sdelay $0x3  }
0x92: {  	_ =	strace s17  }
0x93: {  	s2 =	sld [smem:$0x3FFC];
	_ =	sdelay $0x3  }
0x94: {  	_ =	strace s2  }
0x95: {  	s2 =	sld [smem:$0x3FFD];
	_ =	sdelay $0x3  }
0x96: {  	_ =	strace s2  }
0x97: {  	_ =	strace $0x8FFFFFFF  }
0x98: {  	s18 =	sld [smem:$0x3FDB];
	_ =	sdelay $0x1  }
0x99: {  	s19 =	simm.s32 $_scs_section_size  }
0x9a: {  	s4 =	simm.s32 $_size__tile_overlayer_lowered;
	s5 =	simm.s32 $_tile_overlayer_lowered  }
0x9b: {  	s22 =	simm.s32 $0x1BFF;
	s21 =	sshll.u32 s5, $0x1;
	s2 =	sadd.s32 s19, s18  }
0x9c: {  	s6 =	simm.s32 $0x0;
	s20 =	sshll.u32 s4, $0x1;
	s4 =	sadd.s32 s21, s2  }
0x9d: {  	[timem:s6], [sflag:s22] =	dma.local [hbm:s4], s20  }
0x9e: {  	_ =	swait.ge [sflag:s22], s20  }
0x9f: {  	s3 =	ssub.s32 $0x0, s20;
	[sflag:s22] =	ssyncset.done $0x0  }
0xa0: {  	[sflag:s22] =	ssyncadd.s32 s3;
	_ =	sdelay $0x1  }
0xa1: {  	s23 =	simm.s32 $0x1B8B  }
0xa2: {  	_ =	swait.ge [sflag:s23], $0x1  }
0xa3: {  	[sflag:s23] =	ssyncset.done $0x0  }
0xa4: {  	s25 =	simm.s32 $0x1B8E;
	s24 =	sld [smem:$0x3FFE];
	[sflag:s23] =	ssyncadd.s32 $0xFFFFFFFF  }
0xa5: {  	s26 =	simm.s32 $execute0_lowered;
	[smem:$0x3FD2] =	sst s25  }
0xa6: {  	s4 =	sshll.u32 s26, $0x1;
	_ =	strace $0x80000046;
	[dreg:$0x1] =	wrdreg $0xFFFFFFFF  }
0xa7: {  	s28 =	simm.s32 $_size_execute0_lowered;
	s2 =	sadd.s32 s2, s4;
	[dreg:$0x0] =	wrdreg $0x0  }
0xa8: {  	s4 =	sshll.u32 s28, $0x1;
	[dreg:$0x2] =	wrdreg s2  }
0xa9: {  	[dreg:$0x3] =	wrdreg s4  }
0xaa: {  	[dreg:$0x4] =	wrdreg $0xC0  }
0xab: {  	_ =	task [dreg:s6], $0x5FFFF  }
0xac: {  	[dreg:$0x1] =	wrdreg $0xFFFFFFFF  }
0xad: {  	[dreg:$0x0] =	wrdreg $0x60  }
0xae: {  	[dreg:$0x2] =	wrdreg s24  }
0xaf: {  	[dreg:$0x3] =	wrdreg $0x6C000  }
0xb0: {  	[dreg:$0x4] =	wrdreg $0x9  }
0xb1: {  	_ =	task.clear_ibuf [dreg:s6], $0x5FFFF;
	_ =	strace $0x90000046  }
0xb2: {  	s29 =	simm.s32 $0x9;
	_ =	strace $0x80000048  }
0xb3: {  	_ =	swait.ge [sflag:s29], $0x1  }
0xb4: {  	[sflag:s29] =	ssyncadd.s32 $0xFFFFFFFF  }
0xb5: {  	_ =	strace $0x90000048  }
0xb6: {  	_ =	sfence  }
0xb7: {  	s30 =	sld [smem:$0x0];
	_ =	sdelay $0x2  }
0xb8: {  	s31 =	sshll.u32 s1, $0xD;
	s1 =	sshrl.u32 s1, $0x2  }
0xb9: {  	s3 =	sand.u32 $0x4000, s31;
	s1 =	sadd.s32 s1, s30  }
0xba: {  	s0 =	sor.u32 s3, s0;
	s1 =	sshll.u32 s1, $0x11  }
0xbb: {  	s0 =	sor.u32 s1, s0  }
0xbc: {  	s0 =	sadd.s32 $0x8F2B, s0  }
0xbd: {  	[sflag:s0] =	ssyncadd.remote.s32 $0x1  }
0xbe: {  	_ =	sfence.sel $0xFFFF  }
0xbf: {  	[dreg:$0x0] =	wrdreg $0xFFFFFFFF;
	(pc) =	sbr.abs _section_cstart, $3  }
0xc0: {  	[dreg:$0x1] =	wrdreg $0xFFFFFFFF  }
0xc1: {  	_ =	task.clear_ibuf [dreg:s6], $0x2FFFF;
	_ =	strace $0x9FFFFFFF  }
0xc2: {  	(tm) =	ssettm $0x7FFFFFFF  }
0xc3: {  	_ =	shalt  }
tec
execute0_lowered:
.L_overlay_start_1:
0x0: {  	(tag) =	ssettag $0x1  }
0x1: {  	s6 =	rddreg [dreg:$0x0];
	s0 =	stileid.u32  }
0x2: {  	s1 =	srdreg.scid;
	s3 =	smul.u32 $0x48, s0  }
0x3: {  	s2 =	rddreg [dreg:$0x1];
	s14 =	simm.s32 $0x0;
	s4 =	smul.u32 $0x58, s0  }
0x4: {  	s7 =	sand.u32 $0x1, s1;
	s1 =	rddreg [dreg:$0x2];
	s9 =	smul.u32 $0x14000, s0  }
0x5: {  	s11 =	smul.u32 $0x50000, s0;
	s31 =	sshll.u32 s0, $0x6;
	p0 =	seq.s32 s7, $0x0  }
0x6: {  	s8 =	smul.u32 $0x140000, s7;
	s7 =	ssub.s32 $0x2, s7;
	s5 =	sadd.s32 $0x580, s3  }
0x7: {  	s3 =	simm.s32 $0x0;
	s29 =	sshrl.u32 s7, $0x1;
	s30 =	sshrl.u32 s11, $0x2  }
0x8: {  	s5 =	smov.u32 @p0 s4;
	[smem:$0x7FF] =	sst s3;
	s4 =	sadd.s32 $0x1A400, s6  }
0x9: {  	s8 =	sadd.s32 s9, s8;
	s13 =	ssub.s32 s7, s29;
	s11 =	sadd.s32 s30, s2  }
0xa: {  	s7 =	sor.u32 $0x1C01, s31;
	s5 =	sshll.u32 s5, $0x4;
	_ =	strace $0x80000047  }
0xb: {  	s8 =	sshrl.u32 s8, $0x3;
	s11 =	sshrl.u32 s11, $0x3;
	s10 =	sadd.s32 s5, s6  }
0xc: {  	s5 =	sadd.s32 $0x17C00, s6;
	s12 =	sadd.s32 s8, s6;
	s6 =	simm.s32 $0x58  }
0xd: {  	s6 =	simm.s32 @!p0 $0x48;
	s8 =	sadd.s32 $0xDC00, s10;
	s9 =	sadd.s32 $0x1AC00, s12  }
0xe: {  	s10 =	smax.u32 s13, $0x1;
	s12 =	simm.s32 $0x1;
	s13 =	simm.s32 $0x2C00  }
.LBB2_1:
0xf: {  	[spmem:s11], [sflag:s7] =	dma.local [hbm:s5], $0x2800  }
0x10: {  	_ =	swait.ge [sflag:s12], $0x2800  }
0x11: {  	[sflag:s12] =	ssyncset.done $0x0  }
0x12: {  	[sflag:s12] =	ssyncadd.s32 $0xFFFFD800  }
0x13: {  	[tilespmem:s13], [sflag:$0x1] =	stream.linear.gather [hbm4b:s4+s3], $0x4000, $0x38;
	[tilespmem:$0x1AC00] =	vst v63  }
0x14: {  	_ =	swait.ge [sflag:s12], $0x4000  }
0x15: {  	[sflag:s12] =	ssyncset.done $0x0  }
0x16: {  	[sflag:s12] =	ssyncadd.s32 $0xFFFFC000  }
0x17: {  	[tilespmem:s3], [sflag:$0x1] =	stream.linear.gather [hbm4b:s8+s3], $0x2C00, $0x38;
	[tilespmem:$0x1AC00] =	vst v63  }
0x18: {  	_ =	swait.ge [sflag:s12], $0x2C00  }
0x19: {  	p0 =	sle.u32 s6, $0x0;
	[sflag:s12] =	ssyncset.done $0x0  }
0x1a: {  	s15 =	simm.s32 @!p0 $0x80;
	[sflag:s12] =	ssyncadd.s32 $0xFFFFD400  }
0x1b: {  	s16 =	simm.s32 @!p0 $0x2C00;
	s17 =	simm.s32 @!p0 $0x1;
	[bflag:$0x0] =	sbarrier.arrive $0xFFFF  }
0x1c: {  	[spmem:s2] =	stream.indirect.scatter.add.f32 @!p0 [tilespmem:s16], [sflag:$0x1], $0x80, s3, s15, $0xb8;
	[tilespmem:$0x1AC00] =	vst v63  }
0x1d: {  	_ =	swait.ge @!p0 [sflag:s17], $0x4000  }
0x1e: {  	s15 =	simm.s32 $0x1;
	s16 =	simm.s32 $0x0;
	[sflag:s17] =	ssyncset.done @!p0 $0x0  }
.LBB2_2:
0x1f: {  	[sflag:s17] =	ssyncadd.s32 @!p0 $0xFFFFC000;
	s17 =	smov.u32 s15;
	s15 =	sadd.s32 $0x1, s15  }
0x20: {  	s16 =	sadd.s32 $0x80, s16;
	p1 =	sne.s32 s15, $0x58  }
.Ltmp0:
0x21: {  	p0 =	sge.u32 s17, s6;
	(pc) =	sbr.rel @p1 .LBB2_2-.Ltmp0, $4  }
0x22: {  	s18 =	simm.s32 @!p0 $0x80;
	s19 =	simm.s32 @!p0 $0x2C00;
	s17 =	simm.s32 @!p0 $0x1  }
0x23: {  	[spmem:s2] =	stream.indirect.scatter.add.f32 @!p0 [tilespmem:s19], [sflag:$0x1], $0x80, s16, s18, $0xb8;
	[tilespmem:$0x1AC00] =	vst v63  }
0x24: {  	_ =	swait.ge @!p0 [sflag:s17], $0x4000  }
0x25: {  	[sflag:s17] =	ssyncset.done @!p0 $0x0  }
0x26: {  	s14 =	sadd.s32 $0x1, s14  }
0x27: {  	[sflag:s17] =	ssyncadd.s32 @!p0 $0xFFFFC000;
	p0 =	sne.s32 s14, s10  }
.Ltmp1:
0x28: {  	[bflag:$0x0] =	sbarrier.arrive $0xFFFF;
	(pc) =	sbr.rel @p0 .LBB2_1-.Ltmp1, $4  }
0x29: {  	[hbm:s9], [sflag:s7] =	dma.local [spmem:s11], $0x2800  }
0x2a: {  	_ =	swait.ge [sflag:s12], $0x2800  }
0x2b: {  	[sflag:s12] =	ssyncset.done $0x0  }
0x2c: {  	[sflag:s12] =	ssyncadd.s32 $0xFFFFD800  }
0x2d: {  	_ =	sfence.sel $0x180000  }
0x2e: {  	[bflag:$0x0] =	sbarrier.arrive $0xFFFF  }
0x2f: {  	p0 =	sne.s32 s0, $0x0;
	_ =	strace $0x90000047  }
0x30: {  	s0 =	sadd.s32 @!p0 $0x100000, s1;
	[bflag:$0x2] =	sbarrier.arrive $0xFFFF  }
0x31: {  	[sflag:s0] =	ssyncadd.tile.s32 @!p0 $0x1;
	_ =	shalt  }
.Lfunc_end2:
_tile_overlayer_lowered:
.L_overlay_start_2:
0x32: {  	(tag) =	ssettag $0x2  }
0x33: {  	s0 =	rddreg [dreg:$0x0];
	s2 =	stileid.u32  }
0x34: {  	s1 =	rddreg [dreg:$0x1];
	p0 =	sne.s32 s2, $0x0  }
0x35: {  	s3 =	rddreg [dreg:$0x2];
	[bflag:$0x3] =	sbarrier.arrive $0xFFFF;
	s2 =	simm.s32 @!p0 $0x1C01  }
0x36: {  	[timem:s3], [sflag:s2] =	dma.local @!p0 [hbm:s0], s1  }
0x37: {  	s0 =	simm.s32 @!p0 $0x1  }
0x38: {  	_ =	swait.ge @!p0 [sflag:s0], s1  }
0x39: {  	s1 =	ssub.s32 @!p0 $0x0, s1;
	[sflag:s0] =	ssyncset.done @!p0 $0x0  }
0x3a: {  	[sflag:s0] =	ssyncadd.s32 @!p0 s1  }
0x3b: {  	[bflag:$0x3] =	sbarrier.arrive $0xFFFF  }
0x3c: {  	_ =	shalt  }

</sc_bundles>
